<compile_context>
chip_gen: v7x
topology: tpu7x:2x2x1
jax: 0.10.2.dev20260603
libtpu: 0.0.44.dev20260713+nightly
codegen_flags: <defaults>
</compile_context>

<pallas_src>
import functools

import jax
import jax.numpy as jnp
from jax import lax
from jax.experimental import pallas as pl
from jax.experimental.pallas import tpu as pltpu
from jax.experimental.pallas import tpu_sc as plsc

_B, _S, _D = 4, 8192, 128
_NC, _NS, _L = 2, 16, 16
_NW = _NC * _NS
_P = _S // _NW
_RSUB = 32
_NSUB = _P // _RSUB
_NSLOT = 5
_LEAD = 4


def _body(we_hbm, pos_hbm, out_hbm, pos_v, *scratch):
    buf = scratch[0:_NSLOT]
    psem = scratch[_NSLOT:_NSLOT + 2]
    ld = scratch[_NSLOT + 2:_NSLOT + 2 + _NSLOT]
    st = scratch[_NSLOT + 2 + _NSLOT:_NSLOT + 2 + 2 * _NSLOT]

    wid = lax.axis_index("s") * _NC + lax.axis_index("c")
    prow = wid * _P

    _PHEAD = _LEAD * _RSUB
    pos_a = pltpu.make_async_copy(
        pos_hbm.at[pl.ds(prow, _PHEAD)], pos_v.at[pl.ds(0, _PHEAD)], psem[0])
    pos_b = pltpu.make_async_copy(
        pos_hbm.at[pl.ds(prow + _PHEAD, _P - _PHEAD)],
        pos_v.at[pl.ds(_PHEAD, _P - _PHEAD)], psem[1])
    pos_a.start()
    pos_b.start()

    def fire_loads(t):
        slot = t % _NSLOT
        r0 = prow + t * _RSUB
        pltpu.async_copy(
            we_hbm.at[:, pl.ds(r0, _RSUB)], buf[slot], ld[slot])

    def wait_loads(t):
        slot = t % _NSLOT
        r0 = prow + t * _RSUB
        pltpu.make_async_copy(
            we_hbm.at[:, pl.ds(r0, _RSUB)], buf[slot], ld[slot]).wait()

    def fire_stores(t):
        slot = t % _NSLOT
        r0 = prow + t * _RSUB
        pltpu.async_copy(
            buf[slot], out_hbm.at[:, pl.ds(r0, _RSUB)], st[slot])

    def wait_stores(t):
        slot = t % _NSLOT
        r0 = prow + t * _RSUB
        pltpu.make_async_copy(
            buf[slot], out_hbm.at[:, pl.ds(r0, _RSUB)], st[slot]).wait()

    for t in range(_LEAD):
        fire_loads(t)
    pos_a.wait()

    for t in range(_NSUB):
        slot = t % _NSLOT
        wait_loads(t)
        if t == _LEAD:
            pos_b.wait()

        def row(i, carry):
            for j in range(_D // _L):
                sl = pl.ds(j * _L, _L)
                p = pos_v[t * _RSUB + i, sl]
                for b in range(_B):
                    buf[slot][b, i, sl] = buf[slot][b, i, sl] + p
            return carry

        lax.fori_loop(0, _RSUB, row, 0)
        fire_stores(t)
        if t + _LEAD < _NSUB:
            if t + _LEAD >= _NSLOT:
                wait_stores(t + _LEAD - _NSLOT)
            fire_loads(t + _LEAD)

    for t in range(_NSUB - _NSLOT, _NSUB):
        if t >= 0:
            wait_stores(t)


@jax.jit
def _sc_add(we, pos):
    mesh = plsc.VectorSubcoreMesh(core_axis_name="c", subcore_axis_name="s")
    f = functools.partial(
        pl.kernel,
        out_type=jax.ShapeDtypeStruct((_B, _S, _D), jnp.float32),
        mesh=mesh,
        scratch_types=(
            [pltpu.VMEM((_P, _D), jnp.float32)]
            + [pltpu.VMEM((_B, _RSUB, _D), jnp.float32)
               for _ in range(_NSLOT)]
            + [pltpu.SemaphoreType.DMA for _ in range(2 * _NSLOT + 2)]
        ),
    )(_body)
    return f(we, pos)


def kernel(input_ids, word_embeddings, pos_table):
    del input_ids
    return _sc_add(word_embeddings, pos_table)

# --- scband reference (transcript-rebuilt; emitter-appended) ---
"""Pipeline reference for scband-positional-embedding-53120155517506 (READ-ONLY COPY).

The authoritative reference and input builder live on the scoring server;
editing this copy changes nothing except your own understanding.
"""

import jax, jax.numpy as jnp
import numpy as np

MAXLEN = 8192
VOCAB_SIZE = 1000000
EMBED_DIM = 128
BATCH = 4
SEQ_LEN = 8192

def setup_inputs(seed: int = 0) -> dict:
    key = jax.random.key(seed)
    k1, k2, k3 = jax.random.split(key, 3)
    input_ids = jax.random.randint(k1, (BATCH, SEQ_LEN), 0, VOCAB_SIZE, dtype=jnp.int64 if jax.config.jax_enable_x64 else jnp.int32).astype(jnp.int32)
    word_embeddings = jax.random.normal(k2, (BATCH, SEQ_LEN, EMBED_DIM), dtype=jnp.float32)
    pos_table = jax.random.normal(k3, (MAXLEN, EMBED_DIM), dtype=jnp.float32) * 0.02
    return {"input_ids": input_ids, "word_embeddings": word_embeddings, "pos_table": pos_table}

def reference(input_ids, word_embeddings, pos_table):
    # Faithful translation of PositionalEmbedding.call:
    # maxlen = tf.shape(input_ids)[-1]; positions = range(maxlen)
    # positions = pos_emb(positions); return word_embeddings + positions
    maxlen = input_ids.shape[-1]
    positions = jnp.arange(0, maxlen, 1)
    pos = jnp.take(pos_table, positions, axis=0)  # embedding gather [maxlen, embed_dim]
    return word_embeddings + pos[None, :, :]

if __name__ == "__main__":
    import jax
    _d = setup_inputs()
    print(jax.jit(kernel)(*tuple(_d.values())))

</pallas_src>

<mosaic_0001>
#map = affine_map<(d0, d1) -> (0, 0, 0)>
#map1 = affine_map<(d0, d1) -> (0, 0)>
module attributes {stable_mosaic.version = 14 : i64} {
  func.func @_body(%arg0: i32, %arg1: i32, %arg2: memref<4x8192x128xf32, #tpu.memory_space<hbm>>, %arg3: memref<8192x128xf32, #tpu.memory_space<hbm>>, %arg4: memref<4x8192x128xf32, #tpu.memory_space<hbm>>, %arg5: memref<256x128xf32, #tpu.memory_space<vmem>>, %arg6: memref<4x32x128xf32, #tpu.memory_space<vmem>>, %arg7: memref<4x32x128xf32, #tpu.memory_space<vmem>>, %arg8: memref<4x32x128xf32, #tpu.memory_space<vmem>>, %arg9: memref<4x32x128xf32, #tpu.memory_space<vmem>>, %arg10: memref<4x32x128xf32, #tpu.memory_space<vmem>>, %arg11: memref<!tpu.dma_semaphore, #tpu.memory_space<semaphore_mem>>, %arg12: memref<!tpu.dma_semaphore, #tpu.memory_space<semaphore_mem>>, %arg13: memref<!tpu.dma_semaphore, #tpu.memory_space<semaphore_mem>>, %arg14: memref<!tpu.dma_semaphore, #tpu.memory_space<semaphore_mem>>, %arg15: memref<!tpu.dma_semaphore, #tpu.memory_space<semaphore_mem>>, %arg16: memref<!tpu.dma_semaphore, #tpu.memory_space<semaphore_mem>>, %arg17: memref<!tpu.dma_semaphore, #tpu.memory_space<semaphore_mem>>, %arg18: memref<!tpu.dma_semaphore, #tpu.memory_space<semaphore_mem>>, %arg19: memref<!tpu.dma_semaphore, #tpu.memory_space<semaphore_mem>>, %arg20: memref<!tpu.dma_semaphore, #tpu.memory_space<semaphore_mem>>, %arg21: memref<!tpu.dma_semaphore, #tpu.memory_space<semaphore_mem>>, %arg22: memref<!tpu.dma_semaphore, #tpu.memory_space<semaphore_mem>>) attributes {dimension_semantics = [#tpu.dimension_semantics<core_parallel>, #tpu.dimension_semantics<subcore_parallel>], iteration_bounds = array<i64: 2, 16>, scalar_prefetch = 0 : i64, scratch_operands = 18 : i64, tpu.core_type = #tpu.core_type<sc_vector_subcore>, window_params = [{transform_indices = #map}, {transform_indices = #map1}, {transform_indices = #map}]} {
    %mul3A = arith.constant 2 : i32
    %mul3A_0 = arith.muli %arg1, %mul3A : i32
    %add3A = arith.addi %mul3A_0, %arg0 : i32
    %mul3A_1 = arith.constant 256 : i32
    %mul3A_2 = arith.muli %add3A, %mul3A_1 : i32
    %add3A_3 = arith.constant 128 : i32
    %add3A_4 = arith.addi %mul3A_2, %add3A_3 : i32
    %dma_start3A = arith.constant 0 : i32
    %dma_start3A_5 = arith.constant 0 : i32
    %dma_start3A_6 = tpu.memref_slice %arg5[%dma_start3A, %dma_start3A_5] : memref<256x128xf32, #tpu.memory_space<vmem>> -> memref<128x128xf32, #tpu.memory_space<vmem>>
    %dma_start3A_7 = arith.constant 0 : i32
    %dma_start3A_8 = tpu.memref_slice %arg3[%mul3A_2, %dma_start3A_7] : memref<8192x128xf32, #tpu.memory_space<hbm>> -> memref<128x128xf32, #tpu.memory_space<hbm>>
    %dma_start3A_9 = arith.constant 0 : i32
    %dma_start3A_10 = arith.constant 0 : i32
    %dma_start3A_11 = tpu.memref_slice %arg5[%dma_start3A_9, %dma_start3A_10] : memref<256x128xf32, #tpu.memory_space<vmem>> -> memref<128x128xf32, #tpu.memory_space<vmem>>
    %dma_start3A_12 = arith.constant 0 : i32
    %dma_start3A_13 = tpu.memref_slice %arg3[%mul3A_2, %dma_start3A_12] : memref<8192x128xf32, #tpu.memory_space<hbm>> -> memref<128x128xf32, #tpu.memory_space<hbm>>
    tpu.enqueue_dma source(%dma_start3A_13 : memref<128x128xf32, #tpu.memory_space<hbm>>) target(%dma_start3A_11 : memref<128x128xf32, #tpu.memory_space<vmem>>) target_semaphore(%arg11 : memref<!tpu.dma_semaphore, #tpu.memory_space<semaphore_mem>>)
    %dma_start3A_14 = arith.constant 128 : i32
    %dma_start3A_15 = arith.constant 0 : i32
    %dma_start3A_16 = tpu.memref_slice %arg5[%dma_start3A_14, %dma_start3A_15] : memref<256x128xf32, #tpu.memory_space<vmem>> -> memref<128x128xf32, #tpu.memory_space<vmem>>
    %dma_start3A_17 = arith.constant 0 : i32
    %dma_start3A_18 = tpu.memref_slice %arg3[%add3A_4, %dma_start3A_17] : memref<8192x128xf32, #tpu.memory_space<hbm>> -> memref<128x128xf32, #tpu.memory_space<hbm>>
    %dma_start3A_19 = arith.constant 128 : i32
    %dma_start3A_20 = arith.constant 0 : i32
    %dma_start3A_21 = tpu.memref_slice %arg5[%dma_start3A_19, %dma_start3A_20] : memref<256x128xf32, #tpu.memory_space<vmem>> -> memref<128x128xf32, #tpu.memory_space<vmem>>
    %dma_start3A_22 = arith.constant 0 : i32
    %dma_start3A_23 = tpu.memref_slice %arg3[%add3A_4, %dma_start3A_22] : memref<8192x128xf32, #tpu.memory_space<hbm>> -> memref<128x128xf32, #tpu.memory_space<hbm>>
    tpu.enqueue_dma source(%dma_start3A_23 : memref<128x128xf32, #tpu.memory_space<hbm>>) target(%dma_start3A_21 : memref<128x128xf32, #tpu.memory_space<vmem>>) target_semaphore(%arg12 : memref<!tpu.dma_semaphore, #tpu.memory_space<semaphore_mem>>)
    %add3A_24 = arith.constant 0 : i32
    %add3A_25 = arith.addi %mul3A_2, %add3A_24 : i32
    %dma_start3A_26 = arith.constant 0 : i32
    %dma_start3A_27 = arith.constant 0 : i32
    %dma_start3A_28 = tpu.memref_slice %arg2[%dma_start3A_26, %add3A_25, %dma_start3A_27] : memref<4x8192x128xf32, #tpu.memory_space<hbm>> -> memref<4x32x128xf32, #tpu.memory_space<hbm>>
    %dma_start3A_29 = arith.constant 0 : i32
    %dma_start3A_30 = arith.constant 0 : i32
    %dma_start3A_31 = tpu.memref_slice %arg2[%dma_start3A_29, %add3A_25, %dma_start3A_30] : memref<4x8192x128xf32, #tpu.memory_space<hbm>> -> memref<4x32x128xf32, #tpu.memory_space<hbm>>
    tpu.enqueue_dma source(%dma_start3A_31 : memref<4x32x128xf32, #tpu.memory_space<hbm>>) target(%arg6 : memref<4x32x128xf32, #tpu.memory_space<vmem>>) target_semaphore(%arg13 : memref<!tpu.dma_semaphore, #tpu.memory_space<semaphore_mem>>)
    %add3A_32 = arith.constant 32 : i32
    %add3A_33 = arith.addi %mul3A_2, %add3A_32 : i32
    %dma_start3A_34 = arith.constant 0 : i32
    %dma_start3A_35 = arith.constant 0 : i32
    %dma_start3A_36 = tpu.memref_slice %arg2[%dma_start3A_34, %add3A_33, %dma_start3A_35] : memref<4x8192x128xf32, #tpu.memory_space<hbm>> -> memref<4x32x128xf32, #tpu.memory_space<hbm>>
    %dma_start3A_37 = arith.constant 0 : i32
    %dma_start3A_38 = arith.constant 0 : i32
    %dma_start3A_39 = tpu.memref_slice %arg2[%dma_start3A_37, %add3A_33, %dma_start3A_38] : memref<4x8192x128xf32, #tpu.memory_space<hbm>> -> memref<4x32x128xf32, #tpu.memory_space<hbm>>
    tpu.enqueue_dma source(%dma_start3A_39 : memref<4x32x128xf32, #tpu.memory_space<hbm>>) target(%arg7 : memref<4x32x128xf32, #tpu.memory_space<vmem>>) target_semaphore(%arg14 : memref<!tpu.dma_semaphore, #tpu.memory_space<semaphore_mem>>)
    %add3A_40 = arith.constant 64 : i32
    %add3A_41 = arith.addi %mul3A_2, %add3A_40 : i32
    %dma_start3A_42 = arith.constant 0 : i32
    %dma_start3A_43 = arith.constant 0 : i32
    %dma_start3A_44 = tpu.memref_slice %arg2[%dma_start3A_42, %add3A_41, %dma_start3A_43] : memref<4x8192x128xf32, #tpu.memory_space<hbm>> -> memref<4x32x128xf32, #tpu.memory_space<hbm>>
    %dma_start3A_45 = arith.constant 0 : i32
    %dma_start3A_46 = arith.constant 0 : i32
    %dma_start3A_47 = tpu.memref_slice %arg2[%dma_start3A_45, %add3A_41, %dma_start3A_46] : memref<4x8192x128xf32, #tpu.memory_space<hbm>> -> memref<4x32x128xf32, #tpu.memory_space<hbm>>
    tpu.enqueue_dma source(%dma_start3A_47 : memref<4x32x128xf32, #tpu.memory_space<hbm>>) target(%arg8 : memref<4x32x128xf32, #tpu.memory_space<vmem>>) target_semaphore(%arg15 : memref<!tpu.dma_semaphore, #tpu.memory_space<semaphore_mem>>)
    %add3A_48 = arith.constant 96 : i32
    %add3A_49 = arith.addi %mul3A_2, %add3A_48 : i32
    %dma_start3A_50 = arith.constant 0 : i32
    %dma_start3A_51 = arith.constant 0 : i32
    %dma_start3A_52 = tpu.memref_slice %arg2[%dma_start3A_50, %add3A_49, %dma_start3A_51] : memref<4x8192x128xf32, #tpu.memory_space<hbm>> -> memref<4x32x128xf32, #tpu.memory_space<hbm>>
    %dma_start3A_53 = arith.constant 0 : i32
    %dma_start3A_54 = arith.constant 0 : i32
    %dma_start3A_55 = tpu.memref_slice %arg2[%dma_start3A_53, %add3A_49, %dma_start3A_54] : memref<4x8192x128xf32, #tpu.memory_space<hbm>> -> memref<4x32x128xf32, #tpu.memory_space<hbm>>
    tpu.enqueue_dma source(%dma_start3A_55 : memref<4x32x128xf32, #tpu.memory_space<hbm>>) target(%arg9 : memref<4x32x128xf32, #tpu.memory_space<vmem>>) target_semaphore(%arg16 : memref<!tpu.dma_semaphore, #tpu.memory_space<semaphore_mem>>)
    %dma_wait3A = arith.constant 0 : i32
    %dma_wait3A_56 = arith.constant 0 : i32
    %dma_wait3A_57 = tpu.memref_slice %arg5[%dma_wait3A, %dma_wait3A_56] : memref<256x128xf32, #tpu.memory_space<vmem>> -> memref<128x128xf32, #tpu.memory_space<vmem>>
    %dma_wait3A_58 = arith.constant 0 : i32
    %dma_wait3A_59 = tpu.memref_slice %arg3[%mul3A_2, %dma_wait3A_58] : memref<8192x128xf32, #tpu.memory_space<hbm>> -> memref<128x128xf32, #tpu.memory_space<hbm>>
    %dma_wait3A_60 = arith.constant 0 : i32
    %dma_wait3A_61 = arith.constant 0 : i32
    %dma_wait3A_62 = tpu.memref_slice %arg5[%dma_wait3A_60, %dma_wait3A_61] : memref<256x128xf32, #tpu.memory_space<vmem>> -> memref<128x128xf32, #tpu.memory_space<vmem>>
    %dma_wait3A_63 = arith.constant 0 : i32
    %dma_wait3A_64 = tpu.memref_slice %arg3[%mul3A_2, %dma_wait3A_63] : memref<8192x128xf32, #tpu.memory_space<hbm>> -> memref<128x128xf32, #tpu.memory_space<hbm>>
    tpu.wait_dma2 semaphore(%arg11 : memref<!tpu.dma_semaphore, #tpu.memory_space<semaphore_mem>>) src(%dma_wait3A_64 : memref<128x128xf32, #tpu.memory_space<hbm>>) dst(%dma_wait3A_62 : memref<128x128xf32, #tpu.memory_space<vmem>>)
    %add3A_65 = arith.constant 0 : i32
    %add3A_66 = arith.addi %mul3A_2, %add3A_65 : i32
    %dma_wait3A_67 = arith.constant 0 : i32
    %dma_wait3A_68 = arith.constant 0 : i32
    %dma_wait3A_69 = tpu.memref_slice %arg2[%dma_wait3A_67, %add3A_66, %dma_wait3A_68] : memref<4x8192x128xf32, #tpu.memory_space<hbm>> -> memref<4x32x128xf32, #tpu.memory_space<hbm>>
    %dma_wait3A_70 = arith.constant 0 : i32
    %dma_wait3A_71 = arith.constant 0 : i32
    %dma_wait3A_72 = tpu.memref_slice %arg2[%dma_wait3A_70, %add3A_66, %dma_wait3A_71] : memref<4x8192x128xf32, #tpu.memory_space<hbm>> -> memref<4x32x128xf32, #tpu.memory_space<hbm>>
    tpu.wait_dma2 semaphore(%arg13 : memref<!tpu.dma_semaphore, #tpu.memory_space<semaphore_mem>>) src(%dma_wait3A_72 : memref<4x32x128xf32, #tpu.memory_space<hbm>>) dst(%arg6 : memref<4x32x128xf32, #tpu.memory_space<vmem>>)
    %scan3A = arith.constant 0 : i32
    %scan3A_73 = arith.constant 0 : i32
    %scan3A_74 = arith.constant 32 : i32
    %scan3A_75 = arith.addi %scan3A_73, %scan3A_74 : i32
    %scan3A_76 = arith.constant 1 : i32
    scf.for %scan3A_346 = %scan3A_73 to %scan3A_75 step %scan3A_76  : i32 {
      %add3A_347 = arith.constant 0 : i32
      %add3A_348 = arith.addi %add3A_347, %scan3A_346 : i32
      %get3A = arith.index_cast %add3A_348 : i32 to index
      %get3A_349 = arith.constant 0 : index
      %get3A_350 = tpu.vector_load %arg5[%get3A, %get3A_349] {strides = array<i32>} : memref<256x128xf32, #tpu.memory_space<vmem>>, vector<1x16xf32>,
      %get3A_351 = vector.shape_cast %get3A_350 : vector<1x16xf32> to vector<16xf32>
      %get3A_352 = arith.constant 0 : i32
      %get3A_353 = arith.index_cast %get3A_352 : i32 to index
      %get3A_354 = arith.index_cast %scan3A_346 : i32 to index
      %get3A_355 = arith.constant 0 : index
      %get3A_356 = tpu.vector_load %arg6[%get3A_353, %get3A_354, %get3A_355] {strides = array<i32>} : memref<4x32x128xf32, #tpu.memory_space<vmem>>, vector<1x1x16xf32>,
      %get3A_357 = vector.shape_cast %get3A_356 : vector<1x1x16xf32> to vector<16xf32>
      %add3A_358 = arith.addf %get3A_357, %get3A_351 : vector<16xf32>
      %swap3A = arith.constant 0 : i32
      %swap3A_359 = arith.index_cast %swap3A : i32 to index
      %swap3A_360 = arith.index_cast %scan3A_346 : i32 to index
      %swap3A_361 = arith.constant 0 : index
      %swap3A_362 = tpu.vector_load %arg6[%swap3A_359, %swap3A_360, %swap3A_361] {strides = array<i32>} : memref<4x32x128xf32, #tpu.memory_space<vmem>>, vector<1x1x16xf32>,
      %swap3A_363 = vector.shape_cast %swap3A_362 : vector<1x1x16xf32> to vector<16xf32>
      %swap3A_364 = vector.shape_cast %add3A_358 : vector<16xf32> to vector<1x1x16xf32>
      tpu.vector_store %arg6[%swap3A_359, %swap3A_360, %swap3A_361], %swap3A_364 {strides = array<i32>} : memref<4x32x128xf32, #tpu.memory_space<vmem>>, vector<1x1x16xf32>,
      %get3A_365 = arith.constant 1 : i32
      %get3A_366 = arith.index_cast %get3A_365 : i32 to index
      %get3A_367 = arith.index_cast %scan3A_346 : i32 to index
      %get3A_368 = arith.constant 0 : index
      %get3A_369 = tpu.vector_load %arg6[%get3A_366, %get3A_367, %get3A_368] {strides = array<i32>} : memref<4x32x128xf32, #tpu.memory_space<vmem>>, vector<1x1x16xf32>,
      %get3A_370 = vector.shape_cast %get3A_369 : vector<1x1x16xf32> to vector<16xf32>
      %add3A_371 = arith.addf %get3A_370, %get3A_351 : vector<16xf32>
      %swap3A_372 = arith.constant 1 : i32
      %swap3A_373 = arith.index_cast %swap3A_372 : i32 to index
      %swap3A_374 = arith.index_cast %scan3A_346 : i32 to index
      %swap3A_375 = arith.constant 0 : index
      %swap3A_376 = tpu.vector_load %arg6[%swap3A_373, %swap3A_374, %swap3A_375] {strides = array<i32>} : memref<4x32x128xf32, #tpu.memory_space<vmem>>, vector<1x1x16xf32>,
      %swap3A_377 = vector.shape_cast %swap3A_376 : vector<1x1x16xf32> to vector<16xf32>
      %swap3A_378 = vector.shape_cast %add3A_371 : vector<16xf32> to vector<1x1x16xf32>
      tpu.vector_store %arg6[%swap3A_373, %swap3A_374, %swap3A_375], %swap3A_378 {strides = array<i32>} : memref<4x32x128xf32, #tpu.memory_space<vmem>>, vector<1x1x16xf32>,
      %get3A_379 = arith.constant 2 : i32
      %get3A_380 = arith.index_cast %get3A_379 : i32 to index
      %get3A_381 = arith.index_cast %scan3A_346 : i32 to index
      %get3A_382 = arith.constant 0 : index
      %get3A_383 = tpu.vector_load %arg6[%get3A_380, %get3A_381, %get3A_382] {strides = array<i32>} : memref<4x32x128xf32, #tpu.memory_space<vmem>>, vector<1x1x16xf32>,
      %get3A_384 = vector.shape_cast %get3A_383 : vector<1x1x16xf32> to vector<16xf32>
      %add3A_385 = arith.addf %get3A_384, %get3A_351 : vector<16xf32>
      %swap3A_386 = arith.constant 2 : i32
      %swap3A_387 = arith.index_cast %swap3A_386 : i32 to index
      %swap3A_388 = arith.index_cast %scan3A_346 : i32 to index
      %swap3A_389 = arith.constant 0 : index
      %swap3A_390 = tpu.vector_load %arg6[%swap3A_387, %swap3A_388, %swap3A_389] {strides = array<i32>} : memref<4x32x128xf32, #tpu.memory_space<vmem>>, vector<1x1x16xf32>,
      %swap3A_391 = vector.shape_cast %swap3A_390 : vector<1x1x16xf32> to vector<16xf32>
      %swap3A_392 = vector.shape_cast %add3A_385 : vector<16xf32> to vector<1x1x16xf32>
      tpu.vector_store %arg6[%swap3A_387, %swap3A_388, %swap3A_389], %swap3A_392 {strides = array<i32>} : memref<4x32x128xf32, #tpu.memory_space<vmem>>, vector<1x1x16xf32>,
      %get3A_393 = arith.constant 3 : i32
      %get3A_394 = arith.index_cast %get3A_393 : i32 to index
      %get3A_395 = arith.index_cast %scan3A_346 : i32 to index
      %get3A_396 = arith.constant 0 : index
      %get3A_397 = tpu.vector_load %arg6[%get3A_394, %get3A_395, %get3A_396] {strides = array<i32>} : memref<4x32x128xf32, #tpu.memory_space<vmem>>, vector<1x1x16xf32>,
      %get3A_398 = vector.shape_cast %get3A_397 : vector<1x1x16xf32> to vector<16xf32>
      %add3A_399 = arith.addf %get3A_398, %get3A_351 : vector<16xf32>
      %swap3A_400 = arith.constant 3 : i32
      %swap3A_401 = arith.index_cast %swap3A_400 : i32 to index
      %swap3A_402 = arith.index_cast %scan3A_346 : i32 to index
      %swap3A_403 = arith.constant 0 : index
      %swap3A_404 = tpu.vector_load %arg6[%swap3A_401, %swap3A_402, %swap3A_403] {strides = array<i32>} : memref<4x32x128xf32, #tpu.memory_space<vmem>>, vector<1x1x16xf32>,
      %swap3A_405 = vector.shape_cast %swap3A_404 : vector<1x1x16xf32> to vector<16xf32>
      %swap3A_406 = vector.shape_cast %add3A_399 : vector<16xf32> to vector<1x1x16xf32>
      tpu.vector_store %arg6[%swap3A_401, %swap3A_402, %swap3A_403], %swap3A_406 {strides = array<i32>} : memref<4x32x128xf32, #tpu.memory_space<vmem>>, vector<1x1x16xf32>,
      %add3A_407 = arith.constant 0 : i32
      %add3A_408 = arith.addi %add3A_407, %scan3A_346 : i32
      %get3A_409 = arith.index_cast %add3A_408 : i32 to index
      %get3A_410 = arith.constant 16 : index
      %get3A_411 = tpu.vector_load %arg5[%get3A_409, %get3A_410] {strides = array<i32>} : memref<256x128xf32, #tpu.memory_space<vmem>>, vector<1x16xf32>,
      %get3A_412 = vector.shape_cast %get3A_411 : vector<1x16xf32> to vector<16xf32>
      %get3A_413 = arith.constant 0 : i32
      %get3A_414 = arith.index_cast %get3A_413 : i32 to index
      %get3A_415 = arith.index_cast %scan3A_346 : i32 to index
      %get3A_416 = arith.constant 16 : index
      %get3A_417 = tpu.vector_load %arg6[%get3A_414, %get3A_415, %get3A_416] {strides = array<i32>} : memref<4x32x128xf32, #tpu.memory_space<vmem>>, vector<1x1x16xf32>,
      %get3A_418 = vector.shape_cast %get3A_417 : vector<1x1x16xf32> to vector<16xf32>
      %add3A_419 = arith.addf %get3A_418, %get3A_412 : vector<16xf32>
      %swap3A_420 = arith.constant 0 : i32
      %swap3A_421 = arith.index_cast %swap3A_420 : i32 to index
      %swap3A_422 = arith.index_cast %scan3A_346 : i32 to index
      %swap3A_423 = arith.constant 16 : index
      %swap3A_424 = tpu.vector_load %arg6[%swap3A_421, %swap3A_422, %swap3A_423] {strides = array<i32>} : memref<4x32x128xf32, #tpu.memory_space<vmem>>, vector<1x1x16xf32>,
      %swap3A_425 = vector.shape_cast %swap3A_424 : vector<1x1x16xf32> to vector<16xf32>
      %swap3A_426 = vector.shape_cast %add3A_419 : vector<16xf32> to vector<1x1x16xf32>
      tpu.vector_store %arg6[%swap3A_421, %swap3A_422, %swap3A_423], %swap3A_426 {strides = array<i32>} : memref<4x32x128xf32, #tpu.memory_space<vmem>>, vector<1x1x16xf32>,
      %get3A_427 = arith.constant 1 : i32
      %get3A_428 = arith.index_cast %get3A_427 : i32 to index
      %get3A_429 = arith.index_cast %scan3A_346 : i32 to index
      %get3A_430 = arith.constant 16 : index
      %get3A_431 = tpu.vector_load %arg6[%get3A_428, %get3A_429, %get3A_430] {strides = array<i32>} : memref<4x32x128xf32, #tpu.memory_space<vmem>>, vector<1x1x16xf32>,
      %get3A_432 = vector.shape_cast %get3A_431 : vector<1x1x16xf32> to vector<16xf32>
      %add3A_433 = arith.addf %get3A_432, %get3A_412 : vector<16xf32>
      %swap3A_434 = arith.constant 1 : i32
      %swap3A_435 = arith.index_cast %swap3A_434 : i32 to index
      %swap3A_436 = arith.index_cast %scan3A_346 : i32 to index
      %swap3A_437 = arith.constant 16 : index
      %swap3A_438 = tpu.vector_load %arg6[%swap3A_435, %swap3A_436, %swap3A_437] {strides = array<i32>} : memref<4x32x128xf32, #tpu.memory_space<vmem>>, vector<1x1x16xf32>,
      %swap3A_439 = vector.shape_cast %swap3A_438 : vector<1x1x16xf32> to vector<16xf32>
      %swap3A_440 = vector.shape_cast %add3A_433 : vector<16xf32> to vector<1x1x16xf32>
      tpu.vector_store %arg6[%swap3A_435, %swap3A_436, %swap3A_437], %swap3A_440 {strides = array<i32>} : memref<4x32x128xf32, #tpu.memory_space<vmem>>, vector<1x1x16xf32>,
      %get3A_441 = arith.constant 2 : i32
      %get3A_442 = arith.index_cast %get3A_441 : i32 to index
      %get3A_443 = arith.index_cast %scan3A_346 : i32 to index
      %get3A_444 = arith.constant 16 : index
      %get3A_445 = tpu.vector_load %arg6[%get3A_442, %get3A_443, %get3A_444] {strides = array<i32>} : memref<4x32x128xf32, #tpu.memory_space<vmem>>, vector<1x1x16xf32>,
      %get3A_446 = vector.shape_cast %get3A_445 : vector<1x1x16xf32> to vector<16xf32>
      %add3A_447 = arith.addf %get3A_446, %get3A_412 : vector<16xf32>
      %swap3A_448 = arith.constant 2 : i32
      %swap3A_449 = arith.index_cast %swap3A_448 : i32 to index
      %swap3A_450 = arith.index_cast %scan3A_346 : i32 to index
      %swap3A_451 = arith.constant 16 : index
      %swap3A_452 = tpu.vector_load %arg6[%swap3A_449, %swap3A_450, %swap3A_451] {strides = array<i32>} : memref<4x32x128xf32, #tpu.memory_space<vmem>>, vector<1x1x16xf32>,
      %swap3A_453 = vector.shape_cast %swap3A_452 : vector<1x1x16xf32> to vector<16xf32>
      %swap3A_454 = vector.shape_cast %add3A_447 : vector<16xf32> to vector<1x1x16xf32>
      tpu.vector_store %arg6[%swap3A_449, %swap3A_450, %swap3A_451], %swap3A_454 {strides = array<i32>} : memref<4x32x128xf32, #tpu.memory_space<vmem>>, vector<1x1x16xf32>,
      %get3A_455 = arith.constant 3 : i32
      %get3A_456 = arith.index_cast %get3A_455 : i32 to index
      %get3A_457 = arith.index_cast %scan3A_346 : i32 to index
      %get3A_458 = arith.constant 16 : index
      %get3A_459 = tpu.vector_load %arg6[%get3A_456, %get3A_457, %get3A_458] {strides = array<i32>} : memref<4x32x128xf32, #tpu.memory_space<vmem>>, vector<1x1x16xf32>,
      %get3A_460 = vector.shape_cast %get3A_459 : vector<1x1x16xf32> to vector<16xf32>
      %add3A_461 = arith.addf %get3A_460, %get3A_412 : vector<16xf32>
      %swap3A_462 = arith.constant 3 : i32
      %swap3A_463 = arith.index_cast %swap3A_462 : i32 to index
      %swap3A_464 = arith.index_cast %scan3A_346 : i32 to index
      %swap3A_465 = arith.constant 16 : index
      %swap3A_466 = tpu.vector_load %arg6[%swap3A_463, %swap3A_464, %swap3A_465] {strides = array<i32>} : memref<4x32x128xf32, #tpu.memory_space<vmem>>, vector<1x1x16xf32>,
      %swap3A_467 = vector.shape_cast %swap3A_466 : vector<1x1x16xf32> to vector<16xf32>
      %swap3A_468 = vector.shape_cast %add3A_461 : vector<16xf32> to vector<1x1x16xf32>
      tpu.vector_store %arg6[%swap3A_463, %swap3A_464, %swap3A_465], %swap3A_468 {strides = array<i32>} : memref<4x32x128xf32, #tpu.memory_space<vmem>>, vector<1x1x16xf32>,
      %add3A_469 = arith.constant 0 : i32
      %add3A_470 = arith.addi %add3A_469, %scan3A_346 : i32
      %get3A_471 = arith.index_cast %add3A_470 : i32 to index
      %get3A_472 = arith.constant 32 : index
      %get3A_473 = tpu.vector_load %arg5[%get3A_471, %get3A_472] {strides = array<i32>} : memref<256x128xf32, #tpu.memory_space<vmem>>, vector<1x16xf32>,
      %get3A_474 = vector.shape_cast %get3A_473 : vector<1x16xf32> to vector<16xf32>
      %get3A_475 = arith.constant 0 : i32
      %get3A_476 = arith.index_cast %get3A_475 : i32 to index
      %get3A_477 = arith.index_cast %scan3A_346 : i32 to index
      %get3A_478 = arith.constant 32 : index
      %get3A_479 = tpu.vector_load %arg6[%get3A_476, %get3A_477, %get3A_478] {strides = array<i32>} : memref<4x32x128xf32, #tpu.memory_space<vmem>>, vector<1x1x16xf32>,
      %get3A_480 = vector.shape_cast %get3A_479 : vector<1x1x16xf32> to vector<16xf32>
      %add3A_481 = arith.addf %get3A_480, %get3A_474 : vector<16xf32>
      %swap3A_482 = arith.constant 0 : i32
      %swap3A_483 = arith.index_cast %swap3A_482 : i32 to index
      %swap3A_484 = arith.index_cast %scan3A_346 : i32 to index
      %swap3A_485 = arith.constant 32 : index
      %swap3A_486 = tpu.vector_load %arg6[%swap3A_483, %swap3A_484, %swap3A_485] {strides = array<i32>} : memref<4x32x128xf32, #tpu.memory_space<vmem>>, vector<1x1x16xf32>,
      %swap3A_487 = vector.shape_cast %swap3A_486 : vector<1x1x16xf32> to vector<16xf32>
      %swap3A_488 = vector.shape_cast %add3A_481 : vector<16xf32> to vector<1x1x16xf32>
      tpu.vector_store %arg6[%swap3A_483, %swap3A_484, %swap3A_485], %swap3A_488 {strides = array<i32>} : memref<4x32x128xf32, #tpu.memory_space<vmem>>, vector<1x1x16xf32>,
      %get3A_489 = arith.constant 1 : i32
      %get3A_490 = arith.index_cast %get3A_489 : i32 to index
      %get3A_491 = arith.index_cast %scan3A_346 : i32 to index
      %get3A_492 = arith.constant 32 : index
      %get3A_493 = tpu.vector_load %arg6[%get3A_490, %get3A_491, %get3A_492] {strides = array<i32>} : memref<4x32x128xf32, #tpu.memory_space<vmem>>, vector<1x1x16xf32>,
      %get3A_494 = vector.shape_cast %get3A_493 : vector<1x1x16xf32> to vector<16xf32>
      %add3A_495 = arith.addf %get3A_494, %get3A_474 : vector<16xf32>
      %swap3A_496 = arith.constant 1 : i32
      %swap3A_497 = arith.index_cast %swap3A_496 : i32 to index
      %swap3A_498 = arith.index_cast %scan3A_346 : i32 to index
      %swap3A_499 = arith.constant 32 : index
      %swap3A_500 = tpu.vector_load %arg6[%swap3A_497, %swap3A_498, %swap3A_499] {strides = array<i32>} : memref<4x32x128xf32, #tpu.memory_space<vmem>>, vector<1x1x16xf32>,
      %swap3A_501 = vector.shape_cast %swap3A_500 : vector<1x1x16xf32> to vector<16xf32>
      %swap3A_502 = vector.shape_cast %add3A_495 : vector<16xf32> to vector<1x1x16xf32>
      tpu.vector_store %arg6[%swap3A_497, %swap3A_498, %swap3A_499], %swap3A_502 {strides = array<i32>} : memref<4x32x128xf32, #tpu.memory_space<vmem>>, vector<1x1x16xf32>,
      %get3A_503 = arith.constant 2 : i32
      %get3A_504 = arith.index_cast %get3A_503 : i32 to index
      %get3A_505 = arith.index_cast %scan3A_346 : i32 to index
      %get3A_506 = arith.constant 32 : index
      %get3A_507 = tpu.vector_load %arg6[%get3A_504, %get3A_505, %get3A_506] {strides = array<i32>} : memref<4x32x128xf32, #tpu.memory_space<vmem>>, vector<1x1x16xf32>,
      %get3A_508 = vector.shape_cast %get3A_507 : vector<1x1x16xf32> to vector<16xf32>
      %add3A_509 = arith.addf %get3A_508, %get3A_474 : vector<16xf32>
      %swap3A_510 = arith.constant 2 : i32
      %swap3A_511 = arith.index_cast %swap3A_510 : i32 to index
      %swap3A_512 = arith.index_cast %scan3A_346 : i32 to index
      %swap3A_513 = arith.constant 32 : index
      %swap3A_514 = tpu.vector_load %arg6[%swap3A_511, %swap3A_512, %swap3A_513] {strides = array<i32>} : memref<4x32x128xf32, #tpu.memory_space<vmem>>, vector<1x1x16xf32>,
      %swap3A_515 = vector.shape_cast %swap3A_514 : vector<1x1x16xf32> to vector<16xf32>
      %swap3A_516 = vector.shape_cast %add3A_509 : vector<16xf32> to vector<1x1x16xf32>
      tpu.vector_store %arg6[%swap3A_511, %swap3A_512, %swap3A_513], %swap3A_516 {strides = array<i32>} : memref<4x32x128xf32, #tpu.memory_space<vmem>>, vector<1x1x16xf32>,
      %get3A_517 = arith.constant 3 : i32
      %get3A_518 = arith.index_cast %get3A_517 : i32 to index
      %get3A_519 = arith.index_cast %scan3A_346 : i32 to index
      %get3A_520 = arith.constant 32 : index
      %get3A_521 = tpu.vector_load %arg6[%get3A_518, %get3A_519, %get3A_520] {strides = array<i32>} : memref<4x32x128xf32, #tpu.memory_space<vmem>>, vector<1x1x16xf32>,
      %get3A_522 = vector.shape_cast %get3A_521 : vector<1x1x16xf32> to vector<16xf32>
      %add3A_523 = arith.addf %get3A_522, %get3A_474 : vector<16xf32>
      %swap3A_524 = arith.constant 3 : i32
      %swap3A_525 = arith.index_cast %swap3A_524 : i32 to index
      %swap3A_526 = arith.index_cast %scan3A_346 : i32 to index
      %swap3A_527 = arith.constant 32 : index
      %swap3A_528 = tpu.vector_load %arg6[%swap3A_525, %swap3A_526, %swap3A_527] {strides = array<i32>} : memref<4x32x128xf32, #tpu.memory_space<vmem>>, vector<1x1x16xf32>,
      %swap3A_529 = vector.shape_cast %swap3A_528 : vector<1x1x16xf32> to vector<16xf32>
      %swap3A_530 = vector.shape_cast %add3A_523 : vector<16xf32> to vector<1x1x16xf32>
      tpu.vector_store %arg6[%swap3A_525, %swap3A_526, %swap3A_527], %swap3A_530 {strides = array<i32>} : memref<4x32x128xf32, #tpu.memory_space<vmem>>, vector<1x1x16xf32>,
      %add3A_531 = arith.constant 0 : i32
      %add3A_532 = arith.addi %add3A_531, %scan3A_346 : i32
      %get3A_533 = arith.index_cast %add3A_532 : i32 to index
      %get3A_534 = arith.constant 48 : index
      %get3A_535 = tpu.vector_load %arg5[%get3A_533, %get3A_534] {strides = array<i32>} : memref<256x128xf32, #tpu.memory_space<vmem>>, vector<1x16xf32>,
      %get3A_536 = vector.shape_cast %get3A_535 : vector<1x16xf32> to vector<16xf32>
      %get3A_537 = arith.constant 0 : i32
      %get3A_538 = arith.index_cast %get3A_537 : i32 to index
      %get3A_539 = arith.index_cast %scan3A_346 : i32 to index
      %get3A_540 = arith.constant 48 : index
      %get3A_541 = tpu.vector_load %arg6[%get3A_538, %get3A_539, %get3A_540] {strides = array<i32>} : memref<4x32x128xf32, #tpu.memory_space<vmem>>, vector<1x1x16xf32>,
      %get3A_542 = vector.shape_cast %get3A_541 : vector<1x1x16xf32> to vector<16xf32>
      %add3A_543 = arith.addf %get3A_542, %get3A_536 : vector<16xf32>
      %swap3A_544 = arith.constant 0 : i32
      %swap3A_545 = arith.index_cast %swap3A_544 : i32 to index
      %swap3A_546 = arith.index_cast %scan3A_346 : i32 to index
      %swap3A_547 = arith.constant 48 : index
      %swap3A_548 = tpu.vector_load %arg6[%swap3A_545, %swap3A_546, %swap3A_547] {strides = array<i32>} : memref<4x32x128xf32, #tpu.memory_space<vmem>>, vector<1x1x16xf32>,
      %swap3A_549 = vector.shape_cast %swap3A_548 : vector<1x1x16xf32> to vector<16xf32>
      %swap3A_550 = vector.shape_cast %add3A_543 : vector<16xf32> to vector<1x1x16xf32>
      tpu.vector_store %arg6[%swap3A_545, %swap3A_546, %swap3A_547], %swap3A_550 {strides = array<i32>} : memref<4x32x128xf32, #tpu.memory_space<vmem>>, vector<1x1x16xf32>,
      %get3A_551 = arith.constant 1 : i32
      %get3A_552 = arith.index_cast %get3A_551 : i32 to index
      %get3A_553 = arith.index_cast %scan3A_346 : i32 to index
      %get3A_554 = arith.constant 48 : index
      %get3A_555 = tpu.vector_load %arg6[%get3A_552, %get3A_553, %get3A_554] {strides = array<i32>} : memref<4x32x128xf32, #tpu.memory_space<vmem>>, vector<1x1x16xf32>,
      %get3A_556 = vector.shape_cast %get3A_555 : vector<1x1x16xf32> to vector<16xf32>
      %add3A_557 = arith.addf %get3A_556, %get3A_536 : vector<16xf32>
      %swap3A_558 = arith.constant 1 : i32
      %swap3A_559 = arith.index_cast %swap3A_558 : i32 to index
      %swap3A_560 = arith.index_cast %scan3A_346 : i32 to index
      %swap3A_561 = arith.constant 48 : index
      %swap3A_562 = tpu.vector_load %arg6[%swap3A_559, %swap3A_560, %swap3A_561] {strides = array<i32>} : memref<4x32x128xf32, #tpu.memory_space<vmem>>, vector<1x1x16xf32>,
      %swap3A_563 = vector.shape_cast %swap3A_562 : vector<1x1x16xf32> to vector<16xf32>
      %swap3A_564 = vector.shape_cast %add3A_557 : vector<16xf32> to vector<1x1x16xf32>
      tpu.vector_store %arg6[%swap3A_559, %swap3A_560, %swap3A_561], %swap3A_564 {strides = array<i32>} : memref<4x32x128xf32, #tpu.memory_space<vmem>>, vector<1x1x16xf32>,
      %get3A_565 = arith.constant 2 : i32
      %get3A_566 = arith.index_cast %get3A_565 : i32 to index
      %get3A_567 = arith.index_cast %scan3A_346 : i32 to index
      %get3A_568 = arith.constant 48 : index
      %get3A_569 = tpu.vector_load %arg6[%get3A_566, %get3A_567, %get3A_568] {strides = array<i32>} : memref<4x32x128xf32, #tpu.memory_space<vmem>>, vector<1x1x16xf32>,
      %get3A_570 = vector.shape_cast %get3A_569 : vector<1x1x16xf32> to vector<16xf32>
      %add3A_571 = arith.addf %get3A_570, %get3A_536 : vector<16xf32>
      %swap3A_572 = arith.constant 2 : i32
      %swap3A_573 = arith.index_cast %swap3A_572 : i32 to index
      %swap3A_574 = arith.index_cast %scan3A_346 : i32 to index
      %swap3A_575 = arith.constant 48 : index
      %swap3A_576 = tpu.vector_load %arg6[%swap3A_573, %swap3A_574, %swap3A_575] {strides = array<i32>} : memref<4x32x128xf32, #tpu.memory_space<vmem>>, vector<1x1x16xf32>,
      %swap3A_577 = vector.shape_cast %swap3A_576 : vector<1x1x16xf32> to vector<16xf32>
      %swap3A_578 = vector.shape_cast %add3A_571 : vector<16xf32> to vector<1x1x16xf32>
      tpu.vector_store %arg6[%swap3A_573, %swap3A_574, %swap3A_575], %swap3A_578 {strides = array<i32>} : memref<4x32x128xf32, #tpu.memory_space<vmem>>, vector<1x1x16xf32>,
      %get3A_579 = arith.constant 3 : i32
      %get3A_580 = arith.index_cast %get3A_579 : i32 to index
      %get3A_581 = arith.index_cast %scan3A_346 : i32 to index
      %get3A_582 = arith.constant 48 : index
      %get3A_583 = tpu.vector_load %arg6[%get3A_580, %get3A_581, %get3A_582] {strides = array<i32>} : memref<4x32x128xf32, #tpu.memory_space<vmem>>, vector<1x1x16xf32>,
      %get3A_584 = vector.shape_cast %get3A_583 : vector<1x1x16xf32> to vector<16xf32>
      %add3A_585 = arith.addf %get3A_584, %get3A_536 : vector<16xf32>
      %swap3A_586 = arith.constant 3 : i32
      %swap3A_587 = arith.index_cast %swap3A_586 : i32 to index
      %swap3A_588 = arith.index_cast %scan3A_346 : i32 to index
      %swap3A_589 = arith.constant 48 : index
      %swap3A_590 = tpu.vector_load %arg6[%swap3A_587, %swap3A_588, %swap3A_589] {strides = array<i32>} : memref<4x32x128xf32, #tpu.memory_space<vmem>>, vector<1x1x16xf32>,
      %swap3A_591 = vector.shape_cast %swap3A_590 : vector<1x1x16xf32> to vector<16xf32>
      %swap3A_592 = vector.shape_cast %add3A_585 : vector<16xf32> to vector<1x1x16xf32>
      tpu.vector_store %arg6[%swap3A_587, %swap3A_588, %swap3A_589], %swap3A_592 {strides = array<i32>} : memref<4x32x128xf32, #tpu.memory_space<vmem>>, vector<1x1x16xf32>,
      %add3A_593 = arith.constant 0 : i32
      %add3A_594 = arith.addi %add3A_593, %scan3A_346 : i32
      %get3A_595 = arith.index_cast %add3A_594 : i32 to index
      %get3A_596 = arith.constant 64 : index
      %get3A_597 = tpu.vector_load %arg5[%get3A_595, %get3A_596] {strides = array<i32>} : memref<256x128xf32, #tpu.memory_space<vmem>>, vector<1x16xf32>,
      %get3A_598 = vector.shape_cast %get3A_597 : vector<1x16xf32> to vector<16xf32>
      %get3A_599 = arith.constant 0 : i32
      %get3A_600 = arith.index_cast %get3A_599 : i32 to index
      %get3A_601 = arith.index_cast %scan3A_346 : i32 to index
      %get3A_602 = arith.constant 64 : index
      %get3A_603 = tpu.vector_load %arg6[%get3A_600, %get3A_601, %get3A_602] {strides = array<i32>} : memref<4x32x128xf32, #tpu.memory_space<vmem>>, vector<1x1x16xf32>,
      %get3A_604 = vector.shape_cast %get3A_603 : vector<1x1x16xf32> to vector<16xf32>
      %add3A_605 = arith.addf %get3A_604, %get3A_598 : vector<16xf32>
      %swap3A_606 = arith.constant 0 : i32
      %swap3A_607 = arith.index_cast %swap3A_606 : i32 to index
      %swap3A_608 = arith.index_cast %scan3A_346 : i32 to index
      %swap3A_609 = arith.constant 64 : index
      %swap3A_610 = tpu.vector_load %arg6[%swap3A_607, %swap3A_608, %swap3A_609] {strides = array<i32>} : memref<4x32x128xf32, #tpu.memory_space<vmem>>, vector<1x1x16xf32>,
      %swap3A_611 = vector.shape_cast %swap3A_610 : vector<1x1x16xf32> to vector<16xf32>
      %swap3A_612 = vector.shape_cast %add3A_605 : vector<16xf32> to vector<1x1x16xf32>
      tpu.vector_store %arg6[%swap3A_607, %swap3A_608, %swap3A_609], %swap3A_612 {strides = array<i32>} : memref<4x32x128xf32, #tpu.memory_space<vmem>>, vector<1x1x16xf32>,
      %get3A_613 = arith.constant 1 : i32
      %get3A_614 = arith.index_cast %get3A_613 : i32 to index
      %get3A_615 = arith.index_cast %scan3A_346 : i32 to index
      %get3A_616 = arith.constant 64 : index
      %get3A_617 = tpu.vector_load %arg6[%get3A_614, %get3A_615, %get3A_616] {strides = array<i32>} : memref<4x32x128xf32, #tpu.memory_space<vmem>>, vector<1x1x16xf32>,
      %get3A_618 = vector.shape_cast %get3A_617 : vector<1x1x16xf32> to vector<16xf32>
      %add3A_619 = arith.addf %get3A_618, %get3A_598 : vector<16xf32>
      %swap3A_620 = arith.constant 1 : i32
      %swap3A_621 = arith.index_cast %swap3A_620 : i32 to index
      %swap3A_622 = arith.index_cast %scan3A_346 : i32 to index
      %swap3A_623 = arith.constant 64 : index
      %swap3A_624 = tpu.vector_load %arg6[%swap3A_621, %swap3A_622, %swap3A_623] {strides = array<i32>} : memref<4x32x128xf32, #tpu.memory_space<vmem>>, vector<1x1x16xf32>,
      %swap3A_625 = vector.shape_cast %swap3A_624 : vector<1x1x16xf32> to vector<16xf32>
      %swap3A_626 = vector.shape_cast %add3A_619 : vector<16xf32> to vector<1x1x16xf32>
      tpu.vector_store %arg6[%swap3A_621, %swap3A_622, %swap3A_623], %swap3A_626 {strides = array<i32>} : memref<4x32x128xf32, #tpu.memory_space<vmem>>, vector<1x1x16xf32>,
      %get3A_627 = arith.constant 2 : i32
      %get3A_628 = arith.index_cast %get3A_627 : i32 to index
      %get3A_629 = arith.index_cast %scan3A_346 : i32 to index
      %get3A_630 = arith.constant 64 : index
      %get3A_631 = tpu.vector_load %arg6[%get3A_628, %get3A_629, %get3A_630] {strides = array<i32>} : memref<4x32x128xf32, #tpu.memory_space<vmem>>, vector<1x1x16xf32>,
      %get3A_632 = vector.shape_cast %get3A_631 : vector<1x1x16xf32> to vector<16xf32>
      %add3A_633 = arith.addf %get3A_632, %get3A_598 : vector<16xf32>
      %swap3A_634 = arith.constant 2 : i32
      %swap3A_635 = arith.index_cast %swap3A_634 : i32 to index
      %swap3A_636 = arith.index_cast %scan3A_346 : i32 to index
      %swap3A_637 = arith.constant 64 : index
      %swap3A_638 = tpu.vector_load %arg6[%swap3A_635, %swap3A_636, %swap3A_637] {strides = array<i32>} : memref<4x32x128xf32, #tpu.memory_space<vmem>>, vector<1x1x16xf32>,
      %swap3A_639 = vector.shape_cast %swap3A_638 : vector<1x1x16xf32> to vector<16xf32>
      %swap3A_640 = vector.shape_cast %add3A_633 : vector<16xf32> to vector<1x1x16xf32>
      tpu.vector_store %arg6[%swap3A_635, %swap3A_636, %swap3A_637], %swap3A_640 {strides = array<i32>} : memref<4x32x128xf32, #tpu.memory_space<vmem>>, vector<1x1x16xf32>,
      %get3A_641 = arith.constant 3 : i32
      %get3A_642 = arith.index_cast %get3A_641 : i32 to index
      %get3A_643 = arith.index_cast %scan3A_346 : i32 to index
      %get3A_644 = arith.constant 64 : index
      %get3A_645 = tpu.vector_load %arg6[%get3A_642, %get3A_643, %get3A_644] {strides = array<i32>} : memref<4x32x128xf32, #tpu.memory_space<vmem>>, vector<1x1x16xf32>,
      %get3A_646 = vector.shape_cast %get3A_645 : vector<1x1x16xf32> to vector<16xf32>
      %add3A_647 = arith.addf %get3A_646, %get3A_598 : vector<16xf32>
      %swap3A_648 = arith.constant 3 : i32
      %swap3A_649 = arith.index_cast %swap3A_648 : i32 to index
      %swap3A_650 = arith.index_cast %scan3A_346 : i32 to index
      %swap3A_651 = arith.constant 64 : index
      %swap3A_652 = tpu.vector_load %arg6[%swap3A_649, %swap3A_650, %swap3A_651] {strides = array<i32>} : memref<4x32x128xf32, #tpu.memory_space<vmem>>, vector<1x1x16xf32>,
      %swap3A_653 = vector.shape_cast %swap3A_652 : vector<1x1x16xf32> to vector<16xf32>
      %swap3A_654 = vector.shape_cast %add3A_647 : vector<16xf32> to vector<1x1x16xf32>
      tpu.vector_store %arg6[%swap3A_649, %swap3A_650, %swap3A_651], %swap3A_654 {strides = array<i32>} : memref<4x32x128xf32, #tpu.memory_space<vmem>>, vector<1x1x16xf32>,
      %add3A_655 = arith.constant 0 : i32
      %add3A_656 = arith.addi %add3A_655, %scan3A_346 : i32
      %get3A_657 = arith.index_cast %add3A_656 : i32 to index
      %get3A_658 = arith.constant 80 : index
      %get3A_659 = tpu.vector_load %arg5[%get3A_657, %get3A_658] {strides = array<i32>} : memref<256x128xf32, #tpu.memory_space<vmem>>, vector<1x16xf32>,
      %get3A_660 = vector.shape_cast %get3A_659 : vector<1x16xf32> to vector<16xf32>
      %get3A_661 = arith.constant 0 : i32
      %get3A_662 = arith.index_cast %get3A_661 : i32 to index
      %get3A_663 = arith.index_cast %scan3A_346 : i32 to index
      %get3A_664 = arith.constant 80 : index
      %get3A_665 = tpu.vector_load %arg6[%get3A_662, %get3A_663, %get3A_664] {strides = array<i32>} : memref<4x32x128xf32, #tpu.memory_space<vmem>>, vector<1x1x16xf32>,
      %get3A_666 = vector.shape_cast %get3A_665 : vector<1x1x16xf32> to vector<16xf32>
      %add3A_667 = arith.addf %get3A_666, %get3A_660 : vector<16xf32>
      %swap3A_668 = arith.constant 0 : i32
      %swap3A_669 = arith.index_cast %swap3A_668 : i32 to index
      %swap3A_670 = arith.index_cast %scan3A_346 : i32 to index
      %swap3A_671 = arith.constant 80 : index
      %swap3A_672 = tpu.vector_load %arg6[%swap3A_669, %swap3A_670, %swap3A_671] {strides = array<i32>} : memref<4x32x128xf32, #tpu.memory_space<vmem>>, vector<1x1x16xf32>,
      %swap3A_673 = vector.shape_cast %swap3A_672 : vector<1x1x16xf32> to vector<16xf32>
      %swap3A_674 = vector.shape_cast %add3A_667 : vector<16xf32> to vector<1x1x16xf32>
      tpu.vector_store %arg6[%swap3A_669, %swap3A_670, %swap3A_671], %swap3A_674 {strides = array<i32>} : memref<4x32x128xf32, #tpu.memory_space<vmem>>, vector<1x1x16xf32>,
      %get3A_675 = arith.constant 1 : i32
      %get3A_676 = arith.index_cast %get3A_675 : i32 to index
      %get3A_677 = arith.index_cast %scan3A_346 : i32 to index
      %get3A_678 = arith.constant 80 : index
      %get3A_679 = tpu.vector_load %arg6[%get3A_676, %get3A_677, %get3A_678] {strides = array<i32>} : memref<4x32x128xf32, #tpu.memory_space<vmem>>, vector<1x1x16xf32>,
      %get3A_680 = vector.shape_cast %get3A_679 : vector<1x1x16xf32> to vector<16xf32>
      %add3A_681 = arith.addf %get3A_680, %get3A_660 : vector<16xf32>
      %swap3A_682 = arith.constant 1 : i32
      %swap3A_683 = arith.index_cast %swap3A_682 : i32 to index
      %swap3A_684 = arith.index_cast %scan3A_346 : i32 to index
      %swap3A_685 = arith.constant 80 : index
      %swap3A_686 = tpu.vector_load %arg6[%swap3A_683, %swap3A_684, %swap3A_685] {strides = array<i32>} : memref<4x32x128xf32, #tpu.memory_space<vmem>>, vector<1x1x16xf32>,
      %swap3A_687 = vector.shape_cast %swap3A_686 : vector<1x1x16xf32> to vector<16xf32>
      %swap3A_688 = vector.shape_cast %add3A_681 : vector<16xf32> to vector<1x1x16xf32>
      tpu.vector_store %arg6[%swap3A_683, %swap3A_684, %swap3A_685], %swap3A_688 {strides = array<i32>} : memref<4x32x128xf32, #tpu.memory_space<vmem>>, vector<1x1x16xf32>,
      %get3A_689 = arith.constant 2 : i32
      %get3A_690 = arith.index_cast %get3A_689 : i32 to index
      %get3A_691 = arith.index_cast %scan3A_346 : i32 to index
      %get3A_692 = arith.constant 80 : index
      %get3A_693 = tpu.vector_load %arg6[%get3A_690, %get3A_691, %get3A_692] {strides = array<i32>} : memref<4x32x128xf32, #tpu.memory_space<vmem>>, vector<1x1x16xf32>,
      %get3A_694 = vector.shape_cast %get3A_693 : vector<1x1x16xf32> to vector<16xf32>
      %add3A_695 = arith.addf %get3A_694, %get3A_660 : vector<16xf32>
      %swap3A_696 = arith.constant 2 : i32
      %swap3A_697 = arith.index_cast %swap3A_696 : i32 to index
      %swap3A_698 = arith.index_cast %scan3A_346 : i32 to index
      %swap3A_699 = arith.constant 80 : index
      %swap3A_700 = tpu.vector_load %arg6[%swap3A_697, %swap3A_698, %swap3A_699] {strides = array<i32>} : memref<4x32x128xf32, #tpu.memory_space<vmem>>, vector<1x1x16xf32>,
      %swap3A_701 = vector.shape_cast %swap3A_700 : vector<1x1x16xf32> to vector<16xf32>
      %swap3A_702 = vector.shape_cast %add3A_695 : vector<16xf32> to vector<1x1x16xf32>
      tpu.vector_store %arg6[%swap3A_697, %swap3A_698, %swap3A_699], %swap3A_702 {strides = array<i32>} : memref<4x32x128xf32, #tpu.memory_space<vmem>>, vector<1x1x16xf32>,
      %get3A_703 = arith.constant 3 : i32
      %get3A_704 = arith.index_cast %get3A_703 : i32 to index
      %get3A_705 = arith.index_cast %scan3A_346 : i32 to index
      %get3A_706 = arith.constant 80 : index
      %get3A_707 = tpu.vector_load %arg6[%get3A_704, %get3A_705, %get3A_706] {strides = array<i32>} : memref<4x32x128xf32, #tpu.memory_space<vmem>>, vector<1x1x16xf32>,
      %get3A_708 = vector.shape_cast %get3A_707 : vector<1x1x16xf32> to vector<16xf32>
      %add3A_709 = arith.addf %get3A_708, %get3A_660 : vector<16xf32>
      %swap3A_710 = arith.constant 3 : i32
      %swap3A_711 = arith.index_cast %swap3A_710 : i32 to index
      %swap3A_712 = arith.index_cast %scan3A_346 : i32 to index
      %swap3A_713 = arith.constant 80 : index
      %swap3A_714 = tpu.vector_load %arg6[%swap3A_711, %swap3A_712, %swap3A_713] {strides = array<i32>} : memref<4x32x128xf32, #tpu.memory_space<vmem>>, vector<1x1x16xf32>,
      %swap3A_715 = vector.shape_cast %swap3A_714 : vector<1x1x16xf32> to vector<16xf32>
      %swap3A_716 = vector.shape_cast %add3A_709 : vector<16xf32> to vector<1x1x16xf32>
      tpu.vector_store %arg6[%swap3A_711, %swap3A_712, %swap3A_713], %swap3A_716 {strides = array<i32>} : memref<4x32x128xf32, #tpu.memory_space<vmem>>, vector<1x1x16xf32>,
      %add3A_717 = arith.constant 0 : i32
      %add3A_718 = arith.addi %add3A_717, %scan3A_346 : i32
      %get3A_719 = arith.index_cast %add3A_718 : i32 to index
      %get3A_720 = arith.constant 96 : index
      %get3A_721 = tpu.vector_load %arg5[%get3A_719, %get3A_720] {strides = array<i32>} : memref<256x128xf32, #tpu.memory_space<vmem>>, vector<1x16xf32>,
      %get3A_722 = vector.shape_cast %get3A_721 : vector<1x16xf32> to vector<16xf32>
      %get3A_723 = arith.constant 0 : i32
      %get3A_724 = arith.index_cast %get3A_723 : i32 to index
      %get3A_725 = arith.index_cast %scan3A_346 : i32 to index
      %get3A_726 = arith.constant 96 : index
      %get3A_727 = tpu.vector_load %arg6[%get3A_724, %get3A_725, %get3A_726] {strides = array<i32>} : memref<4x32x128xf32, #tpu.memory_space<vmem>>, vector<1x1x16xf32>,
      %get3A_728 = vector.shape_cast %get3A_727 : vector<1x1x16xf32> to vector<16xf32>
      %add3A_729 = arith.addf %get3A_728, %get3A_722 : vector<16xf32>
      %swap3A_730 = arith.constant 0 : i32
      %swap3A_731 = arith.index_cast %swap3A_730 : i32 to index
      %swap3A_732 = arith.index_cast %scan3A_346 : i32 to index
      %swap3A_733 = arith.constant 96 : index
      %swap3A_734 = tpu.vector_load %arg6[%swap3A_731, %swap3A_732, %swap3A_733] {strides = array<i32>} : memref<4x32x128xf32, #tpu.memory_space<vmem>>, vector<1x1x16xf32>,
      %swap3A_735 = vector.shape_cast %swap3A_734 : vector<1x1x16xf32> to vector<16xf32>
      %swap3A_736 = vector.shape_cast %add3A_729 : vector<16xf32> to vector<1x1x16xf32>
      tpu.vector_store %arg6[%swap3A_731, %swap3A_732, %swap3A_733], %swap3A_736 {strides = array<i32>} : memref<4x32x128xf32, #tpu.memory_space<vmem>>, vector<1x1x16xf32>,
      %get3A_737 = arith.constant 1 : i32
      %get3A_738 = arith.index_cast %get3A_737 : i32 to index
      %get3A_739 = arith.index_cast %scan3A_346 : i32 to index
      %get3A_740 = arith.constant 96 : index
      %get3A_741 = tpu.vector_load %arg6[%get3A_738, %get3A_739, %get3A_740] {strides = array<i32>} : memref<4x32x128xf32, #tpu.memory_space<vmem>>, vector<1x1x16xf32>,
      %get3A_742 = vector.shape_cast %get3A_741 : vector<1x1x16xf32> to vector<16xf32>
      %add3A_743 = arith.addf %get3A_742, %get3A_722 : vector<16xf32>
      %swap3A_744 = arith.constant 1 : i32
      %swap3A_745 = arith.index_cast %swap3A_744 : i32 to index
      %swap3A_746 = arith.index_cast %scan3A_346 : i32 to index
      %swap3A_747 = arith.constant 96 : index
      %swap3A_748 = tpu.vector_load %arg6[%swap3A_745, %swap3A_746, %swap3A_747] {strides = array<i32>} : memref<4x32x128xf32, #tpu.memory_space<vmem>>, vector<1x1x16xf32>,
      %swap3A_749 = vector.shape_cast %swap3A_748 : vector<1x1x16xf32> to vector<16xf32>
      %swap3A_750 = vector.shape_cast %add3A_743 : vector<16xf32> to vector<1x1x16xf32>
      tpu.vector_store %arg6[%swap3A_745, %swap3A_746, %swap3A_747], %swap3A_750 {strides = array<i32>} : memref<4x32x128xf32, #tpu.memory_space<vmem>>, vector<1x1x16xf32>,
      %get3A_751 = arith.constant 2 : i32
      %get3A_752 = arith.index_cast %get3A_751 : i32 to index
      %get3A_753 = arith.index_cast %scan3A_346 : i32 to index
      %get3A_754 = arith.constant 96 : index
      %get3A_755 = tpu.vector_load %arg6[%get3A_752, %get3A_753, %get3A_754] {strides = array<i32>} : memref<4x32x128xf32, #tpu.memory_space<vmem>>, vector<1x1x16xf32>,
      %get3A_756 = vector.shape_cast %get3A_755 : vector<1x1x16xf32> to vector<16xf32>
      %add3A_757 = arith.addf %get3A_756, %get3A_722 : vector<16xf32>
      %swap3A_758 = arith.constant 2 : i32
      %swap3A_759 = arith.index_cast %swap3A_758 : i32 to index
      %swap3A_760 = arith.index_cast %scan3A_346 : i32 to index
      %swap3A_761 = arith.constant 96 : index
      %swap3A_762 = tpu.vector_load %arg6[%swap3A_759, %swap3A_760, %swap3A_761] {strides = array<i32>} : memref<4x32x128xf32, #tpu.memory_space<vmem>>, vector<1x1x16xf32>,
      %swap3A_763 = vector.shape_cast %swap3A_762 : vector<1x1x16xf32> to vector<16xf32>
      %swap3A_764 = vector.shape_cast %add3A_757 : vector<16xf32> to vector<1x1x16xf32>
      tpu.vector_store %arg6[%swap3A_759, %swap3A_760, %swap3A_761], %swap3A_764 {strides = array<i32>} : memref<4x32x128xf32, #tpu.memory_space<vmem>>, vector<1x1x16xf32>,
      %get3A_765 = arith.constant 3 : i32
      %get3A_766 = arith.index_cast %get3A_765 : i32 to index
      %get3A_767 = arith.index_cast %scan3A_346 : i32 to index
      %get3A_768 = arith.constant 96 : index
      %get3A_769 = tpu.vector_load %arg6[%get3A_766, %get3A_767, %get3A_768] {strides = array<i32>} : memref<4x32x128xf32, #tpu.memory_space<vmem>>, vector<1x1x16xf32>,
      %get3A_770 = vector.shape_cast %get3A_769 : vector<1x1x16xf32> to vector<16xf32>
      %add3A_771 = arith.addf %get3A_770, %get3A_722 : vector<16xf32>
      %swap3A_772 = arith.constant 3 : i32
      %swap3A_773 = arith.index_cast %swap3A_772 : i32 to index
      %swap3A_774 = arith.index_cast %scan3A_346 : i32 to index
      %swap3A_775 = arith.constant 96 : index
      %swap3A_776 = tpu.vector_load %arg6[%swap3A_773, %swap3A_774, %swap3A_775] {strides = array<i32>} : memref<4x32x128xf32, #tpu.memory_space<vmem>>, vector<1x1x16xf32>,
      %swap3A_777 = vector.shape_cast %swap3A_776 : vector<1x1x16xf32> to vector<16xf32>
      %swap3A_778 = vector.shape_cast %add3A_771 : vector<16xf32> to vector<1x1x16xf32>
      tpu.vector_store %arg6[%swap3A_773, %swap3A_774, %swap3A_775], %swap3A_778 {strides = array<i32>} : memref<4x32x128xf32, #tpu.memory_space<vmem>>, vector<1x1x16xf32>,
      %add3A_779 = arith.constant 0 : i32
      %add3A_780 = arith.addi %add3A_779, %scan3A_346 : i32
      %get3A_781 = arith.index_cast %add3A_780 : i32 to index
      %get3A_782 = arith.constant 112 : index
      %get3A_783 = tpu.vector_load %arg5[%get3A_781, %get3A_782] {strides = array<i32>} : memref<256x128xf32, #tpu.memory_space<vmem>>, vector<1x16xf32>,
      %get3A_784 = vector.shape_cast %get3A_783 : vector<1x16xf32> to vector<16xf32>
      %get3A_785 = arith.constant 0 : i32
      %get3A_786 = arith.index_cast %get3A_785 : i32 to index
      %get3A_787 = arith.index_cast %scan3A_346 : i32 to index
      %get3A_788 = arith.constant 112 : index
      %get3A_789 = tpu.vector_load %arg6[%get3A_786, %get3A_787, %get3A_788] {strides = array<i32>} : memref<4x32x128xf32, #tpu.memory_space<vmem>>, vector<1x1x16xf32>,
      %get3A_790 = vector.shape_cast %get3A_789 : vector<1x1x16xf32> to vector<16xf32>
      %add3A_791 = arith.addf %get3A_790, %get3A_784 : vector<16xf32>
      %swap3A_792 = arith.constant 0 : i32
      %swap3A_793 = arith.index_cast %swap3A_792 : i32 to index
      %swap3A_794 = arith.index_cast %scan3A_346 : i32 to index
      %swap3A_795 = arith.constant 112 : index
      %swap3A_796 = tpu.vector_load %arg6[%swap3A_793, %swap3A_794, %swap3A_795] {strides = array<i32>} : memref<4x32x128xf32, #tpu.memory_space<vmem>>, vector<1x1x16xf32>,
      %swap3A_797 = vector.shape_cast %swap3A_796 : vector<1x1x16xf32> to vector<16xf32>
      %swap3A_798 = vector.shape_cast %add3A_791 : vector<16xf32> to vector<1x1x16xf32>
      tpu.vector_store %arg6[%swap3A_793, %swap3A_794, %swap3A_795], %swap3A_798 {strides = array<i32>} : memref<4x32x128xf32, #tpu.memory_space<vmem>>, vector<1x1x16xf32>,
      %get3A_799 = arith.constant 1 : i32
      %get3A_800 = arith.index_cast %get3A_799 : i32 to index
      %get3A_801 = arith.index_cast %scan3A_346 : i32 to index
      %get3A_802 = arith.constant 112 : index
      %get3A_803 = tpu.vector_load %arg6[%get3A_800, %get3A_801, %get3A_802] {strides = array<i32>} : memref<4x32x128xf32, #tpu.memory_space<vmem>>, vector<1x1x16xf32>,
      %get3A_804 = vector.shape_cast %get3A_803 : vector<1x1x16xf32> to vector<16xf32>
      %add3A_805 = arith.addf %get3A_804, %get3A_784 : vector<16xf32>
      %swap3A_806 = arith.constant 1 : i32
      %swap3A_807 = arith.index_cast %swap3A_806 : i32 to index
      %swap3A_808 = arith.index_cast %scan3A_346 : i32 to index
      %swap3A_809 = arith.constant 112 : index
      %swap3A_810 = tpu.vector_load %arg6[%swap3A_807, %swap3A_808, %swap3A_809] {strides = array<i32>} : memref<4x32x128xf32, #tpu.memory_space<vmem>>, vector<1x1x16xf32>,
      %swap3A_811 = vector.shape_cast %swap3A_810 : vector<1x1x16xf32> to vector<16xf32>
      %swap3A_812 = vector.shape_cast %add3A_805 : vector<16xf32> to vector<1x1x16xf32>
      tpu.vector_store %arg6[%swap3A_807, %swap3A_808, %swap3A_809], %swap3A_812 {strides = array<i32>} : memref<4x32x128xf32, #tpu.memory_space<vmem>>, vector<1x1x16xf32>,
      %get3A_813 = arith.constant 2 : i32
      %get3A_814 = arith.index_cast %get3A_813 : i32 to index
      %get3A_815 = arith.index_cast %scan3A_346 : i32 to index
      %get3A_816 = arith.constant 112 : index
      %get3A_817 = tpu.vector_load %arg6[%get3A_814, %get3A_815, %get3A_816] {strides = array<i32>} : memref<4x32x128xf32, #tpu.memory_space<vmem>>, vector<1x1x16xf32>,
      %get3A_818 = vector.shape_cast %get3A_817 : vector<1x1x16xf32> to vector<16xf32>
      %add3A_819 = arith.addf %get3A_818, %get3A_784 : vector<16xf32>
      %swap3A_820 = arith.constant 2 : i32
      %swap3A_821 = arith.index_cast %swap3A_820 : i32 to index
      %swap3A_822 = arith.index_cast %scan3A_346 : i32 to index
      %swap3A_823 = arith.constant 112 : index
      %swap3A_824 = tpu.vector_load %arg6[%swap3A_821, %swap3A_822, %swap3A_823] {strides = array<i32>} : memref<4x32x128xf32, #tpu.memory_space<vmem>>, vector<1x1x16xf32>,
      %swap3A_825 = vector.shape_cast %swap3A_824 : vector<1x1x16xf32> to vector<16xf32>
      %swap3A_826 = vector.shape_cast %add3A_819 : vector<16xf32> to vector<1x1x16xf32>
      tpu.vector_store %arg6[%swap3A_821, %swap3A_822, %swap3A_823], %swap3A_826 {strides = array<i32>} : memref<4x32x128xf32, #tpu.memory_space<vmem>>, vector<1x1x16xf32>,
      %get3A_827 = arith.constant 3 : i32
      %get3A_828 = arith.index_cast %get3A_827 : i32 to index
      %get3A_829 = arith.index_cast %scan3A_346 : i32 to index
      %get3A_830 = arith.constant 112 : index
      %get3A_831 = tpu.vector_load %arg6[%get3A_828, %get3A_829, %get3A_830] {strides = array<i32>} : memref<4x32x128xf32, #tpu.memory_space<vmem>>, vector<1x1x16xf32>,
      %get3A_832 = vector.shape_cast %get3A_831 : vector<1x1x16xf32> to vector<16xf32>
      %add3A_833 = arith.addf %get3A_832, %get3A_784 : vector<16xf32>
      %swap3A_834 = arith.constant 3 : i32
      %swap3A_835 = arith.index_cast %swap3A_834 : i32 to index
      %swap3A_836 = arith.index_cast %scan3A_346 : i32 to index
      %swap3A_837 = arith.constant 112 : index
      %swap3A_838 = tpu.vector_load %arg6[%swap3A_835, %swap3A_836, %swap3A_837] {strides = array<i32>} : memref<4x32x128xf32, #tpu.memory_space<vmem>>, vector<1x1x16xf32>,
      %swap3A_839 = vector.shape_cast %swap3A_838 : vector<1x1x16xf32> to vector<16xf32>
      %swap3A_840 = vector.shape_cast %add3A_833 : vector<16xf32> to vector<1x1x16xf32>
      tpu.vector_store %arg6[%swap3A_835, %swap3A_836, %swap3A_837], %swap3A_840 {strides = array<i32>} : memref<4x32x128xf32, #tpu.memory_space<vmem>>, vector<1x1x16xf32>,
    }
    %scan3A_77 = arith.constant 32 : i32
    %add3A_78 = arith.constant 0 : i32
    %add3A_79 = arith.addi %mul3A_2, %add3A_78 : i32
    %dma_start3A_80 = arith.constant 0 : i32
    %dma_start3A_81 = arith.constant 0 : i32
    %dma_start3A_82 = tpu.memref_slice %arg4[%dma_start3A_80, %add3A_79, %dma_start3A_81] : memref<4x8192x128xf32, #tpu.memory_space<hbm>> -> memref<4x32x128xf32, #tpu.memory_space<hbm>>
    %dma_start3A_83 = arith.constant 0 : i32
    %dma_start3A_84 = arith.constant 0 : i32
    %dma_start3A_85 = tpu.memref_slice %arg4[%dma_start3A_83, %add3A_79, %dma_start3A_84] : memref<4x8192x128xf32, #tpu.memory_space<hbm>> -> memref<4x32x128xf32, #tpu.memory_space<hbm>>
    tpu.enqueue_dma source(%arg6 : memref<4x32x128xf32, #tpu.memory_space<vmem>>) target(%dma_start3A_85 : memref<4x32x128xf32, #tpu.memory_space<hbm>>) target_semaphore(%arg18 : memref<!tpu.dma_semaphore, #tpu.memory_space<semaphore_mem>>)
    %add3A_86 = arith.constant 128 : i32
    %add3A_87 = arith.addi %mul3A_2, %add3A_86 : i32
    %dma_start3A_88 = arith.constant 0 : i32
    %dma_start3A_89 = arith.constant 0 : i32
    %dma_start3A_90 = tpu.memref_slice %arg2[%dma_start3A_88, %add3A_87, %dma_start3A_89] : memref<4x8192x128xf32, #tpu.memory_space<hbm>> -> memref<4x32x128xf32, #tpu.memory_space<hbm>>
    %dma_start3A_91 = arith.constant 0 : i32
    %dma_start3A_92 = arith.constant 0 : i32
    %dma_start3A_93 = tpu.memref_slice %arg2[%dma_start3A_91, %add3A_87, %dma_start3A_92] : memref<4x8192x128xf32, #tpu.memory_space<hbm>> -> memref<4x32x128xf32, #tpu.memory_space<hbm>>
    tpu.enqueue_dma source(%dma_start3A_93 : memref<4x32x128xf32, #tpu.memory_space<hbm>>) target(%arg10 : memref<4x32x128xf32, #tpu.memory_space<vmem>>) target_semaphore(%arg17 : memref<!tpu.dma_semaphore, #tpu.memory_space<semaphore_mem>>)
    %add3A_94 = arith.constant 32 : i32
    %add3A_95 = arith.addi %mul3A_2, %add3A_94 : i32
    %dma_wait3A_96 = arith.constant 0 : i32
    %dma_wait3A_97 = arith.constant 0 : i32
    %dma_wait3A_98 = tpu.memref_slice %arg2[%dma_wait3A_96, %add3A_95, %dma_wait3A_97] : memref<4x8192x128xf32, #tpu.memory_space<hbm>> -> memref<4x32x128xf32, #tpu.memory_space<hbm>>
    %dma_wait3A_99 = arith.constant 0 : i32
    %dma_wait3A_100 = arith.constant 0 : i32
    %dma_wait3A_101 = tpu.memref_slice %arg2[%dma_wait3A_99, %add3A_95, %dma_wait3A_100] : memref<4x8192x128xf32, #tpu.memory_space<hbm>> -> memref<4x32x128xf32, #tpu.memory_space<hbm>>
    tpu.wait_dma2 semaphore(%arg14 : memref<!tpu.dma_semaphore, #tpu.memory_space<semaphore_mem>>) src(%dma_wait3A_101 : memref<4x32x128xf32, #tpu.memory_space<hbm>>) dst(%arg7 : memref<4x32x128xf32, #tpu.memory_space<vmem>>)
    %scan3A_102 = arith.constant 0 : i32
    %scan3A_103 = arith.constant 0 : i32
    %scan3A_104 = arith.constant 32 : i32
    %scan3A_105 = arith.addi %scan3A_103, %scan3A_104 : i32
    %scan3A_106 = arith.constant 1 : i32
    scf.for %scan3A_346 = %scan3A_103 to %scan3A_105 step %scan3A_106  : i32 {
      %add3A_347 = arith.constant 32 : i32
      %add3A_348 = arith.addi %add3A_347, %scan3A_346 : i32
      %get3A = arith.index_cast %add3A_348 : i32 to index
      %get3A_349 = arith.constant 0 : index
      %get3A_350 = tpu.vector_load %arg5[%get3A, %get3A_349] {strides = array<i32>} : memref<256x128xf32, #tpu.memory_space<vmem>>, vector<1x16xf32>,
      %get3A_351 = vector.shape_cast %get3A_350 : vector<1x16xf32> to vector<16xf32>
      %get3A_352 = arith.constant 0 : i32
      %get3A_353 = arith.index_cast %get3A_352 : i32 to index
      %get3A_354 = arith.index_cast %scan3A_346 : i32 to index
      %get3A_355 = arith.constant 0 : index
      %get3A_356 = tpu.vector_load %arg7[%get3A_353, %get3A_354, %get3A_355] {strides = array<i32>} : memref<4x32x128xf32, #tpu.memory_space<vmem>>, vector<1x1x16xf32>,
      %get3A_357 = vector.shape_cast %get3A_356 : vector<1x1x16xf32> to vector<16xf32>
      %add3A_358 = arith.addf %get3A_357, %get3A_351 : vector<16xf32>
      %swap3A = arith.constant 0 : i32
      %swap3A_359 = arith.index_cast %swap3A : i32 to index
      %swap3A_360 = arith.index_cast %scan3A_346 : i32 to index
      %swap3A_361 = arith.constant 0 : index
      %swap3A_362 = tpu.vector_load %arg7[%swap3A_359, %swap3A_360, %swap3A_361] {strides = array<i32>} : memref<4x32x128xf32, #tpu.memory_space<vmem>>, vector<1x1x16xf32>,
      %swap3A_363 = vector.shape_cast %swap3A_362 : vector<1x1x16xf32> to vector<16xf32>
      %swap3A_364 = vector.shape_cast %add3A_358 : vector<16xf32> to vector<1x1x16xf32>
      tpu.vector_store %arg7[%swap3A_359, %swap3A_360, %swap3A_361], %swap3A_364 {strides = array<i32>} : memref<4x32x128xf32, #tpu.memory_space<vmem>>, vector<1x1x16xf32>,
      %get3A_365 = arith.constant 1 : i32
      %get3A_366 = arith.index_cast %get3A_365 : i32 to index
      %get3A_367 = arith.index_cast %scan3A_346 : i32 to index
      %get3A_368 = arith.constant 0 : index
      %get3A_369 = tpu.vector_load %arg7[%get3A_366, %get3A_367, %get3A_368] {strides = array<i32>} : memref<4x32x128xf32, #tpu.memory_space<vmem>>, vector<1x1x16xf32>,
      %get3A_370 = vector.shape_cast %get3A_369 : vector<1x1x16xf32> to vector<16xf32>
      %add3A_371 = arith.addf %get3A_370, %get3A_351 : vector<16xf32>
      %swap3A_372 = arith.constant 1 : i32
      %swap3A_373 = arith.index_cast %swap3A_372 : i32 to index
      %swap3A_374 = arith.index_cast %scan3A_346 : i32 to index
      %swap3A_375 = arith.constant 0 : index
      %swap3A_376 = tpu.vector_load %arg7[%swap3A_373, %swap3A_374, %swap3A_375] {strides = array<i32>} : memref<4x32x128xf32, #tpu.memory_space<vmem>>, vector<1x1x16xf32>,
      %swap3A_377 = vector.shape_cast %swap3A_376 : vector<1x1x16xf32> to vector<16xf32>
      %swap3A_378 = vector.shape_cast %add3A_371 : vector<16xf32> to vector<1x1x16xf32>
      tpu.vector_store %arg7[%swap3A_373, %swap3A_374, %swap3A_375], %swap3A_378 {strides = array<i32>} : memref<4x32x128xf32, #tpu.memory_space<vmem>>, vector<1x1x16xf32>,
      %get3A_379 = arith.constant 2 : i32
      %get3A_380 = arith.index_cast %get3A_379 : i32 to index
      %get3A_381 = arith.index_cast %scan3A_346 : i32 to index
      %get3A_382 = arith.constant 0 : index
      %get3A_383 = tpu.vector_load %arg7[%get3A_380, %get3A_381, %get3A_382] {strides = array<i32>} : memref<4x32x128xf32, #tpu.memory_space<vmem>>, vector<1x1x16xf32>,
      %get3A_384 = vector.shape_cast %get3A_383 : vector<1x1x16xf32> to vector<16xf32>
      %add3A_385 = arith.addf %get3A_384, %get3A_351 : vector<16xf32>
      %swap3A_386 = arith.constant 2 : i32
      %swap3A_387 = arith.index_cast %swap3A_386 : i32 to index
      %swap3A_388 = arith.index_cast %scan3A_346 : i32 to index
      %swap3A_389 = arith.constant 0 : index
      %swap3A_390 = tpu.vector_load %arg7[%swap3A_387, %swap3A_388, %swap3A_389] {strides = array<i32>} : memref<4x32x128xf32, #tpu.memory_space<vmem>>, vector<1x1x16xf32>,
      %swap3A_391 = vector.shape_cast %swap3A_390 : vector<1x1x16xf32> to vector<16xf32>
      %swap3A_392 = vector.shape_cast %add3A_385 : vector<16xf32> to vector<1x1x16xf32>
      tpu.vector_store %arg7[%swap3A_387, %swap3A_388, %swap3A_389], %swap3A_392 {strides = array<i32>} : memref<4x32x128xf32, #tpu.memory_space<vmem>>, vector<1x1x16xf32>,
      %get3A_393 = arith.constant 3 : i32
      %get3A_394 = arith.index_cast %get3A_393 : i32 to index
      %get3A_395 = arith.index_cast %scan3A_346 : i32 to index
      %get3A_396 = arith.constant 0 : index
      %get3A_397 = tpu.vector_load %arg7[%get3A_394, %get3A_395, %get3A_396] {strides = array<i32>} : memref<4x32x128xf32, #tpu.memory_space<vmem>>, vector<1x1x16xf32>,
      %get3A_398 = vector.shape_cast %get3A_397 : vector<1x1x16xf32> to vector<16xf32>
      %add3A_399 = arith.addf %get3A_398, %get3A_351 : vector<16xf32>
      %swap3A_400 = arith.constant 3 : i32
      %swap3A_401 = arith.index_cast %swap3A_400 : i32 to index
      %swap3A_402 = arith.index_cast %scan3A_346 : i32 to index
      %swap3A_403 = arith.constant 0 : index
      %swap3A_404 = tpu.vector_load %arg7[%swap3A_401, %swap3A_402, %swap3A_403] {strides = array<i32>} : memref<4x32x128xf32, #tpu.memory_space<vmem>>, vector<1x1x16xf32>,
      %swap3A_405 = vector.shape_cast %swap3A_404 : vector<1x1x16xf32> to vector<16xf32>
      %swap3A_406 = vector.shape_cast %add3A_399 : vector<16xf32> to vector<1x1x16xf32>
      tpu.vector_store %arg7[%swap3A_401, %swap3A_402, %swap3A_403], %swap3A_406 {strides = array<i32>} : memref<4x32x128xf32, #tpu.memory_space<vmem>>, vector<1x1x16xf32>,
      %add3A_407 = arith.constant 32 : i32
      %add3A_408 = arith.addi %add3A_407, %scan3A_346 : i32
      %get3A_409 = arith.index_cast %add3A_408 : i32 to index
      %get3A_410 = arith.constant 16 : index
      %get3A_411 = tpu.vector_load %arg5[%get3A_409, %get3A_410] {strides = array<i32>} : memref<256x128xf32, #tpu.memory_space<vmem>>, vector<1x16xf32>,
      %get3A_412 = vector.shape_cast %get3A_411 : vector<1x16xf32> to vector<16xf32>
      %get3A_413 = arith.constant 0 : i32
      %get3A_414 = arith.index_cast %get3A_413 : i32 to index
      %get3A_415 = arith.index_cast %scan3A_346 : i32 to index
      %get3A_416 = arith.constant 16 : index
      %get3A_417 = tpu.vector_load %arg7[%get3A_414, %get3A_415, %get3A_416] {strides = array<i32>} : memref<4x32x128xf32, #tpu.memory_space<vmem>>, vector<1x1x16xf32>,
      %get3A_418 = vector.shape_cast %get3A_417 : vector<1x1x16xf32> to vector<16xf32>
      %add3A_419 = arith.addf %get3A_418, %get3A_412 : vector<16xf32>
      %swap3A_420 = arith.constant 0 : i32
      %swap3A_421 = arith.index_cast %swap3A_420 : i32 to index
      %swap3A_422 = arith.index_cast %scan3A_346 : i32 to index
      %swap3A_423 = arith.constant 16 : index
      %swap3A_424 = tpu.vector_load %arg7[%swap3A_421, %swap3A_422, %swap3A_423] {strides = array<i32>} : memref<4x32x128xf32, #tpu.memory_space<vmem>>, vector<1x1x16xf32>,
      %swap3A_425 = vector.shape_cast %swap3A_424 : vector<1x1x16xf32> to vector<16xf32>
      %swap3A_426 = vector.shape_cast %add3A_419 : vector<16xf32> to vector<1x1x16xf32>
      tpu.vector_store %arg7[%swap3A_421, %swap3A_422, %swap3A_423], %swap3A_426 {strides = array<i32>} : memref<4x32x128xf32, #tpu.memory_space<vmem>>, vector<1x1x16xf32>,
      %get3A_427 = arith.constant 1 : i32
      %get3A_428 = arith.index_cast %get3A_427 : i32 to index
      %get3A_429 = arith.index_cast %scan3A_346 : i32 to index
      %get3A_430 = arith.constant 16 : index
      %get3A_431 = tpu.vector_load %arg7[%get3A_428, %get3A_429, %get3A_430] {strides = array<i32>} : memref<4x32x128xf32, #tpu.memory_space<vmem>>, vector<1x1x16xf32>,
      %get3A_432 = vector.shape_cast %get3A_431 : vector<1x1x16xf32> to vector<16xf32>
      %add3A_433 = arith.addf %get3A_432, %get3A_412 : vector<16xf32>
      %swap3A_434 = arith.constant 1 : i32
      %swap3A_435 = arith.index_cast %swap3A_434 : i32 to index
      %swap3A_436 = arith.index_cast %scan3A_346 : i32 to index
      %swap3A_437 = arith.constant 16 : index
      %swap3A_438 = tpu.vector_load %arg7[%swap3A_435, %swap3A_436, %swap3A_437] {strides = array<i32>} : memref<4x32x128xf32, #tpu.memory_space<vmem>>, vector<1x1x16xf32>,
      %swap3A_439 = vector.shape_cast %swap3A_438 : vector<1x1x16xf32> to vector<16xf32>
      %swap3A_440 = vector.shape_cast %add3A_433 : vector<16xf32> to vector<1x1x16xf32>
      tpu.vector_store %arg7[%swap3A_435, %swap3A_436, %swap3A_437], %swap3A_440 {strides = array<i32>} : memref<4x32x128xf32, #tpu.memory_space<vmem>>, vector<1x1x16xf32>,
      %get3A_441 = arith.constant 2 : i32
      %get3A_442 = arith.index_cast %get3A_441 : i32 to index
      %get3A_443 = arith.index_cast %scan3A_346 : i32 to index
      %get3A_444 = arith.constant 16 : index
      %get3A_445 = tpu.vector_load %arg7[%get3A_442, %get3A_443, %get3A_444] {strides = array<i32>} : memref<4x32x128xf32, #tpu.memory_space<vmem>>, vector<1x1x16xf32>,
      %get3A_446 = vector.shape_cast %get3A_445 : vector<1x1x16xf32> to vector<16xf32>
      %add3A_447 = arith.addf %get3A_446, %get3A_412 : vector<16xf32>
      %swap3A_448 = arith.constant 2 : i32
      %swap3A_449 = arith.index_cast %swap3A_448 : i32 to index
      %swap3A_450 = arith.index_cast %scan3A_346 : i32 to index
      %swap3A_451 = arith.constant 16 : index
      %swap3A_452 = tpu.vector_load %arg7[%swap3A_449, %swap3A_450, %swap3A_451] {strides = array<i32>} : memref<4x32x128xf32, #tpu.memory_space<vmem>>, vector<1x1x16xf32>,
      %swap3A_453 = vector.shape_cast %swap3A_452 : vector<1x1x16xf32> to vector<16xf32>
      %swap3A_454 = vector.shape_cast %add3A_447 : vector<16xf32> to vector<1x1x16xf32>
      tpu.vector_store %arg7[%swap3A_449, %swap3A_450, %swap3A_451], %swap3A_454 {strides = array<i32>} : memref<4x32x128xf32, #tpu.memory_space<vmem>>, vector<1x1x16xf32>,
      %get3A_455 = arith.constant 3 : i32
      %get3A_456 = arith.index_cast %get3A_455 : i32 to index
      %get3A_457 = arith.index_cast %scan3A_346 : i32 to index
      %get3A_458 = arith.constant 16 : index
      %get3A_459 = tpu.vector_load %arg7[%get3A_456, %get3A_457, %get3A_458] {strides = array<i32>} : memref<4x32x128xf32, #tpu.memory_space<vmem>>, vector<1x1x16xf32>,
      %get3A_460 = vector.shape_cast %get3A_459 : vector<1x1x16xf32> to vector<16xf32>
      %add3A_461 = arith.addf %get3A_460, %get3A_412 : vector<16xf32>
      %swap3A_462 = arith.constant 3 : i32
      %swap3A_463 = arith.index_cast %swap3A_462 : i32 to index
      %swap3A_464 = arith.index_cast %scan3A_346 : i32 to index
      %swap3A_465 = arith.constant 16 : index
      %swap3A_466 = tpu.vector_load %arg7[%swap3A_463, %swap3A_464, %swap3A_465] {strides = array<i32>} : memref<4x32x128xf32, #tpu.memory_space<vmem>>, vector<1x1x16xf32>,
      %swap3A_467 = vector.shape_cast %swap3A_466 : vector<1x1x16xf32> to vector<16xf32>
      %swap3A_468 = vector.shape_cast %add3A_461 : vector<16xf32> to vector<1x1x16xf32>
      tpu.vector_store %arg7[%swap3A_463, %swap3A_464, %swap3A_465], %swap3A_468 {strides = array<i32>} : memref<4x32x128xf32, #tpu.memory_space<vmem>>, vector<1x1x16xf32>,
      %add3A_469 = arith.constant 32 : i32
      %add3A_470 = arith.addi %add3A_469, %scan3A_346 : i32
      %get3A_471 = arith.index_cast %add3A_470 : i32 to index
      %get3A_472 = arith.constant 32 : index
      %get3A_473 = tpu.vector_load %arg5[%get3A_471, %get3A_472] {strides = array<i32>} : memref<256x128xf32, #tpu.memory_space<vmem>>, vector<1x16xf32>,
      %get3A_474 = vector.shape_cast %get3A_473 : vector<1x16xf32> to vector<16xf32>
      %get3A_475 = arith.constant 0 : i32
      %get3A_476 = arith.index_cast %get3A_475 : i32 to index
      %get3A_477 = arith.index_cast %scan3A_346 : i32 to index
      %get3A_478 = arith.constant 32 : index
      %get3A_479 = tpu.vector_load %arg7[%get3A_476, %get3A_477, %get3A_478] {strides = array<i32>} : memref<4x32x128xf32, #tpu.memory_space<vmem>>, vector<1x1x16xf32>,
      %get3A_480 = vector.shape_cast %get3A_479 : vector<1x1x16xf32> to vector<16xf32>
      %add3A_481 = arith.addf %get3A_480, %get3A_474 : vector<16xf32>
      %swap3A_482 = arith.constant 0 : i32
      %swap3A_483 = arith.index_cast %swap3A_482 : i32 to index
      %swap3A_484 = arith.index_cast %scan3A_346 : i32 to index
      %swap3A_485 = arith.constant 32 : index
      %swap3A_486 = tpu.vector_load %arg7[%swap3A_483, %swap3A_484, %swap3A_485] {strides = array<i32>} : memref<4x32x128xf32, #tpu.memory_space<vmem>>, vector<1x1x16xf32>,
      %swap3A_487 = vector.shape_cast %swap3A_486 : vector<1x1x16xf32> to vector<16xf32>
      %swap3A_488 = vector.shape_cast %add3A_481 : vector<16xf32> to vector<1x1x16xf32>
      tpu.vector_store %arg7[%swap3A_483, %swap3A_484, %swap3A_485], %swap3A_488 {strides = array<i32>} : memref<4x32x128xf32, #tpu.memory_space<vmem>>, vector<1x1x16xf32>,
      %get3A_489 = arith.constant 1 : i32
      %get3A_490 = arith.index_cast %get3A_489 : i32 to index
      %get3A_491 = arith.index_cast %scan3A_346 : i32 to index
      %get3A_492 = arith.constant 32 : index
      %get3A_493 = tpu.vector_load %arg7[%get3A_490, %get3A_491, %get3A_492] {strides = array<i32>} : memref<4x32x128xf32, #tpu.memory_space<vmem>>, vector<1x1x16xf32>,
      %get3A_494 = vector.shape_cast %get3A_493 : vector<1x1x16xf32> to vector<16xf32>
      %add3A_495 = arith.addf %get3A_494, %get3A_474 : vector<16xf32>
      %swap3A_496 = arith.constant 1 : i32
      %swap3A_497 = arith.index_cast %swap3A_496 : i32 to index
      %swap3A_498 = arith.index_cast %scan3A_346 : i32 to index
      %swap3A_499 = arith.constant 32 : index
      %swap3A_500 = tpu.vector_load %arg7[%swap3A_497, %swap3A_498, %swap3A_499] {strides = array<i32>} : memref<4x32x128xf32, #tpu.memory_space<vmem>>, vector<1x1x16xf32>,
      %swap3A_501 = vector.shape_cast %swap3A_500 : vector<1x1x16xf32> to vector<16xf32>
      %swap3A_502 = vector.shape_cast %add3A_495 : vector<16xf32> to vector<1x1x16xf32>
      tpu.vector_store %arg7[%swap3A_497, %swap3A_498, %swap3A_499], %swap3A_502 {strides = array<i32>} : memref<4x32x128xf32, #tpu.memory_space<vmem>>, vector<1x1x16xf32>,
      %get3A_503 = arith.constant 2 : i32
      %get3A_504 = arith.index_cast %get3A_503 : i32 to index
      %get3A_505 = arith.index_cast %scan3A_346 : i32 to index
      %get3A_506 = arith.constant 32 : index
      %get3A_507 = tpu.vector_load %arg7[%get3A_504, %get3A_505, %get3A_506] {strides = array<i32>} : memref<4x32x128xf32, #tpu.memory_space<vmem>>, vector<1x1x16xf32>,
      %get3A_508 = vector.shape_cast %get3A_507 : vector<1x1x16xf32> to vector<16xf32>
      %add3A_509 = arith.addf %get3A_508, %get3A_474 : vector<16xf32>
      %swap3A_510 = arith.constant 2 : i32
      %swap3A_511 = arith.index_cast %swap3A_510 : i32 to index
      %swap3A_512 = arith.index_cast %scan3A_346 : i32 to index
      %swap3A_513 = arith.constant 32 : index
      %swap3A_514 = tpu.vector_load %arg7[%swap3A_511, %swap3A_512, %swap3A_513] {strides = array<i32>} : memref<4x32x128xf32, #tpu.memory_space<vmem>>, vector<1x1x16xf32>,
      %swap3A_515 = vector.shape_cast %swap3A_514 : vector<1x1x16xf32> to vector<16xf32>
      %swap3A_516 = vector.shape_cast %add3A_509 : vector<16xf32> to vector<1x1x16xf32>
      tpu.vector_store %arg7[%swap3A_511, %swap3A_512, %swap3A_513], %swap3A_516 {strides = array<i32>} : memref<4x32x128xf32, #tpu.memory_space<vmem>>, vector<1x1x16xf32>,
      %get3A_517 = arith.constant 3 : i32
      %get3A_518 = arith.index_cast %get3A_517 : i32 to index
      %get3A_519 = arith.index_cast %scan3A_346 : i32 to index
      %get3A_520 = arith.constant 32 : index
      %get3A_521 = tpu.vector_load %arg7[%get3A_518, %get3A_519, %get3A_520] {strides = array<i32>} : memref<4x32x128xf32, #tpu.memory_space<vmem>>, vector<1x1x16xf32>,
      %get3A_522 = vector.shape_cast %get3A_521 : vector<1x1x16xf32> to vector<16xf32>
      %add3A_523 = arith.addf %get3A_522, %get3A_474 : vector<16xf32>
      %swap3A_524 = arith.constant 3 : i32
      %swap3A_525 = arith.index_cast %swap3A_524 : i32 to index
      %swap3A_526 = arith.index_cast %scan3A_346 : i32 to index
      %swap3A_527 = arith.constant 32 : index
      %swap3A_528 = tpu.vector_load %arg7[%swap3A_525, %swap3A_526, %swap3A_527] {strides = array<i32>} : memref<4x32x128xf32, #tpu.memory_space<vmem>>, vector<1x1x16xf32>,
      %swap3A_529 = vector.shape_cast %swap3A_528 : vector<1x1x16xf32> to vector<16xf32>
      %swap3A_530 = vector.shape_cast %add3A_523 : vector<16xf32> to vector<1x1x16xf32>
      tpu.vector_store %arg7[%swap3A_525, %swap3A_526, %swap3A_527], %swap3A_530 {strides = array<i32>} : memref<4x32x128xf32, #tpu.memory_space<vmem>>, vector<1x1x16xf32>,
      %add3A_531 = arith.constant 32 : i32
      %add3A_532 = arith.addi %add3A_531, %scan3A_346 : i32
      %get3A_533 = arith.index_cast %add3A_532 : i32 to index
      %get3A_534 = arith.constant 48 : index
      %get3A_535 = tpu.vector_load %arg5[%get3A_533, %get3A_534] {strides = array<i32>} : memref<256x128xf32, #tpu.memory_space<vmem>>, vector<1x16xf32>,
      %get3A_536 = vector.shape_cast %get3A_535 : vector<1x16xf32> to vector<16xf32>
      %get3A_537 = arith.constant 0 : i32
      %get3A_538 = arith.index_cast %get3A_537 : i32 to index
      %get3A_539 = arith.index_cast %scan3A_346 : i32 to index
      %get3A_540 = arith.constant 48 : index
      %get3A_541 = tpu.vector_load %arg7[%get3A_538, %get3A_539, %get3A_540] {strides = array<i32>} : memref<4x32x128xf32, #tpu.memory_space<vmem>>, vector<1x1x16xf32>,
      %get3A_542 = vector.shape_cast %get3A_541 : vector<1x1x16xf32> to vector<16xf32>
      %add3A_543 = arith.addf %get3A_542, %get3A_536 : vector<16xf32>
      %swap3A_544 = arith.constant 0 : i32
      %swap3A_545 = arith.index_cast %swap3A_544 : i32 to index
      %swap3A_546 = arith.index_cast %scan3A_346 : i32 to index
      %swap3A_547 = arith.constant 48 : index
      %swap3A_548 = tpu.vector_load %arg7[%swap3A_545, %swap3A_546, %swap3A_547] {strides = array<i32>} : memref<4x32x128xf32, #tpu.memory_space<vmem>>, vector<1x1x16xf32>,
      %swap3A_549 = vector.shape_cast %swap3A_548 : vector<1x1x16xf32> to vector<16xf32>
      %swap3A_550 = vector.shape_cast %add3A_543 : vector<16xf32> to vector<1x1x16xf32>
      tpu.vector_store %arg7[%swap3A_545, %swap3A_546, %swap3A_547], %swap3A_550 {strides = array<i32>} : memref<4x32x128xf32, #tpu.memory_space<vmem>>, vector<1x1x16xf32>,
      %get3A_551 = arith.constant 1 : i32
      %get3A_552 = arith.index_cast %get3A_551 : i32 to index
      %get3A_553 = arith.index_cast %scan3A_346 : i32 to index
      %get3A_554 = arith.constant 48 : index
      %get3A_555 = tpu.vector_load %arg7[%get3A_552, %get3A_553, %get3A_554] {strides = array<i32>} : memref<4x32x128xf32, #tpu.memory_space<vmem>>, vector<1x1x16xf32>,
      %get3A_556 = vector.shape_cast %get3A_555 : vector<1x1x16xf32> to vector<16xf32>
      %add3A_557 = arith.addf %get3A_556, %get3A_536 : vector<16xf32>
      %swap3A_558 = arith.constant 1 : i32
      %swap3A_559 = arith.index_cast %swap3A_558 : i32 to index
      %swap3A_560 = arith.index_cast %scan3A_346 : i32 to index
      %swap3A_561 = arith.constant 48 : index
      %swap3A_562 = tpu.vector_load %arg7[%swap3A_559, %swap3A_560, %swap3A_561] {strides = array<i32>} : memref<4x32x128xf32, #tpu.memory_space<vmem>>, vector<1x1x16xf32>,
      %swap3A_563 = vector.shape_cast %swap3A_562 : vector<1x1x16xf32> to vector<16xf32>
      %swap3A_564 = vector.shape_cast %add3A_557 : vector<16xf32> to vector<1x1x16xf32>
      tpu.vector_store %arg7[%swap3A_559, %swap3A_560, %swap3A_561], %swap3A_564 {strides = array<i32>} : memref<4x32x128xf32, #tpu.memory_space<vmem>>, vector<1x1x16xf32>,
      %get3A_565 = arith.constant 2 : i32
      %get3A_566 = arith.index_cast %get3A_565 : i32 to index
      %get3A_567 = arith.index_cast %scan3A_346 : i32 to index
      %get3A_568 = arith.constant 48 : index
      %get3A_569 = tpu.vector_load %arg7[%get3A_566, %get3A_567, %get3A_568] {strides = array<i32>} : memref<4x32x128xf32, #tpu.memory_space<vmem>>, vector<1x1x16xf32>,
      %get3A_570 = vector.shape_cast %get3A_569 : vector<1x1x16xf32> to vector<16xf32>
      %add3A_571 = arith.addf %get3A_570, %get3A_536 : vector<16xf32>
      %swap3A_572 = arith.constant 2 : i32
      %swap3A_573 = arith.index_cast %swap3A_572 : i32 to index
      %swap3A_574 = arith.index_cast %scan3A_346 : i32 to index
      %swap3A_575 = arith.constant 48 : index
      %swap3A_576 = tpu.vector_load %arg7[%swap3A_573, %swap3A_574, %swap3A_575] {strides = array<i32>} : memref<4x32x128xf32, #tpu.memory_space<vmem>>, vector<1x1x16xf32>,
      %swap3A_577 = vector.shape_cast %swap3A_576 : vector<1x1x16xf32> to vector<16xf32>
      %swap3A_578 = vector.shape_cast %add3A_571 : vector<16xf32> to vector<1x1x16xf32>
      tpu.vector_store %arg7[%swap3A_573, %swap3A_574, %swap3A_575], %swap3A_578 {strides = array<i32>} : memref<4x32x128xf32, #tpu.memory_space<vmem>>, vector<1x1x16xf32>,
      %get3A_579 = arith.constant 3 : i32
      %get3A_580 = arith.index_cast %get3A_579 : i32 to index
      %get3A_581 = arith.index_cast %scan3A_346 : i32 to index
      %get3A_582 = arith.constant 48 : index
      %get3A_583 = tpu.vector_load %arg7[%get3A_580, %get3A_581, %get3A_582] {strides = array<i32>} : memref<4x32x128xf32, #tpu.memory_space<vmem>>, vector<1x1x16xf32>,
      %get3A_584 = vector.shape_cast %get3A_583 : vector<1x1x16xf32> to vector<16xf32>
      %add3A_585 = arith.addf %get3A_584, %get3A_536 : vector<16xf32>
      %swap3A_586 = arith.constant 3 : i32
      %swap3A_587 = arith.index_cast %swap3A_586 : i32 to index
      %swap3A_588 = arith.index_cast %scan3A_346 : i32 to index
      %swap3A_589 = arith.constant 48 : index
      %swap3A_590 = tpu.vector_load %arg7[%swap3A_587, %swap3A_588, %swap3A_589] {strides = array<i32>} : memref<4x32x128xf32, #tpu.memory_space<vmem>>, vector<1x1x16xf32>,
      %swap3A_591 = vector.shape_cast %swap3A_590 : vector<1x1x16xf32> to vector<16xf32>
      %swap3A_592 = vector.shape_cast %add3A_585 : vector<16xf32> to vector<1x1x16xf32>
      tpu.vector_store %arg7[%swap3A_587, %swap3A_588, %swap3A_589], %swap3A_592 {strides = array<i32>} : memref<4x32x128xf32, #tpu.memory_space<vmem>>, vector<1x1x16xf32>,
      %add3A_593 = arith.constant 32 : i32
      %add3A_594 = arith.addi %add3A_593, %scan3A_346 : i32
      %get3A_595 = arith.index_cast %add3A_594 : i32 to index
      %get3A_596 = arith.constant 64 : index
      %get3A_597 = tpu.vector_load %arg5[%get3A_595, %get3A_596] {strides = array<i32>} : memref<256x128xf32, #tpu.memory_space<vmem>>, vector<1x16xf32>,
      %get3A_598 = vector.shape_cast %get3A_597 : vector<1x16xf32> to vector<16xf32>
      %get3A_599 = arith.constant 0 : i32
      %get3A_600 = arith.index_cast %get3A_599 : i32 to index
      %get3A_601 = arith.index_cast %scan3A_346 : i32 to index
      %get3A_602 = arith.constant 64 : index
      %get3A_603 = tpu.vector_load %arg7[%get3A_600, %get3A_601, %get3A_602] {strides = array<i32>} : memref<4x32x128xf32, #tpu.memory_space<vmem>>, vector<1x1x16xf32>,
      %get3A_604 = vector.shape_cast %get3A_603 : vector<1x1x16xf32> to vector<16xf32>
      %add3A_605 = arith.addf %get3A_604, %get3A_598 : vector<16xf32>
      %swap3A_606 = arith.constant 0 : i32
      %swap3A_607 = arith.index_cast %swap3A_606 : i32 to index
      %swap3A_608 = arith.index_cast %scan3A_346 : i32 to index
      %swap3A_609 = arith.constant 64 : index
      %swap3A_610 = tpu.vector_load %arg7[%swap3A_607, %swap3A_608, %swap3A_609] {strides = array<i32>} : memref<4x32x128xf32, #tpu.memory_space<vmem>>, vector<1x1x16xf32>,
      %swap3A_611 = vector.shape_cast %swap3A_610 : vector<1x1x16xf32> to vector<16xf32>
      %swap3A_612 = vector.shape_cast %add3A_605 : vector<16xf32> to vector<1x1x16xf32>
      tpu.vector_store %arg7[%swap3A_607, %swap3A_608, %swap3A_609], %swap3A_612 {strides = array<i32>} : memref<4x32x128xf32, #tpu.memory_space<vmem>>, vector<1x1x16xf32>,
      %get3A_613 = arith.constant 1 : i32
      %get3A_614 = arith.index_cast %get3A_613 : i32 to index
      %get3A_615 = arith.index_cast %scan3A_346 : i32 to index
      %get3A_616 = arith.constant 64 : index
      %get3A_617 = tpu.vector_load %arg7[%get3A_614, %get3A_615, %get3A_616] {strides = array<i32>} : memref<4x32x128xf32, #tpu.memory_space<vmem>>, vector<1x1x16xf32>,
      %get3A_618 = vector.shape_cast %get3A_617 : vector<1x1x16xf32> to vector<16xf32>
      %add3A_619 = arith.addf %get3A_618, %get3A_598 : vector<16xf32>
      %swap3A_620 = arith.constant 1 : i32
      %swap3A_621 = arith.index_cast %swap3A_620 : i32 to index
      %swap3A_622 = arith.index_cast %scan3A_346 : i32 to index
      %swap3A_623 = arith.constant 64 : index
      %swap3A_624 = tpu.vector_load %arg7[%swap3A_621, %swap3A_622, %swap3A_623] {strides = array<i32>} : memref<4x32x128xf32, #tpu.memory_space<vmem>>, vector<1x1x16xf32>,
      %swap3A_625 = vector.shape_cast %swap3A_624 : vector<1x1x16xf32> to vector<16xf32>
      %swap3A_626 = vector.shape_cast %add3A_619 : vector<16xf32> to vector<1x1x16xf32>
      tpu.vector_store %arg7[%swap3A_621, %swap3A_622, %swap3A_623], %swap3A_626 {strides = array<i32>} : memref<4x32x128xf32, #tpu.memory_space<vmem>>, vector<1x1x16xf32>,
      %get3A_627 = arith.constant 2 : i32
      %get3A_628 = arith.index_cast %get3A_627 : i32 to index
      %get3A_629 = arith.index_cast %scan3A_346 : i32 to index
      %get3A_630 = arith.constant 64 : index
      %get3A_631 = tpu.vector_load %arg7[%get3A_628, %get3A_629, %get3A_630] {strides = array<i32>} : memref<4x32x128xf32, #tpu.memory_space<vmem>>, vector<1x1x16xf32>,
      %get3A_632 = vector.shape_cast %get3A_631 : vector<1x1x16xf32> to vector<16xf32>
      %add3A_633 = arith.addf %get3A_632, %get3A_598 : vector<16xf32>
      %swap3A_634 = arith.constant 2 : i32
      %swap3A_635 = arith.index_cast %swap3A_634 : i32 to index
      %swap3A_636 = arith.index_cast %scan3A_346 : i32 to index
      %swap3A_637 = arith.constant 64 : index
      %swap3A_638 = tpu.vector_load %arg7[%swap3A_635, %swap3A_636, %swap3A_637] {strides = array<i32>} : memref<4x32x128xf32, #tpu.memory_space<vmem>>, vector<1x1x16xf32>,
      %swap3A_639 = vector.shape_cast %swap3A_638 : vector<1x1x16xf32> to vector<16xf32>
      %swap3A_640 = vector.shape_cast %add3A_633 : vector<16xf32> to vector<1x1x16xf32>
      tpu.vector_store %arg7[%swap3A_635, %swap3A_636, %swap3A_637], %swap3A_640 {strides = array<i32>} : memref<4x32x128xf32, #tpu.memory_space<vmem>>, vector<1x1x16xf32>,
      %get3A_641 = arith.constant 3 : i32
      %get3A_642 = arith.index_cast %get3A_641 : i32 to index
      %get3A_643 = arith.index_cast %scan3A_346 : i32 to index
      %get3A_644 = arith.constant 64 : index
      %get3A_645 = tpu.vector_load %arg7[%get3A_642, %get3A_643, %get3A_644] {strides = array<i32>} : memref<4x32x128xf32, #tpu.memory_space<vmem>>, vector<1x1x16xf32>,
      %get3A_646 = vector.shape_cast %get3A_645 : vector<1x1x16xf32> to vector<16xf32>
      %add3A_647 = arith.addf %get3A_646, %get3A_598 : vector<16xf32>
      %swap3A_648 = arith.constant 3 : i32
      %swap3A_649 = arith.index_cast %swap3A_648 : i32 to index
      %swap3A_650 = arith.index_cast %scan3A_346 : i32 to index
      %swap3A_651 = arith.constant 64 : index
      %swap3A_652 = tpu.vector_load %arg7[%swap3A_649, %swap3A_650, %swap3A_651] {strides = array<i32>} : memref<4x32x128xf32, #tpu.memory_space<vmem>>, vector<1x1x16xf32>,
      %swap3A_653 = vector.shape_cast %swap3A_652 : vector<1x1x16xf32> to vector<16xf32>
      %swap3A_654 = vector.shape_cast %add3A_647 : vector<16xf32> to vector<1x1x16xf32>
      tpu.vector_store %arg7[%swap3A_649, %swap3A_650, %swap3A_651], %swap3A_654 {strides = array<i32>} : memref<4x32x128xf32, #tpu.memory_space<vmem>>, vector<1x1x16xf32>,
      %add3A_655 = arith.constant 32 : i32
      %add3A_656 = arith.addi %add3A_655, %scan3A_346 : i32
      %get3A_657 = arith.index_cast %add3A_656 : i32 to index
      %get3A_658 = arith.constant 80 : index
      %get3A_659 = tpu.vector_load %arg5[%get3A_657, %get3A_658] {strides = array<i32>} : memref<256x128xf32, #tpu.memory_space<vmem>>, vector<1x16xf32>,
      %get3A_660 = vector.shape_cast %get3A_659 : vector<1x16xf32> to vector<16xf32>
      %get3A_661 = arith.constant 0 : i32
      %get3A_662 = arith.index_cast %get3A_661 : i32 to index
      %get3A_663 = arith.index_cast %scan3A_346 : i32 to index
      %get3A_664 = arith.constant 80 : index
      %get3A_665 = tpu.vector_load %arg7[%get3A_662, %get3A_663, %get3A_664] {strides = array<i32>} : memref<4x32x128xf32, #tpu.memory_space<vmem>>, vector<1x1x16xf32>,
      %get3A_666 = vector.shape_cast %get3A_665 : vector<1x1x16xf32> to vector<16xf32>
      %add3A_667 = arith.addf %get3A_666, %get3A_660 : vector<16xf32>
      %swap3A_668 = arith.constant 0 : i32
      %swap3A_669 = arith.index_cast %swap3A_668 : i32 to index
      %swap3A_670 = arith.index_cast %scan3A_346 : i32 to index
      %swap3A_671 = arith.constant 80 : index
      %swap3A_672 = tpu.vector_load %arg7[%swap3A_669, %swap3A_670, %swap3A_671] {strides = array<i32>} : memref<4x32x128xf32, #tpu.memory_space<vmem>>, vector<1x1x16xf32>,
      %swap3A_673 = vector.shape_cast %swap3A_672 : vector<1x1x16xf32> to vector<16xf32>
      %swap3A_674 = vector.shape_cast %add3A_667 : vector<16xf32> to vector<1x1x16xf32>
      tpu.vector_store %arg7[%swap3A_669, %swap3A_670, %swap3A_671], %swap3A_674 {strides = array<i32>} : memref<4x32x128xf32, #tpu.memory_space<vmem>>, vector<1x1x16xf32>,
      %get3A_675 = arith.constant 1 : i32
      %get3A_676 = arith.index_cast %get3A_675 : i32 to index
      %get3A_677 = arith.index_cast %scan3A_346 : i32 to index
      %get3A_678 = arith.constant 80 : index
      %get3A_679 = tpu.vector_load %arg7[%get3A_676, %get3A_677, %get3A_678] {strides = array<i32>} : memref<4x32x128xf32, #tpu.memory_space<vmem>>, vector<1x1x16xf32>,
      %get3A_680 = vector.shape_cast %get3A_679 : vector<1x1x16xf32> to vector<16xf32>
      %add3A_681 = arith.addf %get3A_680, %get3A_660 : vector<16xf32>
      %swap3A_682 = arith.constant 1 : i32
      %swap3A_683 = arith.index_cast %swap3A_682 : i32 to index
      %swap3A_684 = arith.index_cast %scan3A_346 : i32 to index
      %swap3A_685 = arith.constant 80 : index
      %swap3A_686 = tpu.vector_load %arg7[%swap3A_683, %swap3A_684, %swap3A_685] {strides = array<i32>} : memref<4x32x128xf32, #tpu.memory_space<vmem>>, vector<1x1x16xf32>,
      %swap3A_687 = vector.shape_cast %swap3A_686 : vector<1x1x16xf32> to vector<16xf32>
      %swap3A_688 = vector.shape_cast %add3A_681 : vector<16xf32> to vector<1x1x16xf32>
      tpu.vector_store %arg7[%swap3A_683, %swap3A_684, %swap3A_685], %swap3A_688 {strides = array<i32>} : memref<4x32x128xf32, #tpu.memory_space<vmem>>, vector<1x1x16xf32>,
      %get3A_689 = arith.constant 2 : i32
      %get3A_690 = arith.index_cast %get3A_689 : i32 to index
      %get3A_691 = arith.index_cast %scan3A_346 : i32 to index
      %get3A_692 = arith.constant 80 : index
      %get3A_693 = tpu.vector_load %arg7[%get3A_690, %get3A_691, %get3A_692] {strides = array<i32>} : memref<4x32x128xf32, #tpu.memory_space<vmem>>, vector<1x1x16xf32>,
      %get3A_694 = vector.shape_cast %get3A_693 : vector<1x1x16xf32> to vector<16xf32>
      %add3A_695 = arith.addf %get3A_694, %get3A_660 : vector<16xf32>
      %swap3A_696 = arith.constant 2 : i32
      %swap3A_697 = arith.index_cast %swap3A_696 : i32 to index
      %swap3A_698 = arith.index_cast %scan3A_346 : i32 to index
      %swap3A_699 = arith.constant 80 : index
      %swap3A_700 = tpu.vector_load %arg7[%swap3A_697, %swap3A_698, %swap3A_699] {strides = array<i32>} : memref<4x32x128xf32, #tpu.memory_space<vmem>>, vector<1x1x16xf32>,
      %swap3A_701 = vector.shape_cast %swap3A_700 : vector<1x1x16xf32> to vector<16xf32>
      %swap3A_702 = vector.shape_cast %add3A_695 : vector<16xf32> to vector<1x1x16xf32>
      tpu.vector_store %arg7[%swap3A_697, %swap3A_698, %swap3A_699], %swap3A_702 {strides = array<i32>} : memref<4x32x128xf32, #tpu.memory_space<vmem>>, vector<1x1x16xf32>,
      %get3A_703 = arith.constant 3 : i32
      %get3A_704 = arith.index_cast %get3A_703 : i32 to index
      %get3A_705 = arith.index_cast %scan3A_346 : i32 to index
      %get3A_706 = arith.constant 80 : index
      %get3A_707 = tpu.vector_load %arg7[%get3A_704, %get3A_705, %get3A_706] {strides = array<i32>} : memref<4x32x128xf32, #tpu.memory_space<vmem>>, vector<1x1x16xf32>,
      %get3A_708 = vector.shape_cast %get3A_707 : vector<1x1x16xf32> to vector<16xf32>
      %add3A_709 = arith.addf %get3A_708, %get3A_660 : vector<16xf32>
      %swap3A_710 = arith.constant 3 : i32
      %swap3A_711 = arith.index_cast %swap3A_710 : i32 to index
      %swap3A_712 = arith.index_cast %scan3A_346 : i32 to index
      %swap3A_713 = arith.constant 80 : index
      %swap3A_714 = tpu.vector_load %arg7[%swap3A_711, %swap3A_712, %swap3A_713] {strides = array<i32>} : memref<4x32x128xf32, #tpu.memory_space<vmem>>, vector<1x1x16xf32>,
      %swap3A_715 = vector.shape_cast %swap3A_714 : vector<1x1x16xf32> to vector<16xf32>
      %swap3A_716 = vector.shape_cast %add3A_709 : vector<16xf32> to vector<1x1x16xf32>
      tpu.vector_store %arg7[%swap3A_711, %swap3A_712, %swap3A_713], %swap3A_716 {strides = array<i32>} : memref<4x32x128xf32, #tpu.memory_space<vmem>>, vector<1x1x16xf32>,
      %add3A_717 = arith.constant 32 : i32
      %add3A_718 = arith.addi %add3A_717, %scan3A_346 : i32
      %get3A_719 = arith.index_cast %add3A_718 : i32 to index
      %get3A_720 = arith.constant 96 : index
      %get3A_721 = tpu.vector_load %arg5[%get3A_719, %get3A_720] {strides = array<i32>} : memref<256x128xf32, #tpu.memory_space<vmem>>, vector<1x16xf32>,
      %get3A_722 = vector.shape_cast %get3A_721 : vector<1x16xf32> to vector<16xf32>
      %get3A_723 = arith.constant 0 : i32
      %get3A_724 = arith.index_cast %get3A_723 : i32 to index
      %get3A_725 = arith.index_cast %scan3A_346 : i32 to index
      %get3A_726 = arith.constant 96 : index
      %get3A_727 = tpu.vector_load %arg7[%get3A_724, %get3A_725, %get3A_726] {strides = array<i32>} : memref<4x32x128xf32, #tpu.memory_space<vmem>>, vector<1x1x16xf32>,
      %get3A_728 = vector.shape_cast %get3A_727 : vector<1x1x16xf32> to vector<16xf32>
      %add3A_729 = arith.addf %get3A_728, %get3A_722 : vector<16xf32>
      %swap3A_730 = arith.constant 0 : i32
      %swap3A_731 = arith.index_cast %swap3A_730 : i32 to index
      %swap3A_732 = arith.index_cast %scan3A_346 : i32 to index
      %swap3A_733 = arith.constant 96 : index
      %swap3A_734 = tpu.vector_load %arg7[%swap3A_731, %swap3A_732, %swap3A_733] {strides = array<i32>} : memref<4x32x128xf32, #tpu.memory_space<vmem>>, vector<1x1x16xf32>,
      %swap3A_735 = vector.shape_cast %swap3A_734 : vector<1x1x16xf32> to vector<16xf32>
      %swap3A_736 = vector.shape_cast %add3A_729 : vector<16xf32> to vector<1x1x16xf32>
      tpu.vector_store %arg7[%swap3A_731, %swap3A_732, %swap3A_733], %swap3A_736 {strides = array<i32>} : memref<4x32x128xf32, #tpu.memory_space<vmem>>, vector<1x1x16xf32>,
      %get3A_737 = arith.constant 1 : i32
      %get3A_738 = arith.index_cast %get3A_737 : i32 to index
      %get3A_739 = arith.index_cast %scan3A_346 : i32 to index
      %get3A_740 = arith.constant 96 : index
      %get3A_741 = tpu.vector_load %arg7[%get3A_738, %get3A_739, %get3A_740] {strides = array<i32>} : memref<4x32x128xf32, #tpu.memory_space<vmem>>, vector<1x1x16xf32>,
      %get3A_742 = vector.shape_cast %get3A_741 : vector<1x1x16xf32> to vector<16xf32>
      %add3A_743 = arith.addf %get3A_742, %get3A_722 : vector<16xf32>
      %swap3A_744 = arith.constant 1 : i32
      %swap3A_745 = arith.index_cast %swap3A_744 : i32 to index
      %swap3A_746 = arith.index_cast %scan3A_346 : i32 to index
      %swap3A_747 = arith.constant 96 : index
      %swap3A_748 = tpu.vector_load %arg7[%swap3A_745, %swap3A_746, %swap3A_747] {strides = array<i32>} : memref<4x32x128xf32, #tpu.memory_space<vmem>>, vector<1x1x16xf32>,
      %swap3A_749 = vector.shape_cast %swap3A_748 : vector<1x1x16xf32> to vector<16xf32>
      %swap3A_750 = vector.shape_cast %add3A_743 : vector<16xf32> to vector<1x1x16xf32>
      tpu.vector_store %arg7[%swap3A_745, %swap3A_746, %swap3A_747], %swap3A_750 {strides = array<i32>} : memref<4x32x128xf32, #tpu.memory_space<vmem>>, vector<1x1x16xf32>,
      %get3A_751 = arith.constant 2 : i32
      %get3A_752 = arith.index_cast %get3A_751 : i32 to index
      %get3A_753 = arith.index_cast %scan3A_346 : i32 to index
      %get3A_754 = arith.constant 96 : index
      %get3A_755 = tpu.vector_load %arg7[%get3A_752, %get3A_753, %get3A_754] {strides = array<i32>} : memref<4x32x128xf32, #tpu.memory_space<vmem>>, vector<1x1x16xf32>,
      %get3A_756 = vector.shape_cast %get3A_755 : vector<1x1x16xf32> to vector<16xf32>
      %add3A_757 = arith.addf %get3A_756, %get3A_722 : vector<16xf32>
      %swap3A_758 = arith.constant 2 : i32
      %swap3A_759 = arith.index_cast %swap3A_758 : i32 to index
      %swap3A_760 = arith.index_cast %scan3A_346 : i32 to index
      %swap3A_761 = arith.constant 96 : index
      %swap3A_762 = tpu.vector_load %arg7[%swap3A_759, %swap3A_760, %swap3A_761] {strides = array<i32>} : memref<4x32x128xf32, #tpu.memory_space<vmem>>, vector<1x1x16xf32>,
      %swap3A_763 = vector.shape_cast %swap3A_762 : vector<1x1x16xf32> to vector<16xf32>
      %swap3A_764 = vector.shape_cast %add3A_757 : vector<16xf32> to vector<1x1x16xf32>
      tpu.vector_store %arg7[%swap3A_759, %swap3A_760, %swap3A_761], %swap3A_764 {strides = array<i32>} : memref<4x32x128xf32, #tpu.memory_space<vmem>>, vector<1x1x16xf32>,
      %get3A_765 = arith.constant 3 : i32
      %get3A_766 = arith.index_cast %get3A_765 : i32 to index
      %get3A_767 = arith.index_cast %scan3A_346 : i32 to index
      %get3A_768 = arith.constant 96 : index
      %get3A_769 = tpu.vector_load %arg7[%get3A_766, %get3A_767, %get3A_768] {strides = array<i32>} : memref<4x32x128xf32, #tpu.memory_space<vmem>>, vector<1x1x16xf32>,
      %get3A_770 = vector.shape_cast %get3A_769 : vector<1x1x16xf32> to vector<16xf32>
      %add3A_771 = arith.addf %get3A_770, %get3A_722 : vector<16xf32>
      %swap3A_772 = arith.constant 3 : i32
      %swap3A_773 = arith.index_cast %swap3A_772 : i32 to index
      %swap3A_774 = arith.index_cast %scan3A_346 : i32 to index
      %swap3A_775 = arith.constant 96 : index
      %swap3A_776 = tpu.vector_load %arg7[%swap3A_773, %swap3A_774, %swap3A_775] {strides = array<i32>} : memref<4x32x128xf32, #tpu.memory_space<vmem>>, vector<1x1x16xf32>,
      %swap3A_777 = vector.shape_cast %swap3A_776 : vector<1x1x16xf32> to vector<16xf32>
      %swap3A_778 = vector.shape_cast %add3A_771 : vector<16xf32> to vector<1x1x16xf32>
      tpu.vector_store %arg7[%swap3A_773, %swap3A_774, %swap3A_775], %swap3A_778 {strides = array<i32>} : memref<4x32x128xf32, #tpu.memory_space<vmem>>, vector<1x1x16xf32>,
      %add3A_779 = arith.constant 32 : i32
      %add3A_780 = arith.addi %add3A_779, %scan3A_346 : i32
      %get3A_781 = arith.index_cast %add3A_780 : i32 to index
      %get3A_782 = arith.constant 112 : index
      %get3A_783 = tpu.vector_load %arg5[%get3A_781, %get3A_782] {strides = array<i32>} : memref<256x128xf32, #tpu.memory_space<vmem>>, vector<1x16xf32>,
      %get3A_784 = vector.shape_cast %get3A_783 : vector<1x16xf32> to vector<16xf32>
      %get3A_785 = arith.constant 0 : i32
      %get3A_786 = arith.index_cast %get3A_785 : i32 to index
      %get3A_787 = arith.index_cast %scan3A_346 : i32 to index
      %get3A_788 = arith.constant 112 : index
      %get3A_789 = tpu.vector_load %arg7[%get3A_786, %get3A_787, %get3A_788] {strides = array<i32>} : memref<4x32x128xf32, #tpu.memory_space<vmem>>, vector<1x1x16xf32>,
      %get3A_790 = vector.shape_cast %get3A_789 : vector<1x1x16xf32> to vector<16xf32>
      %add3A_791 = arith.addf %get3A_790, %get3A_784 : vector<16xf32>
      %swap3A_792 = arith.constant 0 : i32
      %swap3A_793 = arith.index_cast %swap3A_792 : i32 to index
      %swap3A_794 = arith.index_cast %scan3A_346 : i32 to index
      %swap3A_795 = arith.constant 112 : index
      %swap3A_796 = tpu.vector_load %arg7[%swap3A_793, %swap3A_794, %swap3A_795] {strides = array<i32>} : memref<4x32x128xf32, #tpu.memory_space<vmem>>, vector<1x1x16xf32>,
      %swap3A_797 = vector.shape_cast %swap3A_796 : vector<1x1x16xf32> to vector<16xf32>
      %swap3A_798 = vector.shape_cast %add3A_791 : vector<16xf32> to vector<1x1x16xf32>
      tpu.vector_store %arg7[%swap3A_793, %swap3A_794, %swap3A_795], %swap3A_798 {strides = array<i32>} : memref<4x32x128xf32, #tpu.memory_space<vmem>>, vector<1x1x16xf32>,
      %get3A_799 = arith.constant 1 : i32
      %get3A_800 = arith.index_cast %get3A_799 : i32 to index
      %get3A_801 = arith.index_cast %scan3A_346 : i32 to index
      %get3A_802 = arith.constant 112 : index
      %get3A_803 = tpu.vector_load %arg7[%get3A_800, %get3A_801, %get3A_802] {strides = array<i32>} : memref<4x32x128xf32, #tpu.memory_space<vmem>>, vector<1x1x16xf32>,
      %get3A_804 = vector.shape_cast %get3A_803 : vector<1x1x16xf32> to vector<16xf32>
      %add3A_805 = arith.addf %get3A_804, %get3A_784 : vector<16xf32>
      %swap3A_806 = arith.constant 1 : i32
      %swap3A_807 = arith.index_cast %swap3A_806 : i32 to index
      %swap3A_808 = arith.index_cast %scan3A_346 : i32 to index
      %swap3A_809 = arith.constant 112 : index
      %swap3A_810 = tpu.vector_load %arg7[%swap3A_807, %swap3A_808, %swap3A_809] {strides = array<i32>} : memref<4x32x128xf32, #tpu.memory_space<vmem>>, vector<1x1x16xf32>,
      %swap3A_811 = vector.shape_cast %swap3A_810 : vector<1x1x16xf32> to vector<16xf32>
      %swap3A_812 = vector.shape_cast %add3A_805 : vector<16xf32> to vector<1x1x16xf32>
      tpu.vector_store %arg7[%swap3A_807, %swap3A_808, %swap3A_809], %swap3A_812 {strides = array<i32>} : memref<4x32x128xf32, #tpu.memory_space<vmem>>, vector<1x1x16xf32>,
      %get3A_813 = arith.constant 2 : i32
      %get3A_814 = arith.index_cast %get3A_813 : i32 to index
      %get3A_815 = arith.index_cast %scan3A_346 : i32 to index
      %get3A_816 = arith.constant 112 : index
      %get3A_817 = tpu.vector_load %arg7[%get3A_814, %get3A_815, %get3A_816] {strides = array<i32>} : memref<4x32x128xf32, #tpu.memory_space<vmem>>, vector<1x1x16xf32>,
      %get3A_818 = vector.shape_cast %get3A_817 : vector<1x1x16xf32> to vector<16xf32>
      %add3A_819 = arith.addf %get3A_818, %get3A_784 : vector<16xf32>
      %swap3A_820 = arith.constant 2 : i32
      %swap3A_821 = arith.index_cast %swap3A_820 : i32 to index
      %swap3A_822 = arith.index_cast %scan3A_346 : i32 to index
      %swap3A_823 = arith.constant 112 : index
      %swap3A_824 = tpu.vector_load %arg7[%swap3A_821, %swap3A_822, %swap3A_823] {strides = array<i32>} : memref<4x32x128xf32, #tpu.memory_space<vmem>>, vector<1x1x16xf32>,
      %swap3A_825 = vector.shape_cast %swap3A_824 : vector<1x1x16xf32> to vector<16xf32>
      %swap3A_826 = vector.shape_cast %add3A_819 : vector<16xf32> to vector<1x1x16xf32>
      tpu.vector_store %arg7[%swap3A_821, %swap3A_822, %swap3A_823], %swap3A_826 {strides = array<i32>} : memref<4x32x128xf32, #tpu.memory_space<vmem>>, vector<1x1x16xf32>,
      %get3A_827 = arith.constant 3 : i32
      %get3A_828 = arith.index_cast %get3A_827 : i32 to index
      %get3A_829 = arith.index_cast %scan3A_346 : i32 to index
      %get3A_830 = arith.constant 112 : index
      %get3A_831 = tpu.vector_load %arg7[%get3A_828, %get3A_829, %get3A_830] {strides = array<i32>} : memref<4x32x128xf32, #tpu.memory_space<vmem>>, vector<1x1x16xf32>,
      %get3A_832 = vector.shape_cast %get3A_831 : vector<1x1x16xf32> to vector<16xf32>
      %add3A_833 = arith.addf %get3A_832, %get3A_784 : vector<16xf32>
      %swap3A_834 = arith.constant 3 : i32
      %swap3A_835 = arith.index_cast %swap3A_834 : i32 to index
      %swap3A_836 = arith.index_cast %scan3A_346 : i32 to index
      %swap3A_837 = arith.constant 112 : index
      %swap3A_838 = tpu.vector_load %arg7[%swap3A_835, %swap3A_836, %swap3A_837] {strides = array<i32>} : memref<4x32x128xf32, #tpu.memory_space<vmem>>, vector<1x1x16xf32>,
      %swap3A_839 = vector.shape_cast %swap3A_838 : vector<1x1x16xf32> to vector<16xf32>
      %swap3A_840 = vector.shape_cast %add3A_833 : vector<16xf32> to vector<1x1x16xf32>
      tpu.vector_store %arg7[%swap3A_835, %swap3A_836, %swap3A_837], %swap3A_840 {strides = array<i32>} : memref<4x32x128xf32, #tpu.memory_space<vmem>>, vector<1x1x16xf32>,
    }
    %scan3A_107 = arith.constant 32 : i32
    %add3A_108 = arith.constant 32 : i32
    %add3A_109 = arith.addi %mul3A_2, %add3A_108 : i32
    %dma_start3A_110 = arith.constant 0 : i32
    %dma_start3A_111 = arith.constant 0 : i32
    %dma_start3A_112 = tpu.memref_slice %arg4[%dma_start3A_110, %add3A_109, %dma_start3A_111] : memref<4x8192x128xf32, #tpu.memory_space<hbm>> -> memref<4x32x128xf32, #tpu.memory_space<hbm>>
    %dma_start3A_113 = arith.constant 0 : i32
    %dma_start3A_114 = arith.constant 0 : i32
    %dma_start3A_115 = tpu.memref_slice %arg4[%dma_start3A_113, %add3A_109, %dma_start3A_114] : memref<4x8192x128xf32, #tpu.memory_space<hbm>> -> memref<4x32x128xf32, #tpu.memory_space<hbm>>
    tpu.enqueue_dma source(%arg7 : memref<4x32x128xf32, #tpu.memory_space<vmem>>) target(%dma_start3A_115 : memref<4x32x128xf32, #tpu.memory_space<hbm>>) target_semaphore(%arg19 : memref<!tpu.dma_semaphore, #tpu.memory_space<semaphore_mem>>)
    %add3A_116 = arith.constant 0 : i32
    %add3A_117 = arith.addi %mul3A_2, %add3A_116 : i32
    %dma_wait3A_118 = arith.constant 0 : i32
    %dma_wait3A_119 = arith.constant 0 : i32
    %dma_wait3A_120 = tpu.memref_slice %arg4[%dma_wait3A_118, %add3A_117, %dma_wait3A_119] : memref<4x8192x128xf32, #tpu.memory_space<hbm>> -> memref<4x32x128xf32, #tpu.memory_space<hbm>>
    %dma_wait3A_121 = arith.constant 0 : i32
    %dma_wait3A_122 = arith.constant 0 : i32
    %dma_wait3A_123 = tpu.memref_slice %arg4[%dma_wait3A_121, %add3A_117, %dma_wait3A_122] : memref<4x8192x128xf32, #tpu.memory_space<hbm>> -> memref<4x32x128xf32, #tpu.memory_space<hbm>>
    tpu.wait_dma2 semaphore(%arg18 : memref<!tpu.dma_semaphore, #tpu.memory_space<semaphore_mem>>) src(%arg6 : memref<4x32x128xf32, #tpu.memory_space<vmem>>) dst(%dma_wait3A_123 : memref<4x32x128xf32, #tpu.memory_space<hbm>>)
    %add3A_124 = arith.constant 160 : i32
    %add3A_125 = arith.addi %mul3A_2, %add3A_124 : i32
    %dma_start3A_126 = arith.constant 0 : i32
    %dma_start3A_127 = arith.constant 0 : i32
    %dma_start3A_128 = tpu.memref_slice %arg2[%dma_start3A_126, %add3A_125, %dma_start3A_127] : memref<4x8192x128xf32, #tpu.memory_space<hbm>> -> memref<4x32x128xf32, #tpu.memory_space<hbm>>
    %dma_start3A_129 = arith.constant 0 : i32
    %dma_start3A_130 = arith.constant 0 : i32
    %dma_start3A_131 = tpu.memref_slice %arg2[%dma_start3A_129, %add3A_125, %dma_start3A_130] : memref<4x8192x128xf32, #tpu.memory_space<hbm>> -> memref<4x32x128xf32, #tpu.memory_space<hbm>>
    tpu.enqueue_dma source(%dma_start3A_131 : memref<4x32x128xf32, #tpu.memory_space<hbm>>) target(%arg6 : memref<4x32x128xf32, #tpu.memory_space<vmem>>) target_semaphore(%arg13 : memref<!tpu.dma_semaphore, #tpu.memory_space<semaphore_mem>>)
    %add3A_132 = arith.constant 64 : i32
    %add3A_133 = arith.addi %mul3A_2, %add3A_132 : i32
    %dma_wait3A_134 = arith.constant 0 : i32
    %dma_wait3A_135 = arith.constant 0 : i32
    %dma_wait3A_136 = tpu.memref_slice %arg2[%dma_wait3A_134, %add3A_133, %dma_wait3A_135] : memref<4x8192x128xf32, #tpu.memory_space<hbm>> -> memref<4x32x128xf32, #tpu.memory_space<hbm>>
    %dma_wait3A_137 = arith.constant 0 : i32
    %dma_wait3A_138 = arith.constant 0 : i32
    %dma_wait3A_139 = tpu.memref_slice %arg2[%dma_wait3A_137, %add3A_133, %dma_wait3A_138] : memref<4x8192x128xf32, #tpu.memory_space<hbm>> -> memref<4x32x128xf32, #tpu.memory_space<hbm>>
    tpu.wait_dma2 semaphore(%arg15 : memref<!tpu.dma_semaphore, #tpu.memory_space<semaphore_mem>>) src(%dma_wait3A_139 : memref<4x32x128xf32, #tpu.memory_space<hbm>>) dst(%arg8 : memref<4x32x128xf32, #tpu.memory_space<vmem>>)
    %scan3A_140 = arith.constant 0 : i32
    %scan3A_141 = arith.constant 0 : i32
    %scan3A_142 = arith.constant 32 : i32
    %scan3A_143 = arith.addi %scan3A_141, %scan3A_142 : i32
    %scan3A_144 = arith.constant 1 : i32
    scf.for %scan3A_346 = %scan3A_141 to %scan3A_143 step %scan3A_144  : i32 {
      %add3A_347 = arith.constant 64 : i32
      %add3A_348 = arith.addi %add3A_347, %scan3A_346 : i32
      %get3A = arith.index_cast %add3A_348 : i32 to index
      %get3A_349 = arith.constant 0 : index
      %get3A_350 = tpu.vector_load %arg5[%get3A, %get3A_349] {strides = array<i32>} : memref<256x128xf32, #tpu.memory_space<vmem>>, vector<1x16xf32>,
      %get3A_351 = vector.shape_cast %get3A_350 : vector<1x16xf32> to vector<16xf32>
      %get3A_352 = arith.constant 0 : i32
      %get3A_353 = arith.index_cast %get3A_352 : i32 to index
      %get3A_354 = arith.index_cast %scan3A_346 : i32 to index
      %get3A_355 = arith.constant 0 : index
      %get3A_356 = tpu.vector_load %arg8[%get3A_353, %get3A_354, %get3A_355] {strides = array<i32>} : memref<4x32x128xf32, #tpu.memory_space<vmem>>, vector<1x1x16xf32>,
      %get3A_357 = vector.shape_cast %get3A_356 : vector<1x1x16xf32> to vector<16xf32>
      %add3A_358 = arith.addf %get3A_357, %get3A_351 : vector<16xf32>
      %swap3A = arith.constant 0 : i32
      %swap3A_359 = arith.index_cast %swap3A : i32 to index
      %swap3A_360 = arith.index_cast %scan3A_346 : i32 to index
      %swap3A_361 = arith.constant 0 : index
      %swap3A_362 = tpu.vector_load %arg8[%swap3A_359, %swap3A_360, %swap3A_361] {strides = array<i32>} : memref<4x32x128xf32, #tpu.memory_space<vmem>>, vector<1x1x16xf32>,
      %swap3A_363 = vector.shape_cast %swap3A_362 : vector<1x1x16xf32> to vector<16xf32>
      %swap3A_364 = vector.shape_cast %add3A_358 : vector<16xf32> to vector<1x1x16xf32>
      tpu.vector_store %arg8[%swap3A_359, %swap3A_360, %swap3A_361], %swap3A_364 {strides = array<i32>} : memref<4x32x128xf32, #tpu.memory_space<vmem>>, vector<1x1x16xf32>,
      %get3A_365 = arith.constant 1 : i32
      %get3A_366 = arith.index_cast %get3A_365 : i32 to index
      %get3A_367 = arith.index_cast %scan3A_346 : i32 to index
      %get3A_368 = arith.constant 0 : index
      %get3A_369 = tpu.vector_load %arg8[%get3A_366, %get3A_367, %get3A_368] {strides = array<i32>} : memref<4x32x128xf32, #tpu.memory_space<vmem>>, vector<1x1x16xf32>,
      %get3A_370 = vector.shape_cast %get3A_369 : vector<1x1x16xf32> to vector<16xf32>
      %add3A_371 = arith.addf %get3A_370, %get3A_351 : vector<16xf32>
      %swap3A_372 = arith.constant 1 : i32
      %swap3A_373 = arith.index_cast %swap3A_372 : i32 to index
      %swap3A_374 = arith.index_cast %scan3A_346 : i32 to index
      %swap3A_375 = arith.constant 0 : index
      %swap3A_376 = tpu.vector_load %arg8[%swap3A_373, %swap3A_374, %swap3A_375] {strides = array<i32>} : memref<4x32x128xf32, #tpu.memory_space<vmem>>, vector<1x1x16xf32>,
      %swap3A_377 = vector.shape_cast %swap3A_376 : vector<1x1x16xf32> to vector<16xf32>
      %swap3A_378 = vector.shape_cast %add3A_371 : vector<16xf32> to vector<1x1x16xf32>
      tpu.vector_store %arg8[%swap3A_373, %swap3A_374, %swap3A_375], %swap3A_378 {strides = array<i32>} : memref<4x32x128xf32, #tpu.memory_space<vmem>>, vector<1x1x16xf32>,
      %get3A_379 = arith.constant 2 : i32
      %get3A_380 = arith.index_cast %get3A_379 : i32 to index
      %get3A_381 = arith.index_cast %scan3A_346 : i32 to index
      %get3A_382 = arith.constant 0 : index
      %get3A_383 = tpu.vector_load %arg8[%get3A_380, %get3A_381, %get3A_382] {strides = array<i32>} : memref<4x32x128xf32, #tpu.memory_space<vmem>>, vector<1x1x16xf32>,
      %get3A_384 = vector.shape_cast %get3A_383 : vector<1x1x16xf32> to vector<16xf32>
      %add3A_385 = arith.addf %get3A_384, %get3A_351 : vector<16xf32>
      %swap3A_386 = arith.constant 2 : i32
      %swap3A_387 = arith.index_cast %swap3A_386 : i32 to index
      %swap3A_388 = arith.index_cast %scan3A_346 : i32 to index
      %swap3A_389 = arith.constant 0 : index
      %swap3A_390 = tpu.vector_load %arg8[%swap3A_387, %swap3A_388, %swap3A_389] {strides = array<i32>} : memref<4x32x128xf32, #tpu.memory_space<vmem>>, vector<1x1x16xf32>,
      %swap3A_391 = vector.shape_cast %swap3A_390 : vector<1x1x16xf32> to vector<16xf32>
      %swap3A_392 = vector.shape_cast %add3A_385 : vector<16xf32> to vector<1x1x16xf32>
      tpu.vector_store %arg8[%swap3A_387, %swap3A_388, %swap3A_389], %swap3A_392 {strides = array<i32>} : memref<4x32x128xf32, #tpu.memory_space<vmem>>, vector<1x1x16xf32>,
      %get3A_393 = arith.constant 3 : i32
      %get3A_394 = arith.index_cast %get3A_393 : i32 to index
      %get3A_395 = arith.index_cast %scan3A_346 : i32 to index
      %get3A_396 = arith.constant 0 : index
      %get3A_397 = tpu.vector_load %arg8[%get3A_394, %get3A_395, %get3A_396] {strides = array<i32>} : memref<4x32x128xf32, #tpu.memory_space<vmem>>, vector<1x1x16xf32>,
      %get3A_398 = vector.shape_cast %get3A_397 : vector<1x1x16xf32> to vector<16xf32>
      %add3A_399 = arith.addf %get3A_398, %get3A_351 : vector<16xf32>
      %swap3A_400 = arith.constant 3 : i32
      %swap3A_401 = arith.index_cast %swap3A_400 : i32 to index
      %swap3A_402 = arith.index_cast %scan3A_346 : i32 to index
      %swap3A_403 = arith.constant 0 : index
      %swap3A_404 = tpu.vector_load %arg8[%swap3A_401, %swap3A_402, %swap3A_403] {strides = array<i32>} : memref<4x32x128xf32, #tpu.memory_space<vmem>>, vector<1x1x16xf32>,
      %swap3A_405 = vector.shape_cast %swap3A_404 : vector<1x1x16xf32> to vector<16xf32>
      %swap3A_406 = vector.shape_cast %add3A_399 : vector<16xf32> to vector<1x1x16xf32>
      tpu.vector_store %arg8[%swap3A_401, %swap3A_402, %swap3A_403], %swap3A_406 {strides = array<i32>} : memref<4x32x128xf32, #tpu.memory_space<vmem>>, vector<1x1x16xf32>,
      %add3A_407 = arith.constant 64 : i32
      %add3A_408 = arith.addi %add3A_407, %scan3A_346 : i32
      %get3A_409 = arith.index_cast %add3A_408 : i32 to index
      %get3A_410 = arith.constant 16 : index
      %get3A_411 = tpu.vector_load %arg5[%get3A_409, %get3A_410] {strides = array<i32>} : memref<256x128xf32, #tpu.memory_space<vmem>>, vector<1x16xf32>,
      %get3A_412 = vector.shape_cast %get3A_411 : vector<1x16xf32> to vector<16xf32>
      %get3A_413 = arith.constant 0 : i32
      %get3A_414 = arith.index_cast %get3A_413 : i32 to index
      %get3A_415 = arith.index_cast %scan3A_346 : i32 to index
      %get3A_416 = arith.constant 16 : index
      %get3A_417 = tpu.vector_load %arg8[%get3A_414, %get3A_415, %get3A_416] {strides = array<i32>} : memref<4x32x128xf32, #tpu.memory_space<vmem>>, vector<1x1x16xf32>,
      %get3A_418 = vector.shape_cast %get3A_417 : vector<1x1x16xf32> to vector<16xf32>
      %add3A_419 = arith.addf %get3A_418, %get3A_412 : vector<16xf32>
      %swap3A_420 = arith.constant 0 : i32
      %swap3A_421 = arith.index_cast %swap3A_420 : i32 to index
      %swap3A_422 = arith.index_cast %scan3A_346 : i32 to index
      %swap3A_423 = arith.constant 16 : index
      %swap3A_424 = tpu.vector_load %arg8[%swap3A_421, %swap3A_422, %swap3A_423] {strides = array<i32>} : memref<4x32x128xf32, #tpu.memory_space<vmem>>, vector<1x1x16xf32>,
      %swap3A_425 = vector.shape_cast %swap3A_424 : vector<1x1x16xf32> to vector<16xf32>
      %swap3A_426 = vector.shape_cast %add3A_419 : vector<16xf32> to vector<1x1x16xf32>
      tpu.vector_store %arg8[%swap3A_421, %swap3A_422, %swap3A_423], %swap3A_426 {strides = array<i32>} : memref<4x32x128xf32, #tpu.memory_space<vmem>>, vector<1x1x16xf32>,
      %get3A_427 = arith.constant 1 : i32
      %get3A_428 = arith.index_cast %get3A_427 : i32 to index
      %get3A_429 = arith.index_cast %scan3A_346 : i32 to index
      %get3A_430 = arith.constant 16 : index
      %get3A_431 = tpu.vector_load %arg8[%get3A_428, %get3A_429, %get3A_430] {strides = array<i32>} : memref<4x32x128xf32, #tpu.memory_space<vmem>>, vector<1x1x16xf32>,
      %get3A_432 = vector.shape_cast %get3A_431 : vector<1x1x16xf32> to vector<16xf32>
      %add3A_433 = arith.addf %get3A_432, %get3A_412 : vector<16xf32>
      %swap3A_434 = arith.constant 1 : i32
      %swap3A_435 = arith.index_cast %swap3A_434 : i32 to index
      %swap3A_436 = arith.index_cast %scan3A_346 : i32 to index
      %swap3A_437 = arith.constant 16 : index
      %swap3A_438 = tpu.vector_load %arg8[%swap3A_435, %swap3A_436, %swap3A_437] {strides = array<i32>} : memref<4x32x128xf32, #tpu.memory_space<vmem>>, vector<1x1x16xf32>,
      %swap3A_439 = vector.shape_cast %swap3A_438 : vector<1x1x16xf32> to vector<16xf32>
      %swap3A_440 = vector.shape_cast %add3A_433 : vector<16xf32> to vector<1x1x16xf32>
      tpu.vector_store %arg8[%swap3A_435, %swap3A_436, %swap3A_437], %swap3A_440 {strides = array<i32>} : memref<4x32x128xf32, #tpu.memory_space<vmem>>, vector<1x1x16xf32>,
      %get3A_441 = arith.constant 2 : i32
      %get3A_442 = arith.index_cast %get3A_441 : i32 to index
      %get3A_443 = arith.index_cast %scan3A_346 : i32 to index
      %get3A_444 = arith.constant 16 : index
      %get3A_445 = tpu.vector_load %arg8[%get3A_442, %get3A_443, %get3A_444] {strides = array<i32>} : memref<4x32x128xf32, #tpu.memory_space<vmem>>, vector<1x1x16xf32>,
      %get3A_446 = vector.shape_cast %get3A_445 : vector<1x1x16xf32> to vector<16xf32>
      %add3A_447 = arith.addf %get3A_446, %get3A_412 : vector<16xf32>
      %swap3A_448 = arith.constant 2 : i32
      %swap3A_449 = arith.index_cast %swap3A_448 : i32 to index
      %swap3A_450 = arith.index_cast %scan3A_346 : i32 to index
      %swap3A_451 = arith.constant 16 : index
      %swap3A_452 = tpu.vector_load %arg8[%swap3A_449, %swap3A_450, %swap3A_451] {strides = array<i32>} : memref<4x32x128xf32, #tpu.memory_space<vmem>>, vector<1x1x16xf32>,
      %swap3A_453 = vector.shape_cast %swap3A_452 : vector<1x1x16xf32> to vector<16xf32>
      %swap3A_454 = vector.shape_cast %add3A_447 : vector<16xf32> to vector<1x1x16xf32>
      tpu.vector_store %arg8[%swap3A_449, %swap3A_450, %swap3A_451], %swap3A_454 {strides = array<i32>} : memref<4x32x128xf32, #tpu.memory_space<vmem>>, vector<1x1x16xf32>,
      %get3A_455 = arith.constant 3 : i32
      %get3A_456 = arith.index_cast %get3A_455 : i32 to index
      %get3A_457 = arith.index_cast %scan3A_346 : i32 to index
      %get3A_458 = arith.constant 16 : index
      %get3A_459 = tpu.vector_load %arg8[%get3A_456, %get3A_457, %get3A_458] {strides = array<i32>} : memref<4x32x128xf32, #tpu.memory_space<vmem>>, vector<1x1x16xf32>,
      %get3A_460 = vector.shape_cast %get3A_459 : vector<1x1x16xf32> to vector<16xf32>
      %add3A_461 = arith.addf %get3A_460, %get3A_412 : vector<16xf32>
      %swap3A_462 = arith.constant 3 : i32
      %swap3A_463 = arith.index_cast %swap3A_462 : i32 to index
      %swap3A_464 = arith.index_cast %scan3A_346 : i32 to index
      %swap3A_465 = arith.constant 16 : index
      %swap3A_466 = tpu.vector_load %arg8[%swap3A_463, %swap3A_464, %swap3A_465] {strides = array<i32>} : memref<4x32x128xf32, #tpu.memory_space<vmem>>, vector<1x1x16xf32>,
      %swap3A_467 = vector.shape_cast %swap3A_466 : vector<1x1x16xf32> to vector<16xf32>
      %swap3A_468 = vector.shape_cast %add3A_461 : vector<16xf32> to vector<1x1x16xf32>
      tpu.vector_store %arg8[%swap3A_463, %swap3A_464, %swap3A_465], %swap3A_468 {strides = array<i32>} : memref<4x32x128xf32, #tpu.memory_space<vmem>>, vector<1x1x16xf32>,
      %add3A_469 = arith.constant 64 : i32
      %add3A_470 = arith.addi %add3A_469, %scan3A_346 : i32
      %get3A_471 = arith.index_cast %add3A_470 : i32 to index
      %get3A_472 = arith.constant 32 : index
      %get3A_473 = tpu.vector_load %arg5[%get3A_471, %get3A_472] {strides = array<i32>} : memref<256x128xf32, #tpu.memory_space<vmem>>, vector<1x16xf32>,
      %get3A_474 = vector.shape_cast %get3A_473 : vector<1x16xf32> to vector<16xf32>
      %get3A_475 = arith.constant 0 : i32
      %get3A_476 = arith.index_cast %get3A_475 : i32 to index
      %get3A_477 = arith.index_cast %scan3A_346 : i32 to index
      %get3A_478 = arith.constant 32 : index
      %get3A_479 = tpu.vector_load %arg8[%get3A_476, %get3A_477, %get3A_478] {strides = array<i32>} : memref<4x32x128xf32, #tpu.memory_space<vmem>>, vector<1x1x16xf32>,
      %get3A_480 = vector.shape_cast %get3A_479 : vector<1x1x16xf32> to vector<16xf32>
      %add3A_481 = arith.addf %get3A_480, %get3A_474 : vector<16xf32>
      %swap3A_482 = arith.constant 0 : i32
      %swap3A_483 = arith.index_cast %swap3A_482 : i32 to index
      %swap3A_484 = arith.index_cast %scan3A_346 : i32 to index
      %swap3A_485 = arith.constant 32 : index
      %swap3A_486 = tpu.vector_load %arg8[%swap3A_483, %swap3A_484, %swap3A_485] {strides = array<i32>} : memref<4x32x128xf32, #tpu.memory_space<vmem>>, vector<1x1x16xf32>,
      %swap3A_487 = vector.shape_cast %swap3A_486 : vector<1x1x16xf32> to vector<16xf32>
      %swap3A_488 = vector.shape_cast %add3A_481 : vector<16xf32> to vector<1x1x16xf32>
      tpu.vector_store %arg8[%swap3A_483, %swap3A_484, %swap3A_485], %swap3A_488 {strides = array<i32>} : memref<4x32x128xf32, #tpu.memory_space<vmem>>, vector<1x1x16xf32>,
      %get3A_489 = arith.constant 1 : i32
      %get3A_490 = arith.index_cast %get3A_489 : i32 to index
      %get3A_491 = arith.index_cast %scan3A_346 : i32 to index
      %get3A_492 = arith.constant 32 : index
      %get3A_493 = tpu.vector_load %arg8[%get3A_490, %get3A_491, %get3A_492] {strides = array<i32>} : memref<4x32x128xf32, #tpu.memory_space<vmem>>, vector<1x1x16xf32>,
      %get3A_494 = vector.shape_cast %get3A_493 : vector<1x1x16xf32> to vector<16xf32>
      %add3A_495 = arith.addf %get3A_494, %get3A_474 : vector<16xf32>
      %swap3A_496 = arith.constant 1 : i32
      %swap3A_497 = arith.index_cast %swap3A_496 : i32 to index
      %swap3A_498 = arith.index_cast %scan3A_346 : i32 to index
      %swap3A_499 = arith.constant 32 : index
      %swap3A_500 = tpu.vector_load %arg8[%swap3A_497, %swap3A_498, %swap3A_499] {strides = array<i32>} : memref<4x32x128xf32, #tpu.memory_space<vmem>>, vector<1x1x16xf32>,
      %swap3A_501 = vector.shape_cast %swap3A_500 : vector<1x1x16xf32> to vector<16xf32>
      %swap3A_502 = vector.shape_cast %add3A_495 : vector<16xf32> to vector<1x1x16xf32>
      tpu.vector_store %arg8[%swap3A_497, %swap3A_498, %swap3A_499], %swap3A_502 {strides = array<i32>} : memref<4x32x128xf32, #tpu.memory_space<vmem>>, vector<1x1x16xf32>,
      %get3A_503 = arith.constant 2 : i32
      %get3A_504 = arith.index_cast %get3A_503 : i32 to index
      %get3A_505 = arith.index_cast %scan3A_346 : i32 to index
      %get3A_506 = arith.constant 32 : index
      %get3A_507 = tpu.vector_load %arg8[%get3A_504, %get3A_505, %get3A_506] {strides = array<i32>} : memref<4x32x128xf32, #tpu.memory_space<vmem>>, vector<1x1x16xf32>,
      %get3A_508 = vector.shape_cast %get3A_507 : vector<1x1x16xf32> to vector<16xf32>
      %add3A_509 = arith.addf %get3A_508, %get3A_474 : vector<16xf32>
      %swap3A_510 = arith.constant 2 : i32
      %swap3A_511 = arith.index_cast %swap3A_510 : i32 to index
      %swap3A_512 = arith.index_cast %scan3A_346 : i32 to index
      %swap3A_513 = arith.constant 32 : index
      %swap3A_514 = tpu.vector_load %arg8[%swap3A_511, %swap3A_512, %swap3A_513] {strides = array<i32>} : memref<4x32x128xf32, #tpu.memory_space<vmem>>, vector<1x1x16xf32>,
      %swap3A_515 = vector.shape_cast %swap3A_514 : vector<1x1x16xf32> to vector<16xf32>
      %swap3A_516 = vector.shape_cast %add3A_509 : vector<16xf32> to vector<1x1x16xf32>
      tpu.vector_store %arg8[%swap3A_511, %swap3A_512, %swap3A_513], %swap3A_516 {strides = array<i32>} : memref<4x32x128xf32, #tpu.memory_space<vmem>>, vector<1x1x16xf32>,
      %get3A_517 = arith.constant 3 : i32
      %get3A_518 = arith.index_cast %get3A_517 : i32 to index
      %get3A_519 = arith.index_cast %scan3A_346 : i32 to index
      %get3A_520 = arith.constant 32 : index
      %get3A_521 = tpu.vector_load %arg8[%get3A_518, %get3A_519, %get3A_520] {strides = array<i32>} : memref<4x32x128xf32, #tpu.memory_space<vmem>>, vector<1x1x16xf32>,
      %get3A_522 = vector.shape_cast %get3A_521 : vector<1x1x16xf32> to vector<16xf32>
      %add3A_523 = arith.addf %get3A_522, %get3A_474 : vector<16xf32>
      %swap3A_524 = arith.constant 3 : i32
      %swap3A_525 = arith.index_cast %swap3A_524 : i32 to index
      %swap3A_526 = arith.index_cast %scan3A_346 : i32 to index
      %swap3A_527 = arith.constant 32 : index
      %swap3A_528 = tpu.vector_load %arg8[%swap3A_525, %swap3A_526, %swap3A_527] {strides = array<i32>} : memref<4x32x128xf32, #tpu.memory_space<vmem>>, vector<1x1x16xf32>,
      %swap3A_529 = vector.shape_cast %swap3A_528 : vector<1x1x16xf32> to vector<16xf32>
      %swap3A_530 = vector.shape_cast %add3A_523 : vector<16xf32> to vector<1x1x16xf32>
      tpu.vector_store %arg8[%swap3A_525, %swap3A_526, %swap3A_527], %swap3A_530 {strides = array<i32>} : memref<4x32x128xf32, #tpu.memory_space<vmem>>, vector<1x1x16xf32>,
      %add3A_531 = arith.constant 64 : i32
      %add3A_532 = arith.addi %add3A_531, %scan3A_346 : i32
      %get3A_533 = arith.index_cast %add3A_532 : i32 to index
      %get3A_534 = arith.constant 48 : index
      %get3A_535 = tpu.vector_load %arg5[%get3A_533, %get3A_534] {strides = array<i32>} : memref<256x128xf32, #tpu.memory_space<vmem>>, vector<1x16xf32>,
      %get3A_536 = vector.shape_cast %get3A_535 : vector<1x16xf32> to vector<16xf32>
      %get3A_537 = arith.constant 0 : i32
      %get3A_538 = arith.index_cast %get3A_537 : i32 to index
      %get3A_539 = arith.index_cast %scan3A_346 : i32 to index
      %get3A_540 = arith.constant 48 : index
      %get3A_541 = tpu.vector_load %arg8[%get3A_538, %get3A_539, %get3A_540] {strides = array<i32>} : memref<4x32x128xf32, #tpu.memory_space<vmem>>, vector<1x1x16xf32>,
      %get3A_542 = vector.shape_cast %get3A_541 : vector<1x1x16xf32> to vector<16xf32>
      %add3A_543 = arith.addf %get3A_542, %get3A_536 : vector<16xf32>
      %swap3A_544 = arith.constant 0 : i32
      %swap3A_545 = arith.index_cast %swap3A_544 : i32 to index
      %swap3A_546 = arith.index_cast %scan3A_346 : i32 to index
      %swap3A_547 = arith.constant 48 : index
      %swap3A_548 = tpu.vector_load %arg8[%swap3A_545, %swap3A_546, %swap3A_547] {strides = array<i32>} : memref<4x32x128xf32, #tpu.memory_space<vmem>>, vector<1x1x16xf32>,
      %swap3A_549 = vector.shape_cast %swap3A_548 : vector<1x1x16xf32> to vector<16xf32>
      %swap3A_550 = vector.shape_cast %add3A_543 : vector<16xf32> to vector<1x1x16xf32>
      tpu.vector_store %arg8[%swap3A_545, %swap3A_546, %swap3A_547], %swap3A_550 {strides = array<i32>} : memref<4x32x128xf32, #tpu.memory_space<vmem>>, vector<1x1x16xf32>,
      %get3A_551 = arith.constant 1 : i32
      %get3A_552 = arith.index_cast %get3A_551 : i32 to index
      %get3A_553 = arith.index_cast %scan3A_346 : i32 to index
      %get3A_554 = arith.constant 48 : index
      %get3A_555 = tpu.vector_load %arg8[%get3A_552, %get3A_553, %get3A_554] {strides = array<i32>} : memref<4x32x128xf32, #tpu.memory_space<vmem>>, vector<1x1x16xf32>,
      %get3A_556 = vector.shape_cast %get3A_555 : vector<1x1x16xf32> to vector<16xf32>
      %add3A_557 = arith.addf %get3A_556, %get3A_536 : vector<16xf32>
      %swap3A_558 = arith.constant 1 : i32
      %swap3A_559 = arith.index_cast %swap3A_558 : i32 to index
      %swap3A_560 = arith.index_cast %scan3A_346 : i32 to index
      %swap3A_561 = arith.constant 48 : index
      %swap3A_562 = tpu.vector_load %arg8[%swap3A_559, %swap3A_560, %swap3A_561] {strides = array<i32>} : memref<4x32x128xf32, #tpu.memory_space<vmem>>, vector<1x1x16xf32>,
      %swap3A_563 = vector.shape_cast %swap3A_562 : vector<1x1x16xf32> to vector<16xf32>
      %swap3A_564 = vector.shape_cast %add3A_557 : vector<16xf32> to vector<1x1x16xf32>
      tpu.vector_store %arg8[%swap3A_559, %swap3A_560, %swap3A_561], %swap3A_564 {strides = array<i32>} : memref<4x32x128xf32, #tpu.memory_space<vmem>>, vector<1x1x16xf32>,
      %get3A_565 = arith.constant 2 : i32
      %get3A_566 = arith.index_cast %get3A_565 : i32 to index
      %get3A_567 = arith.index_cast %scan3A_346 : i32 to index
      %get3A_568 = arith.constant 48 : index
      %get3A_569 = tpu.vector_load %arg8[%get3A_566, %get3A_567, %get3A_568] {strides = array<i32>} : memref<4x32x128xf32, #tpu.memory_space<vmem>>, vector<1x1x16xf32>,
      %get3A_570 = vector.shape_cast %get3A_569 : vector<1x1x16xf32> to vector<16xf32>
      %add3A_571 = arith.addf %get3A_570, %get3A_536 : vector<16xf32>
      %swap3A_572 = arith.constant 2 : i32
      %swap3A_573 = arith.index_cast %swap3A_572 : i32 to index
      %swap3A_574 = arith.index_cast %scan3A_346 : i32 to index
      %swap3A_575 = arith.constant 48 : index
      %swap3A_576 = tpu.vector_load %arg8[%swap3A_573, %swap3A_574, %swap3A_575] {strides = array<i32>} : memref<4x32x128xf32, #tpu.memory_space<vmem>>, vector<1x1x16xf32>,
      %swap3A_577 = vector.shape_cast %swap3A_576 : vector<1x1x16xf32> to vector<16xf32>
      %swap3A_578 = vector.shape_cast %add3A_571 : vector<16xf32> to vector<1x1x16xf32>
      tpu.vector_store %arg8[%swap3A_573, %swap3A_574, %swap3A_575], %swap3A_578 {strides = array<i32>} : memref<4x32x128xf32, #tpu.memory_space<vmem>>, vector<1x1x16xf32>,
      %get3A_579 = arith.constant 3 : i32
      %get3A_580 = arith.index_cast %get3A_579 : i32 to index
      %get3A_581 = arith.index_cast %scan3A_346 : i32 to index
      %get3A_582 = arith.constant 48 : index
      %get3A_583 = tpu.vector_load %arg8[%get3A_580, %get3A_581, %get3A_582] {strides = array<i32>} : memref<4x32x128xf32, #tpu.memory_space<vmem>>, vector<1x1x16xf32>,
      %get3A_584 = vector.shape_cast %get3A_583 : vector<1x1x16xf32> to vector<16xf32>
      %add3A_585 = arith.addf %get3A_584, %get3A_536 : vector<16xf32>
      %swap3A_586 = arith.constant 3 : i32
      %swap3A_587 = arith.index_cast %swap3A_586 : i32 to index
      %swap3A_588 = arith.index_cast %scan3A_346 : i32 to index
      %swap3A_589 = arith.constant 48 : index
      %swap3A_590 = tpu.vector_load %arg8[%swap3A_587, %swap3A_588, %swap3A_589] {strides = array<i32>} : memref<4x32x128xf32, #tpu.memory_space<vmem>>, vector<1x1x16xf32>,
      %swap3A_591 = vector.shape_cast %swap3A_590 : vector<1x1x16xf32> to vector<16xf32>
      %swap3A_592 = vector.shape_cast %add3A_585 : vector<16xf32> to vector<1x1x16xf32>
      tpu.vector_store %arg8[%swap3A_587, %swap3A_588, %swap3A_589], %swap3A_592 {strides = array<i32>} : memref<4x32x128xf32, #tpu.memory_space<vmem>>, vector<1x1x16xf32>,
      %add3A_593 = arith.constant 64 : i32
      %add3A_594 = arith.addi %add3A_593, %scan3A_346 : i32
      %get3A_595 = arith.index_cast %add3A_594 : i32 to index
      %get3A_596 = arith.constant 64 : index
      %get3A_597 = tpu.vector_load %arg5[%get3A_595, %get3A_596] {strides = array<i32>} : memref<256x128xf32, #tpu.memory_space<vmem>>, vector<1x16xf32>,
      %get3A_598 = vector.shape_cast %get3A_597 : vector<1x16xf32> to vector<16xf32>
      %get3A_599 = arith.constant 0 : i32
      %get3A_600 = arith.index_cast %get3A_599 : i32 to index
      %get3A_601 = arith.index_cast %scan3A_346 : i32 to index
      %get3A_602 = arith.constant 64 : index
      %get3A_603 = tpu.vector_load %arg8[%get3A_600, %get3A_601, %get3A_602] {strides = array<i32>} : memref<4x32x128xf32, #tpu.memory_space<vmem>>, vector<1x1x16xf32>,
      %get3A_604 = vector.shape_cast %get3A_603 : vector<1x1x16xf32> to vector<16xf32>
      %add3A_605 = arith.addf %get3A_604, %get3A_598 : vector<16xf32>
      %swap3A_606 = arith.constant 0 : i32
      %swap3A_607 = arith.index_cast %swap3A_606 : i32 to index
      %swap3A_608 = arith.index_cast %scan3A_346 : i32 to index
      %swap3A_609 = arith.constant 64 : index
      %swap3A_610 = tpu.vector_load %arg8[%swap3A_607, %swap3A_608, %swap3A_609] {strides = array<i32>} : memref<4x32x128xf32, #tpu.memory_space<vmem>>, vector<1x1x16xf32>,
      %swap3A_611 = vector.shape_cast %swap3A_610 : vector<1x1x16xf32> to vector<16xf32>
      %swap3A_612 = vector.shape_cast %add3A_605 : vector<16xf32> to vector<1x1x16xf32>
      tpu.vector_store %arg8[%swap3A_607, %swap3A_608, %swap3A_609], %swap3A_612 {strides = array<i32>} : memref<4x32x128xf32, #tpu.memory_space<vmem>>, vector<1x1x16xf32>,
      %get3A_613 = arith.constant 1 : i32
      %get3A_614 = arith.index_cast %get3A_613 : i32 to index
      %get3A_615 = arith.index_cast %scan3A_346 : i32 to index
      %get3A_616 = arith.constant 64 : index
      %get3A_617 = tpu.vector_load %arg8[%get3A_614, %get3A_615, %get3A_616] {strides = array<i32>} : memref<4x32x128xf32, #tpu.memory_space<vmem>>, vector<1x1x16xf32>,
      %get3A_618 = vector.shape_cast %get3A_617 : vector<1x1x16xf32> to vector<16xf32>
      %add3A_619 = arith.addf %get3A_618, %get3A_598 : vector<16xf32>
      %swap3A_620 = arith.constant 1 : i32
      %swap3A_621 = arith.index_cast %swap3A_620 : i32 to index
      %swap3A_622 = arith.index_cast %scan3A_346 : i32 to index
      %swap3A_623 = arith.constant 64 : index
      %swap3A_624 = tpu.vector_load %arg8[%swap3A_621, %swap3A_622, %swap3A_623] {strides = array<i32>} : memref<4x32x128xf32, #tpu.memory_space<vmem>>, vector<1x1x16xf32>,
      %swap3A_625 = vector.shape_cast %swap3A_624 : vector<1x1x16xf32> to vector<16xf32>
      %swap3A_626 = vector.shape_cast %add3A_619 : vector<16xf32> to vector<1x1x16xf32>
      tpu.vector_store %arg8[%swap3A_621, %swap3A_622, %swap3A_623], %swap3A_626 {strides = array<i32>} : memref<4x32x128xf32, #tpu.memory_space<vmem>>, vector<1x1x16xf32>,
      %get3A_627 = arith.constant 2 : i32
      %get3A_628 = arith.index_cast %get3A_627 : i32 to index
      %get3A_629 = arith.index_cast %scan3A_346 : i32 to index
      %get3A_630 = arith.constant 64 : index
      %get3A_631 = tpu.vector_load %arg8[%get3A_628, %get3A_629, %get3A_630] {strides = array<i32>} : memref<4x32x128xf32, #tpu.memory_space<vmem>>, vector<1x1x16xf32>,
      %get3A_632 = vector.shape_cast %get3A_631 : vector<1x1x16xf32> to vector<16xf32>
      %add3A_633 = arith.addf %get3A_632, %get3A_598 : vector<16xf32>
      %swap3A_634 = arith.constant 2 : i32
      %swap3A_635 = arith.index_cast %swap3A_634 : i32 to index
      %swap3A_636 = arith.index_cast %scan3A_346 : i32 to index
      %swap3A_637 = arith.constant 64 : index
      %swap3A_638 = tpu.vector_load %arg8[%swap3A_635, %swap3A_636, %swap3A_637] {strides = array<i32>} : memref<4x32x128xf32, #tpu.memory_space<vmem>>, vector<1x1x16xf32>,
      %swap3A_639 = vector.shape_cast %swap3A_638 : vector<1x1x16xf32> to vector<16xf32>
      %swap3A_640 = vector.shape_cast %add3A_633 : vector<16xf32> to vector<1x1x16xf32>
      tpu.vector_store %arg8[%swap3A_635, %swap3A_636, %swap3A_637], %swap3A_640 {strides = array<i32>} : memref<4x32x128xf32, #tpu.memory_space<vmem>>, vector<1x1x16xf32>,
      %get3A_641 = arith.constant 3 : i32
      %get3A_642 = arith.index_cast %get3A_641 : i32 to index
      %get3A_643 = arith.index_cast %scan3A_346 : i32 to index
      %get3A_644 = arith.constant 64 : index
      %get3A_645 = tpu.vector_load %arg8[%get3A_642, %get3A_643, %get3A_644] {strides = array<i32>} : memref<4x32x128xf32, #tpu.memory_space<vmem>>, vector<1x1x16xf32>,
      %get3A_646 = vector.shape_cast %get3A_645 : vector<1x1x16xf32> to vector<16xf32>
      %add3A_647 = arith.addf %get3A_646, %get3A_598 : vector<16xf32>
      %swap3A_648 = arith.constant 3 : i32
      %swap3A_649 = arith.index_cast %swap3A_648 : i32 to index
      %swap3A_650 = arith.index_cast %scan3A_346 : i32 to index
      %swap3A_651 = arith.constant 64 : index
      %swap3A_652 = tpu.vector_load %arg8[%swap3A_649, %swap3A_650, %swap3A_651] {strides = array<i32>} : memref<4x32x128xf32, #tpu.memory_space<vmem>>, vector<1x1x16xf32>,
      %swap3A_653 = vector.shape_cast %swap3A_652 : vector<1x1x16xf32> to vector<16xf32>
      %swap3A_654 = vector.shape_cast %add3A_647 : vector<16xf32> to vector<1x1x16xf32>
      tpu.vector_store %arg8[%swap3A_649, %swap3A_650, %swap3A_651], %swap3A_654 {strides = array<i32>} : memref<4x32x128xf32, #tpu.memory_space<vmem>>, vector<1x1x16xf32>,
      %add3A_655 = arith.constant 64 : i32
      %add3A_656 = arith.addi %add3A_655, %scan3A_346 : i32
      %get3A_657 = arith.index_cast %add3A_656 : i32 to index
      %get3A_658 = arith.constant 80 : index
      %get3A_659 = tpu.vector_load %arg5[%get3A_657, %get3A_658] {strides = array<i32>} : memref<256x128xf32, #tpu.memory_space<vmem>>, vector<1x16xf32>,
      %get3A_660 = vector.shape_cast %get3A_659 : vector<1x16xf32> to vector<16xf32>
      %get3A_661 = arith.constant 0 : i32
      %get3A_662 = arith.index_cast %get3A_661 : i32 to index
      %get3A_663 = arith.index_cast %scan3A_346 : i32 to index
      %get3A_664 = arith.constant 80 : index
      %get3A_665 = tpu.vector_load %arg8[%get3A_662, %get3A_663, %get3A_664] {strides = array<i32>} : memref<4x32x128xf32, #tpu.memory_space<vmem>>, vector<1x1x16xf32>,
      %get3A_666 = vector.shape_cast %get3A_665 : vector<1x1x16xf32> to vector<16xf32>
      %add3A_667 = arith.addf %get3A_666, %get3A_660 : vector<16xf32>
      %swap3A_668 = arith.constant 0 : i32
      %swap3A_669 = arith.index_cast %swap3A_668 : i32 to index
      %swap3A_670 = arith.index_cast %scan3A_346 : i32 to index
      %swap3A_671 = arith.constant 80 : index
      %swap3A_672 = tpu.vector_load %arg8[%swap3A_669, %swap3A_670, %swap3A_671] {strides = array<i32>} : memref<4x32x128xf32, #tpu.memory_space<vmem>>, vector<1x1x16xf32>,
      %swap3A_673 = vector.shape_cast %swap3A_672 : vector<1x1x16xf32> to vector<16xf32>
      %swap3A_674 = vector.shape_cast %add3A_667 : vector<16xf32> to vector<1x1x16xf32>
      tpu.vector_store %arg8[%swap3A_669, %swap3A_670, %swap3A_671], %swap3A_674 {strides = array<i32>} : memref<4x32x128xf32, #tpu.memory_space<vmem>>, vector<1x1x16xf32>,
      %get3A_675 = arith.constant 1 : i32
      %get3A_676 = arith.index_cast %get3A_675 : i32 to index
      %get3A_677 = arith.index_cast %scan3A_346 : i32 to index
      %get3A_678 = arith.constant 80 : index
      %get3A_679 = tpu.vector_load %arg8[%get3A_676, %get3A_677, %get3A_678] {strides = array<i32>} : memref<4x32x128xf32, #tpu.memory_space<vmem>>, vector<1x1x16xf32>,
      %get3A_680 = vector.shape_cast %get3A_679 : vector<1x1x16xf32> to vector<16xf32>
      %add3A_681 = arith.addf %get3A_680, %get3A_660 : vector<16xf32>
      %swap3A_682 = arith.constant 1 : i32
      %swap3A_683 = arith.index_cast %swap3A_682 : i32 to index
      %swap3A_684 = arith.index_cast %scan3A_346 : i32 to index
      %swap3A_685 = arith.constant 80 : index
      %swap3A_686 = tpu.vector_load %arg8[%swap3A_683, %swap3A_684, %swap3A_685] {strides = array<i32>} : memref<4x32x128xf32, #tpu.memory_space<vmem>>, vector<1x1x16xf32>,
      %swap3A_687 = vector.shape_cast %swap3A_686 : vector<1x1x16xf32> to vector<16xf32>
      %swap3A_688 = vector.shape_cast %add3A_681 : vector<16xf32> to vector<1x1x16xf32>
      tpu.vector_store %arg8[%swap3A_683, %swap3A_684, %swap3A_685], %swap3A_688 {strides = array<i32>} : memref<4x32x128xf32, #tpu.memory_space<vmem>>, vector<1x1x16xf32>,
      %get3A_689 = arith.constant 2 : i32
      %get3A_690 = arith.index_cast %get3A_689 : i32 to index
      %get3A_691 = arith.index_cast %scan3A_346 : i32 to index
      %get3A_692 = arith.constant 80 : index
      %get3A_693 = tpu.vector_load %arg8[%get3A_690, %get3A_691, %get3A_692] {strides = array<i32>} : memref<4x32x128xf32, #tpu.memory_space<vmem>>, vector<1x1x16xf32>,
      %get3A_694 = vector.shape_cast %get3A_693 : vector<1x1x16xf32> to vector<16xf32>
      %add3A_695 = arith.addf %get3A_694, %get3A_660 : vector<16xf32>
      %swap3A_696 = arith.constant 2 : i32
      %swap3A_697 = arith.index_cast %swap3A_696 : i32 to index
      %swap3A_698 = arith.index_cast %scan3A_346 : i32 to index
      %swap3A_699 = arith.constant 80 : index
      %swap3A_700 = tpu.vector_load %arg8[%swap3A_697, %swap3A_698, %swap3A_699] {strides = array<i32>} : memref<4x32x128xf32, #tpu.memory_space<vmem>>, vector<1x1x16xf32>,
      %swap3A_701 = vector.shape_cast %swap3A_700 : vector<1x1x16xf32> to vector<16xf32>
      %swap3A_702 = vector.shape_cast %add3A_695 : vector<16xf32> to vector<1x1x16xf32>
      tpu.vector_store %arg8[%swap3A_697, %swap3A_698, %swap3A_699], %swap3A_702 {strides = array<i32>} : memref<4x32x128xf32, #tpu.memory_space<vmem>>, vector<1x1x16xf32>,
      %get3A_703 = arith.constant 3 : i32
      %get3A_704 = arith.index_cast %get3A_703 : i32 to index
      %get3A_705 = arith.index_cast %scan3A_346 : i32 to index
      %get3A_706 = arith.constant 80 : index
      %get3A_707 = tpu.vector_load %arg8[%get3A_704, %get3A_705, %get3A_706] {strides = array<i32>} : memref<4x32x128xf32, #tpu.memory_space<vmem>>, vector<1x1x16xf32>,
      %get3A_708 = vector.shape_cast %get3A_707 : vector<1x1x16xf32> to vector<16xf32>
      %add3A_709 = arith.addf %get3A_708, %get3A_660 : vector<16xf32>
      %swap3A_710 = arith.constant 3 : i32
      %swap3A_711 = arith.index_cast %swap3A_710 : i32 to index
      %swap3A_712 = arith.index_cast %scan3A_346 : i32 to index
      %swap3A_713 = arith.constant 80 : index
      %swap3A_714 = tpu.vector_load %arg8[%swap3A_711, %swap3A_712, %swap3A_713] {strides = array<i32>} : memref<4x32x128xf32, #tpu.memory_space<vmem>>, vector<1x1x16xf32>,
      %swap3A_715 = vector.shape_cast %swap3A_714 : vector<1x1x16xf32> to vector<16xf32>
      %swap3A_716 = vector.shape_cast %add3A_709 : vector<16xf32> to vector<1x1x16xf32>
      tpu.vector_store %arg8[%swap3A_711, %swap3A_712, %swap3A_713], %swap3A_716 {strides = array<i32>} : memref<4x32x128xf32, #tpu.memory_space<vmem>>, vector<1x1x16xf32>,
      %add3A_717 = arith.constant 64 : i32
      %add3A_718 = arith.addi %add3A_717, %scan3A_346 : i32
      %get3A_719 = arith.index_cast %add3A_718 : i32 to index
      %get3A_720 = arith.constant 96 : index
      %get3A_721 = tpu.vector_load %arg5[%get3A_719, %get3A_720] {strides = array<i32>} : memref<256x128xf32, #tpu.memory_space<vmem>>, vector<1x16xf32>,
      %get3A_722 = vector.shape_cast %get3A_721 : vector<1x16xf32> to vector<16xf32>
      %get3A_723 = arith.constant 0 : i32
      %get3A_724 = arith.index_cast %get3A_723 : i32 to index
      %get3A_725 = arith.index_cast %scan3A_346 : i32 to index
      %get3A_726 = arith.constant 96 : index
      %get3A_727 = tpu.vector_load %arg8[%get3A_724, %get3A_725, %get3A_726] {strides = array<i32>} : memref<4x32x128xf32, #tpu.memory_space<vmem>>, vector<1x1x16xf32>,
      %get3A_728 = vector.shape_cast %get3A_727 : vector<1x1x16xf32> to vector<16xf32>
      %add3A_729 = arith.addf %get3A_728, %get3A_722 : vector<16xf32>
      %swap3A_730 = arith.constant 0 : i32
      %swap3A_731 = arith.index_cast %swap3A_730 : i32 to index
      %swap3A_732 = arith.index_cast %scan3A_346 : i32 to index
      %swap3A_733 = arith.constant 96 : index
      %swap3A_734 = tpu.vector_load %arg8[%swap3A_731, %swap3A_732, %swap3A_733] {strides = array<i32>} : memref<4x32x128xf32, #tpu.memory_space<vmem>>, vector<1x1x16xf32>,
      %swap3A_735 = vector.shape_cast %swap3A_734 : vector<1x1x16xf32> to vector<16xf32>
      %swap3A_736 = vector.shape_cast %add3A_729 : vector<16xf32> to vector<1x1x16xf32>
      tpu.vector_store %arg8[%swap3A_731, %swap3A_732, %swap3A_733], %swap3A_736 {strides = array<i32>} : memref<4x32x128xf32, #tpu.memory_space<vmem>>, vector<1x1x16xf32>,
      %get3A_737 = arith.constant 1 : i32
      %get3A_738 = arith.index_cast %get3A_737 : i32 to index
      %get3A_739 = arith.index_cast %scan3A_346 : i32 to index
      %get3A_740 = arith.constant 96 : index
      %get3A_741 = tpu.vector_load %arg8[%get3A_738, %get3A_739, %get3A_740] {strides = array<i32>} : memref<4x32x128xf32, #tpu.memory_space<vmem>>, vector<1x1x16xf32>,
      %get3A_742 = vector.shape_cast %get3A_741 : vector<1x1x16xf32> to vector<16xf32>
      %add3A_743 = arith.addf %get3A_742, %get3A_722 : vector<16xf32>
      %swap3A_744 = arith.constant 1 : i32
      %swap3A_745 = arith.index_cast %swap3A_744 : i32 to index
      %swap3A_746 = arith.index_cast %scan3A_346 : i32 to index
      %swap3A_747 = arith.constant 96 : index
      %swap3A_748 = tpu.vector_load %arg8[%swap3A_745, %swap3A_746, %swap3A_747] {strides = array<i32>} : memref<4x32x128xf32, #tpu.memory_space<vmem>>, vector<1x1x16xf32>,
      %swap3A_749 = vector.shape_cast %swap3A_748 : vector<1x1x16xf32> to vector<16xf32>
      %swap3A_750 = vector.shape_cast %add3A_743 : vector<16xf32> to vector<1x1x16xf32>
      tpu.vector_store %arg8[%swap3A_745, %swap3A_746, %swap3A_747], %swap3A_750 {strides = array<i32>} : memref<4x32x128xf32, #tpu.memory_space<vmem>>, vector<1x1x16xf32>,
      %get3A_751 = arith.constant 2 : i32
      %get3A_752 = arith.index_cast %get3A_751 : i32 to index
      %get3A_753 = arith.index_cast %scan3A_346 : i32 to index
      %get3A_754 = arith.constant 96 : index
      %get3A_755 = tpu.vector_load %arg8[%get3A_752, %get3A_753, %get3A_754] {strides = array<i32>} : memref<4x32x128xf32, #tpu.memory_space<vmem>>, vector<1x1x16xf32>,
      %get3A_756 = vector.shape_cast %get3A_755 : vector<1x1x16xf32> to vector<16xf32>
      %add3A_757 = arith.addf %get3A_756, %get3A_722 : vector<16xf32>
      %swap3A_758 = arith.constant 2 : i32
      %swap3A_759 = arith.index_cast %swap3A_758 : i32 to index
      %swap3A_760 = arith.index_cast %scan3A_346 : i32 to index
      %swap3A_761 = arith.constant 96 : index
      %swap3A_762 = tpu.vector_load %arg8[%swap3A_759, %swap3A_760, %swap3A_761] {strides = array<i32>} : memref<4x32x128xf32, #tpu.memory_space<vmem>>, vector<1x1x16xf32>,
      %swap3A_763 = vector.shape_cast %swap3A_762 : vector<1x1x16xf32> to vector<16xf32>
      %swap3A_764 = vector.shape_cast %add3A_757 : vector<16xf32> to vector<1x1x16xf32>
      tpu.vector_store %arg8[%swap3A_759, %swap3A_760, %swap3A_761], %swap3A_764 {strides = array<i32>} : memref<4x32x128xf32, #tpu.memory_space<vmem>>, vector<1x1x16xf32>,
      %get3A_765 = arith.constant 3 : i32
      %get3A_766 = arith.index_cast %get3A_765 : i32 to index
      %get3A_767 = arith.index_cast %scan3A_346 : i32 to index
      %get3A_768 = arith.constant 96 : index
      %get3A_769 = tpu.vector_load %arg8[%get3A_766, %get3A_767, %get3A_768] {strides = array<i32>} : memref<4x32x128xf32, #tpu.memory_space<vmem>>, vector<1x1x16xf32>,
      %get3A_770 = vector.shape_cast %get3A_769 : vector<1x1x16xf32> to vector<16xf32>
      %add3A_771 = arith.addf %get3A_770, %get3A_722 : vector<16xf32>
      %swap3A_772 = arith.constant 3 : i32
      %swap3A_773 = arith.index_cast %swap3A_772 : i32 to index
      %swap3A_774 = arith.index_cast %scan3A_346 : i32 to index
      %swap3A_775 = arith.constant 96 : index
      %swap3A_776 = tpu.vector_load %arg8[%swap3A_773, %swap3A_774, %swap3A_775] {strides = array<i32>} : memref<4x32x128xf32, #tpu.memory_space<vmem>>, vector<1x1x16xf32>,
      %swap3A_777 = vector.shape_cast %swap3A_776 : vector<1x1x16xf32> to vector<16xf32>
      %swap3A_778 = vector.shape_cast %add3A_771 : vector<16xf32> to vector<1x1x16xf32>
      tpu.vector_store %arg8[%swap3A_773, %swap3A_774, %swap3A_775], %swap3A_778 {strides = array<i32>} : memref<4x32x128xf32, #tpu.memory_space<vmem>>, vector<1x1x16xf32>,
      %add3A_779 = arith.constant 64 : i32
      %add3A_780 = arith.addi %add3A_779, %scan3A_346 : i32
      %get3A_781 = arith.index_cast %add3A_780 : i32 to index
      %get3A_782 = arith.constant 112 : index
      %get3A_783 = tpu.vector_load %arg5[%get3A_781, %get3A_782] {strides = array<i32>} : memref<256x128xf32, #tpu.memory_space<vmem>>, vector<1x16xf32>,
      %get3A_784 = vector.shape_cast %get3A_783 : vector<1x16xf32> to vector<16xf32>
      %get3A_785 = arith.constant 0 : i32
      %get3A_786 = arith.index_cast %get3A_785 : i32 to index
      %get3A_787 = arith.index_cast %scan3A_346 : i32 to index
      %get3A_788 = arith.constant 112 : index
      %get3A_789 = tpu.vector_load %arg8[%get3A_786, %get3A_787, %get3A_788] {strides = array<i32>} : memref<4x32x128xf32, #tpu.memory_space<vmem>>, vector<1x1x16xf32>,
      %get3A_790 = vector.shape_cast %get3A_789 : vector<1x1x16xf32> to vector<16xf32>
      %add3A_791 = arith.addf %get3A_790, %get3A_784 : vector<16xf32>
      %swap3A_792 = arith.constant 0 : i32
      %swap3A_793 = arith.index_cast %swap3A_792 : i32 to index
      %swap3A_794 = arith.index_cast %scan3A_346 : i32 to index
      %swap3A_795 = arith.constant 112 : index
      %swap3A_796 = tpu.vector_load %arg8[%swap3A_793, %swap3A_794, %swap3A_795] {strides = array<i32>} : memref<4x32x128xf32, #tpu.memory_space<vmem>>, vector<1x1x16xf32>,
      %swap3A_797 = vector.shape_cast %swap3A_796 : vector<1x1x16xf32> to vector<16xf32>
      %swap3A_798 = vector.shape_cast %add3A_791 : vector<16xf32> to vector<1x1x16xf32>
      tpu.vector_store %arg8[%swap3A_793, %swap3A_794, %swap3A_795], %swap3A_798 {strides = array<i32>} : memref<4x32x128xf32, #tpu.memory_space<vmem>>, vector<1x1x16xf32>,
      %get3A_799 = arith.constant 1 : i32
      %get3A_800 = arith.index_cast %get3A_799 : i32 to index
      %get3A_801 = arith.index_cast %scan3A_346 : i32 to index
      %get3A_802 = arith.constant 112 : index
      %get3A_803 = tpu.vector_load %arg8[%get3A_800, %get3A_801, %get3A_802] {strides = array<i32>} : memref<4x32x128xf32, #tpu.memory_space<vmem>>, vector<1x1x16xf32>,
      %get3A_804 = vector.shape_cast %get3A_803 : vector<1x1x16xf32> to vector<16xf32>
      %add3A_805 = arith.addf %get3A_804, %get3A_784 : vector<16xf32>
      %swap3A_806 = arith.constant 1 : i32
      %swap3A_807 = arith.index_cast %swap3A_806 : i32 to index
      %swap3A_808 = arith.index_cast %scan3A_346 : i32 to index
      %swap3A_809 = arith.constant 112 : index
      %swap3A_810 = tpu.vector_load %arg8[%swap3A_807, %swap3A_808, %swap3A_809] {strides = array<i32>} : memref<4x32x128xf32, #tpu.memory_space<vmem>>, vector<1x1x16xf32>,
      %swap3A_811 = vector.shape_cast %swap3A_810 : vector<1x1x16xf32> to vector<16xf32>
      %swap3A_812 = vector.shape_cast %add3A_805 : vector<16xf32> to vector<1x1x16xf32>
      tpu.vector_store %arg8[%swap3A_807, %swap3A_808, %swap3A_809], %swap3A_812 {strides = array<i32>} : memref<4x32x128xf32, #tpu.memory_space<vmem>>, vector<1x1x16xf32>,
      %get3A_813 = arith.constant 2 : i32
      %get3A_814 = arith.index_cast %get3A_813 : i32 to index
      %get3A_815 = arith.index_cast %scan3A_346 : i32 to index
      %get3A_816 = arith.constant 112 : index
      %get3A_817 = tpu.vector_load %arg8[%get3A_814, %get3A_815, %get3A_816] {strides = array<i32>} : memref<4x32x128xf32, #tpu.memory_space<vmem>>, vector<1x1x16xf32>,
      %get3A_818 = vector.shape_cast %get3A_817 : vector<1x1x16xf32> to vector<16xf32>
      %add3A_819 = arith.addf %get3A_818, %get3A_784 : vector<16xf32>
      %swap3A_820 = arith.constant 2 : i32
      %swap3A_821 = arith.index_cast %swap3A_820 : i32 to index
      %swap3A_822 = arith.index_cast %scan3A_346 : i32 to index
      %swap3A_823 = arith.constant 112 : index
      %swap3A_824 = tpu.vector_load %arg8[%swap3A_821, %swap3A_822, %swap3A_823] {strides = array<i32>} : memref<4x32x128xf32, #tpu.memory_space<vmem>>, vector<1x1x16xf32>,
      %swap3A_825 = vector.shape_cast %swap3A_824 : vector<1x1x16xf32> to vector<16xf32>
      %swap3A_826 = vector.shape_cast %add3A_819 : vector<16xf32> to vector<1x1x16xf32>
      tpu.vector_store %arg8[%swap3A_821, %swap3A_822, %swap3A_823], %swap3A_826 {strides = array<i32>} : memref<4x32x128xf32, #tpu.memory_space<vmem>>, vector<1x1x16xf32>,
      %get3A_827 = arith.constant 3 : i32
      %get3A_828 = arith.index_cast %get3A_827 : i32 to index
      %get3A_829 = arith.index_cast %scan3A_346 : i32 to index
      %get3A_830 = arith.constant 112 : index
      %get3A_831 = tpu.vector_load %arg8[%get3A_828, %get3A_829, %get3A_830] {strides = array<i32>} : memref<4x32x128xf32, #tpu.memory_space<vmem>>, vector<1x1x16xf32>,
      %get3A_832 = vector.shape_cast %get3A_831 : vector<1x1x16xf32> to vector<16xf32>
      %add3A_833 = arith.addf %get3A_832, %get3A_784 : vector<16xf32>
      %swap3A_834 = arith.constant 3 : i32
      %swap3A_835 = arith.index_cast %swap3A_834 : i32 to index
      %swap3A_836 = arith.index_cast %scan3A_346 : i32 to index
      %swap3A_837 = arith.constant 112 : index
      %swap3A_838 = tpu.vector_load %arg8[%swap3A_835, %swap3A_836, %swap3A_837] {strides = array<i32>} : memref<4x32x128xf32, #tpu.memory_space<vmem>>, vector<1x1x16xf32>,
      %swap3A_839 = vector.shape_cast %swap3A_838 : vector<1x1x16xf32> to vector<16xf32>
      %swap3A_840 = vector.shape_cast %add3A_833 : vector<16xf32> to vector<1x1x16xf32>
      tpu.vector_store %arg8[%swap3A_835, %swap3A_836, %swap3A_837], %swap3A_840 {strides = array<i32>} : memref<4x32x128xf32, #tpu.memory_space<vmem>>, vector<1x1x16xf32>,
    }
    %scan3A_145 = arith.constant 32 : i32
    %add3A_146 = arith.constant 64 : i32
    %add3A_147 = arith.addi %mul3A_2, %add3A_146 : i32
    %dma_start3A_148 = arith.constant 0 : i32
    %dma_start3A_149 = arith.constant 0 : i32
    %dma_start3A_150 = tpu.memref_slice %arg4[%dma_start3A_148, %add3A_147, %dma_start3A_149] : memref<4x8192x128xf32, #tpu.memory_space<hbm>> -> memref<4x32x128xf32, #tpu.memory_space<hbm>>
    %dma_start3A_151 = arith.constant 0 : i32
    %dma_start3A_152 = arith.constant 0 : i32
    %dma_start3A_153 = tpu.memref_slice %arg4[%dma_start3A_151, %add3A_147, %dma_start3A_152] : memref<4x8192x128xf32, #tpu.memory_space<hbm>> -> memref<4x32x128xf32, #tpu.memory_space<hbm>>
    tpu.enqueue_dma source(%arg8 : memref<4x32x128xf32, #tpu.memory_space<vmem>>) target(%dma_start3A_153 : memref<4x32x128xf32, #tpu.memory_space<hbm>>) target_semaphore(%arg20 : memref<!tpu.dma_semaphore, #tpu.memory_space<semaphore_mem>>)
    %add3A_154 = arith.constant 32 : i32
    %add3A_155 = arith.addi %mul3A_2, %add3A_154 : i32
    %dma_wait3A_156 = arith.constant 0 : i32
    %dma_wait3A_157 = arith.constant 0 : i32
    %dma_wait3A_158 = tpu.memref_slice %arg4[%dma_wait3A_156, %add3A_155, %dma_wait3A_157] : memref<4x8192x128xf32, #tpu.memory_space<hbm>> -> memref<4x32x128xf32, #tpu.memory_space<hbm>>
    %dma_wait3A_159 = arith.constant 0 : i32
    %dma_wait3A_160 = arith.constant 0 : i32
    %dma_wait3A_161 = tpu.memref_slice %arg4[%dma_wait3A_159, %add3A_155, %dma_wait3A_160] : memref<4x8192x128xf32, #tpu.memory_space<hbm>> -> memref<4x32x128xf32, #tpu.memory_space<hbm>>
    tpu.wait_dma2 semaphore(%arg19 : memref<!tpu.dma_semaphore, #tpu.memory_space<semaphore_mem>>) src(%arg7 : memref<4x32x128xf32, #tpu.memory_space<vmem>>) dst(%dma_wait3A_161 : memref<4x32x128xf32, #tpu.memory_space<hbm>>)
    %add3A_162 = arith.constant 192 : i32
    %add3A_163 = arith.addi %mul3A_2, %add3A_162 : i32
    %dma_start3A_164 = arith.constant 0 : i32
    %dma_start3A_165 = arith.constant 0 : i32
    %dma_start3A_166 = tpu.memref_slice %arg2[%dma_start3A_164, %add3A_163, %dma_start3A_165] : memref<4x8192x128xf32, #tpu.memory_space<hbm>> -> memref<4x32x128xf32, #tpu.memory_space<hbm>>
    %dma_start3A_167 = arith.constant 0 : i32
    %dma_start3A_168 = arith.constant 0 : i32
    %dma_start3A_169 = tpu.memref_slice %arg2[%dma_start3A_167, %add3A_163, %dma_start3A_168] : memref<4x8192x128xf32, #tpu.memory_space<hbm>> -> memref<4x32x128xf32, #tpu.memory_space<hbm>>
    tpu.enqueue_dma source(%dma_start3A_169 : memref<4x32x128xf32, #tpu.memory_space<hbm>>) target(%arg7 : memref<4x32x128xf32, #tpu.memory_space<vmem>>) target_semaphore(%arg14 : memref<!tpu.dma_semaphore, #tpu.memory_space<semaphore_mem>>)
    %add3A_170 = arith.constant 96 : i32
    %add3A_171 = arith.addi %mul3A_2, %add3A_170 : i32
    %dma_wait3A_172 = arith.constant 0 : i32
    %dma_wait3A_173 = arith.constant 0 : i32
    %dma_wait3A_174 = tpu.memref_slice %arg2[%dma_wait3A_172, %add3A_171, %dma_wait3A_173] : memref<4x8192x128xf32, #tpu.memory_space<hbm>> -> memref<4x32x128xf32, #tpu.memory_space<hbm>>
    %dma_wait3A_175 = arith.constant 0 : i32
    %dma_wait3A_176 = arith.constant 0 : i32
    %dma_wait3A_177 = tpu.memref_slice %arg2[%dma_wait3A_175, %add3A_171, %dma_wait3A_176] : memref<4x8192x128xf32, #tpu.memory_space<hbm>> -> memref<4x32x128xf32, #tpu.memory_space<hbm>>
    tpu.wait_dma2 semaphore(%arg16 : memref<!tpu.dma_semaphore, #tpu.memory_space<semaphore_mem>>) src(%dma_wait3A_177 : memref<4x32x128xf32, #tpu.memory_space<hbm>>) dst(%arg9 : memref<4x32x128xf32, #tpu.memory_space<vmem>>)
    %scan3A_178 = arith.constant 0 : i32
    %scan3A_179 = arith.constant 0 : i32
    %scan3A_180 = arith.constant 32 : i32
    %scan3A_181 = arith.addi %scan3A_179, %scan3A_180 : i32
    %scan3A_182 = arith.constant 1 : i32
    scf.for %scan3A_346 = %scan3A_179 to %scan3A_181 step %scan3A_182  : i32 {
      %add3A_347 = arith.constant 96 : i32
      %add3A_348 = arith.addi %add3A_347, %scan3A_346 : i32
      %get3A = arith.index_cast %add3A_348 : i32 to index
      %get3A_349 = arith.constant 0 : index
      %get3A_350 = tpu.vector_load %arg5[%get3A, %get3A_349] {strides = array<i32>} : memref<256x128xf32, #tpu.memory_space<vmem>>, vector<1x16xf32>,
      %get3A_351 = vector.shape_cast %get3A_350 : vector<1x16xf32> to vector<16xf32>
      %get3A_352 = arith.constant 0 : i32
      %get3A_353 = arith.index_cast %get3A_352 : i32 to index
      %get3A_354 = arith.index_cast %scan3A_346 : i32 to index
      %get3A_355 = arith.constant 0 : index
      %get3A_356 = tpu.vector_load %arg9[%get3A_353, %get3A_354, %get3A_355] {strides = array<i32>} : memref<4x32x128xf32, #tpu.memory_space<vmem>>, vector<1x1x16xf32>,
      %get3A_357 = vector.shape_cast %get3A_356 : vector<1x1x16xf32> to vector<16xf32>
      %add3A_358 = arith.addf %get3A_357, %get3A_351 : vector<16xf32>
      %swap3A = arith.constant 0 : i32
      %swap3A_359 = arith.index_cast %swap3A : i32 to index
      %swap3A_360 = arith.index_cast %scan3A_346 : i32 to index
      %swap3A_361 = arith.constant 0 : index
      %swap3A_362 = tpu.vector_load %arg9[%swap3A_359, %swap3A_360, %swap3A_361] {strides = array<i32>} : memref<4x32x128xf32, #tpu.memory_space<vmem>>, vector<1x1x16xf32>,
      %swap3A_363 = vector.shape_cast %swap3A_362 : vector<1x1x16xf32> to vector<16xf32>
      %swap3A_364 = vector.shape_cast %add3A_358 : vector<16xf32> to vector<1x1x16xf32>
      tpu.vector_store %arg9[%swap3A_359, %swap3A_360, %swap3A_361], %swap3A_364 {strides = array<i32>} : memref<4x32x128xf32, #tpu.memory_space<vmem>>, vector<1x1x16xf32>,
      %get3A_365 = arith.constant 1 : i32
      %get3A_366 = arith.index_cast %get3A_365 : i32 to index
      %get3A_367 = arith.index_cast %scan3A_346 : i32 to index
      %get3A_368 = arith.constant 0 : index
      %get3A_369 = tpu.vector_load %arg9[%get3A_366, %get3A_367, %get3A_368] {strides = array<i32>} : memref<4x32x128xf32, #tpu.memory_space<vmem>>, vector<1x1x16xf32>,
      %get3A_370 = vector.shape_cast %get3A_369 : vector<1x1x16xf32> to vector<16xf32>
      %add3A_371 = arith.addf %get3A_370, %get3A_351 : vector<16xf32>
      %swap3A_372 = arith.constant 1 : i32
      %swap3A_373 = arith.index_cast %swap3A_372 : i32 to index
      %swap3A_374 = arith.index_cast %scan3A_346 : i32 to index
      %swap3A_375 = arith.constant 0 : index
      %swap3A_376 = tpu.vector_load %arg9[%swap3A_373, %swap3A_374, %swap3A_375] {strides = array<i32>} : memref<4x32x128xf32, #tpu.memory_space<vmem>>, vector<1x1x16xf32>,
      %swap3A_377 = vector.shape_cast %swap3A_376 : vector<1x1x16xf32> to vector<16xf32>
      %swap3A_378 = vector.shape_cast %add3A_371 : vector<16xf32> to vector<1x1x16xf32>
      tpu.vector_store %arg9[%swap3A_373, %swap3A_374, %swap3A_375], %swap3A_378 {strides = array<i32>} : memref<4x32x128xf32, #tpu.memory_space<vmem>>, vector<1x1x16xf32>,
      %get3A_379 = arith.constant 2 : i32
      %get3A_380 = arith.index_cast %get3A_379 : i32 to index
      %get3A_381 = arith.index_cast %scan3A_346 : i32 to index
      %get3A_382 = arith.constant 0 : index
      %get3A_383 = tpu.vector_load %arg9[%get3A_380, %get3A_381, %get3A_382] {strides = array<i32>} : memref<4x32x128xf32, #tpu.memory_space<vmem>>, vector<1x1x16xf32>,
      %get3A_384 = vector.shape_cast %get3A_383 : vector<1x1x16xf32> to vector<16xf32>
      %add3A_385 = arith.addf %get3A_384, %get3A_351 : vector<16xf32>
      %swap3A_386 = arith.constant 2 : i32
      %swap3A_387 = arith.index_cast %swap3A_386 : i32 to index
      %swap3A_388 = arith.index_cast %scan3A_346 : i32 to index
      %swap3A_389 = arith.constant 0 : index
      %swap3A_390 = tpu.vector_load %arg9[%swap3A_387, %swap3A_388, %swap3A_389] {strides = array<i32>} : memref<4x32x128xf32, #tpu.memory_space<vmem>>, vector<1x1x16xf32>,
      %swap3A_391 = vector.shape_cast %swap3A_390 : vector<1x1x16xf32> to vector<16xf32>
      %swap3A_392 = vector.shape_cast %add3A_385 : vector<16xf32> to vector<1x1x16xf32>
      tpu.vector_store %arg9[%swap3A_387, %swap3A_388, %swap3A_389], %swap3A_392 {strides = array<i32>} : memref<4x32x128xf32, #tpu.memory_space<vmem>>, vector<1x1x16xf32>,
      %get3A_393 = arith.constant 3 : i32
      %get3A_394 = arith.index_cast %get3A_393 : i32 to index
      %get3A_395 = arith.index_cast %scan3A_346 : i32 to index
      %get3A_396 = arith.constant 0 : index
      %get3A_397 = tpu.vector_load %arg9[%get3A_394, %get3A_395, %get3A_396] {strides = array<i32>} : memref<4x32x128xf32, #tpu.memory_space<vmem>>, vector<1x1x16xf32>,
      %get3A_398 = vector.shape_cast %get3A_397 : vector<1x1x16xf32> to vector<16xf32>
      %add3A_399 = arith.addf %get3A_398, %get3A_351 : vector<16xf32>
      %swap3A_400 = arith.constant 3 : i32
      %swap3A_401 = arith.index_cast %swap3A_400 : i32 to index
      %swap3A_402 = arith.index_cast %scan3A_346 : i32 to index
      %swap3A_403 = arith.constant 0 : index
      %swap3A_404 = tpu.vector_load %arg9[%swap3A_401, %swap3A_402, %swap3A_403] {strides = array<i32>} : memref<4x32x128xf32, #tpu.memory_space<vmem>>, vector<1x1x16xf32>,
      %swap3A_405 = vector.shape_cast %swap3A_404 : vector<1x1x16xf32> to vector<16xf32>
      %swap3A_406 = vector.shape_cast %add3A_399 : vector<16xf32> to vector<1x1x16xf32>
      tpu.vector_store %arg9[%swap3A_401, %swap3A_402, %swap3A_403], %swap3A_406 {strides = array<i32>} : memref<4x32x128xf32, #tpu.memory_space<vmem>>, vector<1x1x16xf32>,
      %add3A_407 = arith.constant 96 : i32
      %add3A_408 = arith.addi %add3A_407, %scan3A_346 : i32
      %get3A_409 = arith.index_cast %add3A_408 : i32 to index
      %get3A_410 = arith.constant 16 : index
      %get3A_411 = tpu.vector_load %arg5[%get3A_409, %get3A_410] {strides = array<i32>} : memref<256x128xf32, #tpu.memory_space<vmem>>, vector<1x16xf32>,
      %get3A_412 = vector.shape_cast %get3A_411 : vector<1x16xf32> to vector<16xf32>
      %get3A_413 = arith.constant 0 : i32
      %get3A_414 = arith.index_cast %get3A_413 : i32 to index
      %get3A_415 = arith.index_cast %scan3A_346 : i32 to index
      %get3A_416 = arith.constant 16 : index
      %get3A_417 = tpu.vector_load %arg9[%get3A_414, %get3A_415, %get3A_416] {strides = array<i32>} : memref<4x32x128xf32, #tpu.memory_space<vmem>>, vector<1x1x16xf32>,
      %get3A_418 = vector.shape_cast %get3A_417 : vector<1x1x16xf32> to vector<16xf32>
      %add3A_419 = arith.addf %get3A_418, %get3A_412 : vector<16xf32>
      %swap3A_420 = arith.constant 0 : i32
      %swap3A_421 = arith.index_cast %swap3A_420 : i32 to index
      %swap3A_422 = arith.index_cast %scan3A_346 : i32 to index
      %swap3A_423 = arith.constant 16 : index
      %swap3A_424 = tpu.vector_load %arg9[%swap3A_421, %swap3A_422, %swap3A_423] {strides = array<i32>} : memref<4x32x128xf32, #tpu.memory_space<vmem>>, vector<1x1x16xf32>,
      %swap3A_425 = vector.shape_cast %swap3A_424 : vector<1x1x16xf32> to vector<16xf32>
      %swap3A_426 = vector.shape_cast %add3A_419 : vector<16xf32> to vector<1x1x16xf32>
      tpu.vector_store %arg9[%swap3A_421, %swap3A_422, %swap3A_423], %swap3A_426 {strides = array<i32>} : memref<4x32x128xf32, #tpu.memory_space<vmem>>, vector<1x1x16xf32>,
      %get3A_427 = arith.constant 1 : i32
      %get3A_428 = arith.index_cast %get3A_427 : i32 to index
      %get3A_429 = arith.index_cast %scan3A_346 : i32 to index
      %get3A_430 = arith.constant 16 : index
      %get3A_431 = tpu.vector_load %arg9[%get3A_428, %get3A_429, %get3A_430] {strides = array<i32>} : memref<4x32x128xf32, #tpu.memory_space<vmem>>, vector<1x1x16xf32>,
      %get3A_432 = vector.shape_cast %get3A_431 : vector<1x1x16xf32> to vector<16xf32>
      %add3A_433 = arith.addf %get3A_432, %get3A_412 : vector<16xf32>
      %swap3A_434 = arith.constant 1 : i32
      %swap3A_435 = arith.index_cast %swap3A_434 : i32 to index
      %swap3A_436 = arith.index_cast %scan3A_346 : i32 to index
      %swap3A_437 = arith.constant 16 : index
      %swap3A_438 = tpu.vector_load %arg9[%swap3A_435, %swap3A_436, %swap3A_437] {strides = array<i32>} : memref<4x32x128xf32, #tpu.memory_space<vmem>>, vector<1x1x16xf32>,
      %swap3A_439 = vector.shape_cast %swap3A_438 : vector<1x1x16xf32> to vector<16xf32>
      %swap3A_440 = vector.shape_cast %add3A_433 : vector<16xf32> to vector<1x1x16xf32>
      tpu.vector_store %arg9[%swap3A_435, %swap3A_436, %swap3A_437], %swap3A_440 {strides = array<i32>} : memref<4x32x128xf32, #tpu.memory_space<vmem>>, vector<1x1x16xf32>,
      %get3A_441 = arith.constant 2 : i32
      %get3A_442 = arith.index_cast %get3A_441 : i32 to index
      %get3A_443 = arith.index_cast %scan3A_346 : i32 to index
      %get3A_444 = arith.constant 16 : index
      %get3A_445 = tpu.vector_load %arg9[%get3A_442, %get3A_443, %get3A_444] {strides = array<i32>} : memref<4x32x128xf32, #tpu.memory_space<vmem>>, vector<1x1x16xf32>,
      %get3A_446 = vector.shape_cast %get3A_445 : vector<1x1x16xf32> to vector<16xf32>
      %add3A_447 = arith.addf %get3A_446, %get3A_412 : vector<16xf32>
      %swap3A_448 = arith.constant 2 : i32
      %swap3A_449 = arith.index_cast %swap3A_448 : i32 to index
      %swap3A_450 = arith.index_cast %scan3A_346 : i32 to index
      %swap3A_451 = arith.constant 16 : index
      %swap3A_452 = tpu.vector_load %arg9[%swap3A_449, %swap3A_450, %swap3A_451] {strides = array<i32>} : memref<4x32x128xf32, #tpu.memory_space<vmem>>, vector<1x1x16xf32>,
      %swap3A_453 = vector.shape_cast %swap3A_452 : vector<1x1x16xf32> to vector<16xf32>
      %swap3A_454 = vector.shape_cast %add3A_447 : vector<16xf32> to vector<1x1x16xf32>
      tpu.vector_store %arg9[%swap3A_449, %swap3A_450, %swap3A_451], %swap3A_454 {strides = array<i32>} : memref<4x32x128xf32, #tpu.memory_space<vmem>>, vector<1x1x16xf32>,
      %get3A_455 = arith.constant 3 : i32
      %get3A_456 = arith.index_cast %get3A_455 : i32 to index
      %get3A_457 = arith.index_cast %scan3A_346 : i32 to index
      %get3A_458 = arith.constant 16 : index
      %get3A_459 = tpu.vector_load %arg9[%get3A_456, %get3A_457, %get3A_458] {strides = array<i32>} : memref<4x32x128xf32, #tpu.memory_space<vmem>>, vector<1x1x16xf32>,
      %get3A_460 = vector.shape_cast %get3A_459 : vector<1x1x16xf32> to vector<16xf32>
      %add3A_461 = arith.addf %get3A_460, %get3A_412 : vector<16xf32>
      %swap3A_462 = arith.constant 3 : i32
      %swap3A_463 = arith.index_cast %swap3A_462 : i32 to index
      %swap3A_464 = arith.index_cast %scan3A_346 : i32 to index
      %swap3A_465 = arith.constant 16 : index
      %swap3A_466 = tpu.vector_load %arg9[%swap3A_463, %swap3A_464, %swap3A_465] {strides = array<i32>} : memref<4x32x128xf32, #tpu.memory_space<vmem>>, vector<1x1x16xf32>,
      %swap3A_467 = vector.shape_cast %swap3A_466 : vector<1x1x16xf32> to vector<16xf32>
      %swap3A_468 = vector.shape_cast %add3A_461 : vector<16xf32> to vector<1x1x16xf32>
      tpu.vector_store %arg9[%swap3A_463, %swap3A_464, %swap3A_465], %swap3A_468 {strides = array<i32>} : memref<4x32x128xf32, #tpu.memory_space<vmem>>, vector<1x1x16xf32>,
      %add3A_469 = arith.constant 96 : i32
      %add3A_470 = arith.addi %add3A_469, %scan3A_346 : i32
      %get3A_471 = arith.index_cast %add3A_470 : i32 to index
      %get3A_472 = arith.constant 32 : index
      %get3A_473 = tpu.vector_load %arg5[%get3A_471, %get3A_472] {strides = array<i32>} : memref<256x128xf32, #tpu.memory_space<vmem>>, vector<1x16xf32>,
      %get3A_474 = vector.shape_cast %get3A_473 : vector<1x16xf32> to vector<16xf32>
      %get3A_475 = arith.constant 0 : i32
      %get3A_476 = arith.index_cast %get3A_475 : i32 to index
      %get3A_477 = arith.index_cast %scan3A_346 : i32 to index
      %get3A_478 = arith.constant 32 : index
      %get3A_479 = tpu.vector_load %arg9[%get3A_476, %get3A_477, %get3A_478] {strides = array<i32>} : memref<4x32x128xf32, #tpu.memory_space<vmem>>, vector<1x1x16xf32>,
      %get3A_480 = vector.shape_cast %get3A_479 : vector<1x1x16xf32> to vector<16xf32>
      %add3A_481 = arith.addf %get3A_480, %get3A_474 : vector<16xf32>
      %swap3A_482 = arith.constant 0 : i32
      %swap3A_483 = arith.index_cast %swap3A_482 : i32 to index
      %swap3A_484 = arith.index_cast %scan3A_346 : i32 to index
      %swap3A_485 = arith.constant 32 : index
      %swap3A_486 = tpu.vector_load %arg9[%swap3A_483, %swap3A_484, %swap3A_485] {strides = array<i32>} : memref<4x32x128xf32, #tpu.memory_space<vmem>>, vector<1x1x16xf32>,
      %swap3A_487 = vector.shape_cast %swap3A_486 : vector<1x1x16xf32> to vector<16xf32>
      %swap3A_488 = vector.shape_cast %add3A_481 : vector<16xf32> to vector<1x1x16xf32>
      tpu.vector_store %arg9[%swap3A_483, %swap3A_484, %swap3A_485], %swap3A_488 {strides = array<i32>} : memref<4x32x128xf32, #tpu.memory_space<vmem>>, vector<1x1x16xf32>,
      %get3A_489 = arith.constant 1 : i32
      %get3A_490 = arith.index_cast %get3A_489 : i32 to index
      %get3A_491 = arith.index_cast %scan3A_346 : i32 to index
      %get3A_492 = arith.constant 32 : index
      %get3A_493 = tpu.vector_load %arg9[%get3A_490, %get3A_491, %get3A_492] {strides = array<i32>} : memref<4x32x128xf32, #tpu.memory_space<vmem>>, vector<1x1x16xf32>,
      %get3A_494 = vector.shape_cast %get3A_493 : vector<1x1x16xf32> to vector<16xf32>
      %add3A_495 = arith.addf %get3A_494, %get3A_474 : vector<16xf32>
      %swap3A_496 = arith.constant 1 : i32
      %swap3A_497 = arith.index_cast %swap3A_496 : i32 to index
      %swap3A_498 = arith.index_cast %scan3A_346 : i32 to index
      %swap3A_499 = arith.constant 32 : index
      %swap3A_500 = tpu.vector_load %arg9[%swap3A_497, %swap3A_498, %swap3A_499] {strides = array<i32>} : memref<4x32x128xf32, #tpu.memory_space<vmem>>, vector<1x1x16xf32>,
      %swap3A_501 = vector.shape_cast %swap3A_500 : vector<1x1x16xf32> to vector<16xf32>
      %swap3A_502 = vector.shape_cast %add3A_495 : vector<16xf32> to vector<1x1x16xf32>
      tpu.vector_store %arg9[%swap3A_497, %swap3A_498, %swap3A_499], %swap3A_502 {strides = array<i32>} : memref<4x32x128xf32, #tpu.memory_space<vmem>>, vector<1x1x16xf32>,
      %get3A_503 = arith.constant 2 : i32
      %get3A_504 = arith.index_cast %get3A_503 : i32 to index
      %get3A_505 = arith.index_cast %scan3A_346 : i32 to index
      %get3A_506 = arith.constant 32 : index
      %get3A_507 = tpu.vector_load %arg9[%get3A_504, %get3A_505, %get3A_506] {strides = array<i32>} : memref<4x32x128xf32, #tpu.memory_space<vmem>>, vector<1x1x16xf32>,
      %get3A_508 = vector.shape_cast %get3A_507 : vector<1x1x16xf32> to vector<16xf32>
      %add3A_509 = arith.addf %get3A_508, %get3A_474 : vector<16xf32>
      %swap3A_510 = arith.constant 2 : i32
      %swap3A_511 = arith.index_cast %swap3A_510 : i32 to index
      %swap3A_512 = arith.index_cast %scan3A_346 : i32 to index
      %swap3A_513 = arith.constant 32 : index
      %swap3A_514 = tpu.vector_load %arg9[%swap3A_511, %swap3A_512, %swap3A_513] {strides = array<i32>} : memref<4x32x128xf32, #tpu.memory_space<vmem>>, vector<1x1x16xf32>,
      %swap3A_515 = vector.shape_cast %swap3A_514 : vector<1x1x16xf32> to vector<16xf32>
      %swap3A_516 = vector.shape_cast %add3A_509 : vector<16xf32> to vector<1x1x16xf32>
      tpu.vector_store %arg9[%swap3A_511, %swap3A_512, %swap3A_513], %swap3A_516 {strides = array<i32>} : memref<4x32x128xf32, #tpu.memory_space<vmem>>, vector<1x1x16xf32>,
      %get3A_517 = arith.constant 3 : i32
      %get3A_518 = arith.index_cast %get3A_517 : i32 to index
      %get3A_519 = arith.index_cast %scan3A_346 : i32 to index
      %get3A_520 = arith.constant 32 : index
      %get3A_521 = tpu.vector_load %arg9[%get3A_518, %get3A_519, %get3A_520] {strides = array<i32>} : memref<4x32x128xf32, #tpu.memory_space<vmem>>, vector<1x1x16xf32>,
      %get3A_522 = vector.shape_cast %get3A_521 : vector<1x1x16xf32> to vector<16xf32>
      %add3A_523 = arith.addf %get3A_522, %get3A_474 : vector<16xf32>
      %swap3A_524 = arith.constant 3 : i32
      %swap3A_525 = arith.index_cast %swap3A_524 : i32 to index
      %swap3A_526 = arith.index_cast %scan3A_346 : i32 to index
      %swap3A_527 = arith.constant 32 : index
      %swap3A_528 = tpu.vector_load %arg9[%swap3A_525, %swap3A_526, %swap3A_527] {strides = array<i32>} : memref<4x32x128xf32, #tpu.memory_space<vmem>>, vector<1x1x16xf32>,
      %swap3A_529 = vector.shape_cast %swap3A_528 : vector<1x1x16xf32> to vector<16xf32>
      %swap3A_530 = vector.shape_cast %add3A_523 : vector<16xf32> to vector<1x1x16xf32>
      tpu.vector_store %arg9[%swap3A_525, %swap3A_526, %swap3A_527], %swap3A_530 {strides = array<i32>} : memref<4x32x128xf32, #tpu.memory_space<vmem>>, vector<1x1x16xf32>,
      %add3A_531 = arith.constant 96 : i32
      %add3A_532 = arith.addi %add3A_531, %scan3A_346 : i32
      %get3A_533 = arith.index_cast %add3A_532 : i32 to index
      %get3A_534 = arith.constant 48 : index
      %get3A_535 = tpu.vector_load %arg5[%get3A_533, %get3A_534] {strides = array<i32>} : memref<256x128xf32, #tpu.memory_space<vmem>>, vector<1x16xf32>,
      %get3A_536 = vector.shape_cast %get3A_535 : vector<1x16xf32> to vector<16xf32>
      %get3A_537 = arith.constant 0 : i32
      %get3A_538 = arith.index_cast %get3A_537 : i32 to index
      %get3A_539 = arith.index_cast %scan3A_346 : i32 to index
      %get3A_540 = arith.constant 48 : index
      %get3A_541 = tpu.vector_load %arg9[%get3A_538, %get3A_539, %get3A_540] {strides = array<i32>} : memref<4x32x128xf32, #tpu.memory_space<vmem>>, vector<1x1x16xf32>,
      %get3A_542 = vector.shape_cast %get3A_541 : vector<1x1x16xf32> to vector<16xf32>
      %add3A_543 = arith.addf %get3A_542, %get3A_536 : vector<16xf32>
      %swap3A_544 = arith.constant 0 : i32
      %swap3A_545 = arith.index_cast %swap3A_544 : i32 to index
      %swap3A_546 = arith.index_cast %scan3A_346 : i32 to index
      %swap3A_547 = arith.constant 48 : index
      %swap3A_548 = tpu.vector_load %arg9[%swap3A_545, %swap3A_546, %swap3A_547] {strides = array<i32>} : memref<4x32x128xf32, #tpu.memory_space<vmem>>, vector<1x1x16xf32>,
      %swap3A_549 = vector.shape_cast %swap3A_548 : vector<1x1x16xf32> to vector<16xf32>
      %swap3A_550 = vector.shape_cast %add3A_543 : vector<16xf32> to vector<1x1x16xf32>
      tpu.vector_store %arg9[%swap3A_545, %swap3A_546, %swap3A_547], %swap3A_550 {strides = array<i32>} : memref<4x32x128xf32, #tpu.memory_space<vmem>>, vector<1x1x16xf32>,
      %get3A_551 = arith.constant 1 : i32
      %get3A_552 = arith.index_cast %get3A_551 : i32 to index
      %get3A_553 = arith.index_cast %scan3A_346 : i32 to index
      %get3A_554 = arith.constant 48 : index
      %get3A_555 = tpu.vector_load %arg9[%get3A_552, %get3A_553, %get3A_554] {strides = array<i32>} : memref<4x32x128xf32, #tpu.memory_space<vmem>>, vector<1x1x16xf32>,
      %get3A_556 = vector.shape_cast %get3A_555 : vector<1x1x16xf32> to vector<16xf32>
      %add3A_557 = arith.addf %get3A_556, %get3A_536 : vector<16xf32>
      %swap3A_558 = arith.constant 1 : i32
      %swap3A_559 = arith.index_cast %swap3A_558 : i32 to index
      %swap3A_560 = arith.index_cast %scan3A_346 : i32 to index
      %swap3A_561 = arith.constant 48 : index
      %swap3A_562 = tpu.vector_load %arg9[%swap3A_559, %swap3A_560, %swap3A_561] {strides = array<i32>} : memref<4x32x128xf32, #tpu.memory_space<vmem>>, vector<1x1x16xf32>,
      %swap3A_563 = vector.shape_cast %swap3A_562 : vector<1x1x16xf32> to vector<16xf32>
      %swap3A_564 = vector.shape_cast %add3A_557 : vector<16xf32> to vector<1x1x16xf32>
      tpu.vector_store %arg9[%swap3A_559, %swap3A_560, %swap3A_561], %swap3A_564 {strides = array<i32>} : memref<4x32x128xf32, #tpu.memory_space<vmem>>, vector<1x1x16xf32>,
      %get3A_565 = arith.constant 2 : i32
      %get3A_566 = arith.index_cast %get3A_565 : i32 to index
      %get3A_567 = arith.index_cast %scan3A_346 : i32 to index
      %get3A_568 = arith.constant 48 : index
      %get3A_569 = tpu.vector_load %arg9[%get3A_566, %get3A_567, %get3A_568] {strides = array<i32>} : memref<4x32x128xf32, #tpu.memory_space<vmem>>, vector<1x1x16xf32>,
      %get3A_570 = vector.shape_cast %get3A_569 : vector<1x1x16xf32> to vector<16xf32>
      %add3A_571 = arith.addf %get3A_570, %get3A_536 : vector<16xf32>
      %swap3A_572 = arith.constant 2 : i32
      %swap3A_573 = arith.index_cast %swap3A_572 : i32 to index
      %swap3A_574 = arith.index_cast %scan3A_346 : i32 to index
      %swap3A_575 = arith.constant 48 : index
      %swap3A_576 = tpu.vector_load %arg9[%swap3A_573, %swap3A_574, %swap3A_575] {strides = array<i32>} : memref<4x32x128xf32, #tpu.memory_space<vmem>>, vector<1x1x16xf32>,
      %swap3A_577 = vector.shape_cast %swap3A_576 : vector<1x1x16xf32> to vector<16xf32>
      %swap3A_578 = vector.shape_cast %add3A_571 : vector<16xf32> to vector<1x1x16xf32>
      tpu.vector_store %arg9[%swap3A_573, %swap3A_574, %swap3A_575], %swap3A_578 {strides = array<i32>} : memref<4x32x128xf32, #tpu.memory_space<vmem>>, vector<1x1x16xf32>,
      %get3A_579 = arith.constant 3 : i32
      %get3A_580 = arith.index_cast %get3A_579 : i32 to index
      %get3A_581 = arith.index_cast %scan3A_346 : i32 to index
      %get3A_582 = arith.constant 48 : index
      %get3A_583 = tpu.vector_load %arg9[%get3A_580, %get3A_581, %get3A_582] {strides = array<i32>} : memref<4x32x128xf32, #tpu.memory_space<vmem>>, vector<1x1x16xf32>,
      %get3A_584 = vector.shape_cast %get3A_583 : vector<1x1x16xf32> to vector<16xf32>
      %add3A_585 = arith.addf %get3A_584, %get3A_536 : vector<16xf32>
      %swap3A_586 = arith.constant 3 : i32
      %swap3A_587 = arith.index_cast %swap3A_586 : i32 to index
      %swap3A_588 = arith.index_cast %scan3A_346 : i32 to index
      %swap3A_589 = arith.constant 48 : index
      %swap3A_590 = tpu.vector_load %arg9[%swap3A_587, %swap3A_588, %swap3A_589] {strides = array<i32>} : memref<4x32x128xf32, #tpu.memory_space<vmem>>, vector<1x1x16xf32>,
      %swap3A_591 = vector.shape_cast %swap3A_590 : vector<1x1x16xf32> to vector<16xf32>
      %swap3A_592 = vector.shape_cast %add3A_585 : vector<16xf32> to vector<1x1x16xf32>
      tpu.vector_store %arg9[%swap3A_587, %swap3A_588, %swap3A_589], %swap3A_592 {strides = array<i32>} : memref<4x32x128xf32, #tpu.memory_space<vmem>>, vector<1x1x16xf32>,
      %add3A_593 = arith.constant 96 : i32
      %add3A_594 = arith.addi %add3A_593, %scan3A_346 : i32
      %get3A_595 = arith.index_cast %add3A_594 : i32 to index
      %get3A_596 = arith.constant 64 : index
      %get3A_597 = tpu.vector_load %arg5[%get3A_595, %get3A_596] {strides = array<i32>} : memref<256x128xf32, #tpu.memory_space<vmem>>, vector<1x16xf32>,
      %get3A_598 = vector.shape_cast %get3A_597 : vector<1x16xf32> to vector<16xf32>
      %get3A_599 = arith.constant 0 : i32
      %get3A_600 = arith.index_cast %get3A_599 : i32 to index
      %get3A_601 = arith.index_cast %scan3A_346 : i32 to index
      %get3A_602 = arith.constant 64 : index
      %get3A_603 = tpu.vector_load %arg9[%get3A_600, %get3A_601, %get3A_602] {strides = array<i32>} : memref<4x32x128xf32, #tpu.memory_space<vmem>>, vector<1x1x16xf32>,
      %get3A_604 = vector.shape_cast %get3A_603 : vector<1x1x16xf32> to vector<16xf32>
      %add3A_605 = arith.addf %get3A_604, %get3A_598 : vector<16xf32>
      %swap3A_606 = arith.constant 0 : i32
      %swap3A_607 = arith.index_cast %swap3A_606 : i32 to index
      %swap3A_608 = arith.index_cast %scan3A_346 : i32 to index
      %swap3A_609 = arith.constant 64 : index
      %swap3A_610 = tpu.vector_load %arg9[%swap3A_607, %swap3A_608, %swap3A_609] {strides = array<i32>} : memref<4x32x128xf32, #tpu.memory_space<vmem>>, vector<1x1x16xf32>,
      %swap3A_611 = vector.shape_cast %swap3A_610 : vector<1x1x16xf32> to vector<16xf32>
      %swap3A_612 = vector.shape_cast %add3A_605 : vector<16xf32> to vector<1x1x16xf32>
      tpu.vector_store %arg9[%swap3A_607, %swap3A_608, %swap3A_609], %swap3A_612 {strides = array<i32>} : memref<4x32x128xf32, #tpu.memory_space<vmem>>, vector<1x1x16xf32>,
      %get3A_613 = arith.constant 1 : i32
      %get3A_614 = arith.index_cast %get3A_613 : i32 to index
      %get3A_615 = arith.index_cast %scan3A_346 : i32 to index
      %get3A_616 = arith.constant 64 : index
      %get3A_617 = tpu.vector_load %arg9[%get3A_614, %get3A_615, %get3A_616] {strides = array<i32>} : memref<4x32x128xf32, #tpu.memory_space<vmem>>, vector<1x1x16xf32>,
      %get3A_618 = vector.shape_cast %get3A_617 : vector<1x1x16xf32> to vector<16xf32>
      %add3A_619 = arith.addf %get3A_618, %get3A_598 : vector<16xf32>
      %swap3A_620 = arith.constant 1 : i32
      %swap3A_621 = arith.index_cast %swap3A_620 : i32 to index
      %swap3A_622 = arith.index_cast %scan3A_346 : i32 to index
      %swap3A_623 = arith.constant 64 : index
      %swap3A_624 = tpu.vector_load %arg9[%swap3A_621, %swap3A_622, %swap3A_623] {strides = array<i32>} : memref<4x32x128xf32, #tpu.memory_space<vmem>>, vector<1x1x16xf32>,
      %swap3A_625 = vector.shape_cast %swap3A_624 : vector<1x1x16xf32> to vector<16xf32>
      %swap3A_626 = vector.shape_cast %add3A_619 : vector<16xf32> to vector<1x1x16xf32>
      tpu.vector_store %arg9[%swap3A_621, %swap3A_622, %swap3A_623], %swap3A_626 {strides = array<i32>} : memref<4x32x128xf32, #tpu.memory_space<vmem>>, vector<1x1x16xf32>,
      %get3A_627 = arith.constant 2 : i32
      %get3A_628 = arith.index_cast %get3A_627 : i32 to index
      %get3A_629 = arith.index_cast %scan3A_346 : i32 to index
      %get3A_630 = arith.constant 64 : index
      %get3A_631 = tpu.vector_load %arg9[%get3A_628, %get3A_629, %get3A_630] {strides = array<i32>} : memref<4x32x128xf32, #tpu.memory_space<vmem>>, vector<1x1x16xf32>,
      %get3A_632 = vector.shape_cast %get3A_631 : vector<1x1x16xf32> to vector<16xf32>
      %add3A_633 = arith.addf %get3A_632, %get3A_598 : vector<16xf32>
      %swap3A_634 = arith.constant 2 : i32
      %swap3A_635 = arith.index_cast %swap3A_634 : i32 to index
      %swap3A_636 = arith.index_cast %scan3A_346 : i32 to index
      %swap3A_637 = arith.constant 64 : index
      %swap3A_638 = tpu.vector_load %arg9[%swap3A_635, %swap3A_636, %swap3A_637] {strides = array<i32>} : memref<4x32x128xf32, #tpu.memory_space<vmem>>, vector<1x1x16xf32>,
      %swap3A_639 = vector.shape_cast %swap3A_638 : vector<1x1x16xf32> to vector<16xf32>
      %swap3A_640 = vector.shape_cast %add3A_633 : vector<16xf32> to vector<1x1x16xf32>
      tpu.vector_store %arg9[%swap3A_635, %swap3A_636, %swap3A_637], %swap3A_640 {strides = array<i32>} : memref<4x32x128xf32, #tpu.memory_space<vmem>>, vector<1x1x16xf32>,
      %get3A_641 = arith.constant 3 : i32
      %get3A_642 = arith.index_cast %get3A_641 : i32 to index
      %get3A_643 = arith.index_cast %scan3A_346 : i32 to index
      %get3A_644 = arith.constant 64 : index
      %get3A_645 = tpu.vector_load %arg9[%get3A_642, %get3A_643, %get3A_644] {strides = array<i32>} : memref<4x32x128xf32, #tpu.memory_space<vmem>>, vector<1x1x16xf32>,
      %get3A_646 = vector.shape_cast %get3A_645 : vector<1x1x16xf32> to vector<16xf32>
      %add3A_647 = arith.addf %get3A_646, %get3A_598 : vector<16xf32>
      %swap3A_648 = arith.constant 3 : i32
      %swap3A_649 = arith.index_cast %swap3A_648 : i32 to index
      %swap3A_650 = arith.index_cast %scan3A_346 : i32 to index
      %swap3A_651 = arith.constant 64 : index
      %swap3A_652 = tpu.vector_load %arg9[%swap3A_649, %swap3A_650, %swap3A_651] {strides = array<i32>} : memref<4x32x128xf32, #tpu.memory_space<vmem>>, vector<1x1x16xf32>,
      %swap3A_653 = vector.shape_cast %swap3A_652 : vector<1x1x16xf32> to vector<16xf32>
      %swap3A_654 = vector.shape_cast %add3A_647 : vector<16xf32> to vector<1x1x16xf32>
      tpu.vector_store %arg9[%swap3A_649, %swap3A_650, %swap3A_651], %swap3A_654 {strides = array<i32>} : memref<4x32x128xf32, #tpu.memory_space<vmem>>, vector<1x1x16xf32>,
      %add3A_655 = arith.constant 96 : i32
      %add3A_656 = arith.addi %add3A_655, %scan3A_346 : i32
      %get3A_657 = arith.index_cast %add3A_656 : i32 to index
      %get3A_658 = arith.constant 80 : index
      %get3A_659 = tpu.vector_load %arg5[%get3A_657, %get3A_658] {strides = array<i32>} : memref<256x128xf32, #tpu.memory_space<vmem>>, vector<1x16xf32>,
      %get3A_660 = vector.shape_cast %get3A_659 : vector<1x16xf32> to vector<16xf32>
      %get3A_661 = arith.constant 0 : i32
      %get3A_662 = arith.index_cast %get3A_661 : i32 to index
      %get3A_663 = arith.index_cast %scan3A_346 : i32 to index
      %get3A_664 = arith.constant 80 : index
      %get3A_665 = tpu.vector_load %arg9[%get3A_662, %get3A_663, %get3A_664] {strides = array<i32>} : memref<4x32x128xf32, #tpu.memory_space<vmem>>, vector<1x1x16xf32>,
      %get3A_666 = vector.shape_cast %get3A_665 : vector<1x1x16xf32> to vector<16xf32>
      %add3A_667 = arith.addf %get3A_666, %get3A_660 : vector<16xf32>
      %swap3A_668 = arith.constant 0 : i32
      %swap3A_669 = arith.index_cast %swap3A_668 : i32 to index
      %swap3A_670 = arith.index_cast %scan3A_346 : i32 to index
      %swap3A_671 = arith.constant 80 : index
      %swap3A_672 = tpu.vector_load %arg9[%swap3A_669, %swap3A_670, %swap3A_671] {strides = array<i32>} : memref<4x32x128xf32, #tpu.memory_space<vmem>>, vector<1x1x16xf32>,
      %swap3A_673 = vector.shape_cast %swap3A_672 : vector<1x1x16xf32> to vector<16xf32>
      %swap3A_674 = vector.shape_cast %add3A_667 : vector<16xf32> to vector<1x1x16xf32>
      tpu.vector_store %arg9[%swap3A_669, %swap3A_670, %swap3A_671], %swap3A_674 {strides = array<i32>} : memref<4x32x128xf32, #tpu.memory_space<vmem>>, vector<1x1x16xf32>,
      %get3A_675 = arith.constant 1 : i32
      %get3A_676 = arith.index_cast %get3A_675 : i32 to index
      %get3A_677 = arith.index_cast %scan3A_346 : i32 to index
      %get3A_678 = arith.constant 80 : index
      %get3A_679 = tpu.vector_load %arg9[%get3A_676, %get3A_677, %get3A_678] {strides = array<i32>} : memref<4x32x128xf32, #tpu.memory_space<vmem>>, vector<1x1x16xf32>,
      %get3A_680 = vector.shape_cast %get3A_679 : vector<1x1x16xf32> to vector<16xf32>
      %add3A_681 = arith.addf %get3A_680, %get3A_660 : vector<16xf32>
      %swap3A_682 = arith.constant 1 : i32
      %swap3A_683 = arith.index_cast %swap3A_682 : i32 to index
      %swap3A_684 = arith.index_cast %scan3A_346 : i32 to index
      %swap3A_685 = arith.constant 80 : index
      %swap3A_686 = tpu.vector_load %arg9[%swap3A_683, %swap3A_684, %swap3A_685] {strides = array<i32>} : memref<4x32x128xf32, #tpu.memory_space<vmem>>, vector<1x1x16xf32>,
      %swap3A_687 = vector.shape_cast %swap3A_686 : vector<1x1x16xf32> to vector<16xf32>
      %swap3A_688 = vector.shape_cast %add3A_681 : vector<16xf32> to vector<1x1x16xf32>
      tpu.vector_store %arg9[%swap3A_683, %swap3A_684, %swap3A_685], %swap3A_688 {strides = array<i32>} : memref<4x32x128xf32, #tpu.memory_space<vmem>>, vector<1x1x16xf32>,
      %get3A_689 = arith.constant 2 : i32
      %get3A_690 = arith.index_cast %get3A_689 : i32 to index
      %get3A_691 = arith.index_cast %scan3A_346 : i32 to index
      %get3A_692 = arith.constant 80 : index
      %get3A_693 = tpu.vector_load %arg9[%get3A_690, %get3A_691, %get3A_692] {strides = array<i32>} : memref<4x32x128xf32, #tpu.memory_space<vmem>>, vector<1x1x16xf32>,
      %get3A_694 = vector.shape_cast %get3A_693 : vector<1x1x16xf32> to vector<16xf32>
      %add3A_695 = arith.addf %get3A_694, %get3A_660 : vector<16xf32>
      %swap3A_696 = arith.constant 2 : i32
      %swap3A_697 = arith.index_cast %swap3A_696 : i32 to index
      %swap3A_698 = arith.index_cast %scan3A_346 : i32 to index
      %swap3A_699 = arith.constant 80 : index
      %swap3A_700 = tpu.vector_load %arg9[%swap3A_697, %swap3A_698, %swap3A_699] {strides = array<i32>} : memref<4x32x128xf32, #tpu.memory_space<vmem>>, vector<1x1x16xf32>,
      %swap3A_701 = vector.shape_cast %swap3A_700 : vector<1x1x16xf32> to vector<16xf32>
      %swap3A_702 = vector.shape_cast %add3A_695 : vector<16xf32> to vector<1x1x16xf32>
      tpu.vector_store %arg9[%swap3A_697, %swap3A_698, %swap3A_699], %swap3A_702 {strides = array<i32>} : memref<4x32x128xf32, #tpu.memory_space<vmem>>, vector<1x1x16xf32>,
      %get3A_703 = arith.constant 3 : i32
      %get3A_704 = arith.index_cast %get3A_703 : i32 to index
      %get3A_705 = arith.index_cast %scan3A_346 : i32 to index
      %get3A_706 = arith.constant 80 : index
      %get3A_707 = tpu.vector_load %arg9[%get3A_704, %get3A_705, %get3A_706] {strides = array<i32>} : memref<4x32x128xf32, #tpu.memory_space<vmem>>, vector<1x1x16xf32>,
      %get3A_708 = vector.shape_cast %get3A_707 : vector<1x1x16xf32> to vector<16xf32>
      %add3A_709 = arith.addf %get3A_708, %get3A_660 : vector<16xf32>
      %swap3A_710 = arith.constant 3 : i32
      %swap3A_711 = arith.index_cast %swap3A_710 : i32 to index
      %swap3A_712 = arith.index_cast %scan3A_346 : i32 to index
      %swap3A_713 = arith.constant 80 : index
      %swap3A_714 = tpu.vector_load %arg9[%swap3A_711, %swap3A_712, %swap3A_713] {strides = array<i32>} : memref<4x32x128xf32, #tpu.memory_space<vmem>>, vector<1x1x16xf32>,
      %swap3A_715 = vector.shape_cast %swap3A_714 : vector<1x1x16xf32> to vector<16xf32>
      %swap3A_716 = vector.shape_cast %add3A_709 : vector<16xf32> to vector<1x1x16xf32>
      tpu.vector_store %arg9[%swap3A_711, %swap3A_712, %swap3A_713], %swap3A_716 {strides = array<i32>} : memref<4x32x128xf32, #tpu.memory_space<vmem>>, vector<1x1x16xf32>,
      %add3A_717 = arith.constant 96 : i32
      %add3A_718 = arith.addi %add3A_717, %scan3A_346 : i32
      %get3A_719 = arith.index_cast %add3A_718 : i32 to index
      %get3A_720 = arith.constant 96 : index
      %get3A_721 = tpu.vector_load %arg5[%get3A_719, %get3A_720] {strides = array<i32>} : memref<256x128xf32, #tpu.memory_space<vmem>>, vector<1x16xf32>,
      %get3A_722 = vector.shape_cast %get3A_721 : vector<1x16xf32> to vector<16xf32>
      %get3A_723 = arith.constant 0 : i32
      %get3A_724 = arith.index_cast %get3A_723 : i32 to index
      %get3A_725 = arith.index_cast %scan3A_346 : i32 to index
      %get3A_726 = arith.constant 96 : index
      %get3A_727 = tpu.vector_load %arg9[%get3A_724, %get3A_725, %get3A_726] {strides = array<i32>} : memref<4x32x128xf32, #tpu.memory_space<vmem>>, vector<1x1x16xf32>,
      %get3A_728 = vector.shape_cast %get3A_727 : vector<1x1x16xf32> to vector<16xf32>
      %add3A_729 = arith.addf %get3A_728, %get3A_722 : vector<16xf32>
      %swap3A_730 = arith.constant 0 : i32
      %swap3A_731 = arith.index_cast %swap3A_730 : i32 to index
      %swap3A_732 = arith.index_cast %scan3A_346 : i32 to index
      %swap3A_733 = arith.constant 96 : index
      %swap3A_734 = tpu.vector_load %arg9[%swap3A_731, %swap3A_732, %swap3A_733] {strides = array<i32>} : memref<4x32x128xf32, #tpu.memory_space<vmem>>, vector<1x1x16xf32>,
      %swap3A_735 = vector.shape_cast %swap3A_734 : vector<1x1x16xf32> to vector<16xf32>
      %swap3A_736 = vector.shape_cast %add3A_729 : vector<16xf32> to vector<1x1x16xf32>
      tpu.vector_store %arg9[%swap3A_731, %swap3A_732, %swap3A_733], %swap3A_736 {strides = array<i32>} : memref<4x32x128xf32, #tpu.memory_space<vmem>>, vector<1x1x16xf32>,
      %get3A_737 = arith.constant 1 : i32
      %get3A_738 = arith.index_cast %get3A_737 : i32 to index
      %get3A_739 = arith.index_cast %scan3A_346 : i32 to index
      %get3A_740 = arith.constant 96 : index
      %get3A_741 = tpu.vector_load %arg9[%get3A_738, %get3A_739, %get3A_740] {strides = array<i32>} : memref<4x32x128xf32, #tpu.memory_space<vmem>>, vector<1x1x16xf32>,
      %get3A_742 = vector.shape_cast %get3A_741 : vector<1x1x16xf32> to vector<16xf32>
      %add3A_743 = arith.addf %get3A_742, %get3A_722 : vector<16xf32>
      %swap3A_744 = arith.constant 1 : i32
      %swap3A_745 = arith.index_cast %swap3A_744 : i32 to index
      %swap3A_746 = arith.index_cast %scan3A_346 : i32 to index
      %swap3A_747 = arith.constant 96 : index
      %swap3A_748 = tpu.vector_load %arg9[%swap3A_745, %swap3A_746, %swap3A_747] {strides = array<i32>} : memref<4x32x128xf32, #tpu.memory_space<vmem>>, vector<1x1x16xf32>,
      %swap3A_749 = vector.shape_cast %swap3A_748 : vector<1x1x16xf32> to vector<16xf32>
      %swap3A_750 = vector.shape_cast %add3A_743 : vector<16xf32> to vector<1x1x16xf32>
      tpu.vector_store %arg9[%swap3A_745, %swap3A_746, %swap3A_747], %swap3A_750 {strides = array<i32>} : memref<4x32x128xf32, #tpu.memory_space<vmem>>, vector<1x1x16xf32>,
      %get3A_751 = arith.constant 2 : i32
      %get3A_752 = arith.index_cast %get3A_751 : i32 to index
      %get3A_753 = arith.index_cast %scan3A_346 : i32 to index
      %get3A_754 = arith.constant 96 : index
      %get3A_755 = tpu.vector_load %arg9[%get3A_752, %get3A_753, %get3A_754] {strides = array<i32>} : memref<4x32x128xf32, #tpu.memory_space<vmem>>, vector<1x1x16xf32>,
      %get3A_756 = vector.shape_cast %get3A_755 : vector<1x1x16xf32> to vector<16xf32>
      %add3A_757 = arith.addf %get3A_756, %get3A_722 : vector<16xf32>
      %swap3A_758 = arith.constant 2 : i32
      %swap3A_759 = arith.index_cast %swap3A_758 : i32 to index
      %swap3A_760 = arith.index_cast %scan3A_346 : i32 to index
      %swap3A_761 = arith.constant 96 : index
      %swap3A_762 = tpu.vector_load %arg9[%swap3A_759, %swap3A_760, %swap3A_761] {strides = array<i32>} : memref<4x32x128xf32, #tpu.memory_space<vmem>>, vector<1x1x16xf32>,
      %swap3A_763 = vector.shape_cast %swap3A_762 : vector<1x1x16xf32> to vector<16xf32>
      %swap3A_764 = vector.shape_cast %add3A_757 : vector<16xf32> to vector<1x1x16xf32>
      tpu.vector_store %arg9[%swap3A_759, %swap3A_760, %swap3A_761], %swap3A_764 {strides = array<i32>} : memref<4x32x128xf32, #tpu.memory_space<vmem>>, vector<1x1x16xf32>,
      %get3A_765 = arith.constant 3 : i32
      %get3A_766 = arith.index_cast %get3A_765 : i32 to index
      %get3A_767 = arith.index_cast %scan3A_346 : i32 to index
      %get3A_768 = arith.constant 96 : index
      %get3A_769 = tpu.vector_load %arg9[%get3A_766, %get3A_767, %get3A_768] {strides = array<i32>} : memref<4x32x128xf32, #tpu.memory_space<vmem>>, vector<1x1x16xf32>,
      %get3A_770 = vector.shape_cast %get3A_769 : vector<1x1x16xf32> to vector<16xf32>
      %add3A_771 = arith.addf %get3A_770, %get3A_722 : vector<16xf32>
      %swap3A_772 = arith.constant 3 : i32
      %swap3A_773 = arith.index_cast %swap3A_772 : i32 to index
      %swap3A_774 = arith.index_cast %scan3A_346 : i32 to index
      %swap3A_775 = arith.constant 96 : index
      %swap3A_776 = tpu.vector_load %arg9[%swap3A_773, %swap3A_774, %swap3A_775] {strides = array<i32>} : memref<4x32x128xf32, #tpu.memory_space<vmem>>, vector<1x1x16xf32>,
      %swap3A_777 = vector.shape_cast %swap3A_776 : vector<1x1x16xf32> to vector<16xf32>
      %swap3A_778 = vector.shape_cast %add3A_771 : vector<16xf32> to vector<1x1x16xf32>
      tpu.vector_store %arg9[%swap3A_773, %swap3A_774, %swap3A_775], %swap3A_778 {strides = array<i32>} : memref<4x32x128xf32, #tpu.memory_space<vmem>>, vector<1x1x16xf32>,
      %add3A_779 = arith.constant 96 : i32
      %add3A_780 = arith.addi %add3A_779, %scan3A_346 : i32
      %get3A_781 = arith.index_cast %add3A_780 : i32 to index
      %get3A_782 = arith.constant 112 : index
      %get3A_783 = tpu.vector_load %arg5[%get3A_781, %get3A_782] {strides = array<i32>} : memref<256x128xf32, #tpu.memory_space<vmem>>, vector<1x16xf32>,
      %get3A_784 = vector.shape_cast %get3A_783 : vector<1x16xf32> to vector<16xf32>
      %get3A_785 = arith.constant 0 : i32
      %get3A_786 = arith.index_cast %get3A_785 : i32 to index
      %get3A_787 = arith.index_cast %scan3A_346 : i32 to index
      %get3A_788 = arith.constant 112 : index
      %get3A_789 = tpu.vector_load %arg9[%get3A_786, %get3A_787, %get3A_788] {strides = array<i32>} : memref<4x32x128xf32, #tpu.memory_space<vmem>>, vector<1x1x16xf32>,
      %get3A_790 = vector.shape_cast %get3A_789 : vector<1x1x16xf32> to vector<16xf32>
      %add3A_791 = arith.addf %get3A_790, %get3A_784 : vector<16xf32>
      %swap3A_792 = arith.constant 0 : i32
      %swap3A_793 = arith.index_cast %swap3A_792 : i32 to index
      %swap3A_794 = arith.index_cast %scan3A_346 : i32 to index
      %swap3A_795 = arith.constant 112 : index
      %swap3A_796 = tpu.vector_load %arg9[%swap3A_793, %swap3A_794, %swap3A_795] {strides = array<i32>} : memref<4x32x128xf32, #tpu.memory_space<vmem>>, vector<1x1x16xf32>,
      %swap3A_797 = vector.shape_cast %swap3A_796 : vector<1x1x16xf32> to vector<16xf32>
      %swap3A_798 = vector.shape_cast %add3A_791 : vector<16xf32> to vector<1x1x16xf32>
      tpu.vector_store %arg9[%swap3A_793, %swap3A_794, %swap3A_795], %swap3A_798 {strides = array<i32>} : memref<4x32x128xf32, #tpu.memory_space<vmem>>, vector<1x1x16xf32>,
      %get3A_799 = arith.constant 1 : i32
      %get3A_800 = arith.index_cast %get3A_799 : i32 to index
      %get3A_801 = arith.index_cast %scan3A_346 : i32 to index
      %get3A_802 = arith.constant 112 : index
      %get3A_803 = tpu.vector_load %arg9[%get3A_800, %get3A_801, %get3A_802] {strides = array<i32>} : memref<4x32x128xf32, #tpu.memory_space<vmem>>, vector<1x1x16xf32>,
      %get3A_804 = vector.shape_cast %get3A_803 : vector<1x1x16xf32> to vector<16xf32>
      %add3A_805 = arith.addf %get3A_804, %get3A_784 : vector<16xf32>
      %swap3A_806 = arith.constant 1 : i32
      %swap3A_807 = arith.index_cast %swap3A_806 : i32 to index
      %swap3A_808 = arith.index_cast %scan3A_346 : i32 to index
      %swap3A_809 = arith.constant 112 : index
      %swap3A_810 = tpu.vector_load %arg9[%swap3A_807, %swap3A_808, %swap3A_809] {strides = array<i32>} : memref<4x32x128xf32, #tpu.memory_space<vmem>>, vector<1x1x16xf32>,
      %swap3A_811 = vector.shape_cast %swap3A_810 : vector<1x1x16xf32> to vector<16xf32>
      %swap3A_812 = vector.shape_cast %add3A_805 : vector<16xf32> to vector<1x1x16xf32>
      tpu.vector_store %arg9[%swap3A_807, %swap3A_808, %swap3A_809], %swap3A_812 {strides = array<i32>} : memref<4x32x128xf32, #tpu.memory_space<vmem>>, vector<1x1x16xf32>,
      %get3A_813 = arith.constant 2 : i32
      %get3A_814 = arith.index_cast %get3A_813 : i32 to index
      %get3A_815 = arith.index_cast %scan3A_346 : i32 to index
      %get3A_816 = arith.constant 112 : index
      %get3A_817 = tpu.vector_load %arg9[%get3A_814, %get3A_815, %get3A_816] {strides = array<i32>} : memref<4x32x128xf32, #tpu.memory_space<vmem>>, vector<1x1x16xf32>,
      %get3A_818 = vector.shape_cast %get3A_817 : vector<1x1x16xf32> to vector<16xf32>
      %add3A_819 = arith.addf %get3A_818, %get3A_784 : vector<16xf32>
      %swap3A_820 = arith.constant 2 : i32
      %swap3A_821 = arith.index_cast %swap3A_820 : i32 to index
      %swap3A_822 = arith.index_cast %scan3A_346 : i32 to index
      %swap3A_823 = arith.constant 112 : index
      %swap3A_824 = tpu.vector_load %arg9[%swap3A_821, %swap3A_822, %swap3A_823] {strides = array<i32>} : memref<4x32x128xf32, #tpu.memory_space<vmem>>, vector<1x1x16xf32>,
      %swap3A_825 = vector.shape_cast %swap3A_824 : vector<1x1x16xf32> to vector<16xf32>
      %swap3A_826 = vector.shape_cast %add3A_819 : vector<16xf32> to vector<1x1x16xf32>
      tpu.vector_store %arg9[%swap3A_821, %swap3A_822, %swap3A_823], %swap3A_826 {strides = array<i32>} : memref<4x32x128xf32, #tpu.memory_space<vmem>>, vector<1x1x16xf32>,
      %get3A_827 = arith.constant 3 : i32
      %get3A_828 = arith.index_cast %get3A_827 : i32 to index
      %get3A_829 = arith.index_cast %scan3A_346 : i32 to index
      %get3A_830 = arith.constant 112 : index
      %get3A_831 = tpu.vector_load %arg9[%get3A_828, %get3A_829, %get3A_830] {strides = array<i32>} : memref<4x32x128xf32, #tpu.memory_space<vmem>>, vector<1x1x16xf32>,
      %get3A_832 = vector.shape_cast %get3A_831 : vector<1x1x16xf32> to vector<16xf32>
      %add3A_833 = arith.addf %get3A_832, %get3A_784 : vector<16xf32>
      %swap3A_834 = arith.constant 3 : i32
      %swap3A_835 = arith.index_cast %swap3A_834 : i32 to index
      %swap3A_836 = arith.index_cast %scan3A_346 : i32 to index
      %swap3A_837 = arith.constant 112 : index
      %swap3A_838 = tpu.vector_load %arg9[%swap3A_835, %swap3A_836, %swap3A_837] {strides = array<i32>} : memref<4x32x128xf32, #tpu.memory_space<vmem>>, vector<1x1x16xf32>,
      %swap3A_839 = vector.shape_cast %swap3A_838 : vector<1x1x16xf32> to vector<16xf32>
      %swap3A_840 = vector.shape_cast %add3A_833 : vector<16xf32> to vector<1x1x16xf32>
      tpu.vector_store %arg9[%swap3A_835, %swap3A_836, %swap3A_837], %swap3A_840 {strides = array<i32>} : memref<4x32x128xf32, #tpu.memory_space<vmem>>, vector<1x1x16xf32>,
    }
    %scan3A_183 = arith.constant 32 : i32
    %add3A_184 = arith.constant 96 : i32
    %add3A_185 = arith.addi %mul3A_2, %add3A_184 : i32
    %dma_start3A_186 = arith.constant 0 : i32
    %dma_start3A_187 = arith.constant 0 : i32
    %dma_start3A_188 = tpu.memref_slice %arg4[%dma_start3A_186, %add3A_185, %dma_start3A_187] : memref<4x8192x128xf32, #tpu.memory_space<hbm>> -> memref<4x32x128xf32, #tpu.memory_space<hbm>>
    %dma_start3A_189 = arith.constant 0 : i32
    %dma_start3A_190 = arith.constant 0 : i32
    %dma_start3A_191 = tpu.memref_slice %arg4[%dma_start3A_189, %add3A_185, %dma_start3A_190] : memref<4x8192x128xf32, #tpu.memory_space<hbm>> -> memref<4x32x128xf32, #tpu.memory_space<hbm>>
    tpu.enqueue_dma source(%arg9 : memref<4x32x128xf32, #tpu.memory_space<vmem>>) target(%dma_start3A_191 : memref<4x32x128xf32, #tpu.memory_space<hbm>>) target_semaphore(%arg21 : memref<!tpu.dma_semaphore, #tpu.memory_space<semaphore_mem>>)
    %add3A_192 = arith.constant 64 : i32
    %add3A_193 = arith.addi %mul3A_2, %add3A_192 : i32
    %dma_wait3A_194 = arith.constant 0 : i32
    %dma_wait3A_195 = arith.constant 0 : i32
    %dma_wait3A_196 = tpu.memref_slice %arg4[%dma_wait3A_194, %add3A_193, %dma_wait3A_195] : memref<4x8192x128xf32, #tpu.memory_space<hbm>> -> memref<4x32x128xf32, #tpu.memory_space<hbm>>
    %dma_wait3A_197 = arith.constant 0 : i32
    %dma_wait3A_198 = arith.constant 0 : i32
    %dma_wait3A_199 = tpu.memref_slice %arg4[%dma_wait3A_197, %add3A_193, %dma_wait3A_198] : memref<4x8192x128xf32, #tpu.memory_space<hbm>> -> memref<4x32x128xf32, #tpu.memory_space<hbm>>
    tpu.wait_dma2 semaphore(%arg20 : memref<!tpu.dma_semaphore, #tpu.memory_space<semaphore_mem>>) src(%arg8 : memref<4x32x128xf32, #tpu.memory_space<vmem>>) dst(%dma_wait3A_199 : memref<4x32x128xf32, #tpu.memory_space<hbm>>)
    %add3A_200 = arith.constant 224 : i32
    %add3A_201 = arith.addi %mul3A_2, %add3A_200 : i32
    %dma_start3A_202 = arith.constant 0 : i32
    %dma_start3A_203 = arith.constant 0 : i32
    %dma_start3A_204 = tpu.memref_slice %arg2[%dma_start3A_202, %add3A_201, %dma_start3A_203] : memref<4x8192x128xf32, #tpu.memory_space<hbm>> -> memref<4x32x128xf32, #tpu.memory_space<hbm>>
    %dma_start3A_205 = arith.constant 0 : i32
    %dma_start3A_206 = arith.constant 0 : i32
    %dma_start3A_207 = tpu.memref_slice %arg2[%dma_start3A_205, %add3A_201, %dma_start3A_206] : memref<4x8192x128xf32, #tpu.memory_space<hbm>> -> memref<4x32x128xf32, #tpu.memory_space<hbm>>
    tpu.enqueue_dma source(%dma_start3A_207 : memref<4x32x128xf32, #tpu.memory_space<hbm>>) target(%arg8 : memref<4x32x128xf32, #tpu.memory_space<vmem>>) target_semaphore(%arg15 : memref<!tpu.dma_semaphore, #tpu.memory_space<semaphore_mem>>)
    %add3A_208 = arith.constant 128 : i32
    %add3A_209 = arith.addi %mul3A_2, %add3A_208 : i32
    %dma_wait3A_210 = arith.constant 0 : i32
    %dma_wait3A_211 = arith.constant 0 : i32
    %dma_wait3A_212 = tpu.memref_slice %arg2[%dma_wait3A_210, %add3A_209, %dma_wait3A_211] : memref<4x8192x128xf32, #tpu.memory_space<hbm>> -> memref<4x32x128xf32, #tpu.memory_space<hbm>>
    %dma_wait3A_213 = arith.constant 0 : i32
    %dma_wait3A_214 = arith.constant 0 : i32
    %dma_wait3A_215 = tpu.memref_slice %arg2[%dma_wait3A_213, %add3A_209, %dma_wait3A_214] : memref<4x8192x128xf32, #tpu.memory_space<hbm>> -> memref<4x32x128xf32, #tpu.memory_space<hbm>>
    tpu.wait_dma2 semaphore(%arg17 : memref<!tpu.dma_semaphore, #tpu.memory_space<semaphore_mem>>) src(%dma_wait3A_215 : memref<4x32x128xf32, #tpu.memory_space<hbm>>) dst(%arg10 : memref<4x32x128xf32, #tpu.memory_space<vmem>>)
    %dma_wait3A_216 = arith.constant 128 : i32
    %dma_wait3A_217 = arith.constant 0 : i32
    %dma_wait3A_218 = tpu.memref_slice %arg5[%dma_wait3A_216, %dma_wait3A_217] : memref<256x128xf32, #tpu.memory_space<vmem>> -> memref<128x128xf32, #tpu.memory_space<vmem>>
    %dma_wait3A_219 = arith.constant 0 : i32
    %dma_wait3A_220 = tpu.memref_slice %arg3[%add3A_4, %dma_wait3A_219] : memref<8192x128xf32, #tpu.memory_space<hbm>> -> memref<128x128xf32, #tpu.memory_space<hbm>>
    %dma_wait3A_221 = arith.constant 128 : i32
    %dma_wait3A_222 = arith.constant 0 : i32
    %dma_wait3A_223 = tpu.memref_slice %arg5[%dma_wait3A_221, %dma_wait3A_222] : memref<256x128xf32, #tpu.memory_space<vmem>> -> memref<128x128xf32, #tpu.memory_space<vmem>>
    %dma_wait3A_224 = arith.constant 0 : i32
    %dma_wait3A_225 = tpu.memref_slice %arg3[%add3A_4, %dma_wait3A_224] : memref<8192x128xf32, #tpu.memory_space<hbm>> -> memref<128x128xf32, #tpu.memory_space<hbm>>
    tpu.wait_dma2 semaphore(%arg12 : memref<!tpu.dma_semaphore, #tpu.memory_space<semaphore_mem>>) src(%dma_wait3A_225 : memref<128x128xf32, #tpu.memory_space<hbm>>) dst(%dma_wait3A_223 : memref<128x128xf32, #tpu.memory_space<vmem>>)
    %scan3A_226 = arith.constant 0 : i32
    %scan3A_227 = arith.constant 0 : i32
    %scan3A_228 = arith.constant 32 : i32
    %scan3A_229 = arith.addi %scan3A_227, %scan3A_228 : i32
    %scan3A_230 = arith.constant 1 : i32
    scf.for %scan3A_346 = %scan3A_227 to %scan3A_229 step %scan3A_230  : i32 {
      %add3A_347 = arith.constant 128 : i32
      %add3A_348 = arith.addi %add3A_347, %scan3A_346 : i32
      %get3A = arith.index_cast %add3A_348 : i32 to index
      %get3A_349 = arith.constant 0 : index
      %get3A_350 = tpu.vector_load %arg5[%get3A, %get3A_349] {strides = array<i32>} : memref<256x128xf32, #tpu.memory_space<vmem>>, vector<1x16xf32>,
      %get3A_351 = vector.shape_cast %get3A_350 : vector<1x16xf32> to vector<16xf32>
      %get3A_352 = arith.constant 0 : i32
      %get3A_353 = arith.index_cast %get3A_352 : i32 to index
      %get3A_354 = arith.index_cast %scan3A_346 : i32 to index
      %get3A_355 = arith.constant 0 : index
      %get3A_356 = tpu.vector_load %arg10[%get3A_353, %get3A_354, %get3A_355] {strides = array<i32>} : memref<4x32x128xf32, #tpu.memory_space<vmem>>, vector<1x1x16xf32>,
      %get3A_357 = vector.shape_cast %get3A_356 : vector<1x1x16xf32> to vector<16xf32>
      %add3A_358 = arith.addf %get3A_357, %get3A_351 : vector<16xf32>
      %swap3A = arith.constant 0 : i32
      %swap3A_359 = arith.index_cast %swap3A : i32 to index
      %swap3A_360 = arith.index_cast %scan3A_346 : i32 to index
      %swap3A_361 = arith.constant 0 : index
      %swap3A_362 = tpu.vector_load %arg10[%swap3A_359, %swap3A_360, %swap3A_361] {strides = array<i32>} : memref<4x32x128xf32, #tpu.memory_space<vmem>>, vector<1x1x16xf32>,
      %swap3A_363 = vector.shape_cast %swap3A_362 : vector<1x1x16xf32> to vector<16xf32>
      %swap3A_364 = vector.shape_cast %add3A_358 : vector<16xf32> to vector<1x1x16xf32>
      tpu.vector_store %arg10[%swap3A_359, %swap3A_360, %swap3A_361], %swap3A_364 {strides = array<i32>} : memref<4x32x128xf32, #tpu.memory_space<vmem>>, vector<1x1x16xf32>,
      %get3A_365 = arith.constant 1 : i32
      %get3A_366 = arith.index_cast %get3A_365 : i32 to index
      %get3A_367 = arith.index_cast %scan3A_346 : i32 to index
      %get3A_368 = arith.constant 0 : index
      %get3A_369 = tpu.vector_load %arg10[%get3A_366, %get3A_367, %get3A_368] {strides = array<i32>} : memref<4x32x128xf32, #tpu.memory_space<vmem>>, vector<1x1x16xf32>,
      %get3A_370 = vector.shape_cast %get3A_369 : vector<1x1x16xf32> to vector<16xf32>
      %add3A_371 = arith.addf %get3A_370, %get3A_351 : vector<16xf32>
      %swap3A_372 = arith.constant 1 : i32
      %swap3A_373 = arith.index_cast %swap3A_372 : i32 to index
      %swap3A_374 = arith.index_cast %scan3A_346 : i32 to index
      %swap3A_375 = arith.constant 0 : index
      %swap3A_376 = tpu.vector_load %arg10[%swap3A_373, %swap3A_374, %swap3A_375] {strides = array<i32>} : memref<4x32x128xf32, #tpu.memory_space<vmem>>, vector<1x1x16xf32>,
      %swap3A_377 = vector.shape_cast %swap3A_376 : vector<1x1x16xf32> to vector<16xf32>
      %swap3A_378 = vector.shape_cast %add3A_371 : vector<16xf32> to vector<1x1x16xf32>
      tpu.vector_store %arg10[%swap3A_373, %swap3A_374, %swap3A_375], %swap3A_378 {strides = array<i32>} : memref<4x32x128xf32, #tpu.memory_space<vmem>>, vector<1x1x16xf32>,
      %get3A_379 = arith.constant 2 : i32
      %get3A_380 = arith.index_cast %get3A_379 : i32 to index
      %get3A_381 = arith.index_cast %scan3A_346 : i32 to index
      %get3A_382 = arith.constant 0 : index
      %get3A_383 = tpu.vector_load %arg10[%get3A_380, %get3A_381, %get3A_382] {strides = array<i32>} : memref<4x32x128xf32, #tpu.memory_space<vmem>>, vector<1x1x16xf32>,
      %get3A_384 = vector.shape_cast %get3A_383 : vector<1x1x16xf32> to vector<16xf32>
      %add3A_385 = arith.addf %get3A_384, %get3A_351 : vector<16xf32>
      %swap3A_386 = arith.constant 2 : i32
      %swap3A_387 = arith.index_cast %swap3A_386 : i32 to index
      %swap3A_388 = arith.index_cast %scan3A_346 : i32 to index
      %swap3A_389 = arith.constant 0 : index
      %swap3A_390 = tpu.vector_load %arg10[%swap3A_387, %swap3A_388, %swap3A_389] {strides = array<i32>} : memref<4x32x128xf32, #tpu.memory_space<vmem>>, vector<1x1x16xf32>,
      %swap3A_391 = vector.shape_cast %swap3A_390 : vector<1x1x16xf32> to vector<16xf32>
      %swap3A_392 = vector.shape_cast %add3A_385 : vector<16xf32> to vector<1x1x16xf32>
      tpu.vector_store %arg10[%swap3A_387, %swap3A_388, %swap3A_389], %swap3A_392 {strides = array<i32>} : memref<4x32x128xf32, #tpu.memory_space<vmem>>, vector<1x1x16xf32>,
      %get3A_393 = arith.constant 3 : i32
      %get3A_394 = arith.index_cast %get3A_393 : i32 to index
      %get3A_395 = arith.index_cast %scan3A_346 : i32 to index
      %get3A_396 = arith.constant 0 : index
      %get3A_397 = tpu.vector_load %arg10[%get3A_394, %get3A_395, %get3A_396] {strides = array<i32>} : memref<4x32x128xf32, #tpu.memory_space<vmem>>, vector<1x1x16xf32>,
      %get3A_398 = vector.shape_cast %get3A_397 : vector<1x1x16xf32> to vector<16xf32>
      %add3A_399 = arith.addf %get3A_398, %get3A_351 : vector<16xf32>
      %swap3A_400 = arith.constant 3 : i32
      %swap3A_401 = arith.index_cast %swap3A_400 : i32 to index
      %swap3A_402 = arith.index_cast %scan3A_346 : i32 to index
      %swap3A_403 = arith.constant 0 : index
      %swap3A_404 = tpu.vector_load %arg10[%swap3A_401, %swap3A_402, %swap3A_403] {strides = array<i32>} : memref<4x32x128xf32, #tpu.memory_space<vmem>>, vector<1x1x16xf32>,
      %swap3A_405 = vector.shape_cast %swap3A_404 : vector<1x1x16xf32> to vector<16xf32>
      %swap3A_406 = vector.shape_cast %add3A_399 : vector<16xf32> to vector<1x1x16xf32>
      tpu.vector_store %arg10[%swap3A_401, %swap3A_402, %swap3A_403], %swap3A_406 {strides = array<i32>} : memref<4x32x128xf32, #tpu.memory_space<vmem>>, vector<1x1x16xf32>,
      %add3A_407 = arith.constant 128 : i32
      %add3A_408 = arith.addi %add3A_407, %scan3A_346 : i32
      %get3A_409 = arith.index_cast %add3A_408 : i32 to index
      %get3A_410 = arith.constant 16 : index
      %get3A_411 = tpu.vector_load %arg5[%get3A_409, %get3A_410] {strides = array<i32>} : memref<256x128xf32, #tpu.memory_space<vmem>>, vector<1x16xf32>,
      %get3A_412 = vector.shape_cast %get3A_411 : vector<1x16xf32> to vector<16xf32>
      %get3A_413 = arith.constant 0 : i32
      %get3A_414 = arith.index_cast %get3A_413 : i32 to index
      %get3A_415 = arith.index_cast %scan3A_346 : i32 to index
      %get3A_416 = arith.constant 16 : index
      %get3A_417 = tpu.vector_load %arg10[%get3A_414, %get3A_415, %get3A_416] {strides = array<i32>} : memref<4x32x128xf32, #tpu.memory_space<vmem>>, vector<1x1x16xf32>,
      %get3A_418 = vector.shape_cast %get3A_417 : vector<1x1x16xf32> to vector<16xf32>
      %add3A_419 = arith.addf %get3A_418, %get3A_412 : vector<16xf32>
      %swap3A_420 = arith.constant 0 : i32
      %swap3A_421 = arith.index_cast %swap3A_420 : i32 to index
      %swap3A_422 = arith.index_cast %scan3A_346 : i32 to index
      %swap3A_423 = arith.constant 16 : index
      %swap3A_424 = tpu.vector_load %arg10[%swap3A_421, %swap3A_422, %swap3A_423] {strides = array<i32>} : memref<4x32x128xf32, #tpu.memory_space<vmem>>, vector<1x1x16xf32>,
      %swap3A_425 = vector.shape_cast %swap3A_424 : vector<1x1x16xf32> to vector<16xf32>
      %swap3A_426 = vector.shape_cast %add3A_419 : vector<16xf32> to vector<1x1x16xf32>
      tpu.vector_store %arg10[%swap3A_421, %swap3A_422, %swap3A_423], %swap3A_426 {strides = array<i32>} : memref<4x32x128xf32, #tpu.memory_space<vmem>>, vector<1x1x16xf32>,
      %get3A_427 = arith.constant 1 : i32
      %get3A_428 = arith.index_cast %get3A_427 : i32 to index
      %get3A_429 = arith.index_cast %scan3A_346 : i32 to index
      %get3A_430 = arith.constant 16 : index
      %get3A_431 = tpu.vector_load %arg10[%get3A_428, %get3A_429, %get3A_430] {strides = array<i32>} : memref<4x32x128xf32, #tpu.memory_space<vmem>>, vector<1x1x16xf32>,
      %get3A_432 = vector.shape_cast %get3A_431 : vector<1x1x16xf32> to vector<16xf32>
      %add3A_433 = arith.addf %get3A_432, %get3A_412 : vector<16xf32>
      %swap3A_434 = arith.constant 1 : i32
      %swap3A_435 = arith.index_cast %swap3A_434 : i32 to index
      %swap3A_436 = arith.index_cast %scan3A_346 : i32 to index
      %swap3A_437 = arith.constant 16 : index
      %swap3A_438 = tpu.vector_load %arg10[%swap3A_435, %swap3A_436, %swap3A_437] {strides = array<i32>} : memref<4x32x128xf32, #tpu.memory_space<vmem>>, vector<1x1x16xf32>,
      %swap3A_439 = vector.shape_cast %swap3A_438 : vector<1x1x16xf32> to vector<16xf32>
      %swap3A_440 = vector.shape_cast %add3A_433 : vector<16xf32> to vector<1x1x16xf32>
      tpu.vector_store %arg10[%swap3A_435, %swap3A_436, %swap3A_437], %swap3A_440 {strides = array<i32>} : memref<4x32x128xf32, #tpu.memory_space<vmem>>, vector<1x1x16xf32>,
      %get3A_441 = arith.constant 2 : i32
      %get3A_442 = arith.index_cast %get3A_441 : i32 to index
      %get3A_443 = arith.index_cast %scan3A_346 : i32 to index
      %get3A_444 = arith.constant 16 : index
      %get3A_445 = tpu.vector_load %arg10[%get3A_442, %get3A_443, %get3A_444] {strides = array<i32>} : memref<4x32x128xf32, #tpu.memory_space<vmem>>, vector<1x1x16xf32>,
      %get3A_446 = vector.shape_cast %get3A_445 : vector<1x1x16xf32> to vector<16xf32>
      %add3A_447 = arith.addf %get3A_446, %get3A_412 : vector<16xf32>
      %swap3A_448 = arith.constant 2 : i32
      %swap3A_449 = arith.index_cast %swap3A_448 : i32 to index
      %swap3A_450 = arith.index_cast %scan3A_346 : i32 to index
      %swap3A_451 = arith.constant 16 : index
      %swap3A_452 = tpu.vector_load %arg10[%swap3A_449, %swap3A_450, %swap3A_451] {strides = array<i32>} : memref<4x32x128xf32, #tpu.memory_space<vmem>>, vector<1x1x16xf32>,
      %swap3A_453 = vector.shape_cast %swap3A_452 : vector<1x1x16xf32> to vector<16xf32>
      %swap3A_454 = vector.shape_cast %add3A_447 : vector<16xf32> to vector<1x1x16xf32>
      tpu.vector_store %arg10[%swap3A_449, %swap3A_450, %swap3A_451], %swap3A_454 {strides = array<i32>} : memref<4x32x128xf32, #tpu.memory_space<vmem>>, vector<1x1x16xf32>,
      %get3A_455 = arith.constant 3 : i32
      %get3A_456 = arith.index_cast %get3A_455 : i32 to index
      %get3A_457 = arith.index_cast %scan3A_346 : i32 to index
      %get3A_458 = arith.constant 16 : index
      %get3A_459 = tpu.vector_load %arg10[%get3A_456, %get3A_457, %get3A_458] {strides = array<i32>} : memref<4x32x128xf32, #tpu.memory_space<vmem>>, vector<1x1x16xf32>,
      %get3A_460 = vector.shape_cast %get3A_459 : vector<1x1x16xf32> to vector<16xf32>
      %add3A_461 = arith.addf %get3A_460, %get3A_412 : vector<16xf32>
      %swap3A_462 = arith.constant 3 : i32
      %swap3A_463 = arith.index_cast %swap3A_462 : i32 to index
      %swap3A_464 = arith.index_cast %scan3A_346 : i32 to index
      %swap3A_465 = arith.constant 16 : index
      %swap3A_466 = tpu.vector_load %arg10[%swap3A_463, %swap3A_464, %swap3A_465] {strides = array<i32>} : memref<4x32x128xf32, #tpu.memory_space<vmem>>, vector<1x1x16xf32>,
      %swap3A_467 = vector.shape_cast %swap3A_466 : vector<1x1x16xf32> to vector<16xf32>
      %swap3A_468 = vector.shape_cast %add3A_461 : vector<16xf32> to vector<1x1x16xf32>
      tpu.vector_store %arg10[%swap3A_463, %swap3A_464, %swap3A_465], %swap3A_468 {strides = array<i32>} : memref<4x32x128xf32, #tpu.memory_space<vmem>>, vector<1x1x16xf32>,
      %add3A_469 = arith.constant 128 : i32
      %add3A_470 = arith.addi %add3A_469, %scan3A_346 : i32
      %get3A_471 = arith.index_cast %add3A_470 : i32 to index
      %get3A_472 = arith.constant 32 : index
      %get3A_473 = tpu.vector_load %arg5[%get3A_471, %get3A_472] {strides = array<i32>} : memref<256x128xf32, #tpu.memory_space<vmem>>, vector<1x16xf32>,
      %get3A_474 = vector.shape_cast %get3A_473 : vector<1x16xf32> to vector<16xf32>
      %get3A_475 = arith.constant 0 : i32
      %get3A_476 = arith.index_cast %get3A_475 : i32 to index
      %get3A_477 = arith.index_cast %scan3A_346 : i32 to index
      %get3A_478 = arith.constant 32 : index
      %get3A_479 = tpu.vector_load %arg10[%get3A_476, %get3A_477, %get3A_478] {strides = array<i32>} : memref<4x32x128xf32, #tpu.memory_space<vmem>>, vector<1x1x16xf32>,
      %get3A_480 = vector.shape_cast %get3A_479 : vector<1x1x16xf32> to vector<16xf32>
      %add3A_481 = arith.addf %get3A_480, %get3A_474 : vector<16xf32>
      %swap3A_482 = arith.constant 0 : i32
      %swap3A_483 = arith.index_cast %swap3A_482 : i32 to index
      %swap3A_484 = arith.index_cast %scan3A_346 : i32 to index
      %swap3A_485 = arith.constant 32 : index
      %swap3A_486 = tpu.vector_load %arg10[%swap3A_483, %swap3A_484, %swap3A_485] {strides = array<i32>} : memref<4x32x128xf32, #tpu.memory_space<vmem>>, vector<1x1x16xf32>,
      %swap3A_487 = vector.shape_cast %swap3A_486 : vector<1x1x16xf32> to vector<16xf32>
      %swap3A_488 = vector.shape_cast %add3A_481 : vector<16xf32> to vector<1x1x16xf32>
      tpu.vector_store %arg10[%swap3A_483, %swap3A_484, %swap3A_485], %swap3A_488 {strides = array<i32>} : memref<4x32x128xf32, #tpu.memory_space<vmem>>, vector<1x1x16xf32>,
      %get3A_489 = arith.constant 1 : i32
      %get3A_490 = arith.index_cast %get3A_489 : i32 to index
      %get3A_491 = arith.index_cast %scan3A_346 : i32 to index
      %get3A_492 = arith.constant 32 : index
      %get3A_493 = tpu.vector_load %arg10[%get3A_490, %get3A_491, %get3A_492] {strides = array<i32>} : memref<4x32x128xf32, #tpu.memory_space<vmem>>, vector<1x1x16xf32>,
      %get3A_494 = vector.shape_cast %get3A_493 : vector<1x1x16xf32> to vector<16xf32>
      %add3A_495 = arith.addf %get3A_494, %get3A_474 : vector<16xf32>
      %swap3A_496 = arith.constant 1 : i32
      %swap3A_497 = arith.index_cast %swap3A_496 : i32 to index
      %swap3A_498 = arith.index_cast %scan3A_346 : i32 to index
      %swap3A_499 = arith.constant 32 : index
      %swap3A_500 = tpu.vector_load %arg10[%swap3A_497, %swap3A_498, %swap3A_499] {strides = array<i32>} : memref<4x32x128xf32, #tpu.memory_space<vmem>>, vector<1x1x16xf32>,
      %swap3A_501 = vector.shape_cast %swap3A_500 : vector<1x1x16xf32> to vector<16xf32>
      %swap3A_502 = vector.shape_cast %add3A_495 : vector<16xf32> to vector<1x1x16xf32>
      tpu.vector_store %arg10[%swap3A_497, %swap3A_498, %swap3A_499], %swap3A_502 {strides = array<i32>} : memref<4x32x128xf32, #tpu.memory_space<vmem>>, vector<1x1x16xf32>,
      %get3A_503 = arith.constant 2 : i32
      %get3A_504 = arith.index_cast %get3A_503 : i32 to index
      %get3A_505 = arith.index_cast %scan3A_346 : i32 to index
      %get3A_506 = arith.constant 32 : index
      %get3A_507 = tpu.vector_load %arg10[%get3A_504, %get3A_505, %get3A_506] {strides = array<i32>} : memref<4x32x128xf32, #tpu.memory_space<vmem>>, vector<1x1x16xf32>,
      %get3A_508 = vector.shape_cast %get3A_507 : vector<1x1x16xf32> to vector<16xf32>
      %add3A_509 = arith.addf %get3A_508, %get3A_474 : vector<16xf32>
      %swap3A_510 = arith.constant 2 : i32
      %swap3A_511 = arith.index_cast %swap3A_510 : i32 to index
      %swap3A_512 = arith.index_cast %scan3A_346 : i32 to index
      %swap3A_513 = arith.constant 32 : index
      %swap3A_514 = tpu.vector_load %arg10[%swap3A_511, %swap3A_512, %swap3A_513] {strides = array<i32>} : memref<4x32x128xf32, #tpu.memory_space<vmem>>, vector<1x1x16xf32>,
      %swap3A_515 = vector.shape_cast %swap3A_514 : vector<1x1x16xf32> to vector<16xf32>
      %swap3A_516 = vector.shape_cast %add3A_509 : vector<16xf32> to vector<1x1x16xf32>
      tpu.vector_store %arg10[%swap3A_511, %swap3A_512, %swap3A_513], %swap3A_516 {strides = array<i32>} : memref<4x32x128xf32, #tpu.memory_space<vmem>>, vector<1x1x16xf32>,
      %get3A_517 = arith.constant 3 : i32
      %get3A_518 = arith.index_cast %get3A_517 : i32 to index
      %get3A_519 = arith.index_cast %scan3A_346 : i32 to index
      %get3A_520 = arith.constant 32 : index
      %get3A_521 = tpu.vector_load %arg10[%get3A_518, %get3A_519, %get3A_520] {strides = array<i32>} : memref<4x32x128xf32, #tpu.memory_space<vmem>>, vector<1x1x16xf32>,
      %get3A_522 = vector.shape_cast %get3A_521 : vector<1x1x16xf32> to vector<16xf32>
      %add3A_523 = arith.addf %get3A_522, %get3A_474 : vector<16xf32>
      %swap3A_524 = arith.constant 3 : i32
      %swap3A_525 = arith.index_cast %swap3A_524 : i32 to index
      %swap3A_526 = arith.index_cast %scan3A_346 : i32 to index
      %swap3A_527 = arith.constant 32 : index
      %swap3A_528 = tpu.vector_load %arg10[%swap3A_525, %swap3A_526, %swap3A_527] {strides = array<i32>} : memref<4x32x128xf32, #tpu.memory_space<vmem>>, vector<1x1x16xf32>,
      %swap3A_529 = vector.shape_cast %swap3A_528 : vector<1x1x16xf32> to vector<16xf32>
      %swap3A_530 = vector.shape_cast %add3A_523 : vector<16xf32> to vector<1x1x16xf32>
      tpu.vector_store %arg10[%swap3A_525, %swap3A_526, %swap3A_527], %swap3A_530 {strides = array<i32>} : memref<4x32x128xf32, #tpu.memory_space<vmem>>, vector<1x1x16xf32>,
      %add3A_531 = arith.constant 128 : i32
      %add3A_532 = arith.addi %add3A_531, %scan3A_346 : i32
      %get3A_533 = arith.index_cast %add3A_532 : i32 to index
      %get3A_534 = arith.constant 48 : index
      %get3A_535 = tpu.vector_load %arg5[%get3A_533, %get3A_534] {strides = array<i32>} : memref<256x128xf32, #tpu.memory_space<vmem>>, vector<1x16xf32>,
      %get3A_536 = vector.shape_cast %get3A_535 : vector<1x16xf32> to vector<16xf32>
      %get3A_537 = arith.constant 0 : i32
      %get3A_538 = arith.index_cast %get3A_537 : i32 to index
      %get3A_539 = arith.index_cast %scan3A_346 : i32 to index
      %get3A_540 = arith.constant 48 : index
      %get3A_541 = tpu.vector_load %arg10[%get3A_538, %get3A_539, %get3A_540] {strides = array<i32>} : memref<4x32x128xf32, #tpu.memory_space<vmem>>, vector<1x1x16xf32>,
      %get3A_542 = vector.shape_cast %get3A_541 : vector<1x1x16xf32> to vector<16xf32>
      %add3A_543 = arith.addf %get3A_542, %get3A_536 : vector<16xf32>
      %swap3A_544 = arith.constant 0 : i32
      %swap3A_545 = arith.index_cast %swap3A_544 : i32 to index
      %swap3A_546 = arith.index_cast %scan3A_346 : i32 to index
      %swap3A_547 = arith.constant 48 : index
      %swap3A_548 = tpu.vector_load %arg10[%swap3A_545, %swap3A_546, %swap3A_547] {strides = array<i32>} : memref<4x32x128xf32, #tpu.memory_space<vmem>>, vector<1x1x16xf32>,
      %swap3A_549 = vector.shape_cast %swap3A_548 : vector<1x1x16xf32> to vector<16xf32>
      %swap3A_550 = vector.shape_cast %add3A_543 : vector<16xf32> to vector<1x1x16xf32>
      tpu.vector_store %arg10[%swap3A_545, %swap3A_546, %swap3A_547], %swap3A_550 {strides = array<i32>} : memref<4x32x128xf32, #tpu.memory_space<vmem>>, vector<1x1x16xf32>,
      %get3A_551 = arith.constant 1 : i32
      %get3A_552 = arith.index_cast %get3A_551 : i32 to index
      %get3A_553 = arith.index_cast %scan3A_346 : i32 to index
      %get3A_554 = arith.constant 48 : index
      %get3A_555 = tpu.vector_load %arg10[%get3A_552, %get3A_553, %get3A_554] {strides = array<i32>} : memref<4x32x128xf32, #tpu.memory_space<vmem>>, vector<1x1x16xf32>,
      %get3A_556 = vector.shape_cast %get3A_555 : vector<1x1x16xf32> to vector<16xf32>
      %add3A_557 = arith.addf %get3A_556, %get3A_536 : vector<16xf32>
      %swap3A_558 = arith.constant 1 : i32
      %swap3A_559 = arith.index_cast %swap3A_558 : i32 to index
      %swap3A_560 = arith.index_cast %scan3A_346 : i32 to index
      %swap3A_561 = arith.constant 48 : index
      %swap3A_562 = tpu.vector_load %arg10[%swap3A_559, %swap3A_560, %swap3A_561] {strides = array<i32>} : memref<4x32x128xf32, #tpu.memory_space<vmem>>, vector<1x1x16xf32>,
      %swap3A_563 = vector.shape_cast %swap3A_562 : vector<1x1x16xf32> to vector<16xf32>
      %swap3A_564 = vector.shape_cast %add3A_557 : vector<16xf32> to vector<1x1x16xf32>
      tpu.vector_store %arg10[%swap3A_559, %swap3A_560, %swap3A_561], %swap3A_564 {strides = array<i32>} : memref<4x32x128xf32, #tpu.memory_space<vmem>>, vector<1x1x16xf32>,
      %get3A_565 = arith.constant 2 : i32
      %get3A_566 = arith.index_cast %get3A_565 : i32 to index
      %get3A_567 = arith.index_cast %scan3A_346 : i32 to index
      %get3A_568 = arith.constant 48 : index
      %get3A_569 = tpu.vector_load %arg10[%get3A_566, %get3A_567, %get3A_568] {strides = array<i32>} : memref<4x32x128xf32, #tpu.memory_space<vmem>>, vector<1x1x16xf32>,
      %get3A_570 = vector.shape_cast %get3A_569 : vector<1x1x16xf32> to vector<16xf32>
      %add3A_571 = arith.addf %get3A_570, %get3A_536 : vector<16xf32>
      %swap3A_572 = arith.constant 2 : i32
      %swap3A_573 = arith.index_cast %swap3A_572 : i32 to index
      %swap3A_574 = arith.index_cast %scan3A_346 : i32 to index
      %swap3A_575 = arith.constant 48 : index
      %swap3A_576 = tpu.vector_load %arg10[%swap3A_573, %swap3A_574, %swap3A_575] {strides = array<i32>} : memref<4x32x128xf32, #tpu.memory_space<vmem>>, vector<1x1x16xf32>,
      %swap3A_577 = vector.shape_cast %swap3A_576 : vector<1x1x16xf32> to vector<16xf32>
      %swap3A_578 = vector.shape_cast %add3A_571 : vector<16xf32> to vector<1x1x16xf32>
      tpu.vector_store %arg10[%swap3A_573, %swap3A_574, %swap3A_575], %swap3A_578 {strides = array<i32>} : memref<4x32x128xf32, #tpu.memory_space<vmem>>, vector<1x1x16xf32>,
      %get3A_579 = arith.constant 3 : i32
      %get3A_580 = arith.index_cast %get3A_579 : i32 to index
      %get3A_581 = arith.index_cast %scan3A_346 : i32 to index
      %get3A_582 = arith.constant 48 : index
      %get3A_583 = tpu.vector_load %arg10[%get3A_580, %get3A_581, %get3A_582] {strides = array<i32>} : memref<4x32x128xf32, #tpu.memory_space<vmem>>, vector<1x1x16xf32>,
      %get3A_584 = vector.shape_cast %get3A_583 : vector<1x1x16xf32> to vector<16xf32>
      %add3A_585 = arith.addf %get3A_584, %get3A_536 : vector<16xf32>
      %swap3A_586 = arith.constant 3 : i32
      %swap3A_587 = arith.index_cast %swap3A_586 : i32 to index
      %swap3A_588 = arith.index_cast %scan3A_346 : i32 to index
      %swap3A_589 = arith.constant 48 : index
      %swap3A_590 = tpu.vector_load %arg10[%swap3A_587, %swap3A_588, %swap3A_589] {strides = array<i32>} : memref<4x32x128xf32, #tpu.memory_space<vmem>>, vector<1x1x16xf32>,
      %swap3A_591 = vector.shape_cast %swap3A_590 : vector<1x1x16xf32> to vector<16xf32>
      %swap3A_592 = vector.shape_cast %add3A_585 : vector<16xf32> to vector<1x1x16xf32>
      tpu.vector_store %arg10[%swap3A_587, %swap3A_588, %swap3A_589], %swap3A_592 {strides = array<i32>} : memref<4x32x128xf32, #tpu.memory_space<vmem>>, vector<1x1x16xf32>,
      %add3A_593 = arith.constant 128 : i32
      %add3A_594 = arith.addi %add3A_593, %scan3A_346 : i32
      %get3A_595 = arith.index_cast %add3A_594 : i32 to index
      %get3A_596 = arith.constant 64 : index
      %get3A_597 = tpu.vector_load %arg5[%get3A_595, %get3A_596] {strides = array<i32>} : memref<256x128xf32, #tpu.memory_space<vmem>>, vector<1x16xf32>,
      %get3A_598 = vector.shape_cast %get3A_597 : vector<1x16xf32> to vector<16xf32>
      %get3A_599 = arith.constant 0 : i32
      %get3A_600 = arith.index_cast %get3A_599 : i32 to index
      %get3A_601 = arith.index_cast %scan3A_346 : i32 to index
      %get3A_602 = arith.constant 64 : index
      %get3A_603 = tpu.vector_load %arg10[%get3A_600, %get3A_601, %get3A_602] {strides = array<i32>} : memref<4x32x128xf32, #tpu.memory_space<vmem>>, vector<1x1x16xf32>,
      %get3A_604 = vector.shape_cast %get3A_603 : vector<1x1x16xf32> to vector<16xf32>
      %add3A_605 = arith.addf %get3A_604, %get3A_598 : vector<16xf32>
      %swap3A_606 = arith.constant 0 : i32
      %swap3A_607 = arith.index_cast %swap3A_606 : i32 to index
      %swap3A_608 = arith.index_cast %scan3A_346 : i32 to index
      %swap3A_609 = arith.constant 64 : index
      %swap3A_610 = tpu.vector_load %arg10[%swap3A_607, %swap3A_608, %swap3A_609] {strides = array<i32>} : memref<4x32x128xf32, #tpu.memory_space<vmem>>, vector<1x1x16xf32>,
      %swap3A_611 = vector.shape_cast %swap3A_610 : vector<1x1x16xf32> to vector<16xf32>
      %swap3A_612 = vector.shape_cast %add3A_605 : vector<16xf32> to vector<1x1x16xf32>
      tpu.vector_store %arg10[%swap3A_607, %swap3A_608, %swap3A_609], %swap3A_612 {strides = array<i32>} : memref<4x32x128xf32, #tpu.memory_space<vmem>>, vector<1x1x16xf32>,
      %get3A_613 = arith.constant 1 : i32
      %get3A_614 = arith.index_cast %get3A_613 : i32 to index
      %get3A_615 = arith.index_cast %scan3A_346 : i32 to index
      %get3A_616 = arith.constant 64 : index
      %get3A_617 = tpu.vector_load %arg10[%get3A_614, %get3A_615, %get3A_616] {strides = array<i32>} : memref<4x32x128xf32, #tpu.memory_space<vmem>>, vector<1x1x16xf32>,
      %get3A_618 = vector.shape_cast %get3A_617 : vector<1x1x16xf32> to vector<16xf32>
      %add3A_619 = arith.addf %get3A_618, %get3A_598 : vector<16xf32>
      %swap3A_620 = arith.constant 1 : i32
      %swap3A_621 = arith.index_cast %swap3A_620 : i32 to index
      %swap3A_622 = arith.index_cast %scan3A_346 : i32 to index
      %swap3A_623 = arith.constant 64 : index
      %swap3A_624 = tpu.vector_load %arg10[%swap3A_621, %swap3A_622, %swap3A_623] {strides = array<i32>} : memref<4x32x128xf32, #tpu.memory_space<vmem>>, vector<1x1x16xf32>,
      %swap3A_625 = vector.shape_cast %swap3A_624 : vector<1x1x16xf32> to vector<16xf32>
      %swap3A_626 = vector.shape_cast %add3A_619 : vector<16xf32> to vector<1x1x16xf32>
      tpu.vector_store %arg10[%swap3A_621, %swap3A_622, %swap3A_623], %swap3A_626 {strides = array<i32>} : memref<4x32x128xf32, #tpu.memory_space<vmem>>, vector<1x1x16xf32>,
      %get3A_627 = arith.constant 2 : i32
      %get3A_628 = arith.index_cast %get3A_627 : i32 to index
      %get3A_629 = arith.index_cast %scan3A_346 : i32 to index
      %get3A_630 = arith.constant 64 : index
      %get3A_631 = tpu.vector_load %arg10[%get3A_628, %get3A_629, %get3A_630] {strides = array<i32>} : memref<4x32x128xf32, #tpu.memory_space<vmem>>, vector<1x1x16xf32>,
      %get3A_632 = vector.shape_cast %get3A_631 : vector<1x1x16xf32> to vector<16xf32>
      %add3A_633 = arith.addf %get3A_632, %get3A_598 : vector<16xf32>
      %swap3A_634 = arith.constant 2 : i32
      %swap3A_635 = arith.index_cast %swap3A_634 : i32 to index
      %swap3A_636 = arith.index_cast %scan3A_346 : i32 to index
      %swap3A_637 = arith.constant 64 : index
      %swap3A_638 = tpu.vector_load %arg10[%swap3A_635, %swap3A_636, %swap3A_637] {strides = array<i32>} : memref<4x32x128xf32, #tpu.memory_space<vmem>>, vector<1x1x16xf32>,
      %swap3A_639 = vector.shape_cast %swap3A_638 : vector<1x1x16xf32> to vector<16xf32>
      %swap3A_640 = vector.shape_cast %add3A_633 : vector<16xf32> to vector<1x1x16xf32>
      tpu.vector_store %arg10[%swap3A_635, %swap3A_636, %swap3A_637], %swap3A_640 {strides = array<i32>} : memref<4x32x128xf32, #tpu.memory_space<vmem>>, vector<1x1x16xf32>,
      %get3A_641 = arith.constant 3 : i32
      %get3A_642 = arith.index_cast %get3A_641 : i32 to index
      %get3A_643 = arith.index_cast %scan3A_346 : i32 to index
      %get3A_644 = arith.constant 64 : index
      %get3A_645 = tpu.vector_load %arg10[%get3A_642, %get3A_643, %get3A_644] {strides = array<i32>} : memref<4x32x128xf32, #tpu.memory_space<vmem>>, vector<1x1x16xf32>,
      %get3A_646 = vector.shape_cast %get3A_645 : vector<1x1x16xf32> to vector<16xf32>
      %add3A_647 = arith.addf %get3A_646, %get3A_598 : vector<16xf32>
      %swap3A_648 = arith.constant 3 : i32
      %swap3A_649 = arith.index_cast %swap3A_648 : i32 to index
      %swap3A_650 = arith.index_cast %scan3A_346 : i32 to index
      %swap3A_651 = arith.constant 64 : index
      %swap3A_652 = tpu.vector_load %arg10[%swap3A_649, %swap3A_650, %swap3A_651] {strides = array<i32>} : memref<4x32x128xf32, #tpu.memory_space<vmem>>, vector<1x1x16xf32>,
      %swap3A_653 = vector.shape_cast %swap3A_652 : vector<1x1x16xf32> to vector<16xf32>
      %swap3A_654 = vector.shape_cast %add3A_647 : vector<16xf32> to vector<1x1x16xf32>
      tpu.vector_store %arg10[%swap3A_649, %swap3A_650, %swap3A_651], %swap3A_654 {strides = array<i32>} : memref<4x32x128xf32, #tpu.memory_space<vmem>>, vector<1x1x16xf32>,
      %add3A_655 = arith.constant 128 : i32
      %add3A_656 = arith.addi %add3A_655, %scan3A_346 : i32
      %get3A_657 = arith.index_cast %add3A_656 : i32 to index
      %get3A_658 = arith.constant 80 : index
      %get3A_659 = tpu.vector_load %arg5[%get3A_657, %get3A_658] {strides = array<i32>} : memref<256x128xf32, #tpu.memory_space<vmem>>, vector<1x16xf32>,
      %get3A_660 = vector.shape_cast %get3A_659 : vector<1x16xf32> to vector<16xf32>
      %get3A_661 = arith.constant 0 : i32
      %get3A_662 = arith.index_cast %get3A_661 : i32 to index
      %get3A_663 = arith.index_cast %scan3A_346 : i32 to index
      %get3A_664 = arith.constant 80 : index
      %get3A_665 = tpu.vector_load %arg10[%get3A_662, %get3A_663, %get3A_664] {strides = array<i32>} : memref<4x32x128xf32, #tpu.memory_space<vmem>>, vector<1x1x16xf32>,
      %get3A_666 = vector.shape_cast %get3A_665 : vector<1x1x16xf32> to vector<16xf32>
      %add3A_667 = arith.addf %get3A_666, %get3A_660 : vector<16xf32>
      %swap3A_668 = arith.constant 0 : i32
      %swap3A_669 = arith.index_cast %swap3A_668 : i32 to index
      %swap3A_670 = arith.index_cast %scan3A_346 : i32 to index
      %swap3A_671 = arith.constant 80 : index
      %swap3A_672 = tpu.vector_load %arg10[%swap3A_669, %swap3A_670, %swap3A_671] {strides = array<i32>} : memref<4x32x128xf32, #tpu.memory_space<vmem>>, vector<1x1x16xf32>,
      %swap3A_673 = vector.shape_cast %swap3A_672 : vector<1x1x16xf32> to vector<16xf32>
      %swap3A_674 = vector.shape_cast %add3A_667 : vector<16xf32> to vector<1x1x16xf32>
      tpu.vector_store %arg10[%swap3A_669, %swap3A_670, %swap3A_671], %swap3A_674 {strides = array<i32>} : memref<4x32x128xf32, #tpu.memory_space<vmem>>, vector<1x1x16xf32>,
      %get3A_675 = arith.constant 1 : i32
      %get3A_676 = arith.index_cast %get3A_675 : i32 to index
      %get3A_677 = arith.index_cast %scan3A_346 : i32 to index
      %get3A_678 = arith.constant 80 : index
      %get3A_679 = tpu.vector_load %arg10[%get3A_676, %get3A_677, %get3A_678] {strides = array<i32>} : memref<4x32x128xf32, #tpu.memory_space<vmem>>, vector<1x1x16xf32>,
      %get3A_680 = vector.shape_cast %get3A_679 : vector<1x1x16xf32> to vector<16xf32>
      %add3A_681 = arith.addf %get3A_680, %get3A_660 : vector<16xf32>
      %swap3A_682 = arith.constant 1 : i32
      %swap3A_683 = arith.index_cast %swap3A_682 : i32 to index
      %swap3A_684 = arith.index_cast %scan3A_346 : i32 to index
      %swap3A_685 = arith.constant 80 : index
      %swap3A_686 = tpu.vector_load %arg10[%swap3A_683, %swap3A_684, %swap3A_685] {strides = array<i32>} : memref<4x32x128xf32, #tpu.memory_space<vmem>>, vector<1x1x16xf32>,
      %swap3A_687 = vector.shape_cast %swap3A_686 : vector<1x1x16xf32> to vector<16xf32>
      %swap3A_688 = vector.shape_cast %add3A_681 : vector<16xf32> to vector<1x1x16xf32>
      tpu.vector_store %arg10[%swap3A_683, %swap3A_684, %swap3A_685], %swap3A_688 {strides = array<i32>} : memref<4x32x128xf32, #tpu.memory_space<vmem>>, vector<1x1x16xf32>,
      %get3A_689 = arith.constant 2 : i32
      %get3A_690 = arith.index_cast %get3A_689 : i32 to index
      %get3A_691 = arith.index_cast %scan3A_346 : i32 to index
      %get3A_692 = arith.constant 80 : index
      %get3A_693 = tpu.vector_load %arg10[%get3A_690, %get3A_691, %get3A_692] {strides = array<i32>} : memref<4x32x128xf32, #tpu.memory_space<vmem>>, vector<1x1x16xf32>,
      %get3A_694 = vector.shape_cast %get3A_693 : vector<1x1x16xf32> to vector<16xf32>
      %add3A_695 = arith.addf %get3A_694, %get3A_660 : vector<16xf32>
      %swap3A_696 = arith.constant 2 : i32
      %swap3A_697 = arith.index_cast %swap3A_696 : i32 to index
      %swap3A_698 = arith.index_cast %scan3A_346 : i32 to index
      %swap3A_699 = arith.constant 80 : index
      %swap3A_700 = tpu.vector_load %arg10[%swap3A_697, %swap3A_698, %swap3A_699] {strides = array<i32>} : memref<4x32x128xf32, #tpu.memory_space<vmem>>, vector<1x1x16xf32>,
      %swap3A_701 = vector.shape_cast %swap3A_700 : vector<1x1x16xf32> to vector<16xf32>
      %swap3A_702 = vector.shape_cast %add3A_695 : vector<16xf32> to vector<1x1x16xf32>
      tpu.vector_store %arg10[%swap3A_697, %swap3A_698, %swap3A_699], %swap3A_702 {strides = array<i32>} : memref<4x32x128xf32, #tpu.memory_space<vmem>>, vector<1x1x16xf32>,
      %get3A_703 = arith.constant 3 : i32
      %get3A_704 = arith.index_cast %get3A_703 : i32 to index
      %get3A_705 = arith.index_cast %scan3A_346 : i32 to index
      %get3A_706 = arith.constant 80 : index
      %get3A_707 = tpu.vector_load %arg10[%get3A_704, %get3A_705, %get3A_706] {strides = array<i32>} : memref<4x32x128xf32, #tpu.memory_space<vmem>>, vector<1x1x16xf32>,
      %get3A_708 = vector.shape_cast %get3A_707 : vector<1x1x16xf32> to vector<16xf32>
      %add3A_709 = arith.addf %get3A_708, %get3A_660 : vector<16xf32>
      %swap3A_710 = arith.constant 3 : i32
      %swap3A_711 = arith.index_cast %swap3A_710 : i32 to index
      %swap3A_712 = arith.index_cast %scan3A_346 : i32 to index
      %swap3A_713 = arith.constant 80 : index
      %swap3A_714 = tpu.vector_load %arg10[%swap3A_711, %swap3A_712, %swap3A_713] {strides = array<i32>} : memref<4x32x128xf32, #tpu.memory_space<vmem>>, vector<1x1x16xf32>,
      %swap3A_715 = vector.shape_cast %swap3A_714 : vector<1x1x16xf32> to vector<16xf32>
      %swap3A_716 = vector.shape_cast %add3A_709 : vector<16xf32> to vector<1x1x16xf32>
      tpu.vector_store %arg10[%swap3A_711, %swap3A_712, %swap3A_713], %swap3A_716 {strides = array<i32>} : memref<4x32x128xf32, #tpu.memory_space<vmem>>, vector<1x1x16xf32>,
      %add3A_717 = arith.constant 128 : i32
      %add3A_718 = arith.addi %add3A_717, %scan3A_346 : i32
      %get3A_719 = arith.index_cast %add3A_718 : i32 to index
      %get3A_720 = arith.constant 96 : index
      %get3A_721 = tpu.vector_load %arg5[%get3A_719, %get3A_720] {strides = array<i32>} : memref<256x128xf32, #tpu.memory_space<vmem>>, vector<1x16xf32>,
      %get3A_722 = vector.shape_cast %get3A_721 : vector<1x16xf32> to vector<16xf32>
      %get3A_723 = arith.constant 0 : i32
      %get3A_724 = arith.index_cast %get3A_723 : i32 to index
      %get3A_725 = arith.index_cast %scan3A_346 : i32 to index
      %get3A_726 = arith.constant 96 : index
      %get3A_727 = tpu.vector_load %arg10[%get3A_724, %get3A_725, %get3A_726] {strides = array<i32>} : memref<4x32x128xf32, #tpu.memory_space<vmem>>, vector<1x1x16xf32>,
      %get3A_728 = vector.shape_cast %get3A_727 : vector<1x1x16xf32> to vector<16xf32>
      %add3A_729 = arith.addf %get3A_728, %get3A_722 : vector<16xf32>
      %swap3A_730 = arith.constant 0 : i32
      %swap3A_731 = arith.index_cast %swap3A_730 : i32 to index
      %swap3A_732 = arith.index_cast %scan3A_346 : i32 to index
      %swap3A_733 = arith.constant 96 : index
      %swap3A_734 = tpu.vector_load %arg10[%swap3A_731, %swap3A_732, %swap3A_733] {strides = array<i32>} : memref<4x32x128xf32, #tpu.memory_space<vmem>>, vector<1x1x16xf32>,
      %swap3A_735 = vector.shape_cast %swap3A_734 : vector<1x1x16xf32> to vector<16xf32>
      %swap3A_736 = vector.shape_cast %add3A_729 : vector<16xf32> to vector<1x1x16xf32>
      tpu.vector_store %arg10[%swap3A_731, %swap3A_732, %swap3A_733], %swap3A_736 {strides = array<i32>} : memref<4x32x128xf32, #tpu.memory_space<vmem>>, vector<1x1x16xf32>,
      %get3A_737 = arith.constant 1 : i32
      %get3A_738 = arith.index_cast %get3A_737 : i32 to index
      %get3A_739 = arith.index_cast %scan3A_346 : i32 to index
      %get3A_740 = arith.constant 96 : index
      %get3A_741 = tpu.vector_load %arg10[%get3A_738, %get3A_739, %get3A_740] {strides = array<i32>} : memref<4x32x128xf32, #tpu.memory_space<vmem>>, vector<1x1x16xf32>,
      %get3A_742 = vector.shape_cast %get3A_741 : vector<1x1x16xf32> to vector<16xf32>
      %add3A_743 = arith.addf %get3A_742, %get3A_722 : vector<16xf32>
      %swap3A_744 = arith.constant 1 : i32
      %swap3A_745 = arith.index_cast %swap3A_744 : i32 to index
      %swap3A_746 = arith.index_cast %scan3A_346 : i32 to index
      %swap3A_747 = arith.constant 96 : index
      %swap3A_748 = tpu.vector_load %arg10[%swap3A_745, %swap3A_746, %swap3A_747] {strides = array<i32>} : memref<4x32x128xf32, #tpu.memory_space<vmem>>, vector<1x1x16xf32>,
      %swap3A_749 = vector.shape_cast %swap3A_748 : vector<1x1x16xf32> to vector<16xf32>
      %swap3A_750 = vector.shape_cast %add3A_743 : vector<16xf32> to vector<1x1x16xf32>
      tpu.vector_store %arg10[%swap3A_745, %swap3A_746, %swap3A_747], %swap3A_750 {strides = array<i32>} : memref<4x32x128xf32, #tpu.memory_space<vmem>>, vector<1x1x16xf32>,
      %get3A_751 = arith.constant 2 : i32
      %get3A_752 = arith.index_cast %get3A_751 : i32 to index
      %get3A_753 = arith.index_cast %scan3A_346 : i32 to index
      %get3A_754 = arith.constant 96 : index
      %get3A_755 = tpu.vector_load %arg10[%get3A_752, %get3A_753, %get3A_754] {strides = array<i32>} : memref<4x32x128xf32, #tpu.memory_space<vmem>>, vector<1x1x16xf32>,
      %get3A_756 = vector.shape_cast %get3A_755 : vector<1x1x16xf32> to vector<16xf32>
      %add3A_757 = arith.addf %get3A_756, %get3A_722 : vector<16xf32>
      %swap3A_758 = arith.constant 2 : i32
      %swap3A_759 = arith.index_cast %swap3A_758 : i32 to index
      %swap3A_760 = arith.index_cast %scan3A_346 : i32 to index
      %swap3A_761 = arith.constant 96 : index
      %swap3A_762 = tpu.vector_load %arg10[%swap3A_759, %swap3A_760, %swap3A_761] {strides = array<i32>} : memref<4x32x128xf32, #tpu.memory_space<vmem>>, vector<1x1x16xf32>,
      %swap3A_763 = vector.shape_cast %swap3A_762 : vector<1x1x16xf32> to vector<16xf32>
      %swap3A_764 = vector.shape_cast %add3A_757 : vector<16xf32> to vector<1x1x16xf32>
      tpu.vector_store %arg10[%swap3A_759, %swap3A_760, %swap3A_761], %swap3A_764 {strides = array<i32>} : memref<4x32x128xf32, #tpu.memory_space<vmem>>, vector<1x1x16xf32>,
      %get3A_765 = arith.constant 3 : i32
      %get3A_766 = arith.index_cast %get3A_765 : i32 to index
      %get3A_767 = arith.index_cast %scan3A_346 : i32 to index
      %get3A_768 = arith.constant 96 : index
      %get3A_769 = tpu.vector_load %arg10[%get3A_766, %get3A_767, %get3A_768] {strides = array<i32>} : memref<4x32x128xf32, #tpu.memory_space<vmem>>, vector<1x1x16xf32>,
      %get3A_770 = vector.shape_cast %get3A_769 : vector<1x1x16xf32> to vector<16xf32>
      %add3A_771 = arith.addf %get3A_770, %get3A_722 : vector<16xf32>
      %swap3A_772 = arith.constant 3 : i32
      %swap3A_773 = arith.index_cast %swap3A_772 : i32 to index
      %swap3A_774 = arith.index_cast %scan3A_346 : i32 to index
      %swap3A_775 = arith.constant 96 : index
      %swap3A_776 = tpu.vector_load %arg10[%swap3A_773, %swap3A_774, %swap3A_775] {strides = array<i32>} : memref<4x32x128xf32, #tpu.memory_space<vmem>>, vector<1x1x16xf32>,
      %swap3A_777 = vector.shape_cast %swap3A_776 : vector<1x1x16xf32> to vector<16xf32>
      %swap3A_778 = vector.shape_cast %add3A_771 : vector<16xf32> to vector<1x1x16xf32>
      tpu.vector_store %arg10[%swap3A_773, %swap3A_774, %swap3A_775], %swap3A_778 {strides = array<i32>} : memref<4x32x128xf32, #tpu.memory_space<vmem>>, vector<1x1x16xf32>,
      %add3A_779 = arith.constant 128 : i32
      %add3A_780 = arith.addi %add3A_779, %scan3A_346 : i32
      %get3A_781 = arith.index_cast %add3A_780 : i32 to index
      %get3A_782 = arith.constant 112 : index
      %get3A_783 = tpu.vector_load %arg5[%get3A_781, %get3A_782] {strides = array<i32>} : memref<256x128xf32, #tpu.memory_space<vmem>>, vector<1x16xf32>,
      %get3A_784 = vector.shape_cast %get3A_783 : vector<1x16xf32> to vector<16xf32>
      %get3A_785 = arith.constant 0 : i32
      %get3A_786 = arith.index_cast %get3A_785 : i32 to index
      %get3A_787 = arith.index_cast %scan3A_346 : i32 to index
      %get3A_788 = arith.constant 112 : index
      %get3A_789 = tpu.vector_load %arg10[%get3A_786, %get3A_787, %get3A_788] {strides = array<i32>} : memref<4x32x128xf32, #tpu.memory_space<vmem>>, vector<1x1x16xf32>,
      %get3A_790 = vector.shape_cast %get3A_789 : vector<1x1x16xf32> to vector<16xf32>
      %add3A_791 = arith.addf %get3A_790, %get3A_784 : vector<16xf32>
      %swap3A_792 = arith.constant 0 : i32
      %swap3A_793 = arith.index_cast %swap3A_792 : i32 to index
      %swap3A_794 = arith.index_cast %scan3A_346 : i32 to index
      %swap3A_795 = arith.constant 112 : index
      %swap3A_796 = tpu.vector_load %arg10[%swap3A_793, %swap3A_794, %swap3A_795] {strides = array<i32>} : memref<4x32x128xf32, #tpu.memory_space<vmem>>, vector<1x1x16xf32>,
      %swap3A_797 = vector.shape_cast %swap3A_796 : vector<1x1x16xf32> to vector<16xf32>
      %swap3A_798 = vector.shape_cast %add3A_791 : vector<16xf32> to vector<1x1x16xf32>
      tpu.vector_store %arg10[%swap3A_793, %swap3A_794, %swap3A_795], %swap3A_798 {strides = array<i32>} : memref<4x32x128xf32, #tpu.memory_space<vmem>>, vector<1x1x16xf32>,
      %get3A_799 = arith.constant 1 : i32
      %get3A_800 = arith.index_cast %get3A_799 : i32 to index
      %get3A_801 = arith.index_cast %scan3A_346 : i32 to index
      %get3A_802 = arith.constant 112 : index
      %get3A_803 = tpu.vector_load %arg10[%get3A_800, %get3A_801, %get3A_802] {strides = array<i32>} : memref<4x32x128xf32, #tpu.memory_space<vmem>>, vector<1x1x16xf32>,
      %get3A_804 = vector.shape_cast %get3A_803 : vector<1x1x16xf32> to vector<16xf32>
      %add3A_805 = arith.addf %get3A_804, %get3A_784 : vector<16xf32>
      %swap3A_806 = arith.constant 1 : i32
      %swap3A_807 = arith.index_cast %swap3A_806 : i32 to index
      %swap3A_808 = arith.index_cast %scan3A_346 : i32 to index
      %swap3A_809 = arith.constant 112 : index
      %swap3A_810 = tpu.vector_load %arg10[%swap3A_807, %swap3A_808, %swap3A_809] {strides = array<i32>} : memref<4x32x128xf32, #tpu.memory_space<vmem>>, vector<1x1x16xf32>,
      %swap3A_811 = vector.shape_cast %swap3A_810 : vector<1x1x16xf32> to vector<16xf32>
      %swap3A_812 = vector.shape_cast %add3A_805 : vector<16xf32> to vector<1x1x16xf32>
      tpu.vector_store %arg10[%swap3A_807, %swap3A_808, %swap3A_809], %swap3A_812 {strides = array<i32>} : memref<4x32x128xf32, #tpu.memory_space<vmem>>, vector<1x1x16xf32>,
      %get3A_813 = arith.constant 2 : i32
      %get3A_814 = arith.index_cast %get3A_813 : i32 to index
      %get3A_815 = arith.index_cast %scan3A_346 : i32 to index
      %get3A_816 = arith.constant 112 : index
      %get3A_817 = tpu.vector_load %arg10[%get3A_814, %get3A_815, %get3A_816] {strides = array<i32>} : memref<4x32x128xf32, #tpu.memory_space<vmem>>, vector<1x1x16xf32>,
      %get3A_818 = vector.shape_cast %get3A_817 : vector<1x1x16xf32> to vector<16xf32>
      %add3A_819 = arith.addf %get3A_818, %get3A_784 : vector<16xf32>
      %swap3A_820 = arith.constant 2 : i32
      %swap3A_821 = arith.index_cast %swap3A_820 : i32 to index
      %swap3A_822 = arith.index_cast %scan3A_346 : i32 to index
      %swap3A_823 = arith.constant 112 : index
      %swap3A_824 = tpu.vector_load %arg10[%swap3A_821, %swap3A_822, %swap3A_823] {strides = array<i32>} : memref<4x32x128xf32, #tpu.memory_space<vmem>>, vector<1x1x16xf32>,
      %swap3A_825 = vector.shape_cast %swap3A_824 : vector<1x1x16xf32> to vector<16xf32>
      %swap3A_826 = vector.shape_cast %add3A_819 : vector<16xf32> to vector<1x1x16xf32>
      tpu.vector_store %arg10[%swap3A_821, %swap3A_822, %swap3A_823], %swap3A_826 {strides = array<i32>} : memref<4x32x128xf32, #tpu.memory_space<vmem>>, vector<1x1x16xf32>,
      %get3A_827 = arith.constant 3 : i32
      %get3A_828 = arith.index_cast %get3A_827 : i32 to index
      %get3A_829 = arith.index_cast %scan3A_346 : i32 to index
      %get3A_830 = arith.constant 112 : index
      %get3A_831 = tpu.vector_load %arg10[%get3A_828, %get3A_829, %get3A_830] {strides = array<i32>} : memref<4x32x128xf32, #tpu.memory_space<vmem>>, vector<1x1x16xf32>,
      %get3A_832 = vector.shape_cast %get3A_831 : vector<1x1x16xf32> to vector<16xf32>
      %add3A_833 = arith.addf %get3A_832, %get3A_784 : vector<16xf32>
      %swap3A_834 = arith.constant 3 : i32
      %swap3A_835 = arith.index_cast %swap3A_834 : i32 to index
      %swap3A_836 = arith.index_cast %scan3A_346 : i32 to index
      %swap3A_837 = arith.constant 112 : index
      %swap3A_838 = tpu.vector_load %arg10[%swap3A_835, %swap3A_836, %swap3A_837] {strides = array<i32>} : memref<4x32x128xf32, #tpu.memory_space<vmem>>, vector<1x1x16xf32>,
      %swap3A_839 = vector.shape_cast %swap3A_838 : vector<1x1x16xf32> to vector<16xf32>
      %swap3A_840 = vector.shape_cast %add3A_833 : vector<16xf32> to vector<1x1x16xf32>
      tpu.vector_store %arg10[%swap3A_835, %swap3A_836, %swap3A_837], %swap3A_840 {strides = array<i32>} : memref<4x32x128xf32, #tpu.memory_space<vmem>>, vector<1x1x16xf32>,
    }
    %scan3A_231 = arith.constant 32 : i32
    %add3A_232 = arith.constant 128 : i32
    %add3A_233 = arith.addi %mul3A_2, %add3A_232 : i32
    %dma_start3A_234 = arith.constant 0 : i32
    %dma_start3A_235 = arith.constant 0 : i32
    %dma_start3A_236 = tpu.memref_slice %arg4[%dma_start3A_234, %add3A_233, %dma_start3A_235] : memref<4x8192x128xf32, #tpu.memory_space<hbm>> -> memref<4x32x128xf32, #tpu.memory_space<hbm>>
    %dma_start3A_237 = arith.constant 0 : i32
    %dma_start3A_238 = arith.constant 0 : i32
    %dma_start3A_239 = tpu.memref_slice %arg4[%dma_start3A_237, %add3A_233, %dma_start3A_238] : memref<4x8192x128xf32, #tpu.memory_space<hbm>> -> memref<4x32x128xf32, #tpu.memory_space<hbm>>
    tpu.enqueue_dma source(%arg10 : memref<4x32x128xf32, #tpu.memory_space<vmem>>) target(%dma_start3A_239 : memref<4x32x128xf32, #tpu.memory_space<hbm>>) target_semaphore(%arg22 : memref<!tpu.dma_semaphore, #tpu.memory_space<semaphore_mem>>)
    %add3A_240 = arith.constant 160 : i32
    %add3A_241 = arith.addi %mul3A_2, %add3A_240 : i32
    %dma_wait3A_242 = arith.constant 0 : i32
    %dma_wait3A_243 = arith.constant 0 : i32
    %dma_wait3A_244 = tpu.memref_slice %arg2[%dma_wait3A_242, %add3A_241, %dma_wait3A_243] : memref<4x8192x128xf32, #tpu.memory_space<hbm>> -> memref<4x32x128xf32, #tpu.memory_space<hbm>>
    %dma_wait3A_245 = arith.constant 0 : i32
    %dma_wait3A_246 = arith.constant 0 : i32
    %dma_wait3A_247 = tpu.memref_slice %arg2[%dma_wait3A_245, %add3A_241, %dma_wait3A_246] : memref<4x8192x128xf32, #tpu.memory_space<hbm>> -> memref<4x32x128xf32, #tpu.memory_space<hbm>>
    tpu.wait_dma2 semaphore(%arg13 : memref<!tpu.dma_semaphore, #tpu.memory_space<semaphore_mem>>) src(%dma_wait3A_247 : memref<4x32x128xf32, #tpu.memory_space<hbm>>) dst(%arg6 : memref<4x32x128xf32, #tpu.memory_space<vmem>>)
    %scan3A_248 = arith.constant 0 : i32
    %scan3A_249 = arith.constant 0 : i32
    %scan3A_250 = arith.constant 32 : i32
    %scan3A_251 = arith.addi %scan3A_249, %scan3A_250 : i32
    %scan3A_252 = arith.constant 1 : i32
    scf.for %scan3A_346 = %scan3A_249 to %scan3A_251 step %scan3A_252  : i32 {
      %add3A_347 = arith.constant 160 : i32
      %add3A_348 = arith.addi %add3A_347, %scan3A_346 : i32
      %get3A = arith.index_cast %add3A_348 : i32 to index
      %get3A_349 = arith.constant 0 : index
      %get3A_350 = tpu.vector_load %arg5[%get3A, %get3A_349] {strides = array<i32>} : memref<256x128xf32, #tpu.memory_space<vmem>>, vector<1x16xf32>,
      %get3A_351 = vector.shape_cast %get3A_350 : vector<1x16xf32> to vector<16xf32>
      %get3A_352 = arith.constant 0 : i32
      %get3A_353 = arith.index_cast %get3A_352 : i32 to index
      %get3A_354 = arith.index_cast %scan3A_346 : i32 to index
      %get3A_355 = arith.constant 0 : index
      %get3A_356 = tpu.vector_load %arg6[%get3A_353, %get3A_354, %get3A_355] {strides = array<i32>} : memref<4x32x128xf32, #tpu.memory_space<vmem>>, vector<1x1x16xf32>,
      %get3A_357 = vector.shape_cast %get3A_356 : vector<1x1x16xf32> to vector<16xf32>
      %add3A_358 = arith.addf %get3A_357, %get3A_351 : vector<16xf32>
      %swap3A = arith.constant 0 : i32
      %swap3A_359 = arith.index_cast %swap3A : i32 to index
      %swap3A_360 = arith.index_cast %scan3A_346 : i32 to index
      %swap3A_361 = arith.constant 0 : index
      %swap3A_362 = tpu.vector_load %arg6[%swap3A_359, %swap3A_360, %swap3A_361] {strides = array<i32>} : memref<4x32x128xf32, #tpu.memory_space<vmem>>, vector<1x1x16xf32>,
      %swap3A_363 = vector.shape_cast %swap3A_362 : vector<1x1x16xf32> to vector<16xf32>
      %swap3A_364 = vector.shape_cast %add3A_358 : vector<16xf32> to vector<1x1x16xf32>
      tpu.vector_store %arg6[%swap3A_359, %swap3A_360, %swap3A_361], %swap3A_364 {strides = array<i32>} : memref<4x32x128xf32, #tpu.memory_space<vmem>>, vector<1x1x16xf32>,
      %get3A_365 = arith.constant 1 : i32
      %get3A_366 = arith.index_cast %get3A_365 : i32 to index
      %get3A_367 = arith.index_cast %scan3A_346 : i32 to index
      %get3A_368 = arith.constant 0 : index
      %get3A_369 = tpu.vector_load %arg6[%get3A_366, %get3A_367, %get3A_368] {strides = array<i32>} : memref<4x32x128xf32, #tpu.memory_space<vmem>>, vector<1x1x16xf32>,
      %get3A_370 = vector.shape_cast %get3A_369 : vector<1x1x16xf32> to vector<16xf32>
      %add3A_371 = arith.addf %get3A_370, %get3A_351 : vector<16xf32>
      %swap3A_372 = arith.constant 1 : i32
      %swap3A_373 = arith.index_cast %swap3A_372 : i32 to index
      %swap3A_374 = arith.index_cast %scan3A_346 : i32 to index
      %swap3A_375 = arith.constant 0 : index
      %swap3A_376 = tpu.vector_load %arg6[%swap3A_373, %swap3A_374, %swap3A_375] {strides = array<i32>} : memref<4x32x128xf32, #tpu.memory_space<vmem>>, vector<1x1x16xf32>,
      %swap3A_377 = vector.shape_cast %swap3A_376 : vector<1x1x16xf32> to vector<16xf32>
      %swap3A_378 = vector.shape_cast %add3A_371 : vector<16xf32> to vector<1x1x16xf32>
      tpu.vector_store %arg6[%swap3A_373, %swap3A_374, %swap3A_375], %swap3A_378 {strides = array<i32>} : memref<4x32x128xf32, #tpu.memory_space<vmem>>, vector<1x1x16xf32>,
      %get3A_379 = arith.constant 2 : i32
      %get3A_380 = arith.index_cast %get3A_379 : i32 to index
      %get3A_381 = arith.index_cast %scan3A_346 : i32 to index
      %get3A_382 = arith.constant 0 : index
      %get3A_383 = tpu.vector_load %arg6[%get3A_380, %get3A_381, %get3A_382] {strides = array<i32>} : memref<4x32x128xf32, #tpu.memory_space<vmem>>, vector<1x1x16xf32>,
      %get3A_384 = vector.shape_cast %get3A_383 : vector<1x1x16xf32> to vector<16xf32>
      %add3A_385 = arith.addf %get3A_384, %get3A_351 : vector<16xf32>
      %swap3A_386 = arith.constant 2 : i32
      %swap3A_387 = arith.index_cast %swap3A_386 : i32 to index
      %swap3A_388 = arith.index_cast %scan3A_346 : i32 to index
      %swap3A_389 = arith.constant 0 : index
      %swap3A_390 = tpu.vector_load %arg6[%swap3A_387, %swap3A_388, %swap3A_389] {strides = array<i32>} : memref<4x32x128xf32, #tpu.memory_space<vmem>>, vector<1x1x16xf32>,
      %swap3A_391 = vector.shape_cast %swap3A_390 : vector<1x1x16xf32> to vector<16xf32>
      %swap3A_392 = vector.shape_cast %add3A_385 : vector<16xf32> to vector<1x1x16xf32>
      tpu.vector_store %arg6[%swap3A_387, %swap3A_388, %swap3A_389], %swap3A_392 {strides = array<i32>} : memref<4x32x128xf32, #tpu.memory_space<vmem>>, vector<1x1x16xf32>,
      %get3A_393 = arith.constant 3 : i32
      %get3A_394 = arith.index_cast %get3A_393 : i32 to index
      %get3A_395 = arith.index_cast %scan3A_346 : i32 to index
      %get3A_396 = arith.constant 0 : index
      %get3A_397 = tpu.vector_load %arg6[%get3A_394, %get3A_395, %get3A_396] {strides = array<i32>} : memref<4x32x128xf32, #tpu.memory_space<vmem>>, vector<1x1x16xf32>,
      %get3A_398 = vector.shape_cast %get3A_397 : vector<1x1x16xf32> to vector<16xf32>
      %add3A_399 = arith.addf %get3A_398, %get3A_351 : vector<16xf32>
      %swap3A_400 = arith.constant 3 : i32
      %swap3A_401 = arith.index_cast %swap3A_400 : i32 to index
      %swap3A_402 = arith.index_cast %scan3A_346 : i32 to index
      %swap3A_403 = arith.constant 0 : index
      %swap3A_404 = tpu.vector_load %arg6[%swap3A_401, %swap3A_402, %swap3A_403] {strides = array<i32>} : memref<4x32x128xf32, #tpu.memory_space<vmem>>, vector<1x1x16xf32>,
      %swap3A_405 = vector.shape_cast %swap3A_404 : vector<1x1x16xf32> to vector<16xf32>
      %swap3A_406 = vector.shape_cast %add3A_399 : vector<16xf32> to vector<1x1x16xf32>
      tpu.vector_store %arg6[%swap3A_401, %swap3A_402, %swap3A_403], %swap3A_406 {strides = array<i32>} : memref<4x32x128xf32, #tpu.memory_space<vmem>>, vector<1x1x16xf32>,
      %add3A_407 = arith.constant 160 : i32
      %add3A_408 = arith.addi %add3A_407, %scan3A_346 : i32
      %get3A_409 = arith.index_cast %add3A_408 : i32 to index
      %get3A_410 = arith.constant 16 : index
      %get3A_411 = tpu.vector_load %arg5[%get3A_409, %get3A_410] {strides = array<i32>} : memref<256x128xf32, #tpu.memory_space<vmem>>, vector<1x16xf32>,
      %get3A_412 = vector.shape_cast %get3A_411 : vector<1x16xf32> to vector<16xf32>
      %get3A_413 = arith.constant 0 : i32
      %get3A_414 = arith.index_cast %get3A_413 : i32 to index
      %get3A_415 = arith.index_cast %scan3A_346 : i32 to index
      %get3A_416 = arith.constant 16 : index
      %get3A_417 = tpu.vector_load %arg6[%get3A_414, %get3A_415, %get3A_416] {strides = array<i32>} : memref<4x32x128xf32, #tpu.memory_space<vmem>>, vector<1x1x16xf32>,
      %get3A_418 = vector.shape_cast %get3A_417 : vector<1x1x16xf32> to vector<16xf32>
      %add3A_419 = arith.addf %get3A_418, %get3A_412 : vector<16xf32>
      %swap3A_420 = arith.constant 0 : i32
      %swap3A_421 = arith.index_cast %swap3A_420 : i32 to index
      %swap3A_422 = arith.index_cast %scan3A_346 : i32 to index
      %swap3A_423 = arith.constant 16 : index
      %swap3A_424 = tpu.vector_load %arg6[%swap3A_421, %swap3A_422, %swap3A_423] {strides = array<i32>} : memref<4x32x128xf32, #tpu.memory_space<vmem>>, vector<1x1x16xf32>,
      %swap3A_425 = vector.shape_cast %swap3A_424 : vector<1x1x16xf32> to vector<16xf32>
      %swap3A_426 = vector.shape_cast %add3A_419 : vector<16xf32> to vector<1x1x16xf32>
      tpu.vector_store %arg6[%swap3A_421, %swap3A_422, %swap3A_423], %swap3A_426 {strides = array<i32>} : memref<4x32x128xf32, #tpu.memory_space<vmem>>, vector<1x1x16xf32>,
      %get3A_427 = arith.constant 1 : i32
      %get3A_428 = arith.index_cast %get3A_427 : i32 to index
      %get3A_429 = arith.index_cast %scan3A_346 : i32 to index
      %get3A_430 = arith.constant 16 : index
      %get3A_431 = tpu.vector_load %arg6[%get3A_428, %get3A_429, %get3A_430] {strides = array<i32>} : memref<4x32x128xf32, #tpu.memory_space<vmem>>, vector<1x1x16xf32>,
      %get3A_432 = vector.shape_cast %get3A_431 : vector<1x1x16xf32> to vector<16xf32>
      %add3A_433 = arith.addf %get3A_432, %get3A_412 : vector<16xf32>
      %swap3A_434 = arith.constant 1 : i32
      %swap3A_435 = arith.index_cast %swap3A_434 : i32 to index
      %swap3A_436 = arith.index_cast %scan3A_346 : i32 to index
      %swap3A_437 = arith.constant 16 : index
      %swap3A_438 = tpu.vector_load %arg6[%swap3A_435, %swap3A_436, %swap3A_437] {strides = array<i32>} : memref<4x32x128xf32, #tpu.memory_space<vmem>>, vector<1x1x16xf32>,
      %swap3A_439 = vector.shape_cast %swap3A_438 : vector<1x1x16xf32> to vector<16xf32>
      %swap3A_440 = vector.shape_cast %add3A_433 : vector<16xf32> to vector<1x1x16xf32>
      tpu.vector_store %arg6[%swap3A_435, %swap3A_436, %swap3A_437], %swap3A_440 {strides = array<i32>} : memref<4x32x128xf32, #tpu.memory_space<vmem>>, vector<1x1x16xf32>,
      %get3A_441 = arith.constant 2 : i32
      %get3A_442 = arith.index_cast %get3A_441 : i32 to index
      %get3A_443 = arith.index_cast %scan3A_346 : i32 to index
      %get3A_444 = arith.constant 16 : index
      %get3A_445 = tpu.vector_load %arg6[%get3A_442, %get3A_443, %get3A_444] {strides = array<i32>} : memref<4x32x128xf32, #tpu.memory_space<vmem>>, vector<1x1x16xf32>,
      %get3A_446 = vector.shape_cast %get3A_445 : vector<1x1x16xf32> to vector<16xf32>
      %add3A_447 = arith.addf %get3A_446, %get3A_412 : vector<16xf32>
      %swap3A_448 = arith.constant 2 : i32
      %swap3A_449 = arith.index_cast %swap3A_448 : i32 to index
      %swap3A_450 = arith.index_cast %scan3A_346 : i32 to index
      %swap3A_451 = arith.constant 16 : index
      %swap3A_452 = tpu.vector_load %arg6[%swap3A_449, %swap3A_450, %swap3A_451] {strides = array<i32>} : memref<4x32x128xf32, #tpu.memory_space<vmem>>, vector<1x1x16xf32>,
      %swap3A_453 = vector.shape_cast %swap3A_452 : vector<1x1x16xf32> to vector<16xf32>
      %swap3A_454 = vector.shape_cast %add3A_447 : vector<16xf32> to vector<1x1x16xf32>
      tpu.vector_store %arg6[%swap3A_449, %swap3A_450, %swap3A_451], %swap3A_454 {strides = array<i32>} : memref<4x32x128xf32, #tpu.memory_space<vmem>>, vector<1x1x16xf32>,
      %get3A_455 = arith.constant 3 : i32
      %get3A_456 = arith.index_cast %get3A_455 : i32 to index
      %get3A_457 = arith.index_cast %scan3A_346 : i32 to index
      %get3A_458 = arith.constant 16 : index
      %get3A_459 = tpu.vector_load %arg6[%get3A_456, %get3A_457, %get3A_458] {strides = array<i32>} : memref<4x32x128xf32, #tpu.memory_space<vmem>>, vector<1x1x16xf32>,
      %get3A_460 = vector.shape_cast %get3A_459 : vector<1x1x16xf32> to vector<16xf32>
      %add3A_461 = arith.addf %get3A_460, %get3A_412 : vector<16xf32>
      %swap3A_462 = arith.constant 3 : i32
      %swap3A_463 = arith.index_cast %swap3A_462 : i32 to index
      %swap3A_464 = arith.index_cast %scan3A_346 : i32 to index
      %swap3A_465 = arith.constant 16 : index
      %swap3A_466 = tpu.vector_load %arg6[%swap3A_463, %swap3A_464, %swap3A_465] {strides = array<i32>} : memref<4x32x128xf32, #tpu.memory_space<vmem>>, vector<1x1x16xf32>,
      %swap3A_467 = vector.shape_cast %swap3A_466 : vector<1x1x16xf32> to vector<16xf32>
      %swap3A_468 = vector.shape_cast %add3A_461 : vector<16xf32> to vector<1x1x16xf32>
      tpu.vector_store %arg6[%swap3A_463, %swap3A_464, %swap3A_465], %swap3A_468 {strides = array<i32>} : memref<4x32x128xf32, #tpu.memory_space<vmem>>, vector<1x1x16xf32>,
      %add3A_469 = arith.constant 160 : i32
      %add3A_470 = arith.addi %add3A_469, %scan3A_346 : i32
      %get3A_471 = arith.index_cast %add3A_470 : i32 to index
      %get3A_472 = arith.constant 32 : index
      %get3A_473 = tpu.vector_load %arg5[%get3A_471, %get3A_472] {strides = array<i32>} : memref<256x128xf32, #tpu.memory_space<vmem>>, vector<1x16xf32>,
      %get3A_474 = vector.shape_cast %get3A_473 : vector<1x16xf32> to vector<16xf32>
      %get3A_475 = arith.constant 0 : i32
      %get3A_476 = arith.index_cast %get3A_475 : i32 to index
      %get3A_477 = arith.index_cast %scan3A_346 : i32 to index
      %get3A_478 = arith.constant 32 : index
      %get3A_479 = tpu.vector_load %arg6[%get3A_476, %get3A_477, %get3A_478] {strides = array<i32>} : memref<4x32x128xf32, #tpu.memory_space<vmem>>, vector<1x1x16xf32>,
      %get3A_480 = vector.shape_cast %get3A_479 : vector<1x1x16xf32> to vector<16xf32>
      %add3A_481 = arith.addf %get3A_480, %get3A_474 : vector<16xf32>
      %swap3A_482 = arith.constant 0 : i32
      %swap3A_483 = arith.index_cast %swap3A_482 : i32 to index
      %swap3A_484 = arith.index_cast %scan3A_346 : i32 to index
      %swap3A_485 = arith.constant 32 : index
      %swap3A_486 = tpu.vector_load %arg6[%swap3A_483, %swap3A_484, %swap3A_485] {strides = array<i32>} : memref<4x32x128xf32, #tpu.memory_space<vmem>>, vector<1x1x16xf32>,
      %swap3A_487 = vector.shape_cast %swap3A_486 : vector<1x1x16xf32> to vector<16xf32>
      %swap3A_488 = vector.shape_cast %add3A_481 : vector<16xf32> to vector<1x1x16xf32>
      tpu.vector_store %arg6[%swap3A_483, %swap3A_484, %swap3A_485], %swap3A_488 {strides = array<i32>} : memref<4x32x128xf32, #tpu.memory_space<vmem>>, vector<1x1x16xf32>,
      %get3A_489 = arith.constant 1 : i32
      %get3A_490 = arith.index_cast %get3A_489 : i32 to index
      %get3A_491 = arith.index_cast %scan3A_346 : i32 to index
      %get3A_492 = arith.constant 32 : index
      %get3A_493 = tpu.vector_load %arg6[%get3A_490, %get3A_491, %get3A_492] {strides = array<i32>} : memref<4x32x128xf32, #tpu.memory_space<vmem>>, vector<1x1x16xf32>,
      %get3A_494 = vector.shape_cast %get3A_493 : vector<1x1x16xf32> to vector<16xf32>
      %add3A_495 = arith.addf %get3A_494, %get3A_474 : vector<16xf32>
      %swap3A_496 = arith.constant 1 : i32
      %swap3A_497 = arith.index_cast %swap3A_496 : i32 to index
      %swap3A_498 = arith.index_cast %scan3A_346 : i32 to index
      %swap3A_499 = arith.constant 32 : index
      %swap3A_500 = tpu.vector_load %arg6[%swap3A_497, %swap3A_498, %swap3A_499] {strides = array<i32>} : memref<4x32x128xf32, #tpu.memory_space<vmem>>, vector<1x1x16xf32>,
      %swap3A_501 = vector.shape_cast %swap3A_500 : vector<1x1x16xf32> to vector<16xf32>
      %swap3A_502 = vector.shape_cast %add3A_495 : vector<16xf32> to vector<1x1x16xf32>
      tpu.vector_store %arg6[%swap3A_497, %swap3A_498, %swap3A_499], %swap3A_502 {strides = array<i32>} : memref<4x32x128xf32, #tpu.memory_space<vmem>>, vector<1x1x16xf32>,
      %get3A_503 = arith.constant 2 : i32
      %get3A_504 = arith.index_cast %get3A_503 : i32 to index
      %get3A_505 = arith.index_cast %scan3A_346 : i32 to index
      %get3A_506 = arith.constant 32 : index
      %get3A_507 = tpu.vector_load %arg6[%get3A_504, %get3A_505, %get3A_506] {strides = array<i32>} : memref<4x32x128xf32, #tpu.memory_space<vmem>>, vector<1x1x16xf32>,
      %get3A_508 = vector.shape_cast %get3A_507 : vector<1x1x16xf32> to vector<16xf32>
      %add3A_509 = arith.addf %get3A_508, %get3A_474 : vector<16xf32>
      %swap3A_510 = arith.constant 2 : i32
      %swap3A_511 = arith.index_cast %swap3A_510 : i32 to index
      %swap3A_512 = arith.index_cast %scan3A_346 : i32 to index
      %swap3A_513 = arith.constant 32 : index
      %swap3A_514 = tpu.vector_load %arg6[%swap3A_511, %swap3A_512, %swap3A_513] {strides = array<i32>} : memref<4x32x128xf32, #tpu.memory_space<vmem>>, vector<1x1x16xf32>,
      %swap3A_515 = vector.shape_cast %swap3A_514 : vector<1x1x16xf32> to vector<16xf32>
      %swap3A_516 = vector.shape_cast %add3A_509 : vector<16xf32> to vector<1x1x16xf32>
      tpu.vector_store %arg6[%swap3A_511, %swap3A_512, %swap3A_513], %swap3A_516 {strides = array<i32>} : memref<4x32x128xf32, #tpu.memory_space<vmem>>, vector<1x1x16xf32>,
      %get3A_517 = arith.constant 3 : i32
      %get3A_518 = arith.index_cast %get3A_517 : i32 to index
      %get3A_519 = arith.index_cast %scan3A_346 : i32 to index
      %get3A_520 = arith.constant 32 : index
      %get3A_521 = tpu.vector_load %arg6[%get3A_518, %get3A_519, %get3A_520] {strides = array<i32>} : memref<4x32x128xf32, #tpu.memory_space<vmem>>, vector<1x1x16xf32>,
      %get3A_522 = vector.shape_cast %get3A_521 : vector<1x1x16xf32> to vector<16xf32>
      %add3A_523 = arith.addf %get3A_522, %get3A_474 : vector<16xf32>
      %swap3A_524 = arith.constant 3 : i32
      %swap3A_525 = arith.index_cast %swap3A_524 : i32 to index
      %swap3A_526 = arith.index_cast %scan3A_346 : i32 to index
      %swap3A_527 = arith.constant 32 : index
      %swap3A_528 = tpu.vector_load %arg6[%swap3A_525, %swap3A_526, %swap3A_527] {strides = array<i32>} : memref<4x32x128xf32, #tpu.memory_space<vmem>>, vector<1x1x16xf32>,
      %swap3A_529 = vector.shape_cast %swap3A_528 : vector<1x1x16xf32> to vector<16xf32>
      %swap3A_530 = vector.shape_cast %add3A_523 : vector<16xf32> to vector<1x1x16xf32>
      tpu.vector_store %arg6[%swap3A_525, %swap3A_526, %swap3A_527], %swap3A_530 {strides = array<i32>} : memref<4x32x128xf32, #tpu.memory_space<vmem>>, vector<1x1x16xf32>,
      %add3A_531 = arith.constant 160 : i32
      %add3A_532 = arith.addi %add3A_531, %scan3A_346 : i32
      %get3A_533 = arith.index_cast %add3A_532 : i32 to index
      %get3A_534 = arith.constant 48 : index
      %get3A_535 = tpu.vector_load %arg5[%get3A_533, %get3A_534] {strides = array<i32>} : memref<256x128xf32, #tpu.memory_space<vmem>>, vector<1x16xf32>,
      %get3A_536 = vector.shape_cast %get3A_535 : vector<1x16xf32> to vector<16xf32>
      %get3A_537 = arith.constant 0 : i32
      %get3A_538 = arith.index_cast %get3A_537 : i32 to index
      %get3A_539 = arith.index_cast %scan3A_346 : i32 to index
      %get3A_540 = arith.constant 48 : index
      %get3A_541 = tpu.vector_load %arg6[%get3A_538, %get3A_539, %get3A_540] {strides = array<i32>} : memref<4x32x128xf32, #tpu.memory_space<vmem>>, vector<1x1x16xf32>,
      %get3A_542 = vector.shape_cast %get3A_541 : vector<1x1x16xf32> to vector<16xf32>
      %add3A_543 = arith.addf %get3A_542, %get3A_536 : vector<16xf32>
      %swap3A_544 = arith.constant 0 : i32
      %swap3A_545 = arith.index_cast %swap3A_544 : i32 to index
      %swap3A_546 = arith.index_cast %scan3A_346 : i32 to index
      %swap3A_547 = arith.constant 48 : index
      %swap3A_548 = tpu.vector_load %arg6[%swap3A_545, %swap3A_546, %swap3A_547] {strides = array<i32>} : memref<4x32x128xf32, #tpu.memory_space<vmem>>, vector<1x1x16xf32>,
      %swap3A_549 = vector.shape_cast %swap3A_548 : vector<1x1x16xf32> to vector<16xf32>
      %swap3A_550 = vector.shape_cast %add3A_543 : vector<16xf32> to vector<1x1x16xf32>
      tpu.vector_store %arg6[%swap3A_545, %swap3A_546, %swap3A_547], %swap3A_550 {strides = array<i32>} : memref<4x32x128xf32, #tpu.memory_space<vmem>>, vector<1x1x16xf32>,
      %get3A_551 = arith.constant 1 : i32
      %get3A_552 = arith.index_cast %get3A_551 : i32 to index
      %get3A_553 = arith.index_cast %scan3A_346 : i32 to index
      %get3A_554 = arith.constant 48 : index
      %get3A_555 = tpu.vector_load %arg6[%get3A_552, %get3A_553, %get3A_554] {strides = array<i32>} : memref<4x32x128xf32, #tpu.memory_space<vmem>>, vector<1x1x16xf32>,
      %get3A_556 = vector.shape_cast %get3A_555 : vector<1x1x16xf32> to vector<16xf32>
      %add3A_557 = arith.addf %get3A_556, %get3A_536 : vector<16xf32>
      %swap3A_558 = arith.constant 1 : i32
      %swap3A_559 = arith.index_cast %swap3A_558 : i32 to index
      %swap3A_560 = arith.index_cast %scan3A_346 : i32 to index
      %swap3A_561 = arith.constant 48 : index
      %swap3A_562 = tpu.vector_load %arg6[%swap3A_559, %swap3A_560, %swap3A_561] {strides = array<i32>} : memref<4x32x128xf32, #tpu.memory_space<vmem>>, vector<1x1x16xf32>,
      %swap3A_563 = vector.shape_cast %swap3A_562 : vector<1x1x16xf32> to vector<16xf32>
      %swap3A_564 = vector.shape_cast %add3A_557 : vector<16xf32> to vector<1x1x16xf32>
      tpu.vector_store %arg6[%swap3A_559, %swap3A_560, %swap3A_561], %swap3A_564 {strides = array<i32>} : memref<4x32x128xf32, #tpu.memory_space<vmem>>, vector<1x1x16xf32>,
      %get3A_565 = arith.constant 2 : i32
      %get3A_566 = arith.index_cast %get3A_565 : i32 to index
      %get3A_567 = arith.index_cast %scan3A_346 : i32 to index
      %get3A_568 = arith.constant 48 : index
      %get3A_569 = tpu.vector_load %arg6[%get3A_566, %get3A_567, %get3A_568] {strides = array<i32>} : memref<4x32x128xf32, #tpu.memory_space<vmem>>, vector<1x1x16xf32>,
      %get3A_570 = vector.shape_cast %get3A_569 : vector<1x1x16xf32> to vector<16xf32>
      %add3A_571 = arith.addf %get3A_570, %get3A_536 : vector<16xf32>
      %swap3A_572 = arith.constant 2 : i32
      %swap3A_573 = arith.index_cast %swap3A_572 : i32 to index
      %swap3A_574 = arith.index_cast %scan3A_346 : i32 to index
      %swap3A_575 = arith.constant 48 : index
      %swap3A_576 = tpu.vector_load %arg6[%swap3A_573, %swap3A_574, %swap3A_575] {strides = array<i32>} : memref<4x32x128xf32, #tpu.memory_space<vmem>>, vector<1x1x16xf32>,
      %swap3A_577 = vector.shape_cast %swap3A_576 : vector<1x1x16xf32> to vector<16xf32>
      %swap3A_578 = vector.shape_cast %add3A_571 : vector<16xf32> to vector<1x1x16xf32>
      tpu.vector_store %arg6[%swap3A_573, %swap3A_574, %swap3A_575], %swap3A_578 {strides = array<i32>} : memref<4x32x128xf32, #tpu.memory_space<vmem>>, vector<1x1x16xf32>,
      %get3A_579 = arith.constant 3 : i32
      %get3A_580 = arith.index_cast %get3A_579 : i32 to index
      %get3A_581 = arith.index_cast %scan3A_346 : i32 to index
      %get3A_582 = arith.constant 48 : index
      %get3A_583 = tpu.vector_load %arg6[%get3A_580, %get3A_581, %get3A_582] {strides = array<i32>} : memref<4x32x128xf32, #tpu.memory_space<vmem>>, vector<1x1x16xf32>,
      %get3A_584 = vector.shape_cast %get3A_583 : vector<1x1x16xf32> to vector<16xf32>
      %add3A_585 = arith.addf %get3A_584, %get3A_536 : vector<16xf32>
      %swap3A_586 = arith.constant 3 : i32
      %swap3A_587 = arith.index_cast %swap3A_586 : i32 to index
      %swap3A_588 = arith.index_cast %scan3A_346 : i32 to index
      %swap3A_589 = arith.constant 48 : index
      %swap3A_590 = tpu.vector_load %arg6[%swap3A_587, %swap3A_588, %swap3A_589] {strides = array<i32>} : memref<4x32x128xf32, #tpu.memory_space<vmem>>, vector<1x1x16xf32>,
      %swap3A_591 = vector.shape_cast %swap3A_590 : vector<1x1x16xf32> to vector<16xf32>
      %swap3A_592 = vector.shape_cast %add3A_585 : vector<16xf32> to vector<1x1x16xf32>
      tpu.vector_store %arg6[%swap3A_587, %swap3A_588, %swap3A_589], %swap3A_592 {strides = array<i32>} : memref<4x32x128xf32, #tpu.memory_space<vmem>>, vector<1x1x16xf32>,
      %add3A_593 = arith.constant 160 : i32
      %add3A_594 = arith.addi %add3A_593, %scan3A_346 : i32
      %get3A_595 = arith.index_cast %add3A_594 : i32 to index
      %get3A_596 = arith.constant 64 : index
      %get3A_597 = tpu.vector_load %arg5[%get3A_595, %get3A_596] {strides = array<i32>} : memref<256x128xf32, #tpu.memory_space<vmem>>, vector<1x16xf32>,
      %get3A_598 = vector.shape_cast %get3A_597 : vector<1x16xf32> to vector<16xf32>
      %get3A_599 = arith.constant 0 : i32
      %get3A_600 = arith.index_cast %get3A_599 : i32 to index
      %get3A_601 = arith.index_cast %scan3A_346 : i32 to index
      %get3A_602 = arith.constant 64 : index
      %get3A_603 = tpu.vector_load %arg6[%get3A_600, %get3A_601, %get3A_602] {strides = array<i32>} : memref<4x32x128xf32, #tpu.memory_space<vmem>>, vector<1x1x16xf32>,
      %get3A_604 = vector.shape_cast %get3A_603 : vector<1x1x16xf32> to vector<16xf32>
      %add3A_605 = arith.addf %get3A_604, %get3A_598 : vector<16xf32>
      %swap3A_606 = arith.constant 0 : i32
      %swap3A_607 = arith.index_cast %swap3A_606 : i32 to index
      %swap3A_608 = arith.index_cast %scan3A_346 : i32 to index
      %swap3A_609 = arith.constant 64 : index
      %swap3A_610 = tpu.vector_load %arg6[%swap3A_607, %swap3A_608, %swap3A_609] {strides = array<i32>} : memref<4x32x128xf32, #tpu.memory_space<vmem>>, vector<1x1x16xf32>,
      %swap3A_611 = vector.shape_cast %swap3A_610 : vector<1x1x16xf32> to vector<16xf32>
      %swap3A_612 = vector.shape_cast %add3A_605 : vector<16xf32> to vector<1x1x16xf32>
      tpu.vector_store %arg6[%swap3A_607, %swap3A_608, %swap3A_609], %swap3A_612 {strides = array<i32>} : memref<4x32x128xf32, #tpu.memory_space<vmem>>, vector<1x1x16xf32>,
      %get3A_613 = arith.constant 1 : i32
      %get3A_614 = arith.index_cast %get3A_613 : i32 to index
      %get3A_615 = arith.index_cast %scan3A_346 : i32 to index
      %get3A_616 = arith.constant 64 : index
      %get3A_617 = tpu.vector_load %arg6[%get3A_614, %get3A_615, %get3A_616] {strides = array<i32>} : memref<4x32x128xf32, #tpu.memory_space<vmem>>, vector<1x1x16xf32>,
      %get3A_618 = vector.shape_cast %get3A_617 : vector<1x1x16xf32> to vector<16xf32>
      %add3A_619 = arith.addf %get3A_618, %get3A_598 : vector<16xf32>
      %swap3A_620 = arith.constant 1 : i32
      %swap3A_621 = arith.index_cast %swap3A_620 : i32 to index
      %swap3A_622 = arith.index_cast %scan3A_346 : i32 to index
      %swap3A_623 = arith.constant 64 : index
      %swap3A_624 = tpu.vector_load %arg6[%swap3A_621, %swap3A_622, %swap3A_623] {strides = array<i32>} : memref<4x32x128xf32, #tpu.memory_space<vmem>>, vector<1x1x16xf32>,
      %swap3A_625 = vector.shape_cast %swap3A_624 : vector<1x1x16xf32> to vector<16xf32>
      %swap3A_626 = vector.shape_cast %add3A_619 : vector<16xf32> to vector<1x1x16xf32>
      tpu.vector_store %arg6[%swap3A_621, %swap3A_622, %swap3A_623], %swap3A_626 {strides = array<i32>} : memref<4x32x128xf32, #tpu.memory_space<vmem>>, vector<1x1x16xf32>,
      %get3A_627 = arith.constant 2 : i32
      %get3A_628 = arith.index_cast %get3A_627 : i32 to index
      %get3A_629 = arith.index_cast %scan3A_346 : i32 to index
      %get3A_630 = arith.constant 64 : index
      %get3A_631 = tpu.vector_load %arg6[%get3A_628, %get3A_629, %get3A_630] {strides = array<i32>} : memref<4x32x128xf32, #tpu.memory_space<vmem>>, vector<1x1x16xf32>,
      %get3A_632 = vector.shape_cast %get3A_631 : vector<1x1x16xf32> to vector<16xf32>
      %add3A_633 = arith.addf %get3A_632, %get3A_598 : vector<16xf32>
      %swap3A_634 = arith.constant 2 : i32
      %swap3A_635 = arith.index_cast %swap3A_634 : i32 to index
      %swap3A_636 = arith.index_cast %scan3A_346 : i32 to index
      %swap3A_637 = arith.constant 64 : index
      %swap3A_638 = tpu.vector_load %arg6[%swap3A_635, %swap3A_636, %swap3A_637] {strides = array<i32>} : memref<4x32x128xf32, #tpu.memory_space<vmem>>, vector<1x1x16xf32>,
      %swap3A_639 = vector.shape_cast %swap3A_638 : vector<1x1x16xf32> to vector<16xf32>
      %swap3A_640 = vector.shape_cast %add3A_633 : vector<16xf32> to vector<1x1x16xf32>
      tpu.vector_store %arg6[%swap3A_635, %swap3A_636, %swap3A_637], %swap3A_640 {strides = array<i32>} : memref<4x32x128xf32, #tpu.memory_space<vmem>>, vector<1x1x16xf32>,
      %get3A_641 = arith.constant 3 : i32
      %get3A_642 = arith.index_cast %get3A_641 : i32 to index
      %get3A_643 = arith.index_cast %scan3A_346 : i32 to index
      %get3A_644 = arith.constant 64 : index
      %get3A_645 = tpu.vector_load %arg6[%get3A_642, %get3A_643, %get3A_644] {strides = array<i32>} : memref<4x32x128xf32, #tpu.memory_space<vmem>>, vector<1x1x16xf32>,
      %get3A_646 = vector.shape_cast %get3A_645 : vector<1x1x16xf32> to vector<16xf32>
      %add3A_647 = arith.addf %get3A_646, %get3A_598 : vector<16xf32>
      %swap3A_648 = arith.constant 3 : i32
      %swap3A_649 = arith.index_cast %swap3A_648 : i32 to index
      %swap3A_650 = arith.index_cast %scan3A_346 : i32 to index
      %swap3A_651 = arith.constant 64 : index
      %swap3A_652 = tpu.vector_load %arg6[%swap3A_649, %swap3A_650, %swap3A_651] {strides = array<i32>} : memref<4x32x128xf32, #tpu.memory_space<vmem>>, vector<1x1x16xf32>,
      %swap3A_653 = vector.shape_cast %swap3A_652 : vector<1x1x16xf32> to vector<16xf32>
      %swap3A_654 = vector.shape_cast %add3A_647 : vector<16xf32> to vector<1x1x16xf32>
      tpu.vector_store %arg6[%swap3A_649, %swap3A_650, %swap3A_651], %swap3A_654 {strides = array<i32>} : memref<4x32x128xf32, #tpu.memory_space<vmem>>, vector<1x1x16xf32>,
      %add3A_655 = arith.constant 160 : i32
      %add3A_656 = arith.addi %add3A_655, %scan3A_346 : i32
      %get3A_657 = arith.index_cast %add3A_656 : i32 to index
      %get3A_658 = arith.constant 80 : index
      %get3A_659 = tpu.vector_load %arg5[%get3A_657, %get3A_658] {strides = array<i32>} : memref<256x128xf32, #tpu.memory_space<vmem>>, vector<1x16xf32>,
      %get3A_660 = vector.shape_cast %get3A_659 : vector<1x16xf32> to vector<16xf32>
      %get3A_661 = arith.constant 0 : i32
      %get3A_662 = arith.index_cast %get3A_661 : i32 to index
      %get3A_663 = arith.index_cast %scan3A_346 : i32 to index
      %get3A_664 = arith.constant 80 : index
      %get3A_665 = tpu.vector_load %arg6[%get3A_662, %get3A_663, %get3A_664] {strides = array<i32>} : memref<4x32x128xf32, #tpu.memory_space<vmem>>, vector<1x1x16xf32>,
      %get3A_666 = vector.shape_cast %get3A_665 : vector<1x1x16xf32> to vector<16xf32>
      %add3A_667 = arith.addf %get3A_666, %get3A_660 : vector<16xf32>
      %swap3A_668 = arith.constant 0 : i32
      %swap3A_669 = arith.index_cast %swap3A_668 : i32 to index
      %swap3A_670 = arith.index_cast %scan3A_346 : i32 to index
      %swap3A_671 = arith.constant 80 : index
      %swap3A_672 = tpu.vector_load %arg6[%swap3A_669, %swap3A_670, %swap3A_671] {strides = array<i32>} : memref<4x32x128xf32, #tpu.memory_space<vmem>>, vector<1x1x16xf32>,
      %swap3A_673 = vector.shape_cast %swap3A_672 : vector<1x1x16xf32> to vector<16xf32>
      %swap3A_674 = vector.shape_cast %add3A_667 : vector<16xf32> to vector<1x1x16xf32>
      tpu.vector_store %arg6[%swap3A_669, %swap3A_670, %swap3A_671], %swap3A_674 {strides = array<i32>} : memref<4x32x128xf32, #tpu.memory_space<vmem>>, vector<1x1x16xf32>,
      %get3A_675 = arith.constant 1 : i32
      %get3A_676 = arith.index_cast %get3A_675 : i32 to index
      %get3A_677 = arith.index_cast %scan3A_346 : i32 to index
      %get3A_678 = arith.constant 80 : index
      %get3A_679 = tpu.vector_load %arg6[%get3A_676, %get3A_677, %get3A_678] {strides = array<i32>} : memref<4x32x128xf32, #tpu.memory_space<vmem>>, vector<1x1x16xf32>,
      %get3A_680 = vector.shape_cast %get3A_679 : vector<1x1x16xf32> to vector<16xf32>
      %add3A_681 = arith.addf %get3A_680, %get3A_660 : vector<16xf32>
      %swap3A_682 = arith.constant 1 : i32
      %swap3A_683 = arith.index_cast %swap3A_682 : i32 to index
      %swap3A_684 = arith.index_cast %scan3A_346 : i32 to index
      %swap3A_685 = arith.constant 80 : index
      %swap3A_686 = tpu.vector_load %arg6[%swap3A_683, %swap3A_684, %swap3A_685] {strides = array<i32>} : memref<4x32x128xf32, #tpu.memory_space<vmem>>, vector<1x1x16xf32>,
      %swap3A_687 = vector.shape_cast %swap3A_686 : vector<1x1x16xf32> to vector<16xf32>
      %swap3A_688 = vector.shape_cast %add3A_681 : vector<16xf32> to vector<1x1x16xf32>
      tpu.vector_store %arg6[%swap3A_683, %swap3A_684, %swap3A_685], %swap3A_688 {strides = array<i32>} : memref<4x32x128xf32, #tpu.memory_space<vmem>>, vector<1x1x16xf32>,
      %get3A_689 = arith.constant 2 : i32
      %get3A_690 = arith.index_cast %get3A_689 : i32 to index
      %get3A_691 = arith.index_cast %scan3A_346 : i32 to index
      %get3A_692 = arith.constant 80 : index
      %get3A_693 = tpu.vector_load %arg6[%get3A_690, %get3A_691, %get3A_692] {strides = array<i32>} : memref<4x32x128xf32, #tpu.memory_space<vmem>>, vector<1x1x16xf32>,
      %get3A_694 = vector.shape_cast %get3A_693 : vector<1x1x16xf32> to vector<16xf32>
      %add3A_695 = arith.addf %get3A_694, %get3A_660 : vector<16xf32>
      %swap3A_696 = arith.constant 2 : i32
      %swap3A_697 = arith.index_cast %swap3A_696 : i32 to index
      %swap3A_698 = arith.index_cast %scan3A_346 : i32 to index
      %swap3A_699 = arith.constant 80 : index
      %swap3A_700 = tpu.vector_load %arg6[%swap3A_697, %swap3A_698, %swap3A_699] {strides = array<i32>} : memref<4x32x128xf32, #tpu.memory_space<vmem>>, vector<1x1x16xf32>,
      %swap3A_701 = vector.shape_cast %swap3A_700 : vector<1x1x16xf32> to vector<16xf32>
      %swap3A_702 = vector.shape_cast %add3A_695 : vector<16xf32> to vector<1x1x16xf32>
      tpu.vector_store %arg6[%swap3A_697, %swap3A_698, %swap3A_699], %swap3A_702 {strides = array<i32>} : memref<4x32x128xf32, #tpu.memory_space<vmem>>, vector<1x1x16xf32>,
      %get3A_703 = arith.constant 3 : i32
      %get3A_704 = arith.index_cast %get3A_703 : i32 to index
      %get3A_705 = arith.index_cast %scan3A_346 : i32 to index
      %get3A_706 = arith.constant 80 : index
      %get3A_707 = tpu.vector_load %arg6[%get3A_704, %get3A_705, %get3A_706] {strides = array<i32>} : memref<4x32x128xf32, #tpu.memory_space<vmem>>, vector<1x1x16xf32>,
      %get3A_708 = vector.shape_cast %get3A_707 : vector<1x1x16xf32> to vector<16xf32>
      %add3A_709 = arith.addf %get3A_708, %get3A_660 : vector<16xf32>
      %swap3A_710 = arith.constant 3 : i32
      %swap3A_711 = arith.index_cast %swap3A_710 : i32 to index
      %swap3A_712 = arith.index_cast %scan3A_346 : i32 to index
      %swap3A_713 = arith.constant 80 : index
      %swap3A_714 = tpu.vector_load %arg6[%swap3A_711, %swap3A_712, %swap3A_713] {strides = array<i32>} : memref<4x32x128xf32, #tpu.memory_space<vmem>>, vector<1x1x16xf32>,
      %swap3A_715 = vector.shape_cast %swap3A_714 : vector<1x1x16xf32> to vector<16xf32>
      %swap3A_716 = vector.shape_cast %add3A_709 : vector<16xf32> to vector<1x1x16xf32>
      tpu.vector_store %arg6[%swap3A_711, %swap3A_712, %swap3A_713], %swap3A_716 {strides = array<i32>} : memref<4x32x128xf32, #tpu.memory_space<vmem>>, vector<1x1x16xf32>,
      %add3A_717 = arith.constant 160 : i32
      %add3A_718 = arith.addi %add3A_717, %scan3A_346 : i32
      %get3A_719 = arith.index_cast %add3A_718 : i32 to index
      %get3A_720 = arith.constant 96 : index
      %get3A_721 = tpu.vector_load %arg5[%get3A_719, %get3A_720] {strides = array<i32>} : memref<256x128xf32, #tpu.memory_space<vmem>>, vector<1x16xf32>,
      %get3A_722 = vector.shape_cast %get3A_721 : vector<1x16xf32> to vector<16xf32>
      %get3A_723 = arith.constant 0 : i32
      %get3A_724 = arith.index_cast %get3A_723 : i32 to index
      %get3A_725 = arith.index_cast %scan3A_346 : i32 to index
      %get3A_726 = arith.constant 96 : index
      %get3A_727 = tpu.vector_load %arg6[%get3A_724, %get3A_725, %get3A_726] {strides = array<i32>} : memref<4x32x128xf32, #tpu.memory_space<vmem>>, vector<1x1x16xf32>,
      %get3A_728 = vector.shape_cast %get3A_727 : vector<1x1x16xf32> to vector<16xf32>
      %add3A_729 = arith.addf %get3A_728, %get3A_722 : vector<16xf32>
      %swap3A_730 = arith.constant 0 : i32
      %swap3A_731 = arith.index_cast %swap3A_730 : i32 to index
      %swap3A_732 = arith.index_cast %scan3A_346 : i32 to index
      %swap3A_733 = arith.constant 96 : index
      %swap3A_734 = tpu.vector_load %arg6[%swap3A_731, %swap3A_732, %swap3A_733] {strides = array<i32>} : memref<4x32x128xf32, #tpu.memory_space<vmem>>, vector<1x1x16xf32>,
      %swap3A_735 = vector.shape_cast %swap3A_734 : vector<1x1x16xf32> to vector<16xf32>
      %swap3A_736 = vector.shape_cast %add3A_729 : vector<16xf32> to vector<1x1x16xf32>
      tpu.vector_store %arg6[%swap3A_731, %swap3A_732, %swap3A_733], %swap3A_736 {strides = array<i32>} : memref<4x32x128xf32, #tpu.memory_space<vmem>>, vector<1x1x16xf32>,
      %get3A_737 = arith.constant 1 : i32
      %get3A_738 = arith.index_cast %get3A_737 : i32 to index
      %get3A_739 = arith.index_cast %scan3A_346 : i32 to index
      %get3A_740 = arith.constant 96 : index
      %get3A_741 = tpu.vector_load %arg6[%get3A_738, %get3A_739, %get3A_740] {strides = array<i32>} : memref<4x32x128xf32, #tpu.memory_space<vmem>>, vector<1x1x16xf32>,
      %get3A_742 = vector.shape_cast %get3A_741 : vector<1x1x16xf32> to vector<16xf32>
      %add3A_743 = arith.addf %get3A_742, %get3A_722 : vector<16xf32>
      %swap3A_744 = arith.constant 1 : i32
      %swap3A_745 = arith.index_cast %swap3A_744 : i32 to index
      %swap3A_746 = arith.index_cast %scan3A_346 : i32 to index
      %swap3A_747 = arith.constant 96 : index
      %swap3A_748 = tpu.vector_load %arg6[%swap3A_745, %swap3A_746, %swap3A_747] {strides = array<i32>} : memref<4x32x128xf32, #tpu.memory_space<vmem>>, vector<1x1x16xf32>,
      %swap3A_749 = vector.shape_cast %swap3A_748 : vector<1x1x16xf32> to vector<16xf32>
      %swap3A_750 = vector.shape_cast %add3A_743 : vector<16xf32> to vector<1x1x16xf32>
      tpu.vector_store %arg6[%swap3A_745, %swap3A_746, %swap3A_747], %swap3A_750 {strides = array<i32>} : memref<4x32x128xf32, #tpu.memory_space<vmem>>, vector<1x1x16xf32>,
      %get3A_751 = arith.constant 2 : i32
      %get3A_752 = arith.index_cast %get3A_751 : i32 to index
      %get3A_753 = arith.index_cast %scan3A_346 : i32 to index
      %get3A_754 = arith.constant 96 : index
      %get3A_755 = tpu.vector_load %arg6[%get3A_752, %get3A_753, %get3A_754] {strides = array<i32>} : memref<4x32x128xf32, #tpu.memory_space<vmem>>, vector<1x1x16xf32>,
      %get3A_756 = vector.shape_cast %get3A_755 : vector<1x1x16xf32> to vector<16xf32>
      %add3A_757 = arith.addf %get3A_756, %get3A_722 : vector<16xf32>
      %swap3A_758 = arith.constant 2 : i32
      %swap3A_759 = arith.index_cast %swap3A_758 : i32 to index
      %swap3A_760 = arith.index_cast %scan3A_346 : i32 to index
      %swap3A_761 = arith.constant 96 : index
      %swap3A_762 = tpu.vector_load %arg6[%swap3A_759, %swap3A_760, %swap3A_761] {strides = array<i32>} : memref<4x32x128xf32, #tpu.memory_space<vmem>>, vector<1x1x16xf32>,
      %swap3A_763 = vector.shape_cast %swap3A_762 : vector<1x1x16xf32> to vector<16xf32>
      %swap3A_764 = vector.shape_cast %add3A_757 : vector<16xf32> to vector<1x1x16xf32>
      tpu.vector_store %arg6[%swap3A_759, %swap3A_760, %swap3A_761], %swap3A_764 {strides = array<i32>} : memref<4x32x128xf32, #tpu.memory_space<vmem>>, vector<1x1x16xf32>,
      %get3A_765 = arith.constant 3 : i32
      %get3A_766 = arith.index_cast %get3A_765 : i32 to index
      %get3A_767 = arith.index_cast %scan3A_346 : i32 to index
      %get3A_768 = arith.constant 96 : index
      %get3A_769 = tpu.vector_load %arg6[%get3A_766, %get3A_767, %get3A_768] {strides = array<i32>} : memref<4x32x128xf32, #tpu.memory_space<vmem>>, vector<1x1x16xf32>,
      %get3A_770 = vector.shape_cast %get3A_769 : vector<1x1x16xf32> to vector<16xf32>
      %add3A_771 = arith.addf %get3A_770, %get3A_722 : vector<16xf32>
      %swap3A_772 = arith.constant 3 : i32
      %swap3A_773 = arith.index_cast %swap3A_772 : i32 to index
      %swap3A_774 = arith.index_cast %scan3A_346 : i32 to index
      %swap3A_775 = arith.constant 96 : index
      %swap3A_776 = tpu.vector_load %arg6[%swap3A_773, %swap3A_774, %swap3A_775] {strides = array<i32>} : memref<4x32x128xf32, #tpu.memory_space<vmem>>, vector<1x1x16xf32>,
      %swap3A_777 = vector.shape_cast %swap3A_776 : vector<1x1x16xf32> to vector<16xf32>
      %swap3A_778 = vector.shape_cast %add3A_771 : vector<16xf32> to vector<1x1x16xf32>
      tpu.vector_store %arg6[%swap3A_773, %swap3A_774, %swap3A_775], %swap3A_778 {strides = array<i32>} : memref<4x32x128xf32, #tpu.memory_space<vmem>>, vector<1x1x16xf32>,
      %add3A_779 = arith.constant 160 : i32
      %add3A_780 = arith.addi %add3A_779, %scan3A_346 : i32
      %get3A_781 = arith.index_cast %add3A_780 : i32 to index
      %get3A_782 = arith.constant 112 : index
      %get3A_783 = tpu.vector_load %arg5[%get3A_781, %get3A_782] {strides = array<i32>} : memref<256x128xf32, #tpu.memory_space<vmem>>, vector<1x16xf32>,
      %get3A_784 = vector.shape_cast %get3A_783 : vector<1x16xf32> to vector<16xf32>
      %get3A_785 = arith.constant 0 : i32
      %get3A_786 = arith.index_cast %get3A_785 : i32 to index
      %get3A_787 = arith.index_cast %scan3A_346 : i32 to index
      %get3A_788 = arith.constant 112 : index
      %get3A_789 = tpu.vector_load %arg6[%get3A_786, %get3A_787, %get3A_788] {strides = array<i32>} : memref<4x32x128xf32, #tpu.memory_space<vmem>>, vector<1x1x16xf32>,
      %get3A_790 = vector.shape_cast %get3A_789 : vector<1x1x16xf32> to vector<16xf32>
      %add3A_791 = arith.addf %get3A_790, %get3A_784 : vector<16xf32>
      %swap3A_792 = arith.constant 0 : i32
      %swap3A_793 = arith.index_cast %swap3A_792 : i32 to index
      %swap3A_794 = arith.index_cast %scan3A_346 : i32 to index
      %swap3A_795 = arith.constant 112 : index
      %swap3A_796 = tpu.vector_load %arg6[%swap3A_793, %swap3A_794, %swap3A_795] {strides = array<i32>} : memref<4x32x128xf32, #tpu.memory_space<vmem>>, vector<1x1x16xf32>,
      %swap3A_797 = vector.shape_cast %swap3A_796 : vector<1x1x16xf32> to vector<16xf32>
      %swap3A_798 = vector.shape_cast %add3A_791 : vector<16xf32> to vector<1x1x16xf32>
      tpu.vector_store %arg6[%swap3A_793, %swap3A_794, %swap3A_795], %swap3A_798 {strides = array<i32>} : memref<4x32x128xf32, #tpu.memory_space<vmem>>, vector<1x1x16xf32>,
      %get3A_799 = arith.constant 1 : i32
      %get3A_800 = arith.index_cast %get3A_799 : i32 to index
      %get3A_801 = arith.index_cast %scan3A_346 : i32 to index
      %get3A_802 = arith.constant 112 : index
      %get3A_803 = tpu.vector_load %arg6[%get3A_800, %get3A_801, %get3A_802] {strides = array<i32>} : memref<4x32x128xf32, #tpu.memory_space<vmem>>, vector<1x1x16xf32>,
      %get3A_804 = vector.shape_cast %get3A_803 : vector<1x1x16xf32> to vector<16xf32>
      %add3A_805 = arith.addf %get3A_804, %get3A_784 : vector<16xf32>
      %swap3A_806 = arith.constant 1 : i32
      %swap3A_807 = arith.index_cast %swap3A_806 : i32 to index
      %swap3A_808 = arith.index_cast %scan3A_346 : i32 to index
      %swap3A_809 = arith.constant 112 : index
      %swap3A_810 = tpu.vector_load %arg6[%swap3A_807, %swap3A_808, %swap3A_809] {strides = array<i32>} : memref<4x32x128xf32, #tpu.memory_space<vmem>>, vector<1x1x16xf32>,
      %swap3A_811 = vector.shape_cast %swap3A_810 : vector<1x1x16xf32> to vector<16xf32>
      %swap3A_812 = vector.shape_cast %add3A_805 : vector<16xf32> to vector<1x1x16xf32>
      tpu.vector_store %arg6[%swap3A_807, %swap3A_808, %swap3A_809], %swap3A_812 {strides = array<i32>} : memref<4x32x128xf32, #tpu.memory_space<vmem>>, vector<1x1x16xf32>,
      %get3A_813 = arith.constant 2 : i32
      %get3A_814 = arith.index_cast %get3A_813 : i32 to index
      %get3A_815 = arith.index_cast %scan3A_346 : i32 to index
      %get3A_816 = arith.constant 112 : index
      %get3A_817 = tpu.vector_load %arg6[%get3A_814, %get3A_815, %get3A_816] {strides = array<i32>} : memref<4x32x128xf32, #tpu.memory_space<vmem>>, vector<1x1x16xf32>,
      %get3A_818 = vector.shape_cast %get3A_817 : vector<1x1x16xf32> to vector<16xf32>
      %add3A_819 = arith.addf %get3A_818, %get3A_784 : vector<16xf32>
      %swap3A_820 = arith.constant 2 : i32
      %swap3A_821 = arith.index_cast %swap3A_820 : i32 to index
      %swap3A_822 = arith.index_cast %scan3A_346 : i32 to index
      %swap3A_823 = arith.constant 112 : index
      %swap3A_824 = tpu.vector_load %arg6[%swap3A_821, %swap3A_822, %swap3A_823] {strides = array<i32>} : memref<4x32x128xf32, #tpu.memory_space<vmem>>, vector<1x1x16xf32>,
      %swap3A_825 = vector.shape_cast %swap3A_824 : vector<1x1x16xf32> to vector<16xf32>
      %swap3A_826 = vector.shape_cast %add3A_819 : vector<16xf32> to vector<1x1x16xf32>
      tpu.vector_store %arg6[%swap3A_821, %swap3A_822, %swap3A_823], %swap3A_826 {strides = array<i32>} : memref<4x32x128xf32, #tpu.memory_space<vmem>>, vector<1x1x16xf32>,
      %get3A_827 = arith.constant 3 : i32
      %get3A_828 = arith.index_cast %get3A_827 : i32 to index
      %get3A_829 = arith.index_cast %scan3A_346 : i32 to index
      %get3A_830 = arith.constant 112 : index
      %get3A_831 = tpu.vector_load %arg6[%get3A_828, %get3A_829, %get3A_830] {strides = array<i32>} : memref<4x32x128xf32, #tpu.memory_space<vmem>>, vector<1x1x16xf32>,
      %get3A_832 = vector.shape_cast %get3A_831 : vector<1x1x16xf32> to vector<16xf32>
      %add3A_833 = arith.addf %get3A_832, %get3A_784 : vector<16xf32>
      %swap3A_834 = arith.constant 3 : i32
      %swap3A_835 = arith.index_cast %swap3A_834 : i32 to index
      %swap3A_836 = arith.index_cast %scan3A_346 : i32 to index
      %swap3A_837 = arith.constant 112 : index
      %swap3A_838 = tpu.vector_load %arg6[%swap3A_835, %swap3A_836, %swap3A_837] {strides = array<i32>} : memref<4x32x128xf32, #tpu.memory_space<vmem>>, vector<1x1x16xf32>,
      %swap3A_839 = vector.shape_cast %swap3A_838 : vector<1x1x16xf32> to vector<16xf32>
      %swap3A_840 = vector.shape_cast %add3A_833 : vector<16xf32> to vector<1x1x16xf32>
      tpu.vector_store %arg6[%swap3A_835, %swap3A_836, %swap3A_837], %swap3A_840 {strides = array<i32>} : memref<4x32x128xf32, #tpu.memory_space<vmem>>, vector<1x1x16xf32>,
    }
    %scan3A_253 = arith.constant 32 : i32
    %add3A_254 = arith.constant 160 : i32
    %add3A_255 = arith.addi %mul3A_2, %add3A_254 : i32
    %dma_start3A_256 = arith.constant 0 : i32
    %dma_start3A_257 = arith.constant 0 : i32
    %dma_start3A_258 = tpu.memref_slice %arg4[%dma_start3A_256, %add3A_255, %dma_start3A_257] : memref<4x8192x128xf32, #tpu.memory_space<hbm>> -> memref<4x32x128xf32, #tpu.memory_space<hbm>>
    %dma_start3A_259 = arith.constant 0 : i32
    %dma_start3A_260 = arith.constant 0 : i32
    %dma_start3A_261 = tpu.memref_slice %arg4[%dma_start3A_259, %add3A_255, %dma_start3A_260] : memref<4x8192x128xf32, #tpu.memory_space<hbm>> -> memref<4x32x128xf32, #tpu.memory_space<hbm>>
    tpu.enqueue_dma source(%arg6 : memref<4x32x128xf32, #tpu.memory_space<vmem>>) target(%dma_start3A_261 : memref<4x32x128xf32, #tpu.memory_space<hbm>>) target_semaphore(%arg18 : memref<!tpu.dma_semaphore, #tpu.memory_space<semaphore_mem>>)
    %add3A_262 = arith.constant 192 : i32
    %add3A_263 = arith.addi %mul3A_2, %add3A_262 : i32
    %dma_wait3A_264 = arith.constant 0 : i32
    %dma_wait3A_265 = arith.constant 0 : i32
    %dma_wait3A_266 = tpu.memref_slice %arg2[%dma_wait3A_264, %add3A_263, %dma_wait3A_265] : memref<4x8192x128xf32, #tpu.memory_space<hbm>> -> memref<4x32x128xf32, #tpu.memory_space<hbm>>
    %dma_wait3A_267 = arith.constant 0 : i32
    %dma_wait3A_268 = arith.constant 0 : i32
    %dma_wait3A_269 = tpu.memref_slice %arg2[%dma_wait3A_267, %add3A_263, %dma_wait3A_268] : memref<4x8192x128xf32, #tpu.memory_space<hbm>> -> memref<4x32x128xf32, #tpu.memory_space<hbm>>
    tpu.wait_dma2 semaphore(%arg14 : memref<!tpu.dma_semaphore, #tpu.memory_space<semaphore_mem>>) src(%dma_wait3A_269 : memref<4x32x128xf32, #tpu.memory_space<hbm>>) dst(%arg7 : memref<4x32x128xf32, #tpu.memory_space<vmem>>)
    %scan3A_270 = arith.constant 0 : i32
    %scan3A_271 = arith.constant 0 : i32
    %scan3A_272 = arith.constant 32 : i32
    %scan3A_273 = arith.addi %scan3A_271, %scan3A_272 : i32
    %scan3A_274 = arith.constant 1 : i32
    scf.for %scan3A_346 = %scan3A_271 to %scan3A_273 step %scan3A_274  : i32 {
      %add3A_347 = arith.constant 192 : i32
      %add3A_348 = arith.addi %add3A_347, %scan3A_346 : i32
      %get3A = arith.index_cast %add3A_348 : i32 to index
      %get3A_349 = arith.constant 0 : index
      %get3A_350 = tpu.vector_load %arg5[%get3A, %get3A_349] {strides = array<i32>} : memref<256x128xf32, #tpu.memory_space<vmem>>, vector<1x16xf32>,
      %get3A_351 = vector.shape_cast %get3A_350 : vector<1x16xf32> to vector<16xf32>
      %get3A_352 = arith.constant 0 : i32
      %get3A_353 = arith.index_cast %get3A_352 : i32 to index
      %get3A_354 = arith.index_cast %scan3A_346 : i32 to index
      %get3A_355 = arith.constant 0 : index
      %get3A_356 = tpu.vector_load %arg7[%get3A_353, %get3A_354, %get3A_355] {strides = array<i32>} : memref<4x32x128xf32, #tpu.memory_space<vmem>>, vector<1x1x16xf32>,
      %get3A_357 = vector.shape_cast %get3A_356 : vector<1x1x16xf32> to vector<16xf32>
      %add3A_358 = arith.addf %get3A_357, %get3A_351 : vector<16xf32>
      %swap3A = arith.constant 0 : i32
      %swap3A_359 = arith.index_cast %swap3A : i32 to index
      %swap3A_360 = arith.index_cast %scan3A_346 : i32 to index
      %swap3A_361 = arith.constant 0 : index
      %swap3A_362 = tpu.vector_load %arg7[%swap3A_359, %swap3A_360, %swap3A_361] {strides = array<i32>} : memref<4x32x128xf32, #tpu.memory_space<vmem>>, vector<1x1x16xf32>,
      %swap3A_363 = vector.shape_cast %swap3A_362 : vector<1x1x16xf32> to vector<16xf32>
      %swap3A_364 = vector.shape_cast %add3A_358 : vector<16xf32> to vector<1x1x16xf32>
      tpu.vector_store %arg7[%swap3A_359, %swap3A_360, %swap3A_361], %swap3A_364 {strides = array<i32>} : memref<4x32x128xf32, #tpu.memory_space<vmem>>, vector<1x1x16xf32>,
      %get3A_365 = arith.constant 1 : i32
      %get3A_366 = arith.index_cast %get3A_365 : i32 to index
      %get3A_367 = arith.index_cast %scan3A_346 : i32 to index
      %get3A_368 = arith.constant 0 : index
      %get3A_369 = tpu.vector_load %arg7[%get3A_366, %get3A_367, %get3A_368] {strides = array<i32>} : memref<4x32x128xf32, #tpu.memory_space<vmem>>, vector<1x1x16xf32>,
      %get3A_370 = vector.shape_cast %get3A_369 : vector<1x1x16xf32> to vector<16xf32>
      %add3A_371 = arith.addf %get3A_370, %get3A_351 : vector<16xf32>
      %swap3A_372 = arith.constant 1 : i32
      %swap3A_373 = arith.index_cast %swap3A_372 : i32 to index
      %swap3A_374 = arith.index_cast %scan3A_346 : i32 to index
      %swap3A_375 = arith.constant 0 : index
      %swap3A_376 = tpu.vector_load %arg7[%swap3A_373, %swap3A_374, %swap3A_375] {strides = array<i32>} : memref<4x32x128xf32, #tpu.memory_space<vmem>>, vector<1x1x16xf32>,
      %swap3A_377 = vector.shape_cast %swap3A_376 : vector<1x1x16xf32> to vector<16xf32>
      %swap3A_378 = vector.shape_cast %add3A_371 : vector<16xf32> to vector<1x1x16xf32>
      tpu.vector_store %arg7[%swap3A_373, %swap3A_374, %swap3A_375], %swap3A_378 {strides = array<i32>} : memref<4x32x128xf32, #tpu.memory_space<vmem>>, vector<1x1x16xf32>,
      %get3A_379 = arith.constant 2 : i32
      %get3A_380 = arith.index_cast %get3A_379 : i32 to index
      %get3A_381 = arith.index_cast %scan3A_346 : i32 to index
      %get3A_382 = arith.constant 0 : index
      %get3A_383 = tpu.vector_load %arg7[%get3A_380, %get3A_381, %get3A_382] {strides = array<i32>} : memref<4x32x128xf32, #tpu.memory_space<vmem>>, vector<1x1x16xf32>,
      %get3A_384 = vector.shape_cast %get3A_383 : vector<1x1x16xf32> to vector<16xf32>
      %add3A_385 = arith.addf %get3A_384, %get3A_351 : vector<16xf32>
      %swap3A_386 = arith.constant 2 : i32
      %swap3A_387 = arith.index_cast %swap3A_386 : i32 to index
      %swap3A_388 = arith.index_cast %scan3A_346 : i32 to index
      %swap3A_389 = arith.constant 0 : index
      %swap3A_390 = tpu.vector_load %arg7[%swap3A_387, %swap3A_388, %swap3A_389] {strides = array<i32>} : memref<4x32x128xf32, #tpu.memory_space<vmem>>, vector<1x1x16xf32>,
      %swap3A_391 = vector.shape_cast %swap3A_390 : vector<1x1x16xf32> to vector<16xf32>
      %swap3A_392 = vector.shape_cast %add3A_385 : vector<16xf32> to vector<1x1x16xf32>
      tpu.vector_store %arg7[%swap3A_387, %swap3A_388, %swap3A_389], %swap3A_392 {strides = array<i32>} : memref<4x32x128xf32, #tpu.memory_space<vmem>>, vector<1x1x16xf32>,
      %get3A_393 = arith.constant 3 : i32
      %get3A_394 = arith.index_cast %get3A_393 : i32 to index
      %get3A_395 = arith.index_cast %scan3A_346 : i32 to index
      %get3A_396 = arith.constant 0 : index
      %get3A_397 = tpu.vector_load %arg7[%get3A_394, %get3A_395, %get3A_396] {strides = array<i32>} : memref<4x32x128xf32, #tpu.memory_space<vmem>>, vector<1x1x16xf32>,
      %get3A_398 = vector.shape_cast %get3A_397 : vector<1x1x16xf32> to vector<16xf32>
      %add3A_399 = arith.addf %get3A_398, %get3A_351 : vector<16xf32>
      %swap3A_400 = arith.constant 3 : i32
      %swap3A_401 = arith.index_cast %swap3A_400 : i32 to index
      %swap3A_402 = arith.index_cast %scan3A_346 : i32 to index
      %swap3A_403 = arith.constant 0 : index
      %swap3A_404 = tpu.vector_load %arg7[%swap3A_401, %swap3A_402, %swap3A_403] {strides = array<i32>} : memref<4x32x128xf32, #tpu.memory_space<vmem>>, vector<1x1x16xf32>,
      %swap3A_405 = vector.shape_cast %swap3A_404 : vector<1x1x16xf32> to vector<16xf32>
      %swap3A_406 = vector.shape_cast %add3A_399 : vector<16xf32> to vector<1x1x16xf32>
      tpu.vector_store %arg7[%swap3A_401, %swap3A_402, %swap3A_403], %swap3A_406 {strides = array<i32>} : memref<4x32x128xf32, #tpu.memory_space<vmem>>, vector<1x1x16xf32>,
      %add3A_407 = arith.constant 192 : i32
      %add3A_408 = arith.addi %add3A_407, %scan3A_346 : i32
      %get3A_409 = arith.index_cast %add3A_408 : i32 to index
      %get3A_410 = arith.constant 16 : index
      %get3A_411 = tpu.vector_load %arg5[%get3A_409, %get3A_410] {strides = array<i32>} : memref<256x128xf32, #tpu.memory_space<vmem>>, vector<1x16xf32>,
      %get3A_412 = vector.shape_cast %get3A_411 : vector<1x16xf32> to vector<16xf32>
      %get3A_413 = arith.constant 0 : i32
      %get3A_414 = arith.index_cast %get3A_413 : i32 to index
      %get3A_415 = arith.index_cast %scan3A_346 : i32 to index
      %get3A_416 = arith.constant 16 : index
      %get3A_417 = tpu.vector_load %arg7[%get3A_414, %get3A_415, %get3A_416] {strides = array<i32>} : memref<4x32x128xf32, #tpu.memory_space<vmem>>, vector<1x1x16xf32>,
      %get3A_418 = vector.shape_cast %get3A_417 : vector<1x1x16xf32> to vector<16xf32>
      %add3A_419 = arith.addf %get3A_418, %get3A_412 : vector<16xf32>
      %swap3A_420 = arith.constant 0 : i32
      %swap3A_421 = arith.index_cast %swap3A_420 : i32 to index
      %swap3A_422 = arith.index_cast %scan3A_346 : i32 to index
      %swap3A_423 = arith.constant 16 : index
      %swap3A_424 = tpu.vector_load %arg7[%swap3A_421, %swap3A_422, %swap3A_423] {strides = array<i32>} : memref<4x32x128xf32, #tpu.memory_space<vmem>>, vector<1x1x16xf32>,
      %swap3A_425 = vector.shape_cast %swap3A_424 : vector<1x1x16xf32> to vector<16xf32>
      %swap3A_426 = vector.shape_cast %add3A_419 : vector<16xf32> to vector<1x1x16xf32>
      tpu.vector_store %arg7[%swap3A_421, %swap3A_422, %swap3A_423], %swap3A_426 {strides = array<i32>} : memref<4x32x128xf32, #tpu.memory_space<vmem>>, vector<1x1x16xf32>,
      %get3A_427 = arith.constant 1 : i32
      %get3A_428 = arith.index_cast %get3A_427 : i32 to index
      %get3A_429 = arith.index_cast %scan3A_346 : i32 to index
      %get3A_430 = arith.constant 16 : index
      %get3A_431 = tpu.vector_load %arg7[%get3A_428, %get3A_429, %get3A_430] {strides = array<i32>} : memref<4x32x128xf32, #tpu.memory_space<vmem>>, vector<1x1x16xf32>,
      %get3A_432 = vector.shape_cast %get3A_431 : vector<1x1x16xf32> to vector<16xf32>
      %add3A_433 = arith.addf %get3A_432, %get3A_412 : vector<16xf32>
      %swap3A_434 = arith.constant 1 : i32
      %swap3A_435 = arith.index_cast %swap3A_434 : i32 to index
      %swap3A_436 = arith.index_cast %scan3A_346 : i32 to index
      %swap3A_437 = arith.constant 16 : index
      %swap3A_438 = tpu.vector_load %arg7[%swap3A_435, %swap3A_436, %swap3A_437] {strides = array<i32>} : memref<4x32x128xf32, #tpu.memory_space<vmem>>, vector<1x1x16xf32>,
      %swap3A_439 = vector.shape_cast %swap3A_438 : vector<1x1x16xf32> to vector<16xf32>
      %swap3A_440 = vector.shape_cast %add3A_433 : vector<16xf32> to vector<1x1x16xf32>
      tpu.vector_store %arg7[%swap3A_435, %swap3A_436, %swap3A_437], %swap3A_440 {strides = array<i32>} : memref<4x32x128xf32, #tpu.memory_space<vmem>>, vector<1x1x16xf32>,
      %get3A_441 = arith.constant 2 : i32
      %get3A_442 = arith.index_cast %get3A_441 : i32 to index
      %get3A_443 = arith.index_cast %scan3A_346 : i32 to index
      %get3A_444 = arith.constant 16 : index
      %get3A_445 = tpu.vector_load %arg7[%get3A_442, %get3A_443, %get3A_444] {strides = array<i32>} : memref<4x32x128xf32, #tpu.memory_space<vmem>>, vector<1x1x16xf32>,
      %get3A_446 = vector.shape_cast %get3A_445 : vector<1x1x16xf32> to vector<16xf32>
      %add3A_447 = arith.addf %get3A_446, %get3A_412 : vector<16xf32>
      %swap3A_448 = arith.constant 2 : i32
      %swap3A_449 = arith.index_cast %swap3A_448 : i32 to index
      %swap3A_450 = arith.index_cast %scan3A_346 : i32 to index
      %swap3A_451 = arith.constant 16 : index
      %swap3A_452 = tpu.vector_load %arg7[%swap3A_449, %swap3A_450, %swap3A_451] {strides = array<i32>} : memref<4x32x128xf32, #tpu.memory_space<vmem>>, vector<1x1x16xf32>,
      %swap3A_453 = vector.shape_cast %swap3A_452 : vector<1x1x16xf32> to vector<16xf32>
      %swap3A_454 = vector.shape_cast %add3A_447 : vector<16xf32> to vector<1x1x16xf32>
      tpu.vector_store %arg7[%swap3A_449, %swap3A_450, %swap3A_451], %swap3A_454 {strides = array<i32>} : memref<4x32x128xf32, #tpu.memory_space<vmem>>, vector<1x1x16xf32>,
      %get3A_455 = arith.constant 3 : i32
      %get3A_456 = arith.index_cast %get3A_455 : i32 to index
      %get3A_457 = arith.index_cast %scan3A_346 : i32 to index
      %get3A_458 = arith.constant 16 : index
      %get3A_459 = tpu.vector_load %arg7[%get3A_456, %get3A_457, %get3A_458] {strides = array<i32>} : memref<4x32x128xf32, #tpu.memory_space<vmem>>, vector<1x1x16xf32>,
      %get3A_460 = vector.shape_cast %get3A_459 : vector<1x1x16xf32> to vector<16xf32>
      %add3A_461 = arith.addf %get3A_460, %get3A_412 : vector<16xf32>
      %swap3A_462 = arith.constant 3 : i32
      %swap3A_463 = arith.index_cast %swap3A_462 : i32 to index
      %swap3A_464 = arith.index_cast %scan3A_346 : i32 to index
      %swap3A_465 = arith.constant 16 : index
      %swap3A_466 = tpu.vector_load %arg7[%swap3A_463, %swap3A_464, %swap3A_465] {strides = array<i32>} : memref<4x32x128xf32, #tpu.memory_space<vmem>>, vector<1x1x16xf32>,
      %swap3A_467 = vector.shape_cast %swap3A_466 : vector<1x1x16xf32> to vector<16xf32>
      %swap3A_468 = vector.shape_cast %add3A_461 : vector<16xf32> to vector<1x1x16xf32>
      tpu.vector_store %arg7[%swap3A_463, %swap3A_464, %swap3A_465], %swap3A_468 {strides = array<i32>} : memref<4x32x128xf32, #tpu.memory_space<vmem>>, vector<1x1x16xf32>,
      %add3A_469 = arith.constant 192 : i32
      %add3A_470 = arith.addi %add3A_469, %scan3A_346 : i32
      %get3A_471 = arith.index_cast %add3A_470 : i32 to index
      %get3A_472 = arith.constant 32 : index
      %get3A_473 = tpu.vector_load %arg5[%get3A_471, %get3A_472] {strides = array<i32>} : memref<256x128xf32, #tpu.memory_space<vmem>>, vector<1x16xf32>,
      %get3A_474 = vector.shape_cast %get3A_473 : vector<1x16xf32> to vector<16xf32>
      %get3A_475 = arith.constant 0 : i32
      %get3A_476 = arith.index_cast %get3A_475 : i32 to index
      %get3A_477 = arith.index_cast %scan3A_346 : i32 to index
      %get3A_478 = arith.constant 32 : index
      %get3A_479 = tpu.vector_load %arg7[%get3A_476, %get3A_477, %get3A_478] {strides = array<i32>} : memref<4x32x128xf32, #tpu.memory_space<vmem>>, vector<1x1x16xf32>,
      %get3A_480 = vector.shape_cast %get3A_479 : vector<1x1x16xf32> to vector<16xf32>
      %add3A_481 = arith.addf %get3A_480, %get3A_474 : vector<16xf32>
      %swap3A_482 = arith.constant 0 : i32
      %swap3A_483 = arith.index_cast %swap3A_482 : i32 to index
      %swap3A_484 = arith.index_cast %scan3A_346 : i32 to index
      %swap3A_485 = arith.constant 32 : index
      %swap3A_486 = tpu.vector_load %arg7[%swap3A_483, %swap3A_484, %swap3A_485] {strides = array<i32>} : memref<4x32x128xf32, #tpu.memory_space<vmem>>, vector<1x1x16xf32>,
      %swap3A_487 = vector.shape_cast %swap3A_486 : vector<1x1x16xf32> to vector<16xf32>
      %swap3A_488 = vector.shape_cast %add3A_481 : vector<16xf32> to vector<1x1x16xf32>
      tpu.vector_store %arg7[%swap3A_483, %swap3A_484, %swap3A_485], %swap3A_488 {strides = array<i32>} : memref<4x32x128xf32, #tpu.memory_space<vmem>>, vector<1x1x16xf32>,
      %get3A_489 = arith.constant 1 : i32
      %get3A_490 = arith.index_cast %get3A_489 : i32 to index
      %get3A_491 = arith.index_cast %scan3A_346 : i32 to index
      %get3A_492 = arith.constant 32 : index
      %get3A_493 = tpu.vector_load %arg7[%get3A_490, %get3A_491, %get3A_492] {strides = array<i32>} : memref<4x32x128xf32, #tpu.memory_space<vmem>>, vector<1x1x16xf32>,
      %get3A_494 = vector.shape_cast %get3A_493 : vector<1x1x16xf32> to vector<16xf32>
      %add3A_495 = arith.addf %get3A_494, %get3A_474 : vector<16xf32>
      %swap3A_496 = arith.constant 1 : i32
      %swap3A_497 = arith.index_cast %swap3A_496 : i32 to index
      %swap3A_498 = arith.index_cast %scan3A_346 : i32 to index
      %swap3A_499 = arith.constant 32 : index
      %swap3A_500 = tpu.vector_load %arg7[%swap3A_497, %swap3A_498, %swap3A_499] {strides = array<i32>} : memref<4x32x128xf32, #tpu.memory_space<vmem>>, vector<1x1x16xf32>,
      %swap3A_501 = vector.shape_cast %swap3A_500 : vector<1x1x16xf32> to vector<16xf32>
      %swap3A_502 = vector.shape_cast %add3A_495 : vector<16xf32> to vector<1x1x16xf32>
      tpu.vector_store %arg7[%swap3A_497, %swap3A_498, %swap3A_499], %swap3A_502 {strides = array<i32>} : memref<4x32x128xf32, #tpu.memory_space<vmem>>, vector<1x1x16xf32>,
      %get3A_503 = arith.constant 2 : i32
      %get3A_504 = arith.index_cast %get3A_503 : i32 to index
      %get3A_505 = arith.index_cast %scan3A_346 : i32 to index
      %get3A_506 = arith.constant 32 : index
      %get3A_507 = tpu.vector_load %arg7[%get3A_504, %get3A_505, %get3A_506] {strides = array<i32>} : memref<4x32x128xf32, #tpu.memory_space<vmem>>, vector<1x1x16xf32>,
      %get3A_508 = vector.shape_cast %get3A_507 : vector<1x1x16xf32> to vector<16xf32>
      %add3A_509 = arith.addf %get3A_508, %get3A_474 : vector<16xf32>
      %swap3A_510 = arith.constant 2 : i32
      %swap3A_511 = arith.index_cast %swap3A_510 : i32 to index
      %swap3A_512 = arith.index_cast %scan3A_346 : i32 to index
      %swap3A_513 = arith.constant 32 : index
      %swap3A_514 = tpu.vector_load %arg7[%swap3A_511, %swap3A_512, %swap3A_513] {strides = array<i32>} : memref<4x32x128xf32, #tpu.memory_space<vmem>>, vector<1x1x16xf32>,
      %swap3A_515 = vector.shape_cast %swap3A_514 : vector<1x1x16xf32> to vector<16xf32>
      %swap3A_516 = vector.shape_cast %add3A_509 : vector<16xf32> to vector<1x1x16xf32>
      tpu.vector_store %arg7[%swap3A_511, %swap3A_512, %swap3A_513], %swap3A_516 {strides = array<i32>} : memref<4x32x128xf32, #tpu.memory_space<vmem>>, vector<1x1x16xf32>,
      %get3A_517 = arith.constant 3 : i32
      %get3A_518 = arith.index_cast %get3A_517 : i32 to index
      %get3A_519 = arith.index_cast %scan3A_346 : i32 to index
      %get3A_520 = arith.constant 32 : index
      %get3A_521 = tpu.vector_load %arg7[%get3A_518, %get3A_519, %get3A_520] {strides = array<i32>} : memref<4x32x128xf32, #tpu.memory_space<vmem>>, vector<1x1x16xf32>,
      %get3A_522 = vector.shape_cast %get3A_521 : vector<1x1x16xf32> to vector<16xf32>
      %add3A_523 = arith.addf %get3A_522, %get3A_474 : vector<16xf32>
      %swap3A_524 = arith.constant 3 : i32
      %swap3A_525 = arith.index_cast %swap3A_524 : i32 to index
      %swap3A_526 = arith.index_cast %scan3A_346 : i32 to index
      %swap3A_527 = arith.constant 32 : index
      %swap3A_528 = tpu.vector_load %arg7[%swap3A_525, %swap3A_526, %swap3A_527] {strides = array<i32>} : memref<4x32x128xf32, #tpu.memory_space<vmem>>, vector<1x1x16xf32>,
      %swap3A_529 = vector.shape_cast %swap3A_528 : vector<1x1x16xf32> to vector<16xf32>
      %swap3A_530 = vector.shape_cast %add3A_523 : vector<16xf32> to vector<1x1x16xf32>
      tpu.vector_store %arg7[%swap3A_525, %swap3A_526, %swap3A_527], %swap3A_530 {strides = array<i32>} : memref<4x32x128xf32, #tpu.memory_space<vmem>>, vector<1x1x16xf32>,
      %add3A_531 = arith.constant 192 : i32
      %add3A_532 = arith.addi %add3A_531, %scan3A_346 : i32
      %get3A_533 = arith.index_cast %add3A_532 : i32 to index
      %get3A_534 = arith.constant 48 : index
      %get3A_535 = tpu.vector_load %arg5[%get3A_533, %get3A_534] {strides = array<i32>} : memref<256x128xf32, #tpu.memory_space<vmem>>, vector<1x16xf32>,
      %get3A_536 = vector.shape_cast %get3A_535 : vector<1x16xf32> to vector<16xf32>
      %get3A_537 = arith.constant 0 : i32
      %get3A_538 = arith.index_cast %get3A_537 : i32 to index
      %get3A_539 = arith.index_cast %scan3A_346 : i32 to index
      %get3A_540 = arith.constant 48 : index
      %get3A_541 = tpu.vector_load %arg7[%get3A_538, %get3A_539, %get3A_540] {strides = array<i32>} : memref<4x32x128xf32, #tpu.memory_space<vmem>>, vector<1x1x16xf32>,
      %get3A_542 = vector.shape_cast %get3A_541 : vector<1x1x16xf32> to vector<16xf32>
      %add3A_543 = arith.addf %get3A_542, %get3A_536 : vector<16xf32>
      %swap3A_544 = arith.constant 0 : i32
      %swap3A_545 = arith.index_cast %swap3A_544 : i32 to index
      %swap3A_546 = arith.index_cast %scan3A_346 : i32 to index
      %swap3A_547 = arith.constant 48 : index
      %swap3A_548 = tpu.vector_load %arg7[%swap3A_545, %swap3A_546, %swap3A_547] {strides = array<i32>} : memref<4x32x128xf32, #tpu.memory_space<vmem>>, vector<1x1x16xf32>,
      %swap3A_549 = vector.shape_cast %swap3A_548 : vector<1x1x16xf32> to vector<16xf32>
      %swap3A_550 = vector.shape_cast %add3A_543 : vector<16xf32> to vector<1x1x16xf32>
      tpu.vector_store %arg7[%swap3A_545, %swap3A_546, %swap3A_547], %swap3A_550 {strides = array<i32>} : memref<4x32x128xf32, #tpu.memory_space<vmem>>, vector<1x1x16xf32>,
      %get3A_551 = arith.constant 1 : i32
      %get3A_552 = arith.index_cast %get3A_551 : i32 to index
      %get3A_553 = arith.index_cast %scan3A_346 : i32 to index
      %get3A_554 = arith.constant 48 : index
      %get3A_555 = tpu.vector_load %arg7[%get3A_552, %get3A_553, %get3A_554] {strides = array<i32>} : memref<4x32x128xf32, #tpu.memory_space<vmem>>, vector<1x1x16xf32>,
      %get3A_556 = vector.shape_cast %get3A_555 : vector<1x1x16xf32> to vector<16xf32>
      %add3A_557 = arith.addf %get3A_556, %get3A_536 : vector<16xf32>
      %swap3A_558 = arith.constant 1 : i32
      %swap3A_559 = arith.index_cast %swap3A_558 : i32 to index
      %swap3A_560 = arith.index_cast %scan3A_346 : i32 to index
      %swap3A_561 = arith.constant 48 : index
      %swap3A_562 = tpu.vector_load %arg7[%swap3A_559, %swap3A_560, %swap3A_561] {strides = array<i32>} : memref<4x32x128xf32, #tpu.memory_space<vmem>>, vector<1x1x16xf32>,
      %swap3A_563 = vector.shape_cast %swap3A_562 : vector<1x1x16xf32> to vector<16xf32>
      %swap3A_564 = vector.shape_cast %add3A_557 : vector<16xf32> to vector<1x1x16xf32>
      tpu.vector_store %arg7[%swap3A_559, %swap3A_560, %swap3A_561], %swap3A_564 {strides = array<i32>} : memref<4x32x128xf32, #tpu.memory_space<vmem>>, vector<1x1x16xf32>,
      %get3A_565 = arith.constant 2 : i32
      %get3A_566 = arith.index_cast %get3A_565 : i32 to index
      %get3A_567 = arith.index_cast %scan3A_346 : i32 to index
      %get3A_568 = arith.constant 48 : index
      %get3A_569 = tpu.vector_load %arg7[%get3A_566, %get3A_567, %get3A_568] {strides = array<i32>} : memref<4x32x128xf32, #tpu.memory_space<vmem>>, vector<1x1x16xf32>,
      %get3A_570 = vector.shape_cast %get3A_569 : vector<1x1x16xf32> to vector<16xf32>
      %add3A_571 = arith.addf %get3A_570, %get3A_536 : vector<16xf32>
      %swap3A_572 = arith.constant 2 : i32
      %swap3A_573 = arith.index_cast %swap3A_572 : i32 to index
      %swap3A_574 = arith.index_cast %scan3A_346 : i32 to index
      %swap3A_575 = arith.constant 48 : index
      %swap3A_576 = tpu.vector_load %arg7[%swap3A_573, %swap3A_574, %swap3A_575] {strides = array<i32>} : memref<4x32x128xf32, #tpu.memory_space<vmem>>, vector<1x1x16xf32>,
      %swap3A_577 = vector.shape_cast %swap3A_576 : vector<1x1x16xf32> to vector<16xf32>
      %swap3A_578 = vector.shape_cast %add3A_571 : vector<16xf32> to vector<1x1x16xf32>
      tpu.vector_store %arg7[%swap3A_573, %swap3A_574, %swap3A_575], %swap3A_578 {strides = array<i32>} : memref<4x32x128xf32, #tpu.memory_space<vmem>>, vector<1x1x16xf32>,
      %get3A_579 = arith.constant 3 : i32
      %get3A_580 = arith.index_cast %get3A_579 : i32 to index
      %get3A_581 = arith.index_cast %scan3A_346 : i32 to index
      %get3A_582 = arith.constant 48 : index
      %get3A_583 = tpu.vector_load %arg7[%get3A_580, %get3A_581, %get3A_582] {strides = array<i32>} : memref<4x32x128xf32, #tpu.memory_space<vmem>>, vector<1x1x16xf32>,
      %get3A_584 = vector.shape_cast %get3A_583 : vector<1x1x16xf32> to vector<16xf32>
      %add3A_585 = arith.addf %get3A_584, %get3A_536 : vector<16xf32>
      %swap3A_586 = arith.constant 3 : i32
      %swap3A_587 = arith.index_cast %swap3A_586 : i32 to index
      %swap3A_588 = arith.index_cast %scan3A_346 : i32 to index
      %swap3A_589 = arith.constant 48 : index
      %swap3A_590 = tpu.vector_load %arg7[%swap3A_587, %swap3A_588, %swap3A_589] {strides = array<i32>} : memref<4x32x128xf32, #tpu.memory_space<vmem>>, vector<1x1x16xf32>,
      %swap3A_591 = vector.shape_cast %swap3A_590 : vector<1x1x16xf32> to vector<16xf32>
      %swap3A_592 = vector.shape_cast %add3A_585 : vector<16xf32> to vector<1x1x16xf32>
      tpu.vector_store %arg7[%swap3A_587, %swap3A_588, %swap3A_589], %swap3A_592 {strides = array<i32>} : memref<4x32x128xf32, #tpu.memory_space<vmem>>, vector<1x1x16xf32>,
      %add3A_593 = arith.constant 192 : i32
      %add3A_594 = arith.addi %add3A_593, %scan3A_346 : i32
      %get3A_595 = arith.index_cast %add3A_594 : i32 to index
      %get3A_596 = arith.constant 64 : index
      %get3A_597 = tpu.vector_load %arg5[%get3A_595, %get3A_596] {strides = array<i32>} : memref<256x128xf32, #tpu.memory_space<vmem>>, vector<1x16xf32>,
      %get3A_598 = vector.shape_cast %get3A_597 : vector<1x16xf32> to vector<16xf32>
      %get3A_599 = arith.constant 0 : i32
      %get3A_600 = arith.index_cast %get3A_599 : i32 to index
      %get3A_601 = arith.index_cast %scan3A_346 : i32 to index
      %get3A_602 = arith.constant 64 : index
      %get3A_603 = tpu.vector_load %arg7[%get3A_600, %get3A_601, %get3A_602] {strides = array<i32>} : memref<4x32x128xf32, #tpu.memory_space<vmem>>, vector<1x1x16xf32>,
      %get3A_604 = vector.shape_cast %get3A_603 : vector<1x1x16xf32> to vector<16xf32>
      %add3A_605 = arith.addf %get3A_604, %get3A_598 : vector<16xf32>
      %swap3A_606 = arith.constant 0 : i32
      %swap3A_607 = arith.index_cast %swap3A_606 : i32 to index
      %swap3A_608 = arith.index_cast %scan3A_346 : i32 to index
      %swap3A_609 = arith.constant 64 : index
      %swap3A_610 = tpu.vector_load %arg7[%swap3A_607, %swap3A_608, %swap3A_609] {strides = array<i32>} : memref<4x32x128xf32, #tpu.memory_space<vmem>>, vector<1x1x16xf32>,
      %swap3A_611 = vector.shape_cast %swap3A_610 : vector<1x1x16xf32> to vector<16xf32>
      %swap3A_612 = vector.shape_cast %add3A_605 : vector<16xf32> to vector<1x1x16xf32>
      tpu.vector_store %arg7[%swap3A_607, %swap3A_608, %swap3A_609], %swap3A_612 {strides = array<i32>} : memref<4x32x128xf32, #tpu.memory_space<vmem>>, vector<1x1x16xf32>,
      %get3A_613 = arith.constant 1 : i32
      %get3A_614 = arith.index_cast %get3A_613 : i32 to index
      %get3A_615 = arith.index_cast %scan3A_346 : i32 to index
      %get3A_616 = arith.constant 64 : index
      %get3A_617 = tpu.vector_load %arg7[%get3A_614, %get3A_615, %get3A_616] {strides = array<i32>} : memref<4x32x128xf32, #tpu.memory_space<vmem>>, vector<1x1x16xf32>,
      %get3A_618 = vector.shape_cast %get3A_617 : vector<1x1x16xf32> to vector<16xf32>
      %add3A_619 = arith.addf %get3A_618, %get3A_598 : vector<16xf32>
      %swap3A_620 = arith.constant 1 : i32
      %swap3A_621 = arith.index_cast %swap3A_620 : i32 to index
      %swap3A_622 = arith.index_cast %scan3A_346 : i32 to index
      %swap3A_623 = arith.constant 64 : index
      %swap3A_624 = tpu.vector_load %arg7[%swap3A_621, %swap3A_622, %swap3A_623] {strides = array<i32>} : memref<4x32x128xf32, #tpu.memory_space<vmem>>, vector<1x1x16xf32>,
      %swap3A_625 = vector.shape_cast %swap3A_624 : vector<1x1x16xf32> to vector<16xf32>
      %swap3A_626 = vector.shape_cast %add3A_619 : vector<16xf32> to vector<1x1x16xf32>
      tpu.vector_store %arg7[%swap3A_621, %swap3A_622, %swap3A_623], %swap3A_626 {strides = array<i32>} : memref<4x32x128xf32, #tpu.memory_space<vmem>>, vector<1x1x16xf32>,
      %get3A_627 = arith.constant 2 : i32
      %get3A_628 = arith.index_cast %get3A_627 : i32 to index
      %get3A_629 = arith.index_cast %scan3A_346 : i32 to index
      %get3A_630 = arith.constant 64 : index
      %get3A_631 = tpu.vector_load %arg7[%get3A_628, %get3A_629, %get3A_630] {strides = array<i32>} : memref<4x32x128xf32, #tpu.memory_space<vmem>>, vector<1x1x16xf32>,
      %get3A_632 = vector.shape_cast %get3A_631 : vector<1x1x16xf32> to vector<16xf32>
      %add3A_633 = arith.addf %get3A_632, %get3A_598 : vector<16xf32>
      %swap3A_634 = arith.constant 2 : i32
      %swap3A_635 = arith.index_cast %swap3A_634 : i32 to index
      %swap3A_636 = arith.index_cast %scan3A_346 : i32 to index
      %swap3A_637 = arith.constant 64 : index
      %swap3A_638 = tpu.vector_load %arg7[%swap3A_635, %swap3A_636, %swap3A_637] {strides = array<i32>} : memref<4x32x128xf32, #tpu.memory_space<vmem>>, vector<1x1x16xf32>,
      %swap3A_639 = vector.shape_cast %swap3A_638 : vector<1x1x16xf32> to vector<16xf32>
      %swap3A_640 = vector.shape_cast %add3A_633 : vector<16xf32> to vector<1x1x16xf32>
      tpu.vector_store %arg7[%swap3A_635, %swap3A_636, %swap3A_637], %swap3A_640 {strides = array<i32>} : memref<4x32x128xf32, #tpu.memory_space<vmem>>, vector<1x1x16xf32>,
      %get3A_641 = arith.constant 3 : i32
      %get3A_642 = arith.index_cast %get3A_641 : i32 to index
      %get3A_643 = arith.index_cast %scan3A_346 : i32 to index
      %get3A_644 = arith.constant 64 : index
      %get3A_645 = tpu.vector_load %arg7[%get3A_642, %get3A_643, %get3A_644] {strides = array<i32>} : memref<4x32x128xf32, #tpu.memory_space<vmem>>, vector<1x1x16xf32>,
      %get3A_646 = vector.shape_cast %get3A_645 : vector<1x1x16xf32> to vector<16xf32>
      %add3A_647 = arith.addf %get3A_646, %get3A_598 : vector<16xf32>
      %swap3A_648 = arith.constant 3 : i32
      %swap3A_649 = arith.index_cast %swap3A_648 : i32 to index
      %swap3A_650 = arith.index_cast %scan3A_346 : i32 to index
      %swap3A_651 = arith.constant 64 : index
      %swap3A_652 = tpu.vector_load %arg7[%swap3A_649, %swap3A_650, %swap3A_651] {strides = array<i32>} : memref<4x32x128xf32, #tpu.memory_space<vmem>>, vector<1x1x16xf32>,
      %swap3A_653 = vector.shape_cast %swap3A_652 : vector<1x1x16xf32> to vector<16xf32>
      %swap3A_654 = vector.shape_cast %add3A_647 : vector<16xf32> to vector<1x1x16xf32>
      tpu.vector_store %arg7[%swap3A_649, %swap3A_650, %swap3A_651], %swap3A_654 {strides = array<i32>} : memref<4x32x128xf32, #tpu.memory_space<vmem>>, vector<1x1x16xf32>,
      %add3A_655 = arith.constant 192 : i32
      %add3A_656 = arith.addi %add3A_655, %scan3A_346 : i32
      %get3A_657 = arith.index_cast %add3A_656 : i32 to index
      %get3A_658 = arith.constant 80 : index
      %get3A_659 = tpu.vector_load %arg5[%get3A_657, %get3A_658] {strides = array<i32>} : memref<256x128xf32, #tpu.memory_space<vmem>>, vector<1x16xf32>,
      %get3A_660 = vector.shape_cast %get3A_659 : vector<1x16xf32> to vector<16xf32>
      %get3A_661 = arith.constant 0 : i32
      %get3A_662 = arith.index_cast %get3A_661 : i32 to index
      %get3A_663 = arith.index_cast %scan3A_346 : i32 to index
      %get3A_664 = arith.constant 80 : index
      %get3A_665 = tpu.vector_load %arg7[%get3A_662, %get3A_663, %get3A_664] {strides = array<i32>} : memref<4x32x128xf32, #tpu.memory_space<vmem>>, vector<1x1x16xf32>,
      %get3A_666 = vector.shape_cast %get3A_665 : vector<1x1x16xf32> to vector<16xf32>
      %add3A_667 = arith.addf %get3A_666, %get3A_660 : vector<16xf32>
      %swap3A_668 = arith.constant 0 : i32
      %swap3A_669 = arith.index_cast %swap3A_668 : i32 to index
      %swap3A_670 = arith.index_cast %scan3A_346 : i32 to index
      %swap3A_671 = arith.constant 80 : index
      %swap3A_672 = tpu.vector_load %arg7[%swap3A_669, %swap3A_670, %swap3A_671] {strides = array<i32>} : memref<4x32x128xf32, #tpu.memory_space<vmem>>, vector<1x1x16xf32>,
      %swap3A_673 = vector.shape_cast %swap3A_672 : vector<1x1x16xf32> to vector<16xf32>
      %swap3A_674 = vector.shape_cast %add3A_667 : vector<16xf32> to vector<1x1x16xf32>
      tpu.vector_store %arg7[%swap3A_669, %swap3A_670, %swap3A_671], %swap3A_674 {strides = array<i32>} : memref<4x32x128xf32, #tpu.memory_space<vmem>>, vector<1x1x16xf32>,
      %get3A_675 = arith.constant 1 : i32
      %get3A_676 = arith.index_cast %get3A_675 : i32 to index
      %get3A_677 = arith.index_cast %scan3A_346 : i32 to index
      %get3A_678 = arith.constant 80 : index
      %get3A_679 = tpu.vector_load %arg7[%get3A_676, %get3A_677, %get3A_678] {strides = array<i32>} : memref<4x32x128xf32, #tpu.memory_space<vmem>>, vector<1x1x16xf32>,
      %get3A_680 = vector.shape_cast %get3A_679 : vector<1x1x16xf32> to vector<16xf32>
      %add3A_681 = arith.addf %get3A_680, %get3A_660 : vector<16xf32>
      %swap3A_682 = arith.constant 1 : i32
      %swap3A_683 = arith.index_cast %swap3A_682 : i32 to index
      %swap3A_684 = arith.index_cast %scan3A_346 : i32 to index
      %swap3A_685 = arith.constant 80 : index
      %swap3A_686 = tpu.vector_load %arg7[%swap3A_683, %swap3A_684, %swap3A_685] {strides = array<i32>} : memref<4x32x128xf32, #tpu.memory_space<vmem>>, vector<1x1x16xf32>,
      %swap3A_687 = vector.shape_cast %swap3A_686 : vector<1x1x16xf32> to vector<16xf32>
      %swap3A_688 = vector.shape_cast %add3A_681 : vector<16xf32> to vector<1x1x16xf32>
      tpu.vector_store %arg7[%swap3A_683, %swap3A_684, %swap3A_685], %swap3A_688 {strides = array<i32>} : memref<4x32x128xf32, #tpu.memory_space<vmem>>, vector<1x1x16xf32>,
      %get3A_689 = arith.constant 2 : i32
      %get3A_690 = arith.index_cast %get3A_689 : i32 to index
      %get3A_691 = arith.index_cast %scan3A_346 : i32 to index
      %get3A_692 = arith.constant 80 : index
      %get3A_693 = tpu.vector_load %arg7[%get3A_690, %get3A_691, %get3A_692] {strides = array<i32>} : memref<4x32x128xf32, #tpu.memory_space<vmem>>, vector<1x1x16xf32>,
      %get3A_694 = vector.shape_cast %get3A_693 : vector<1x1x16xf32> to vector<16xf32>
      %add3A_695 = arith.addf %get3A_694, %get3A_660 : vector<16xf32>
      %swap3A_696 = arith.constant 2 : i32
      %swap3A_697 = arith.index_cast %swap3A_696 : i32 to index
      %swap3A_698 = arith.index_cast %scan3A_346 : i32 to index
      %swap3A_699 = arith.constant 80 : index
      %swap3A_700 = tpu.vector_load %arg7[%swap3A_697, %swap3A_698, %swap3A_699] {strides = array<i32>} : memref<4x32x128xf32, #tpu.memory_space<vmem>>, vector<1x1x16xf32>,
      %swap3A_701 = vector.shape_cast %swap3A_700 : vector<1x1x16xf32> to vector<16xf32>
      %swap3A_702 = vector.shape_cast %add3A_695 : vector<16xf32> to vector<1x1x16xf32>
      tpu.vector_store %arg7[%swap3A_697, %swap3A_698, %swap3A_699], %swap3A_702 {strides = array<i32>} : memref<4x32x128xf32, #tpu.memory_space<vmem>>, vector<1x1x16xf32>,
      %get3A_703 = arith.constant 3 : i32
      %get3A_704 = arith.index_cast %get3A_703 : i32 to index
      %get3A_705 = arith.index_cast %scan3A_346 : i32 to index
      %get3A_706 = arith.constant 80 : index
      %get3A_707 = tpu.vector_load %arg7[%get3A_704, %get3A_705, %get3A_706] {strides = array<i32>} : memref<4x32x128xf32, #tpu.memory_space<vmem>>, vector<1x1x16xf32>,
      %get3A_708 = vector.shape_cast %get3A_707 : vector<1x1x16xf32> to vector<16xf32>
      %add3A_709 = arith.addf %get3A_708, %get3A_660 : vector<16xf32>
      %swap3A_710 = arith.constant 3 : i32
      %swap3A_711 = arith.index_cast %swap3A_710 : i32 to index
      %swap3A_712 = arith.index_cast %scan3A_346 : i32 to index
      %swap3A_713 = arith.constant 80 : index
      %swap3A_714 = tpu.vector_load %arg7[%swap3A_711, %swap3A_712, %swap3A_713] {strides = array<i32>} : memref<4x32x128xf32, #tpu.memory_space<vmem>>, vector<1x1x16xf32>,
      %swap3A_715 = vector.shape_cast %swap3A_714 : vector<1x1x16xf32> to vector<16xf32>
      %swap3A_716 = vector.shape_cast %add3A_709 : vector<16xf32> to vector<1x1x16xf32>
      tpu.vector_store %arg7[%swap3A_711, %swap3A_712, %swap3A_713], %swap3A_716 {strides = array<i32>} : memref<4x32x128xf32, #tpu.memory_space<vmem>>, vector<1x1x16xf32>,
      %add3A_717 = arith.constant 192 : i32
      %add3A_718 = arith.addi %add3A_717, %scan3A_346 : i32
      %get3A_719 = arith.index_cast %add3A_718 : i32 to index
      %get3A_720 = arith.constant 96 : index
      %get3A_721 = tpu.vector_load %arg5[%get3A_719, %get3A_720] {strides = array<i32>} : memref<256x128xf32, #tpu.memory_space<vmem>>, vector<1x16xf32>,
      %get3A_722 = vector.shape_cast %get3A_721 : vector<1x16xf32> to vector<16xf32>
      %get3A_723 = arith.constant 0 : i32
      %get3A_724 = arith.index_cast %get3A_723 : i32 to index
      %get3A_725 = arith.index_cast %scan3A_346 : i32 to index
      %get3A_726 = arith.constant 96 : index
      %get3A_727 = tpu.vector_load %arg7[%get3A_724, %get3A_725, %get3A_726] {strides = array<i32>} : memref<4x32x128xf32, #tpu.memory_space<vmem>>, vector<1x1x16xf32>,
      %get3A_728 = vector.shape_cast %get3A_727 : vector<1x1x16xf32> to vector<16xf32>
      %add3A_729 = arith.addf %get3A_728, %get3A_722 : vector<16xf32>
      %swap3A_730 = arith.constant 0 : i32
      %swap3A_731 = arith.index_cast %swap3A_730 : i32 to index
      %swap3A_732 = arith.index_cast %scan3A_346 : i32 to index
      %swap3A_733 = arith.constant 96 : index
      %swap3A_734 = tpu.vector_load %arg7[%swap3A_731, %swap3A_732, %swap3A_733] {strides = array<i32>} : memref<4x32x128xf32, #tpu.memory_space<vmem>>, vector<1x1x16xf32>,
      %swap3A_735 = vector.shape_cast %swap3A_734 : vector<1x1x16xf32> to vector<16xf32>
      %swap3A_736 = vector.shape_cast %add3A_729 : vector<16xf32> to vector<1x1x16xf32>
      tpu.vector_store %arg7[%swap3A_731, %swap3A_732, %swap3A_733], %swap3A_736 {strides = array<i32>} : memref<4x32x128xf32, #tpu.memory_space<vmem>>, vector<1x1x16xf32>,
      %get3A_737 = arith.constant 1 : i32
      %get3A_738 = arith.index_cast %get3A_737 : i32 to index
      %get3A_739 = arith.index_cast %scan3A_346 : i32 to index
      %get3A_740 = arith.constant 96 : index
      %get3A_741 = tpu.vector_load %arg7[%get3A_738, %get3A_739, %get3A_740] {strides = array<i32>} : memref<4x32x128xf32, #tpu.memory_space<vmem>>, vector<1x1x16xf32>,
      %get3A_742 = vector.shape_cast %get3A_741 : vector<1x1x16xf32> to vector<16xf32>
      %add3A_743 = arith.addf %get3A_742, %get3A_722 : vector<16xf32>
      %swap3A_744 = arith.constant 1 : i32
      %swap3A_745 = arith.index_cast %swap3A_744 : i32 to index
      %swap3A_746 = arith.index_cast %scan3A_346 : i32 to index
      %swap3A_747 = arith.constant 96 : index
      %swap3A_748 = tpu.vector_load %arg7[%swap3A_745, %swap3A_746, %swap3A_747] {strides = array<i32>} : memref<4x32x128xf32, #tpu.memory_space<vmem>>, vector<1x1x16xf32>,
      %swap3A_749 = vector.shape_cast %swap3A_748 : vector<1x1x16xf32> to vector<16xf32>
      %swap3A_750 = vector.shape_cast %add3A_743 : vector<16xf32> to vector<1x1x16xf32>
      tpu.vector_store %arg7[%swap3A_745, %swap3A_746, %swap3A_747], %swap3A_750 {strides = array<i32>} : memref<4x32x128xf32, #tpu.memory_space<vmem>>, vector<1x1x16xf32>,
      %get3A_751 = arith.constant 2 : i32
      %get3A_752 = arith.index_cast %get3A_751 : i32 to index
      %get3A_753 = arith.index_cast %scan3A_346 : i32 to index
      %get3A_754 = arith.constant 96 : index
      %get3A_755 = tpu.vector_load %arg7[%get3A_752, %get3A_753, %get3A_754] {strides = array<i32>} : memref<4x32x128xf32, #tpu.memory_space<vmem>>, vector<1x1x16xf32>,
      %get3A_756 = vector.shape_cast %get3A_755 : vector<1x1x16xf32> to vector<16xf32>
      %add3A_757 = arith.addf %get3A_756, %get3A_722 : vector<16xf32>
      %swap3A_758 = arith.constant 2 : i32
      %swap3A_759 = arith.index_cast %swap3A_758 : i32 to index
      %swap3A_760 = arith.index_cast %scan3A_346 : i32 to index
      %swap3A_761 = arith.constant 96 : index
      %swap3A_762 = tpu.vector_load %arg7[%swap3A_759, %swap3A_760, %swap3A_761] {strides = array<i32>} : memref<4x32x128xf32, #tpu.memory_space<vmem>>, vector<1x1x16xf32>,
      %swap3A_763 = vector.shape_cast %swap3A_762 : vector<1x1x16xf32> to vector<16xf32>
      %swap3A_764 = vector.shape_cast %add3A_757 : vector<16xf32> to vector<1x1x16xf32>
      tpu.vector_store %arg7[%swap3A_759, %swap3A_760, %swap3A_761], %swap3A_764 {strides = array<i32>} : memref<4x32x128xf32, #tpu.memory_space<vmem>>, vector<1x1x16xf32>,
      %get3A_765 = arith.constant 3 : i32
      %get3A_766 = arith.index_cast %get3A_765 : i32 to index
      %get3A_767 = arith.index_cast %scan3A_346 : i32 to index
      %get3A_768 = arith.constant 96 : index
      %get3A_769 = tpu.vector_load %arg7[%get3A_766, %get3A_767, %get3A_768] {strides = array<i32>} : memref<4x32x128xf32, #tpu.memory_space<vmem>>, vector<1x1x16xf32>,
      %get3A_770 = vector.shape_cast %get3A_769 : vector<1x1x16xf32> to vector<16xf32>
      %add3A_771 = arith.addf %get3A_770, %get3A_722 : vector<16xf32>
      %swap3A_772 = arith.constant 3 : i32
      %swap3A_773 = arith.index_cast %swap3A_772 : i32 to index
      %swap3A_774 = arith.index_cast %scan3A_346 : i32 to index
      %swap3A_775 = arith.constant 96 : index
      %swap3A_776 = tpu.vector_load %arg7[%swap3A_773, %swap3A_774, %swap3A_775] {strides = array<i32>} : memref<4x32x128xf32, #tpu.memory_space<vmem>>, vector<1x1x16xf32>,
      %swap3A_777 = vector.shape_cast %swap3A_776 : vector<1x1x16xf32> to vector<16xf32>
      %swap3A_778 = vector.shape_cast %add3A_771 : vector<16xf32> to vector<1x1x16xf32>
      tpu.vector_store %arg7[%swap3A_773, %swap3A_774, %swap3A_775], %swap3A_778 {strides = array<i32>} : memref<4x32x128xf32, #tpu.memory_space<vmem>>, vector<1x1x16xf32>,
      %add3A_779 = arith.constant 192 : i32
      %add3A_780 = arith.addi %add3A_779, %scan3A_346 : i32
      %get3A_781 = arith.index_cast %add3A_780 : i32 to index
      %get3A_782 = arith.constant 112 : index
      %get3A_783 = tpu.vector_load %arg5[%get3A_781, %get3A_782] {strides = array<i32>} : memref<256x128xf32, #tpu.memory_space<vmem>>, vector<1x16xf32>,
      %get3A_784 = vector.shape_cast %get3A_783 : vector<1x16xf32> to vector<16xf32>
      %get3A_785 = arith.constant 0 : i32
      %get3A_786 = arith.index_cast %get3A_785 : i32 to index
      %get3A_787 = arith.index_cast %scan3A_346 : i32 to index
      %get3A_788 = arith.constant 112 : index
      %get3A_789 = tpu.vector_load %arg7[%get3A_786, %get3A_787, %get3A_788] {strides = array<i32>} : memref<4x32x128xf32, #tpu.memory_space<vmem>>, vector<1x1x16xf32>,
      %get3A_790 = vector.shape_cast %get3A_789 : vector<1x1x16xf32> to vector<16xf32>
      %add3A_791 = arith.addf %get3A_790, %get3A_784 : vector<16xf32>
      %swap3A_792 = arith.constant 0 : i32
      %swap3A_793 = arith.index_cast %swap3A_792 : i32 to index
      %swap3A_794 = arith.index_cast %scan3A_346 : i32 to index
      %swap3A_795 = arith.constant 112 : index
      %swap3A_796 = tpu.vector_load %arg7[%swap3A_793, %swap3A_794, %swap3A_795] {strides = array<i32>} : memref<4x32x128xf32, #tpu.memory_space<vmem>>, vector<1x1x16xf32>,
      %swap3A_797 = vector.shape_cast %swap3A_796 : vector<1x1x16xf32> to vector<16xf32>
      %swap3A_798 = vector.shape_cast %add3A_791 : vector<16xf32> to vector<1x1x16xf32>
      tpu.vector_store %arg7[%swap3A_793, %swap3A_794, %swap3A_795], %swap3A_798 {strides = array<i32>} : memref<4x32x128xf32, #tpu.memory_space<vmem>>, vector<1x1x16xf32>,
      %get3A_799 = arith.constant 1 : i32
      %get3A_800 = arith.index_cast %get3A_799 : i32 to index
      %get3A_801 = arith.index_cast %scan3A_346 : i32 to index
      %get3A_802 = arith.constant 112 : index
      %get3A_803 = tpu.vector_load %arg7[%get3A_800, %get3A_801, %get3A_802] {strides = array<i32>} : memref<4x32x128xf32, #tpu.memory_space<vmem>>, vector<1x1x16xf32>,
      %get3A_804 = vector.shape_cast %get3A_803 : vector<1x1x16xf32> to vector<16xf32>
      %add3A_805 = arith.addf %get3A_804, %get3A_784 : vector<16xf32>
      %swap3A_806 = arith.constant 1 : i32
      %swap3A_807 = arith.index_cast %swap3A_806 : i32 to index
      %swap3A_808 = arith.index_cast %scan3A_346 : i32 to index
      %swap3A_809 = arith.constant 112 : index
      %swap3A_810 = tpu.vector_load %arg7[%swap3A_807, %swap3A_808, %swap3A_809] {strides = array<i32>} : memref<4x32x128xf32, #tpu.memory_space<vmem>>, vector<1x1x16xf32>,
      %swap3A_811 = vector.shape_cast %swap3A_810 : vector<1x1x16xf32> to vector<16xf32>
      %swap3A_812 = vector.shape_cast %add3A_805 : vector<16xf32> to vector<1x1x16xf32>
      tpu.vector_store %arg7[%swap3A_807, %swap3A_808, %swap3A_809], %swap3A_812 {strides = array<i32>} : memref<4x32x128xf32, #tpu.memory_space<vmem>>, vector<1x1x16xf32>,
      %get3A_813 = arith.constant 2 : i32
      %get3A_814 = arith.index_cast %get3A_813 : i32 to index
      %get3A_815 = arith.index_cast %scan3A_346 : i32 to index
      %get3A_816 = arith.constant 112 : index
      %get3A_817 = tpu.vector_load %arg7[%get3A_814, %get3A_815, %get3A_816] {strides = array<i32>} : memref<4x32x128xf32, #tpu.memory_space<vmem>>, vector<1x1x16xf32>,
      %get3A_818 = vector.shape_cast %get3A_817 : vector<1x1x16xf32> to vector<16xf32>
      %add3A_819 = arith.addf %get3A_818, %get3A_784 : vector<16xf32>
      %swap3A_820 = arith.constant 2 : i32
      %swap3A_821 = arith.index_cast %swap3A_820 : i32 to index
      %swap3A_822 = arith.index_cast %scan3A_346 : i32 to index
      %swap3A_823 = arith.constant 112 : index
      %swap3A_824 = tpu.vector_load %arg7[%swap3A_821, %swap3A_822, %swap3A_823] {strides = array<i32>} : memref<4x32x128xf32, #tpu.memory_space<vmem>>, vector<1x1x16xf32>,
      %swap3A_825 = vector.shape_cast %swap3A_824 : vector<1x1x16xf32> to vector<16xf32>
      %swap3A_826 = vector.shape_cast %add3A_819 : vector<16xf32> to vector<1x1x16xf32>
      tpu.vector_store %arg7[%swap3A_821, %swap3A_822, %swap3A_823], %swap3A_826 {strides = array<i32>} : memref<4x32x128xf32, #tpu.memory_space<vmem>>, vector<1x1x16xf32>,
      %get3A_827 = arith.constant 3 : i32
      %get3A_828 = arith.index_cast %get3A_827 : i32 to index
      %get3A_829 = arith.index_cast %scan3A_346 : i32 to index
      %get3A_830 = arith.constant 112 : index
      %get3A_831 = tpu.vector_load %arg7[%get3A_828, %get3A_829, %get3A_830] {strides = array<i32>} : memref<4x32x128xf32, #tpu.memory_space<vmem>>, vector<1x1x16xf32>,
      %get3A_832 = vector.shape_cast %get3A_831 : vector<1x1x16xf32> to vector<16xf32>
      %add3A_833 = arith.addf %get3A_832, %get3A_784 : vector<16xf32>
      %swap3A_834 = arith.constant 3 : i32
      %swap3A_835 = arith.index_cast %swap3A_834 : i32 to index
      %swap3A_836 = arith.index_cast %scan3A_346 : i32 to index
      %swap3A_837 = arith.constant 112 : index
      %swap3A_838 = tpu.vector_load %arg7[%swap3A_835, %swap3A_836, %swap3A_837] {strides = array<i32>} : memref<4x32x128xf32, #tpu.memory_space<vmem>>, vector<1x1x16xf32>,
      %swap3A_839 = vector.shape_cast %swap3A_838 : vector<1x1x16xf32> to vector<16xf32>
      %swap3A_840 = vector.shape_cast %add3A_833 : vector<16xf32> to vector<1x1x16xf32>
      tpu.vector_store %arg7[%swap3A_835, %swap3A_836, %swap3A_837], %swap3A_840 {strides = array<i32>} : memref<4x32x128xf32, #tpu.memory_space<vmem>>, vector<1x1x16xf32>,
    }
    %scan3A_275 = arith.constant 32 : i32
    %add3A_276 = arith.constant 192 : i32
    %add3A_277 = arith.addi %mul3A_2, %add3A_276 : i32
    %dma_start3A_278 = arith.constant 0 : i32
    %dma_start3A_279 = arith.constant 0 : i32
    %dma_start3A_280 = tpu.memref_slice %arg4[%dma_start3A_278, %add3A_277, %dma_start3A_279] : memref<4x8192x128xf32, #tpu.memory_space<hbm>> -> memref<4x32x128xf32, #tpu.memory_space<hbm>>
    %dma_start3A_281 = arith.constant 0 : i32
    %dma_start3A_282 = arith.constant 0 : i32
    %dma_start3A_283 = tpu.memref_slice %arg4[%dma_start3A_281, %add3A_277, %dma_start3A_282] : memref<4x8192x128xf32, #tpu.memory_space<hbm>> -> memref<4x32x128xf32, #tpu.memory_space<hbm>>
    tpu.enqueue_dma source(%arg7 : memref<4x32x128xf32, #tpu.memory_space<vmem>>) target(%dma_start3A_283 : memref<4x32x128xf32, #tpu.memory_space<hbm>>) target_semaphore(%arg19 : memref<!tpu.dma_semaphore, #tpu.memory_space<semaphore_mem>>)
    %add3A_284 = arith.constant 224 : i32
    %add3A_285 = arith.addi %mul3A_2, %add3A_284 : i32
    %dma_wait3A_286 = arith.constant 0 : i32
    %dma_wait3A_287 = arith.constant 0 : i32
    %dma_wait3A_288 = tpu.memref_slice %arg2[%dma_wait3A_286, %add3A_285, %dma_wait3A_287] : memref<4x8192x128xf32, #tpu.memory_space<hbm>> -> memref<4x32x128xf32, #tpu.memory_space<hbm>>
    %dma_wait3A_289 = arith.constant 0 : i32
    %dma_wait3A_290 = arith.constant 0 : i32
    %dma_wait3A_291 = tpu.memref_slice %arg2[%dma_wait3A_289, %add3A_285, %dma_wait3A_290] : memref<4x8192x128xf32, #tpu.memory_space<hbm>> -> memref<4x32x128xf32, #tpu.memory_space<hbm>>
    tpu.wait_dma2 semaphore(%arg15 : memref<!tpu.dma_semaphore, #tpu.memory_space<semaphore_mem>>) src(%dma_wait3A_291 : memref<4x32x128xf32, #tpu.memory_space<hbm>>) dst(%arg8 : memref<4x32x128xf32, #tpu.memory_space<vmem>>)
    %scan3A_292 = arith.constant 0 : i32
    %scan3A_293 = arith.constant 0 : i32
    %scan3A_294 = arith.constant 32 : i32
    %scan3A_295 = arith.addi %scan3A_293, %scan3A_294 : i32
    %scan3A_296 = arith.constant 1 : i32
    scf.for %scan3A_346 = %scan3A_293 to %scan3A_295 step %scan3A_296  : i32 {
      %add3A_347 = arith.constant 224 : i32
      %add3A_348 = arith.addi %add3A_347, %scan3A_346 : i32
      %get3A = arith.index_cast %add3A_348 : i32 to index
      %get3A_349 = arith.constant 0 : index
      %get3A_350 = tpu.vector_load %arg5[%get3A, %get3A_349] {strides = array<i32>} : memref<256x128xf32, #tpu.memory_space<vmem>>, vector<1x16xf32>,
      %get3A_351 = vector.shape_cast %get3A_350 : vector<1x16xf32> to vector<16xf32>
      %get3A_352 = arith.constant 0 : i32
      %get3A_353 = arith.index_cast %get3A_352 : i32 to index
      %get3A_354 = arith.index_cast %scan3A_346 : i32 to index
      %get3A_355 = arith.constant 0 : index
      %get3A_356 = tpu.vector_load %arg8[%get3A_353, %get3A_354, %get3A_355] {strides = array<i32>} : memref<4x32x128xf32, #tpu.memory_space<vmem>>, vector<1x1x16xf32>,
      %get3A_357 = vector.shape_cast %get3A_356 : vector<1x1x16xf32> to vector<16xf32>
      %add3A_358 = arith.addf %get3A_357, %get3A_351 : vector<16xf32>
      %swap3A = arith.constant 0 : i32
      %swap3A_359 = arith.index_cast %swap3A : i32 to index
      %swap3A_360 = arith.index_cast %scan3A_346 : i32 to index
      %swap3A_361 = arith.constant 0 : index
      %swap3A_362 = tpu.vector_load %arg8[%swap3A_359, %swap3A_360, %swap3A_361] {strides = array<i32>} : memref<4x32x128xf32, #tpu.memory_space<vmem>>, vector<1x1x16xf32>,
      %swap3A_363 = vector.shape_cast %swap3A_362 : vector<1x1x16xf32> to vector<16xf32>
      %swap3A_364 = vector.shape_cast %add3A_358 : vector<16xf32> to vector<1x1x16xf32>
      tpu.vector_store %arg8[%swap3A_359, %swap3A_360, %swap3A_361], %swap3A_364 {strides = array<i32>} : memref<4x32x128xf32, #tpu.memory_space<vmem>>, vector<1x1x16xf32>,
      %get3A_365 = arith.constant 1 : i32
      %get3A_366 = arith.index_cast %get3A_365 : i32 to index
      %get3A_367 = arith.index_cast %scan3A_346 : i32 to index
      %get3A_368 = arith.constant 0 : index
      %get3A_369 = tpu.vector_load %arg8[%get3A_366, %get3A_367, %get3A_368] {strides = array<i32>} : memref<4x32x128xf32, #tpu.memory_space<vmem>>, vector<1x1x16xf32>,
      %get3A_370 = vector.shape_cast %get3A_369 : vector<1x1x16xf32> to vector<16xf32>
      %add3A_371 = arith.addf %get3A_370, %get3A_351 : vector<16xf32>
      %swap3A_372 = arith.constant 1 : i32
      %swap3A_373 = arith.index_cast %swap3A_372 : i32 to index
      %swap3A_374 = arith.index_cast %scan3A_346 : i32 to index
      %swap3A_375 = arith.constant 0 : index
      %swap3A_376 = tpu.vector_load %arg8[%swap3A_373, %swap3A_374, %swap3A_375] {strides = array<i32>} : memref<4x32x128xf32, #tpu.memory_space<vmem>>, vector<1x1x16xf32>,
      %swap3A_377 = vector.shape_cast %swap3A_376 : vector<1x1x16xf32> to vector<16xf32>
      %swap3A_378 = vector.shape_cast %add3A_371 : vector<16xf32> to vector<1x1x16xf32>
      tpu.vector_store %arg8[%swap3A_373, %swap3A_374, %swap3A_375], %swap3A_378 {strides = array<i32>} : memref<4x32x128xf32, #tpu.memory_space<vmem>>, vector<1x1x16xf32>,
      %get3A_379 = arith.constant 2 : i32
      %get3A_380 = arith.index_cast %get3A_379 : i32 to index
      %get3A_381 = arith.index_cast %scan3A_346 : i32 to index
      %get3A_382 = arith.constant 0 : index
      %get3A_383 = tpu.vector_load %arg8[%get3A_380, %get3A_381, %get3A_382] {strides = array<i32>} : memref<4x32x128xf32, #tpu.memory_space<vmem>>, vector<1x1x16xf32>,
      %get3A_384 = vector.shape_cast %get3A_383 : vector<1x1x16xf32> to vector<16xf32>
      %add3A_385 = arith.addf %get3A_384, %get3A_351 : vector<16xf32>
      %swap3A_386 = arith.constant 2 : i32
      %swap3A_387 = arith.index_cast %swap3A_386 : i32 to index
      %swap3A_388 = arith.index_cast %scan3A_346 : i32 to index
      %swap3A_389 = arith.constant 0 : index
      %swap3A_390 = tpu.vector_load %arg8[%swap3A_387, %swap3A_388, %swap3A_389] {strides = array<i32>} : memref<4x32x128xf32, #tpu.memory_space<vmem>>, vector<1x1x16xf32>,
      %swap3A_391 = vector.shape_cast %swap3A_390 : vector<1x1x16xf32> to vector<16xf32>
      %swap3A_392 = vector.shape_cast %add3A_385 : vector<16xf32> to vector<1x1x16xf32>
      tpu.vector_store %arg8[%swap3A_387, %swap3A_388, %swap3A_389], %swap3A_392 {strides = array<i32>} : memref<4x32x128xf32, #tpu.memory_space<vmem>>, vector<1x1x16xf32>,
      %get3A_393 = arith.constant 3 : i32
      %get3A_394 = arith.index_cast %get3A_393 : i32 to index
      %get3A_395 = arith.index_cast %scan3A_346 : i32 to index
      %get3A_396 = arith.constant 0 : index
      %get3A_397 = tpu.vector_load %arg8[%get3A_394, %get3A_395, %get3A_396] {strides = array<i32>} : memref<4x32x128xf32, #tpu.memory_space<vmem>>, vector<1x1x16xf32>,
      %get3A_398 = vector.shape_cast %get3A_397 : vector<1x1x16xf32> to vector<16xf32>
      %add3A_399 = arith.addf %get3A_398, %get3A_351 : vector<16xf32>
      %swap3A_400 = arith.constant 3 : i32
      %swap3A_401 = arith.index_cast %swap3A_400 : i32 to index
      %swap3A_402 = arith.index_cast %scan3A_346 : i32 to index
      %swap3A_403 = arith.constant 0 : index
      %swap3A_404 = tpu.vector_load %arg8[%swap3A_401, %swap3A_402, %swap3A_403] {strides = array<i32>} : memref<4x32x128xf32, #tpu.memory_space<vmem>>, vector<1x1x16xf32>,
      %swap3A_405 = vector.shape_cast %swap3A_404 : vector<1x1x16xf32> to vector<16xf32>
      %swap3A_406 = vector.shape_cast %add3A_399 : vector<16xf32> to vector<1x1x16xf32>
      tpu.vector_store %arg8[%swap3A_401, %swap3A_402, %swap3A_403], %swap3A_406 {strides = array<i32>} : memref<4x32x128xf32, #tpu.memory_space<vmem>>, vector<1x1x16xf32>,
      %add3A_407 = arith.constant 224 : i32
      %add3A_408 = arith.addi %add3A_407, %scan3A_346 : i32
      %get3A_409 = arith.index_cast %add3A_408 : i32 to index
      %get3A_410 = arith.constant 16 : index
      %get3A_411 = tpu.vector_load %arg5[%get3A_409, %get3A_410] {strides = array<i32>} : memref<256x128xf32, #tpu.memory_space<vmem>>, vector<1x16xf32>,
      %get3A_412 = vector.shape_cast %get3A_411 : vector<1x16xf32> to vector<16xf32>
      %get3A_413 = arith.constant 0 : i32
      %get3A_414 = arith.index_cast %get3A_413 : i32 to index
      %get3A_415 = arith.index_cast %scan3A_346 : i32 to index
      %get3A_416 = arith.constant 16 : index
      %get3A_417 = tpu.vector_load %arg8[%get3A_414, %get3A_415, %get3A_416] {strides = array<i32>} : memref<4x32x128xf32, #tpu.memory_space<vmem>>, vector<1x1x16xf32>,
      %get3A_418 = vector.shape_cast %get3A_417 : vector<1x1x16xf32> to vector<16xf32>
      %add3A_419 = arith.addf %get3A_418, %get3A_412 : vector<16xf32>
      %swap3A_420 = arith.constant 0 : i32
      %swap3A_421 = arith.index_cast %swap3A_420 : i32 to index
      %swap3A_422 = arith.index_cast %scan3A_346 : i32 to index
      %swap3A_423 = arith.constant 16 : index
      %swap3A_424 = tpu.vector_load %arg8[%swap3A_421, %swap3A_422, %swap3A_423] {strides = array<i32>} : memref<4x32x128xf32, #tpu.memory_space<vmem>>, vector<1x1x16xf32>,
      %swap3A_425 = vector.shape_cast %swap3A_424 : vector<1x1x16xf32> to vector<16xf32>
      %swap3A_426 = vector.shape_cast %add3A_419 : vector<16xf32> to vector<1x1x16xf32>
      tpu.vector_store %arg8[%swap3A_421, %swap3A_422, %swap3A_423], %swap3A_426 {strides = array<i32>} : memref<4x32x128xf32, #tpu.memory_space<vmem>>, vector<1x1x16xf32>,
      %get3A_427 = arith.constant 1 : i32
      %get3A_428 = arith.index_cast %get3A_427 : i32 to index
      %get3A_429 = arith.index_cast %scan3A_346 : i32 to index
      %get3A_430 = arith.constant 16 : index
      %get3A_431 = tpu.vector_load %arg8[%get3A_428, %get3A_429, %get3A_430] {strides = array<i32>} : memref<4x32x128xf32, #tpu.memory_space<vmem>>, vector<1x1x16xf32>,
      %get3A_432 = vector.shape_cast %get3A_431 : vector<1x1x16xf32> to vector<16xf32>
      %add3A_433 = arith.addf %get3A_432, %get3A_412 : vector<16xf32>
      %swap3A_434 = arith.constant 1 : i32
      %swap3A_435 = arith.index_cast %swap3A_434 : i32 to index
      %swap3A_436 = arith.index_cast %scan3A_346 : i32 to index
      %swap3A_437 = arith.constant 16 : index
      %swap3A_438 = tpu.vector_load %arg8[%swap3A_435, %swap3A_436, %swap3A_437] {strides = array<i32>} : memref<4x32x128xf32, #tpu.memory_space<vmem>>, vector<1x1x16xf32>,
      %swap3A_439 = vector.shape_cast %swap3A_438 : vector<1x1x16xf32> to vector<16xf32>
      %swap3A_440 = vector.shape_cast %add3A_433 : vector<16xf32> to vector<1x1x16xf32>
      tpu.vector_store %arg8[%swap3A_435, %swap3A_436, %swap3A_437], %swap3A_440 {strides = array<i32>} : memref<4x32x128xf32, #tpu.memory_space<vmem>>, vector<1x1x16xf32>,
      %get3A_441 = arith.constant 2 : i32
      %get3A_442 = arith.index_cast %get3A_441 : i32 to index
      %get3A_443 = arith.index_cast %scan3A_346 : i32 to index
      %get3A_444 = arith.constant 16 : index
      %get3A_445 = tpu.vector_load %arg8[%get3A_442, %get3A_443, %get3A_444] {strides = array<i32>} : memref<4x32x128xf32, #tpu.memory_space<vmem>>, vector<1x1x16xf32>,
      %get3A_446 = vector.shape_cast %get3A_445 : vector<1x1x16xf32> to vector<16xf32>
      %add3A_447 = arith.addf %get3A_446, %get3A_412 : vector<16xf32>
      %swap3A_448 = arith.constant 2 : i32
      %swap3A_449 = arith.index_cast %swap3A_448 : i32 to index
      %swap3A_450 = arith.index_cast %scan3A_346 : i32 to index
      %swap3A_451 = arith.constant 16 : index
      %swap3A_452 = tpu.vector_load %arg8[%swap3A_449, %swap3A_450, %swap3A_451] {strides = array<i32>} : memref<4x32x128xf32, #tpu.memory_space<vmem>>, vector<1x1x16xf32>,
      %swap3A_453 = vector.shape_cast %swap3A_452 : vector<1x1x16xf32> to vector<16xf32>
      %swap3A_454 = vector.shape_cast %add3A_447 : vector<16xf32> to vector<1x1x16xf32>
      tpu.vector_store %arg8[%swap3A_449, %swap3A_450, %swap3A_451], %swap3A_454 {strides = array<i32>} : memref<4x32x128xf32, #tpu.memory_space<vmem>>, vector<1x1x16xf32>,
      %get3A_455 = arith.constant 3 : i32
      %get3A_456 = arith.index_cast %get3A_455 : i32 to index
      %get3A_457 = arith.index_cast %scan3A_346 : i32 to index
      %get3A_458 = arith.constant 16 : index
      %get3A_459 = tpu.vector_load %arg8[%get3A_456, %get3A_457, %get3A_458] {strides = array<i32>} : memref<4x32x128xf32, #tpu.memory_space<vmem>>, vector<1x1x16xf32>,
      %get3A_460 = vector.shape_cast %get3A_459 : vector<1x1x16xf32> to vector<16xf32>
      %add3A_461 = arith.addf %get3A_460, %get3A_412 : vector<16xf32>
      %swap3A_462 = arith.constant 3 : i32
      %swap3A_463 = arith.index_cast %swap3A_462 : i32 to index
      %swap3A_464 = arith.index_cast %scan3A_346 : i32 to index
      %swap3A_465 = arith.constant 16 : index
      %swap3A_466 = tpu.vector_load %arg8[%swap3A_463, %swap3A_464, %swap3A_465] {strides = array<i32>} : memref<4x32x128xf32, #tpu.memory_space<vmem>>, vector<1x1x16xf32>,
      %swap3A_467 = vector.shape_cast %swap3A_466 : vector<1x1x16xf32> to vector<16xf32>
      %swap3A_468 = vector.shape_cast %add3A_461 : vector<16xf32> to vector<1x1x16xf32>
      tpu.vector_store %arg8[%swap3A_463, %swap3A_464, %swap3A_465], %swap3A_468 {strides = array<i32>} : memref<4x32x128xf32, #tpu.memory_space<vmem>>, vector<1x1x16xf32>,
      %add3A_469 = arith.constant 224 : i32
      %add3A_470 = arith.addi %add3A_469, %scan3A_346 : i32
      %get3A_471 = arith.index_cast %add3A_470 : i32 to index
      %get3A_472 = arith.constant 32 : index
      %get3A_473 = tpu.vector_load %arg5[%get3A_471, %get3A_472] {strides = array<i32>} : memref<256x128xf32, #tpu.memory_space<vmem>>, vector<1x16xf32>,
      %get3A_474 = vector.shape_cast %get3A_473 : vector<1x16xf32> to vector<16xf32>
      %get3A_475 = arith.constant 0 : i32
      %get3A_476 = arith.index_cast %get3A_475 : i32 to index
      %get3A_477 = arith.index_cast %scan3A_346 : i32 to index
      %get3A_478 = arith.constant 32 : index
      %get3A_479 = tpu.vector_load %arg8[%get3A_476, %get3A_477, %get3A_478] {strides = array<i32>} : memref<4x32x128xf32, #tpu.memory_space<vmem>>, vector<1x1x16xf32>,
      %get3A_480 = vector.shape_cast %get3A_479 : vector<1x1x16xf32> to vector<16xf32>
      %add3A_481 = arith.addf %get3A_480, %get3A_474 : vector<16xf32>
      %swap3A_482 = arith.constant 0 : i32
      %swap3A_483 = arith.index_cast %swap3A_482 : i32 to index
      %swap3A_484 = arith.index_cast %scan3A_346 : i32 to index
      %swap3A_485 = arith.constant 32 : index
      %swap3A_486 = tpu.vector_load %arg8[%swap3A_483, %swap3A_484, %swap3A_485] {strides = array<i32>} : memref<4x32x128xf32, #tpu.memory_space<vmem>>, vector<1x1x16xf32>,
      %swap3A_487 = vector.shape_cast %swap3A_486 : vector<1x1x16xf32> to vector<16xf32>
      %swap3A_488 = vector.shape_cast %add3A_481 : vector<16xf32> to vector<1x1x16xf32>
      tpu.vector_store %arg8[%swap3A_483, %swap3A_484, %swap3A_485], %swap3A_488 {strides = array<i32>} : memref<4x32x128xf32, #tpu.memory_space<vmem>>, vector<1x1x16xf32>,
      %get3A_489 = arith.constant 1 : i32
      %get3A_490 = arith.index_cast %get3A_489 : i32 to index
      %get3A_491 = arith.index_cast %scan3A_346 : i32 to index
      %get3A_492 = arith.constant 32 : index
      %get3A_493 = tpu.vector_load %arg8[%get3A_490, %get3A_491, %get3A_492] {strides = array<i32>} : memref<4x32x128xf32, #tpu.memory_space<vmem>>, vector<1x1x16xf32>,
      %get3A_494 = vector.shape_cast %get3A_493 : vector<1x1x16xf32> to vector<16xf32>
      %add3A_495 = arith.addf %get3A_494, %get3A_474 : vector<16xf32>
      %swap3A_496 = arith.constant 1 : i32
      %swap3A_497 = arith.index_cast %swap3A_496 : i32 to index
      %swap3A_498 = arith.index_cast %scan3A_346 : i32 to index
      %swap3A_499 = arith.constant 32 : index
      %swap3A_500 = tpu.vector_load %arg8[%swap3A_497, %swap3A_498, %swap3A_499] {strides = array<i32>} : memref<4x32x128xf32, #tpu.memory_space<vmem>>, vector<1x1x16xf32>,
      %swap3A_501 = vector.shape_cast %swap3A_500 : vector<1x1x16xf32> to vector<16xf32>
      %swap3A_502 = vector.shape_cast %add3A_495 : vector<16xf32> to vector<1x1x16xf32>
      tpu.vector_store %arg8[%swap3A_497, %swap3A_498, %swap3A_499], %swap3A_502 {strides = array<i32>} : memref<4x32x128xf32, #tpu.memory_space<vmem>>, vector<1x1x16xf32>,
      %get3A_503 = arith.constant 2 : i32
      %get3A_504 = arith.index_cast %get3A_503 : i32 to index
      %get3A_505 = arith.index_cast %scan3A_346 : i32 to index
      %get3A_506 = arith.constant 32 : index
      %get3A_507 = tpu.vector_load %arg8[%get3A_504, %get3A_505, %get3A_506] {strides = array<i32>} : memref<4x32x128xf32, #tpu.memory_space<vmem>>, vector<1x1x16xf32>,
      %get3A_508 = vector.shape_cast %get3A_507 : vector<1x1x16xf32> to vector<16xf32>
      %add3A_509 = arith.addf %get3A_508, %get3A_474 : vector<16xf32>
      %swap3A_510 = arith.constant 2 : i32
      %swap3A_511 = arith.index_cast %swap3A_510 : i32 to index
      %swap3A_512 = arith.index_cast %scan3A_346 : i32 to index
      %swap3A_513 = arith.constant 32 : index
      %swap3A_514 = tpu.vector_load %arg8[%swap3A_511, %swap3A_512, %swap3A_513] {strides = array<i32>} : memref<4x32x128xf32, #tpu.memory_space<vmem>>, vector<1x1x16xf32>,
      %swap3A_515 = vector.shape_cast %swap3A_514 : vector<1x1x16xf32> to vector<16xf32>
      %swap3A_516 = vector.shape_cast %add3A_509 : vector<16xf32> to vector<1x1x16xf32>
      tpu.vector_store %arg8[%swap3A_511, %swap3A_512, %swap3A_513], %swap3A_516 {strides = array<i32>} : memref<4x32x128xf32, #tpu.memory_space<vmem>>, vector<1x1x16xf32>,
      %get3A_517 = arith.constant 3 : i32
      %get3A_518 = arith.index_cast %get3A_517 : i32 to index
      %get3A_519 = arith.index_cast %scan3A_346 : i32 to index
      %get3A_520 = arith.constant 32 : index
      %get3A_521 = tpu.vector_load %arg8[%get3A_518, %get3A_519, %get3A_520] {strides = array<i32>} : memref<4x32x128xf32, #tpu.memory_space<vmem>>, vector<1x1x16xf32>,
      %get3A_522 = vector.shape_cast %get3A_521 : vector<1x1x16xf32> to vector<16xf32>
      %add3A_523 = arith.addf %get3A_522, %get3A_474 : vector<16xf32>
      %swap3A_524 = arith.constant 3 : i32
      %swap3A_525 = arith.index_cast %swap3A_524 : i32 to index
      %swap3A_526 = arith.index_cast %scan3A_346 : i32 to index
      %swap3A_527 = arith.constant 32 : index
      %swap3A_528 = tpu.vector_load %arg8[%swap3A_525, %swap3A_526, %swap3A_527] {strides = array<i32>} : memref<4x32x128xf32, #tpu.memory_space<vmem>>, vector<1x1x16xf32>,
      %swap3A_529 = vector.shape_cast %swap3A_528 : vector<1x1x16xf32> to vector<16xf32>
      %swap3A_530 = vector.shape_cast %add3A_523 : vector<16xf32> to vector<1x1x16xf32>
      tpu.vector_store %arg8[%swap3A_525, %swap3A_526, %swap3A_527], %swap3A_530 {strides = array<i32>} : memref<4x32x128xf32, #tpu.memory_space<vmem>>, vector<1x1x16xf32>,
      %add3A_531 = arith.constant 224 : i32
      %add3A_532 = arith.addi %add3A_531, %scan3A_346 : i32
      %get3A_533 = arith.index_cast %add3A_532 : i32 to index
      %get3A_534 = arith.constant 48 : index
      %get3A_535 = tpu.vector_load %arg5[%get3A_533, %get3A_534] {strides = array<i32>} : memref<256x128xf32, #tpu.memory_space<vmem>>, vector<1x16xf32>,
      %get3A_536 = vector.shape_cast %get3A_535 : vector<1x16xf32> to vector<16xf32>
      %get3A_537 = arith.constant 0 : i32
      %get3A_538 = arith.index_cast %get3A_537 : i32 to index
      %get3A_539 = arith.index_cast %scan3A_346 : i32 to index
      %get3A_540 = arith.constant 48 : index
      %get3A_541 = tpu.vector_load %arg8[%get3A_538, %get3A_539, %get3A_540] {strides = array<i32>} : memref<4x32x128xf32, #tpu.memory_space<vmem>>, vector<1x1x16xf32>,
      %get3A_542 = vector.shape_cast %get3A_541 : vector<1x1x16xf32> to vector<16xf32>
      %add3A_543 = arith.addf %get3A_542, %get3A_536 : vector<16xf32>
      %swap3A_544 = arith.constant 0 : i32
      %swap3A_545 = arith.index_cast %swap3A_544 : i32 to index
      %swap3A_546 = arith.index_cast %scan3A_346 : i32 to index
      %swap3A_547 = arith.constant 48 : index
      %swap3A_548 = tpu.vector_load %arg8[%swap3A_545, %swap3A_546, %swap3A_547] {strides = array<i32>} : memref<4x32x128xf32, #tpu.memory_space<vmem>>, vector<1x1x16xf32>,
      %swap3A_549 = vector.shape_cast %swap3A_548 : vector<1x1x16xf32> to vector<16xf32>
      %swap3A_550 = vector.shape_cast %add3A_543 : vector<16xf32> to vector<1x1x16xf32>
      tpu.vector_store %arg8[%swap3A_545, %swap3A_546, %swap3A_547], %swap3A_550 {strides = array<i32>} : memref<4x32x128xf32, #tpu.memory_space<vmem>>, vector<1x1x16xf32>,
      %get3A_551 = arith.constant 1 : i32
      %get3A_552 = arith.index_cast %get3A_551 : i32 to index
      %get3A_553 = arith.index_cast %scan3A_346 : i32 to index
      %get3A_554 = arith.constant 48 : index
      %get3A_555 = tpu.vector_load %arg8[%get3A_552, %get3A_553, %get3A_554] {strides = array<i32>} : memref<4x32x128xf32, #tpu.memory_space<vmem>>, vector<1x1x16xf32>,
      %get3A_556 = vector.shape_cast %get3A_555 : vector<1x1x16xf32> to vector<16xf32>
      %add3A_557 = arith.addf %get3A_556, %get3A_536 : vector<16xf32>
      %swap3A_558 = arith.constant 1 : i32
      %swap3A_559 = arith.index_cast %swap3A_558 : i32 to index
      %swap3A_560 = arith.index_cast %scan3A_346 : i32 to index
      %swap3A_561 = arith.constant 48 : index
      %swap3A_562 = tpu.vector_load %arg8[%swap3A_559, %swap3A_560, %swap3A_561] {strides = array<i32>} : memref<4x32x128xf32, #tpu.memory_space<vmem>>, vector<1x1x16xf32>,
      %swap3A_563 = vector.shape_cast %swap3A_562 : vector<1x1x16xf32> to vector<16xf32>
      %swap3A_564 = vector.shape_cast %add3A_557 : vector<16xf32> to vector<1x1x16xf32>
      tpu.vector_store %arg8[%swap3A_559, %swap3A_560, %swap3A_561], %swap3A_564 {strides = array<i32>} : memref<4x32x128xf32, #tpu.memory_space<vmem>>, vector<1x1x16xf32>,
      %get3A_565 = arith.constant 2 : i32
      %get3A_566 = arith.index_cast %get3A_565 : i32 to index
      %get3A_567 = arith.index_cast %scan3A_346 : i32 to index
      %get3A_568 = arith.constant 48 : index
      %get3A_569 = tpu.vector_load %arg8[%get3A_566, %get3A_567, %get3A_568] {strides = array<i32>} : memref<4x32x128xf32, #tpu.memory_space<vmem>>, vector<1x1x16xf32>,
      %get3A_570 = vector.shape_cast %get3A_569 : vector<1x1x16xf32> to vector<16xf32>
      %add3A_571 = arith.addf %get3A_570, %get3A_536 : vector<16xf32>
      %swap3A_572 = arith.constant 2 : i32
      %swap3A_573 = arith.index_cast %swap3A_572 : i32 to index
      %swap3A_574 = arith.index_cast %scan3A_346 : i32 to index
      %swap3A_575 = arith.constant 48 : index
      %swap3A_576 = tpu.vector_load %arg8[%swap3A_573, %swap3A_574, %swap3A_575] {strides = array<i32>} : memref<4x32x128xf32, #tpu.memory_space<vmem>>, vector<1x1x16xf32>,
      %swap3A_577 = vector.shape_cast %swap3A_576 : vector<1x1x16xf32> to vector<16xf32>
      %swap3A_578 = vector.shape_cast %add3A_571 : vector<16xf32> to vector<1x1x16xf32>
      tpu.vector_store %arg8[%swap3A_573, %swap3A_574, %swap3A_575], %swap3A_578 {strides = array<i32>} : memref<4x32x128xf32, #tpu.memory_space<vmem>>, vector<1x1x16xf32>,
      %get3A_579 = arith.constant 3 : i32
      %get3A_580 = arith.index_cast %get3A_579 : i32 to index
      %get3A_581 = arith.index_cast %scan3A_346 : i32 to index
      %get3A_582 = arith.constant 48 : index
      %get3A_583 = tpu.vector_load %arg8[%get3A_580, %get3A_581, %get3A_582] {strides = array<i32>} : memref<4x32x128xf32, #tpu.memory_space<vmem>>, vector<1x1x16xf32>,
      %get3A_584 = vector.shape_cast %get3A_583 : vector<1x1x16xf32> to vector<16xf32>
      %add3A_585 = arith.addf %get3A_584, %get3A_536 : vector<16xf32>
      %swap3A_586 = arith.constant 3 : i32
      %swap3A_587 = arith.index_cast %swap3A_586 : i32 to index
      %swap3A_588 = arith.index_cast %scan3A_346 : i32 to index
      %swap3A_589 = arith.constant 48 : index
      %swap3A_590 = tpu.vector_load %arg8[%swap3A_587, %swap3A_588, %swap3A_589] {strides = array<i32>} : memref<4x32x128xf32, #tpu.memory_space<vmem>>, vector<1x1x16xf32>,
      %swap3A_591 = vector.shape_cast %swap3A_590 : vector<1x1x16xf32> to vector<16xf32>
      %swap3A_592 = vector.shape_cast %add3A_585 : vector<16xf32> to vector<1x1x16xf32>
      tpu.vector_store %arg8[%swap3A_587, %swap3A_588, %swap3A_589], %swap3A_592 {strides = array<i32>} : memref<4x32x128xf32, #tpu.memory_space<vmem>>, vector<1x1x16xf32>,
      %add3A_593 = arith.constant 224 : i32
      %add3A_594 = arith.addi %add3A_593, %scan3A_346 : i32
      %get3A_595 = arith.index_cast %add3A_594 : i32 to index
      %get3A_596 = arith.constant 64 : index
      %get3A_597 = tpu.vector_load %arg5[%get3A_595, %get3A_596] {strides = array<i32>} : memref<256x128xf32, #tpu.memory_space<vmem>>, vector<1x16xf32>,
      %get3A_598 = vector.shape_cast %get3A_597 : vector<1x16xf32> to vector<16xf32>
      %get3A_599 = arith.constant 0 : i32
      %get3A_600 = arith.index_cast %get3A_599 : i32 to index
      %get3A_601 = arith.index_cast %scan3A_346 : i32 to index
      %get3A_602 = arith.constant 64 : index
      %get3A_603 = tpu.vector_load %arg8[%get3A_600, %get3A_601, %get3A_602] {strides = array<i32>} : memref<4x32x128xf32, #tpu.memory_space<vmem>>, vector<1x1x16xf32>,
      %get3A_604 = vector.shape_cast %get3A_603 : vector<1x1x16xf32> to vector<16xf32>
      %add3A_605 = arith.addf %get3A_604, %get3A_598 : vector<16xf32>
      %swap3A_606 = arith.constant 0 : i32
      %swap3A_607 = arith.index_cast %swap3A_606 : i32 to index
      %swap3A_608 = arith.index_cast %scan3A_346 : i32 to index
      %swap3A_609 = arith.constant 64 : index
      %swap3A_610 = tpu.vector_load %arg8[%swap3A_607, %swap3A_608, %swap3A_609] {strides = array<i32>} : memref<4x32x128xf32, #tpu.memory_space<vmem>>, vector<1x1x16xf32>,
      %swap3A_611 = vector.shape_cast %swap3A_610 : vector<1x1x16xf32> to vector<16xf32>
      %swap3A_612 = vector.shape_cast %add3A_605 : vector<16xf32> to vector<1x1x16xf32>
      tpu.vector_store %arg8[%swap3A_607, %swap3A_608, %swap3A_609], %swap3A_612 {strides = array<i32>} : memref<4x32x128xf32, #tpu.memory_space<vmem>>, vector<1x1x16xf32>,
      %get3A_613 = arith.constant 1 : i32
      %get3A_614 = arith.index_cast %get3A_613 : i32 to index
      %get3A_615 = arith.index_cast %scan3A_346 : i32 to index
      %get3A_616 = arith.constant 64 : index
      %get3A_617 = tpu.vector_load %arg8[%get3A_614, %get3A_615, %get3A_616] {strides = array<i32>} : memref<4x32x128xf32, #tpu.memory_space<vmem>>, vector<1x1x16xf32>,
      %get3A_618 = vector.shape_cast %get3A_617 : vector<1x1x16xf32> to vector<16xf32>
      %add3A_619 = arith.addf %get3A_618, %get3A_598 : vector<16xf32>
      %swap3A_620 = arith.constant 1 : i32
      %swap3A_621 = arith.index_cast %swap3A_620 : i32 to index
      %swap3A_622 = arith.index_cast %scan3A_346 : i32 to index
      %swap3A_623 = arith.constant 64 : index
      %swap3A_624 = tpu.vector_load %arg8[%swap3A_621, %swap3A_622, %swap3A_623] {strides = array<i32>} : memref<4x32x128xf32, #tpu.memory_space<vmem>>, vector<1x1x16xf32>,
      %swap3A_625 = vector.shape_cast %swap3A_624 : vector<1x1x16xf32> to vector<16xf32>
      %swap3A_626 = vector.shape_cast %add3A_619 : vector<16xf32> to vector<1x1x16xf32>
      tpu.vector_store %arg8[%swap3A_621, %swap3A_622, %swap3A_623], %swap3A_626 {strides = array<i32>} : memref<4x32x128xf32, #tpu.memory_space<vmem>>, vector<1x1x16xf32>,
      %get3A_627 = arith.constant 2 : i32
      %get3A_628 = arith.index_cast %get3A_627 : i32 to index
      %get3A_629 = arith.index_cast %scan3A_346 : i32 to index
      %get3A_630 = arith.constant 64 : index
      %get3A_631 = tpu.vector_load %arg8[%get3A_628, %get3A_629, %get3A_630] {strides = array<i32>} : memref<4x32x128xf32, #tpu.memory_space<vmem>>, vector<1x1x16xf32>,
      %get3A_632 = vector.shape_cast %get3A_631 : vector<1x1x16xf32> to vector<16xf32>
      %add3A_633 = arith.addf %get3A_632, %get3A_598 : vector<16xf32>
      %swap3A_634 = arith.constant 2 : i32
      %swap3A_635 = arith.index_cast %swap3A_634 : i32 to index
      %swap3A_636 = arith.index_cast %scan3A_346 : i32 to index
      %swap3A_637 = arith.constant 64 : index
      %swap3A_638 = tpu.vector_load %arg8[%swap3A_635, %swap3A_636, %swap3A_637] {strides = array<i32>} : memref<4x32x128xf32, #tpu.memory_space<vmem>>, vector<1x1x16xf32>,
      %swap3A_639 = vector.shape_cast %swap3A_638 : vector<1x1x16xf32> to vector<16xf32>
      %swap3A_640 = vector.shape_cast %add3A_633 : vector<16xf32> to vector<1x1x16xf32>
      tpu.vector_store %arg8[%swap3A_635, %swap3A_636, %swap3A_637], %swap3A_640 {strides = array<i32>} : memref<4x32x128xf32, #tpu.memory_space<vmem>>, vector<1x1x16xf32>,
      %get3A_641 = arith.constant 3 : i32
      %get3A_642 = arith.index_cast %get3A_641 : i32 to index
      %get3A_643 = arith.index_cast %scan3A_346 : i32 to index
      %get3A_644 = arith.constant 64 : index
      %get3A_645 = tpu.vector_load %arg8[%get3A_642, %get3A_643, %get3A_644] {strides = array<i32>} : memref<4x32x128xf32, #tpu.memory_space<vmem>>, vector<1x1x16xf32>,
      %get3A_646 = vector.shape_cast %get3A_645 : vector<1x1x16xf32> to vector<16xf32>
      %add3A_647 = arith.addf %get3A_646, %get3A_598 : vector<16xf32>
      %swap3A_648 = arith.constant 3 : i32
      %swap3A_649 = arith.index_cast %swap3A_648 : i32 to index
      %swap3A_650 = arith.index_cast %scan3A_346 : i32 to index
      %swap3A_651 = arith.constant 64 : index
      %swap3A_652 = tpu.vector_load %arg8[%swap3A_649, %swap3A_650, %swap3A_651] {strides = array<i32>} : memref<4x32x128xf32, #tpu.memory_space<vmem>>, vector<1x1x16xf32>,
      %swap3A_653 = vector.shape_cast %swap3A_652 : vector<1x1x16xf32> to vector<16xf32>
      %swap3A_654 = vector.shape_cast %add3A_647 : vector<16xf32> to vector<1x1x16xf32>
      tpu.vector_store %arg8[%swap3A_649, %swap3A_650, %swap3A_651], %swap3A_654 {strides = array<i32>} : memref<4x32x128xf32, #tpu.memory_space<vmem>>, vector<1x1x16xf32>,
      %add3A_655 = arith.constant 224 : i32
      %add3A_656 = arith.addi %add3A_655, %scan3A_346 : i32
      %get3A_657 = arith.index_cast %add3A_656 : i32 to index
      %get3A_658 = arith.constant 80 : index
      %get3A_659 = tpu.vector_load %arg5[%get3A_657, %get3A_658] {strides = array<i32>} : memref<256x128xf32, #tpu.memory_space<vmem>>, vector<1x16xf32>,
      %get3A_660 = vector.shape_cast %get3A_659 : vector<1x16xf32> to vector<16xf32>
      %get3A_661 = arith.constant 0 : i32
      %get3A_662 = arith.index_cast %get3A_661 : i32 to index
      %get3A_663 = arith.index_cast %scan3A_346 : i32 to index
      %get3A_664 = arith.constant 80 : index
      %get3A_665 = tpu.vector_load %arg8[%get3A_662, %get3A_663, %get3A_664] {strides = array<i32>} : memref<4x32x128xf32, #tpu.memory_space<vmem>>, vector<1x1x16xf32>,
      %get3A_666 = vector.shape_cast %get3A_665 : vector<1x1x16xf32> to vector<16xf32>
      %add3A_667 = arith.addf %get3A_666, %get3A_660 : vector<16xf32>
      %swap3A_668 = arith.constant 0 : i32
      %swap3A_669 = arith.index_cast %swap3A_668 : i32 to index
      %swap3A_670 = arith.index_cast %scan3A_346 : i32 to index
      %swap3A_671 = arith.constant 80 : index
      %swap3A_672 = tpu.vector_load %arg8[%swap3A_669, %swap3A_670, %swap3A_671] {strides = array<i32>} : memref<4x32x128xf32, #tpu.memory_space<vmem>>, vector<1x1x16xf32>,
      %swap3A_673 = vector.shape_cast %swap3A_672 : vector<1x1x16xf32> to vector<16xf32>
      %swap3A_674 = vector.shape_cast %add3A_667 : vector<16xf32> to vector<1x1x16xf32>
      tpu.vector_store %arg8[%swap3A_669, %swap3A_670, %swap3A_671], %swap3A_674 {strides = array<i32>} : memref<4x32x128xf32, #tpu.memory_space<vmem>>, vector<1x1x16xf32>,
      %get3A_675 = arith.constant 1 : i32
      %get3A_676 = arith.index_cast %get3A_675 : i32 to index
      %get3A_677 = arith.index_cast %scan3A_346 : i32 to index
      %get3A_678 = arith.constant 80 : index
      %get3A_679 = tpu.vector_load %arg8[%get3A_676, %get3A_677, %get3A_678] {strides = array<i32>} : memref<4x32x128xf32, #tpu.memory_space<vmem>>, vector<1x1x16xf32>,
      %get3A_680 = vector.shape_cast %get3A_679 : vector<1x1x16xf32> to vector<16xf32>
      %add3A_681 = arith.addf %get3A_680, %get3A_660 : vector<16xf32>
      %swap3A_682 = arith.constant 1 : i32
      %swap3A_683 = arith.index_cast %swap3A_682 : i32 to index
      %swap3A_684 = arith.index_cast %scan3A_346 : i32 to index
      %swap3A_685 = arith.constant 80 : index
      %swap3A_686 = tpu.vector_load %arg8[%swap3A_683, %swap3A_684, %swap3A_685] {strides = array<i32>} : memref<4x32x128xf32, #tpu.memory_space<vmem>>, vector<1x1x16xf32>,
      %swap3A_687 = vector.shape_cast %swap3A_686 : vector<1x1x16xf32> to vector<16xf32>
      %swap3A_688 = vector.shape_cast %add3A_681 : vector<16xf32> to vector<1x1x16xf32>
      tpu.vector_store %arg8[%swap3A_683, %swap3A_684, %swap3A_685], %swap3A_688 {strides = array<i32>} : memref<4x32x128xf32, #tpu.memory_space<vmem>>, vector<1x1x16xf32>,
      %get3A_689 = arith.constant 2 : i32
      %get3A_690 = arith.index_cast %get3A_689 : i32 to index
      %get3A_691 = arith.index_cast %scan3A_346 : i32 to index
      %get3A_692 = arith.constant 80 : index
      %get3A_693 = tpu.vector_load %arg8[%get3A_690, %get3A_691, %get3A_692] {strides = array<i32>} : memref<4x32x128xf32, #tpu.memory_space<vmem>>, vector<1x1x16xf32>,
      %get3A_694 = vector.shape_cast %get3A_693 : vector<1x1x16xf32> to vector<16xf32>
      %add3A_695 = arith.addf %get3A_694, %get3A_660 : vector<16xf32>
      %swap3A_696 = arith.constant 2 : i32
      %swap3A_697 = arith.index_cast %swap3A_696 : i32 to index
      %swap3A_698 = arith.index_cast %scan3A_346 : i32 to index
      %swap3A_699 = arith.constant 80 : index
      %swap3A_700 = tpu.vector_load %arg8[%swap3A_697, %swap3A_698, %swap3A_699] {strides = array<i32>} : memref<4x32x128xf32, #tpu.memory_space<vmem>>, vector<1x1x16xf32>,
      %swap3A_701 = vector.shape_cast %swap3A_700 : vector<1x1x16xf32> to vector<16xf32>
      %swap3A_702 = vector.shape_cast %add3A_695 : vector<16xf32> to vector<1x1x16xf32>
      tpu.vector_store %arg8[%swap3A_697, %swap3A_698, %swap3A_699], %swap3A_702 {strides = array<i32>} : memref<4x32x128xf32, #tpu.memory_space<vmem>>, vector<1x1x16xf32>,
      %get3A_703 = arith.constant 3 : i32
      %get3A_704 = arith.index_cast %get3A_703 : i32 to index
      %get3A_705 = arith.index_cast %scan3A_346 : i32 to index
      %get3A_706 = arith.constant 80 : index
      %get3A_707 = tpu.vector_load %arg8[%get3A_704, %get3A_705, %get3A_706] {strides = array<i32>} : memref<4x32x128xf32, #tpu.memory_space<vmem>>, vector<1x1x16xf32>,
      %get3A_708 = vector.shape_cast %get3A_707 : vector<1x1x16xf32> to vector<16xf32>
      %add3A_709 = arith.addf %get3A_708, %get3A_660 : vector<16xf32>
      %swap3A_710 = arith.constant 3 : i32
      %swap3A_711 = arith.index_cast %swap3A_710 : i32 to index
      %swap3A_712 = arith.index_cast %scan3A_346 : i32 to index
      %swap3A_713 = arith.constant 80 : index
      %swap3A_714 = tpu.vector_load %arg8[%swap3A_711, %swap3A_712, %swap3A_713] {strides = array<i32>} : memref<4x32x128xf32, #tpu.memory_space<vmem>>, vector<1x1x16xf32>,
      %swap3A_715 = vector.shape_cast %swap3A_714 : vector<1x1x16xf32> to vector<16xf32>
      %swap3A_716 = vector.shape_cast %add3A_709 : vector<16xf32> to vector<1x1x16xf32>
      tpu.vector_store %arg8[%swap3A_711, %swap3A_712, %swap3A_713], %swap3A_716 {strides = array<i32>} : memref<4x32x128xf32, #tpu.memory_space<vmem>>, vector<1x1x16xf32>,
      %add3A_717 = arith.constant 224 : i32
      %add3A_718 = arith.addi %add3A_717, %scan3A_346 : i32
      %get3A_719 = arith.index_cast %add3A_718 : i32 to index
      %get3A_720 = arith.constant 96 : index
      %get3A_721 = tpu.vector_load %arg5[%get3A_719, %get3A_720] {strides = array<i32>} : memref<256x128xf32, #tpu.memory_space<vmem>>, vector<1x16xf32>,
      %get3A_722 = vector.shape_cast %get3A_721 : vector<1x16xf32> to vector<16xf32>
      %get3A_723 = arith.constant 0 : i32
      %get3A_724 = arith.index_cast %get3A_723 : i32 to index
      %get3A_725 = arith.index_cast %scan3A_346 : i32 to index
      %get3A_726 = arith.constant 96 : index
      %get3A_727 = tpu.vector_load %arg8[%get3A_724, %get3A_725, %get3A_726] {strides = array<i32>} : memref<4x32x128xf32, #tpu.memory_space<vmem>>, vector<1x1x16xf32>,
      %get3A_728 = vector.shape_cast %get3A_727 : vector<1x1x16xf32> to vector<16xf32>
      %add3A_729 = arith.addf %get3A_728, %get3A_722 : vector<16xf32>
      %swap3A_730 = arith.constant 0 : i32
      %swap3A_731 = arith.index_cast %swap3A_730 : i32 to index
      %swap3A_732 = arith.index_cast %scan3A_346 : i32 to index
      %swap3A_733 = arith.constant 96 : index
      %swap3A_734 = tpu.vector_load %arg8[%swap3A_731, %swap3A_732, %swap3A_733] {strides = array<i32>} : memref<4x32x128xf32, #tpu.memory_space<vmem>>, vector<1x1x16xf32>,
      %swap3A_735 = vector.shape_cast %swap3A_734 : vector<1x1x16xf32> to vector<16xf32>
      %swap3A_736 = vector.shape_cast %add3A_729 : vector<16xf32> to vector<1x1x16xf32>
      tpu.vector_store %arg8[%swap3A_731, %swap3A_732, %swap3A_733], %swap3A_736 {strides = array<i32>} : memref<4x32x128xf32, #tpu.memory_space<vmem>>, vector<1x1x16xf32>,
      %get3A_737 = arith.constant 1 : i32
      %get3A_738 = arith.index_cast %get3A_737 : i32 to index
      %get3A_739 = arith.index_cast %scan3A_346 : i32 to index
      %get3A_740 = arith.constant 96 : index
      %get3A_741 = tpu.vector_load %arg8[%get3A_738, %get3A_739, %get3A_740] {strides = array<i32>} : memref<4x32x128xf32, #tpu.memory_space<vmem>>, vector<1x1x16xf32>,
      %get3A_742 = vector.shape_cast %get3A_741 : vector<1x1x16xf32> to vector<16xf32>
      %add3A_743 = arith.addf %get3A_742, %get3A_722 : vector<16xf32>
      %swap3A_744 = arith.constant 1 : i32
      %swap3A_745 = arith.index_cast %swap3A_744 : i32 to index
      %swap3A_746 = arith.index_cast %scan3A_346 : i32 to index
      %swap3A_747 = arith.constant 96 : index
      %swap3A_748 = tpu.vector_load %arg8[%swap3A_745, %swap3A_746, %swap3A_747] {strides = array<i32>} : memref<4x32x128xf32, #tpu.memory_space<vmem>>, vector<1x1x16xf32>,
      %swap3A_749 = vector.shape_cast %swap3A_748 : vector<1x1x16xf32> to vector<16xf32>
      %swap3A_750 = vector.shape_cast %add3A_743 : vector<16xf32> to vector<1x1x16xf32>
      tpu.vector_store %arg8[%swap3A_745, %swap3A_746, %swap3A_747], %swap3A_750 {strides = array<i32>} : memref<4x32x128xf32, #tpu.memory_space<vmem>>, vector<1x1x16xf32>,
      %get3A_751 = arith.constant 2 : i32
      %get3A_752 = arith.index_cast %get3A_751 : i32 to index
      %get3A_753 = arith.index_cast %scan3A_346 : i32 to index
      %get3A_754 = arith.constant 96 : index
      %get3A_755 = tpu.vector_load %arg8[%get3A_752, %get3A_753, %get3A_754] {strides = array<i32>} : memref<4x32x128xf32, #tpu.memory_space<vmem>>, vector<1x1x16xf32>,
      %get3A_756 = vector.shape_cast %get3A_755 : vector<1x1x16xf32> to vector<16xf32>
      %add3A_757 = arith.addf %get3A_756, %get3A_722 : vector<16xf32>
      %swap3A_758 = arith.constant 2 : i32
      %swap3A_759 = arith.index_cast %swap3A_758 : i32 to index
      %swap3A_760 = arith.index_cast %scan3A_346 : i32 to index
      %swap3A_761 = arith.constant 96 : index
      %swap3A_762 = tpu.vector_load %arg8[%swap3A_759, %swap3A_760, %swap3A_761] {strides = array<i32>} : memref<4x32x128xf32, #tpu.memory_space<vmem>>, vector<1x1x16xf32>,
      %swap3A_763 = vector.shape_cast %swap3A_762 : vector<1x1x16xf32> to vector<16xf32>
      %swap3A_764 = vector.shape_cast %add3A_757 : vector<16xf32> to vector<1x1x16xf32>
      tpu.vector_store %arg8[%swap3A_759, %swap3A_760, %swap3A_761], %swap3A_764 {strides = array<i32>} : memref<4x32x128xf32, #tpu.memory_space<vmem>>, vector<1x1x16xf32>,
      %get3A_765 = arith.constant 3 : i32
      %get3A_766 = arith.index_cast %get3A_765 : i32 to index
      %get3A_767 = arith.index_cast %scan3A_346 : i32 to index
      %get3A_768 = arith.constant 96 : index
      %get3A_769 = tpu.vector_load %arg8[%get3A_766, %get3A_767, %get3A_768] {strides = array<i32>} : memref<4x32x128xf32, #tpu.memory_space<vmem>>, vector<1x1x16xf32>,
      %get3A_770 = vector.shape_cast %get3A_769 : vector<1x1x16xf32> to vector<16xf32>
      %add3A_771 = arith.addf %get3A_770, %get3A_722 : vector<16xf32>
      %swap3A_772 = arith.constant 3 : i32
      %swap3A_773 = arith.index_cast %swap3A_772 : i32 to index
      %swap3A_774 = arith.index_cast %scan3A_346 : i32 to index
      %swap3A_775 = arith.constant 96 : index
      %swap3A_776 = tpu.vector_load %arg8[%swap3A_773, %swap3A_774, %swap3A_775] {strides = array<i32>} : memref<4x32x128xf32, #tpu.memory_space<vmem>>, vector<1x1x16xf32>,
      %swap3A_777 = vector.shape_cast %swap3A_776 : vector<1x1x16xf32> to vector<16xf32>
      %swap3A_778 = vector.shape_cast %add3A_771 : vector<16xf32> to vector<1x1x16xf32>
      tpu.vector_store %arg8[%swap3A_773, %swap3A_774, %swap3A_775], %swap3A_778 {strides = array<i32>} : memref<4x32x128xf32, #tpu.memory_space<vmem>>, vector<1x1x16xf32>,
      %add3A_779 = arith.constant 224 : i32
      %add3A_780 = arith.addi %add3A_779, %scan3A_346 : i32
      %get3A_781 = arith.index_cast %add3A_780 : i32 to index
      %get3A_782 = arith.constant 112 : index
      %get3A_783 = tpu.vector_load %arg5[%get3A_781, %get3A_782] {strides = array<i32>} : memref<256x128xf32, #tpu.memory_space<vmem>>, vector<1x16xf32>,
      %get3A_784 = vector.shape_cast %get3A_783 : vector<1x16xf32> to vector<16xf32>
      %get3A_785 = arith.constant 0 : i32
      %get3A_786 = arith.index_cast %get3A_785 : i32 to index
      %get3A_787 = arith.index_cast %scan3A_346 : i32 to index
      %get3A_788 = arith.constant 112 : index
      %get3A_789 = tpu.vector_load %arg8[%get3A_786, %get3A_787, %get3A_788] {strides = array<i32>} : memref<4x32x128xf32, #tpu.memory_space<vmem>>, vector<1x1x16xf32>,
      %get3A_790 = vector.shape_cast %get3A_789 : vector<1x1x16xf32> to vector<16xf32>
      %add3A_791 = arith.addf %get3A_790, %get3A_784 : vector<16xf32>
      %swap3A_792 = arith.constant 0 : i32
      %swap3A_793 = arith.index_cast %swap3A_792 : i32 to index
      %swap3A_794 = arith.index_cast %scan3A_346 : i32 to index
      %swap3A_795 = arith.constant 112 : index
      %swap3A_796 = tpu.vector_load %arg8[%swap3A_793, %swap3A_794, %swap3A_795] {strides = array<i32>} : memref<4x32x128xf32, #tpu.memory_space<vmem>>, vector<1x1x16xf32>,
      %swap3A_797 = vector.shape_cast %swap3A_796 : vector<1x1x16xf32> to vector<16xf32>
      %swap3A_798 = vector.shape_cast %add3A_791 : vector<16xf32> to vector<1x1x16xf32>
      tpu.vector_store %arg8[%swap3A_793, %swap3A_794, %swap3A_795], %swap3A_798 {strides = array<i32>} : memref<4x32x128xf32, #tpu.memory_space<vmem>>, vector<1x1x16xf32>,
      %get3A_799 = arith.constant 1 : i32
      %get3A_800 = arith.index_cast %get3A_799 : i32 to index
      %get3A_801 = arith.index_cast %scan3A_346 : i32 to index
      %get3A_802 = arith.constant 112 : index
      %get3A_803 = tpu.vector_load %arg8[%get3A_800, %get3A_801, %get3A_802] {strides = array<i32>} : memref<4x32x128xf32, #tpu.memory_space<vmem>>, vector<1x1x16xf32>,
      %get3A_804 = vector.shape_cast %get3A_803 : vector<1x1x16xf32> to vector<16xf32>
      %add3A_805 = arith.addf %get3A_804, %get3A_784 : vector<16xf32>
      %swap3A_806 = arith.constant 1 : i32
      %swap3A_807 = arith.index_cast %swap3A_806 : i32 to index
      %swap3A_808 = arith.index_cast %scan3A_346 : i32 to index
      %swap3A_809 = arith.constant 112 : index
      %swap3A_810 = tpu.vector_load %arg8[%swap3A_807, %swap3A_808, %swap3A_809] {strides = array<i32>} : memref<4x32x128xf32, #tpu.memory_space<vmem>>, vector<1x1x16xf32>,
      %swap3A_811 = vector.shape_cast %swap3A_810 : vector<1x1x16xf32> to vector<16xf32>
      %swap3A_812 = vector.shape_cast %add3A_805 : vector<16xf32> to vector<1x1x16xf32>
      tpu.vector_store %arg8[%swap3A_807, %swap3A_808, %swap3A_809], %swap3A_812 {strides = array<i32>} : memref<4x32x128xf32, #tpu.memory_space<vmem>>, vector<1x1x16xf32>,
      %get3A_813 = arith.constant 2 : i32
      %get3A_814 = arith.index_cast %get3A_813 : i32 to index
      %get3A_815 = arith.index_cast %scan3A_346 : i32 to index
      %get3A_816 = arith.constant 112 : index
      %get3A_817 = tpu.vector_load %arg8[%get3A_814, %get3A_815, %get3A_816] {strides = array<i32>} : memref<4x32x128xf32, #tpu.memory_space<vmem>>, vector<1x1x16xf32>,
      %get3A_818 = vector.shape_cast %get3A_817 : vector<1x1x16xf32> to vector<16xf32>
      %add3A_819 = arith.addf %get3A_818, %get3A_784 : vector<16xf32>
      %swap3A_820 = arith.constant 2 : i32
      %swap3A_821 = arith.index_cast %swap3A_820 : i32 to index
      %swap3A_822 = arith.index_cast %scan3A_346 : i32 to index
      %swap3A_823 = arith.constant 112 : index
      %swap3A_824 = tpu.vector_load %arg8[%swap3A_821, %swap3A_822, %swap3A_823] {strides = array<i32>} : memref<4x32x128xf32, #tpu.memory_space<vmem>>, vector<1x1x16xf32>,
      %swap3A_825 = vector.shape_cast %swap3A_824 : vector<1x1x16xf32> to vector<16xf32>
      %swap3A_826 = vector.shape_cast %add3A_819 : vector<16xf32> to vector<1x1x16xf32>
      tpu.vector_store %arg8[%swap3A_821, %swap3A_822, %swap3A_823], %swap3A_826 {strides = array<i32>} : memref<4x32x128xf32, #tpu.memory_space<vmem>>, vector<1x1x16xf32>,
      %get3A_827 = arith.constant 3 : i32
      %get3A_828 = arith.index_cast %get3A_827 : i32 to index
      %get3A_829 = arith.index_cast %scan3A_346 : i32 to index
      %get3A_830 = arith.constant 112 : index
      %get3A_831 = tpu.vector_load %arg8[%get3A_828, %get3A_829, %get3A_830] {strides = array<i32>} : memref<4x32x128xf32, #tpu.memory_space<vmem>>, vector<1x1x16xf32>,
      %get3A_832 = vector.shape_cast %get3A_831 : vector<1x1x16xf32> to vector<16xf32>
      %add3A_833 = arith.addf %get3A_832, %get3A_784 : vector<16xf32>
      %swap3A_834 = arith.constant 3 : i32
      %swap3A_835 = arith.index_cast %swap3A_834 : i32 to index
      %swap3A_836 = arith.index_cast %scan3A_346 : i32 to index
      %swap3A_837 = arith.constant 112 : index
      %swap3A_838 = tpu.vector_load %arg8[%swap3A_835, %swap3A_836, %swap3A_837] {strides = array<i32>} : memref<4x32x128xf32, #tpu.memory_space<vmem>>, vector<1x1x16xf32>,
      %swap3A_839 = vector.shape_cast %swap3A_838 : vector<1x1x16xf32> to vector<16xf32>
      %swap3A_840 = vector.shape_cast %add3A_833 : vector<16xf32> to vector<1x1x16xf32>
      tpu.vector_store %arg8[%swap3A_835, %swap3A_836, %swap3A_837], %swap3A_840 {strides = array<i32>} : memref<4x32x128xf32, #tpu.memory_space<vmem>>, vector<1x1x16xf32>,
    }
    %scan3A_297 = arith.constant 32 : i32
    %add3A_298 = arith.constant 224 : i32
    %add3A_299 = arith.addi %mul3A_2, %add3A_298 : i32
    %dma_start3A_300 = arith.constant 0 : i32
    %dma_start3A_301 = arith.constant 0 : i32
    %dma_start3A_302 = tpu.memref_slice %arg4[%dma_start3A_300, %add3A_299, %dma_start3A_301] : memref<4x8192x128xf32, #tpu.memory_space<hbm>> -> memref<4x32x128xf32, #tpu.memory_space<hbm>>
    %dma_start3A_303 = arith.constant 0 : i32
    %dma_start3A_304 = arith.constant 0 : i32
    %dma_start3A_305 = tpu.memref_slice %arg4[%dma_start3A_303, %add3A_299, %dma_start3A_304] : memref<4x8192x128xf32, #tpu.memory_space<hbm>> -> memref<4x32x128xf32, #tpu.memory_space<hbm>>
    tpu.enqueue_dma source(%arg8 : memref<4x32x128xf32, #tpu.memory_space<vmem>>) target(%dma_start3A_305 : memref<4x32x128xf32, #tpu.memory_space<hbm>>) target_semaphore(%arg20 : memref<!tpu.dma_semaphore, #tpu.memory_space<semaphore_mem>>)
    %add3A_306 = arith.constant 96 : i32
    %add3A_307 = arith.addi %mul3A_2, %add3A_306 : i32
    %dma_wait3A_308 = arith.constant 0 : i32
    %dma_wait3A_309 = arith.constant 0 : i32
    %dma_wait3A_310 = tpu.memref_slice %arg4[%dma_wait3A_308, %add3A_307, %dma_wait3A_309] : memref<4x8192x128xf32, #tpu.memory_space<hbm>> -> memref<4x32x128xf32, #tpu.memory_space<hbm>>
    %dma_wait3A_311 = arith.constant 0 : i32
    %dma_wait3A_312 = arith.constant 0 : i32
    %dma_wait3A_313 = tpu.memref_slice %arg4[%dma_wait3A_311, %add3A_307, %dma_wait3A_312] : memref<4x8192x128xf32, #tpu.memory_space<hbm>> -> memref<4x32x128xf32, #tpu.memory_space<hbm>>
    tpu.wait_dma2 semaphore(%arg21 : memref<!tpu.dma_semaphore, #tpu.memory_space<semaphore_mem>>) src(%arg9 : memref<4x32x128xf32, #tpu.memory_space<vmem>>) dst(%dma_wait3A_313 : memref<4x32x128xf32, #tpu.memory_space<hbm>>)
    %add3A_314 = arith.constant 128 : i32
    %add3A_315 = arith.addi %mul3A_2, %add3A_314 : i32
    %dma_wait3A_316 = arith.constant 0 : i32
    %dma_wait3A_317 = arith.constant 0 : i32
    %dma_wait3A_318 = tpu.memref_slice %arg4[%dma_wait3A_316, %add3A_315, %dma_wait3A_317] : memref<4x8192x128xf32, #tpu.memory_space<hbm>> -> memref<4x32x128xf32, #tpu.memory_space<hbm>>
    %dma_wait3A_319 = arith.constant 0 : i32
    %dma_wait3A_320 = arith.constant 0 : i32
    %dma_wait3A_321 = tpu.memref_slice %arg4[%dma_wait3A_319, %add3A_315, %dma_wait3A_320] : memref<4x8192x128xf32, #tpu.memory_space<hbm>> -> memref<4x32x128xf32, #tpu.memory_space<hbm>>
    tpu.wait_dma2 semaphore(%arg22 : memref<!tpu.dma_semaphore, #tpu.memory_space<semaphore_mem>>) src(%arg10 : memref<4x32x128xf32, #tpu.memory_space<vmem>>) dst(%dma_wait3A_321 : memref<4x32x128xf32, #tpu.memory_space<hbm>>)
    %add3A_322 = arith.constant 160 : i32
    %add3A_323 = arith.addi %mul3A_2, %add3A_322 : i32
    %dma_wait3A_324 = arith.constant 0 : i32
    %dma_wait3A_325 = arith.constant 0 : i32
    %dma_wait3A_326 = tpu.memref_slice %arg4[%dma_wait3A_324, %add3A_323, %dma_wait3A_325] : memref<4x8192x128xf32, #tpu.memory_space<hbm>> -> memref<4x32x128xf32, #tpu.memory_space<hbm>>
    %dma_wait3A_327 = arith.constant 0 : i32
    %dma_wait3A_328 = arith.constant 0 : i32
    %dma_wait3A_329 = tpu.memref_slice %arg4[%dma_wait3A_327, %add3A_323, %dma_wait3A_328] : memref<4x8192x128xf32, #tpu.memory_space<hbm>> -> memref<4x32x128xf32, #tpu.memory_space<hbm>>
    tpu.wait_dma2 semaphore(%arg18 : memref<!tpu.dma_semaphore, #tpu.memory_space<semaphore_mem>>) src(%arg6 : memref<4x32x128xf32, #tpu.memory_space<vmem>>) dst(%dma_wait3A_329 : memref<4x32x128xf32, #tpu.memory_space<hbm>>)
    %add3A_330 = arith.constant 192 : i32
    %add3A_331 = arith.addi %mul3A_2, %add3A_330 : i32
    %dma_wait3A_332 = arith.constant 0 : i32
    %dma_wait3A_333 = arith.constant 0 : i32
    %dma_wait3A_334 = tpu.memref_slice %arg4[%dma_wait3A_332, %add3A_331, %dma_wait3A_333] : memref<4x8192x128xf32, #tpu.memory_space<hbm>> -> memref<4x32x128xf32, #tpu.memory_space<hbm>>
    %dma_wait3A_335 = arith.constant 0 : i32
    %dma_wait3A_336 = arith.constant 0 : i32
    %dma_wait3A_337 = tpu.memref_slice %arg4[%dma_wait3A_335, %add3A_331, %dma_wait3A_336] : memref<4x8192x128xf32, #tpu.memory_space<hbm>> -> memref<4x32x128xf32, #tpu.memory_space<hbm>>
    tpu.wait_dma2 semaphore(%arg19 : memref<!tpu.dma_semaphore, #tpu.memory_space<semaphore_mem>>) src(%arg7 : memref<4x32x128xf32, #tpu.memory_space<vmem>>) dst(%dma_wait3A_337 : memref<4x32x128xf32, #tpu.memory_space<hbm>>)
    %add3A_338 = arith.constant 224 : i32
    %add3A_339 = arith.addi %mul3A_2, %add3A_338 : i32
    %dma_wait3A_340 = arith.constant 0 : i32
    %dma_wait3A_341 = arith.constant 0 : i32
    %dma_wait3A_342 = tpu.memref_slice %arg4[%dma_wait3A_340, %add3A_339, %dma_wait3A_341] : memref<4x8192x128xf32, #tpu.memory_space<hbm>> -> memref<4x32x128xf32, #tpu.memory_space<hbm>>
    %dma_wait3A_343 = arith.constant 0 : i32
    %dma_wait3A_344 = arith.constant 0 : i32
    %dma_wait3A_345 = tpu.memref_slice %arg4[%dma_wait3A_343, %add3A_339, %dma_wait3A_344] : memref<4x8192x128xf32, #tpu.memory_space<hbm>> -> memref<4x32x128xf32, #tpu.memory_space<hbm>>
    tpu.wait_dma2 semaphore(%arg20 : memref<!tpu.dma_semaphore, #tpu.memory_space<semaphore_mem>>) src(%arg8 : memref<4x32x128xf32, #tpu.memory_space<vmem>>) dst(%dma_wait3A_345 : memref<4x32x128xf32, #tpu.memory_space<hbm>>)
    return
  }
}

</mosaic_0001>

<sc_bundles>
// kernel: _sc_add.3.cloned.1.call-start
scs
__scs_entry_jumppad:
0x0: {  	(pc) =	sbr.rel $0x88, $3  }
0x1: {  	(tag) =	ssettag $0x0;
	lr =	simm.s32 $0x1  }
0x2: {  	[smem:$0x3F9F] =	sst lr;
	_ =	strace $0xD0000000  }
0x3: {  	_ = 	snop  }
0x4: {  	_ = 	snop  }
0x5: {  	_ = 	snop  }
0x6: {  	_ = 	snop  }
0x7: {  	_ = 	snop  }
__scs_overlays_trampoline_lowered:
0x8: {  	[smem:$0x3FAE] =	sst s0  }
0x9: {  	[smem:$0x3FAF] =	sst s1  }
0xa: {  	[smem:$0x3FB0] =	sst s2  }
0xb: {  	[smem:$0x3FB1] =	sst s3  }
0xc: {  	[smem:$0x3FB2] =	sst s4  }
0xd: {  	[smem:$0x3FB3] =	sst s5  }
0xe: {  	[smem:$0x3FB4] =	sst s6  }
0xf: {  	[smem:$0x3FB5] =	sst s7  }
0x10: {  	[smem:$0x3FB6] =	sst s8  }
0x11: {  	[smem:$0x3FB7] =	sst s9;
	s0 =	simm.s32 @!p0 $0x0  }
0x12: {  	s1 =	sld [smem:$0x3F9D];
	s0 =	simm.s32 @p0 $0x1  }
0x13: {  	[smem:$0x3FB8] =	sst s0;
	s0 =	simm.s32 @!p1 $0x0  }
0x14: {  	s2 =	sld [smem:$0x3F9C];
	s0 =	simm.s32 @p1 $0x1  }
0x15: {  	[smem:$0x3FB9] =	sst s0;
	s0 =	simm.s32 @!p2 $0x0  }
0x16: {  	s3 =	sld [smem:$0x3FDB];
	s0 =	simm.s32 @p2 $0x1  }
0x17: {  	s4 =	simm.s32 $0x1BF5;
	[smem:$0x3FBB] =	sst s0  }
0x18: {  	s0 =	sld [smem:$0x3F9E];
	_ =	swait.ge [sflag:s4], $0x0  }
0x19: {  	s7 =	sld [smem:$0x3F9F]  }
0x1a: {  	s8 =	sadd.s32 $0xFFFFE003, lr  }
0x1b: {  	s9 =	sadd.s32 $0xFFFFFEF7, lr;
	s5 =	simm.s32 $0xFFFFFFFF;
	p2 =	slt.u32 s8, $0xFFFFF086  }
0x1c: {  	p1 =	slt.u32 s9, $0xF7A;
	s5 =	simm.s32 @!p2 $0x0  }
0x1d: {  	s5 =	simm.s32 @p1 $0x1;
	p0 =	seq.s32 s7, s2  }
0x1e: {  	s7 =	smul.u32 @!p0 $0xF7A, s2;
	p2 =	seq.s32 @!p0 s5, $0x0  }
0x1f: {  	s9 =	smul.u32 $0xF7A, s1;
	s8 =	simm.s32 @!p0 $0x1BF5;
	p2 =	por !p2, p0  }
0x20: {  	[sflag:s8] =	ssyncset.s32 @!p0 $0xFFFFF086;
	s6 =	sadd.s32 @!p0 s3, s7;
	s7 =	simm.s32 @!p0 $0x108  }
0x21: {  	s3 =	sadd.s32 s3, s9;
	s6 =	sadd.s32 @!p0 $0x88, s6;
	s7 =	simm.s32 @p2 $0x1082  }
0x22: {  	[simem:s7], [sflag:s8] =	dma.local @!p0 [hbm:s6], $0xF7A  }
0x23: {  	s9 =	sor.u32 $0xD0000000, s2;
	s6 =	simm.s32 $0x108;
	_ =	swait.ge @!p0 [sflag:s8], $0x0  }
0x24: {  	s3 =	sadd.s32 $0x88, s3;
	s6 =	simm.s32 @!p1 $0x1082;
	[sflag:s4] =	ssyncset.s32 $0xFFFFF086  }
0x25: {  	[simem:s6], [sflag:s4] =	dma.local [hbm:s3], $0xF7A  }
0x26: {  	[smem:$0x3F9F] =	sst s1;
	(tag) =	ssettag s2;
	_ =	strace s9  }
0x27: {  	s1 =	sld [smem:$0x3FAF]  }
0x28: {  	s2 =	sld [smem:$0x3FB0]  }
0x29: {  	s4 =	sld [smem:$0x3FB2]  }
0x2a: {  	p0 =	seq.s32 s5, $0x0;
	s5 =	sld [smem:$0x3FB3]  }
0x2b: {  	s6 =	sld [smem:$0x3FB4]  }
0x2c: {  	s7 =	sld [smem:$0x3FB5]  }
0x2d: {  	s3 =	simm.s32 $0x108;
	s8 =	sld [smem:$0x3FB6]  }
0x2e: {  	s3 =	simm.s32 @!p0 $0x1082;
	s9 =	sld [smem:$0x3FB7]  }
0x2f: {  	lr =	sadd.s32 s0, s3;
	s0 =	sld [smem:$0x3FAE]  }
0x30: {  	s3 =	sld [smem:$0x3FB1]  }
0x31: {  	[smem:$0x3FBA] =	sst s10  }
0x32: {  	s10 =	sld [smem:$0x3FB8];
	_ =	sdelay $0x3  }
0x33: {  	p0 =	seq.s32 s10, $0x1;
	s10 =	sld [smem:$0x3FBA];
	_ =	sdelay $0x3  }
0x34: {  	[smem:$0x3FBA] =	sst s10  }
0x35: {  	s10 =	sld [smem:$0x3FB9];
	_ =	sdelay $0x3  }
0x36: {  	p1 =	seq.s32 s10, $0x1;
	s10 =	sld [smem:$0x3FBA];
	_ =	sdelay $0x3  }
0x37: {  	[smem:$0x3FBA] =	sst s10  }
0x38: {  	s10 =	sld [smem:$0x3FBB]  }
0x39: {  	_ = 	snop;
	(pc) =	sbr.ind lr, $3  }
0x3a: {  	_ = 	snop  }
0x3b: {  	_ = 	snop  }
0x3c: {  	p2 =	seq.s32 s10, $0x1;
	s10 =	sld [smem:$0x3FBA]  }
0x3d: {  	_ =	shalt  }
0x3e: {  	_ =	shalt  }
0x3f: {  	_ =	shalt  }
0x40: {  	_ =	shalt  }
0x41: {  	_ =	shalt  }
0x42: {  	_ =	shalt  }
0x43: {  	_ =	shalt  }
0x44: {  	_ =	shalt  }
0x45: {  	_ =	shalt  }
0x46: {  	_ =	shalt  }
0x47: {  	_ =	shalt  }
0x48: {  	_ =	shalt  }
0x49: {  	_ =	shalt  }
0x4a: {  	_ =	shalt  }
0x4b: {  	_ =	shalt  }
0x4c: {  	_ =	shalt  }
0x4d: {  	_ =	shalt  }
0x4e: {  	_ =	shalt  }
0x4f: {  	_ =	shalt  }
0x50: {  	_ =	shalt  }
0x51: {  	_ =	shalt  }
0x52: {  	_ =	shalt  }
0x53: {  	_ =	shalt  }
0x54: {  	_ =	shalt  }
0x55: {  	_ =	shalt  }
0x56: {  	_ =	shalt  }
0x57: {  	_ =	shalt  }
0x58: {  	_ =	shalt  }
0x59: {  	_ =	shalt  }
0x5a: {  	_ =	shalt  }
0x5b: {  	_ =	shalt  }
0x5c: {  	_ =	shalt  }
0x5d: {  	_ =	shalt  }
0x5e: {  	_ =	shalt  }
0x5f: {  	_ =	shalt  }
0x60: {  	_ =	shalt  }
0x61: {  	_ =	shalt  }
0x62: {  	_ =	shalt  }
0x63: {  	_ =	shalt  }
0x64: {  	_ =	shalt  }
0x65: {  	_ =	shalt  }
0x66: {  	_ =	shalt  }
0x67: {  	_ =	shalt  }
0x68: {  	_ =	shalt  }
0x69: {  	_ =	shalt  }
0x6a: {  	_ =	shalt  }
0x6b: {  	_ =	shalt  }
0x6c: {  	_ =	shalt  }
0x6d: {  	_ =	shalt  }
0x6e: {  	_ =	shalt  }
0x6f: {  	_ =	shalt  }
0x70: {  	_ =	shalt  }
0x71: {  	_ =	shalt  }
0x72: {  	_ =	shalt  }
0x73: {  	_ =	shalt  }
0x74: {  	_ =	shalt  }
0x75: {  	_ =	shalt  }
0x76: {  	_ =	shalt  }
0x77: {  	_ =	shalt  }
0x78: {  	_ =	shalt  }
0x79: {  	_ =	shalt  }
0x7a: {  	_ =	shalt  }
0x7b: {  	_ =	shalt  }
0x7c: {  	_ =	shalt  }
0x7d: {  	_ =	shalt  }
0x7e: {  	_ =	shalt  }
0x7f: {  	_ =	shalt  }
0x80: {  	_ =	shalt  }
0x81: {  	_ =	shalt  }
0x82: {  	_ =	shalt  }
0x83: {  	_ =	shalt  }
0x84: {  	_ =	shalt  }
0x85: {  	_ =	shalt  }
0x86: {  	_ =	shalt  }
0x87: {  	_ =	shalt  }
.Lfunc_end0:
.L_simem_size_0:
called_computation_lowered:
.L_overlay_start_0:
0x88: {  	s2 =	sld [smem:$0x3FD9]  }
0x89: {  	s3 =	sld [smem:$0x3FFE];
	_ =	sdelay $0x1  }
0x8a: {  	s1 =	srdreg.scid  }
0x8b: {  	s0 =	sand.u32 $0x1, s1  }
0x8c: {  	s18 =	sshll.u32 s0, $0xA;
	s2 =	sadd.s32 s3, s2  }
0x8d: {  	s2 =	sadd.s32 s2, s18  }
0x8e: {  	[smem:$0x3FC6] =	sst s2  }
0x8f: {  	_ = 	snop  }
0x90: {  	s2 =	sld [smem:$0x3FC9]  }
0x91: {  	s19 =	sld [smem:$0x3FC8]  }
0x92: {  	s4 =	sld [smem:$0x3FD0];
	(tm) =	ssettm $0x1  }
0x93: {  	s5 =	sld [smem:$0x3FFB];
	_ =	sdelay $0x3  }
0x94: {  	_ =	strace s5  }
0x95: {  	s5 =	sld [smem:$0x3FFC];
	_ =	sdelay $0x3  }
0x96: {  	_ =	strace s5  }
0x97: {  	s5 =	sld [smem:$0x3FFD];
	_ =	sdelay $0x3  }
0x98: {  	_ =	strace s5  }
0x99: {  	_ =	strace $0x8FFFFFFF  }
0x9a: {  	s20 =	sld [smem:$0x3FDB];
	_ =	sdelay $0x1  }
0x9b: {  	s6 =	simm.s32 $_scs_section_size  }
0x9c: {  	s7 =	simm.s32 $_size__tile_overlayer_lowered;
	s8 =	simm.s32 $_tile_overlayer_lowered  }
0x9d: {  	s23 =	simm.s32 $0x1BFF;
	s22 =	sshll.u32 s8, $0x1;
	s5 =	sadd.s32 s6, s20  }
0x9e: {  	s9 =	simm.s32 $0x0;
	s21 =	sshll.u32 s7, $0x1;
	s7 =	sadd.s32 s22, s5  }
0x9f: {  	[timem:s9], [sflag:s23] =	dma.local [hbm:s7], s21  }
0xa0: {  	_ =	swait.ge [sflag:s23], s21  }
0xa1: {  	s6 =	ssub.s32 $0x0, s21;
	[sflag:s23] =	ssyncset.done $0x0  }
0xa2: {  	[sflag:s23] =	ssyncadd.s32 s6;
	_ =	sdelay $0x1  }
0xa3: {  	s24 =	simm.s32 $0x1B8B  }
0xa4: {  	_ =	swait.ge [sflag:s24], $0x1  }
0xa5: {  	[sflag:s24] =	ssyncset.done $0x0  }
0xa6: {  	s25 =	simm.s32 $0x1B8E;
	[sflag:s24] =	ssyncadd.s32 $0xFFFFFFFF  }
0xa7: {  	s26 =	simm.s32 $execute0_lowered;
	[smem:$0x3FD2] =	sst s25  }
0xa8: {  	s6 =	sshll.u32 s26, $0x1;
	_ =	strace $0x80000046;
	[dreg:$0x1] =	wrdreg $0xFFFFFFFF  }
0xa9: {  	s28 =	simm.s32 $_size_execute0_lowered;
	s5 =	sadd.s32 s5, s6;
	[dreg:$0x0] =	wrdreg $0x0  }
0xaa: {  	s6 =	sshll.u32 s28, $0x1;
	[dreg:$0x2] =	wrdreg s5  }
0xab: {  	[dreg:$0x3] =	wrdreg s6  }
0xac: {  	[dreg:$0x4] =	wrdreg $0xC0  }
0xad: {  	_ =	task [dreg:s9], $0x5FFFF  }
0xae: {  	[dreg:$0x1] =	wrdreg $0xFFFFFFFF  }
0xaf: {  	[dreg:$0x0] =	wrdreg $0x60  }
0xb0: {  	[dreg:$0x2] =	wrdreg s2  }
0xb1: {  	[dreg:$0x3] =	wrdreg s19  }
0xb2: {  	[dreg:$0x4] =	wrdreg s4  }
0xb3: {  	[dreg:$0x5] =	wrdreg $0x9  }
0xb4: {  	_ =	task.clear_ibuf [dreg:s9], $0x6FFFF;
	_ =	strace $0x90000046  }
0xb5: {  	s29 =	simm.s32 $0x9;
	_ =	strace $0x80000048  }
0xb6: {  	_ =	swait.ge [sflag:s29], $0x1  }
0xb7: {  	[sflag:s29] =	ssyncadd.s32 $0xFFFFFFFF  }
0xb8: {  	_ =	strace $0x90000048  }
0xb9: {  	_ =	sfence  }
0xba: {  	s30 =	sld [smem:$0x0];
	_ =	sdelay $0x2  }
0xbb: {  	s31 =	sshll.u32 s1, $0xD;
	s1 =	sshrl.u32 s1, $0x2  }
0xbc: {  	s3 =	sand.u32 $0x4000, s31;
	s1 =	sadd.s32 s1, s30  }
0xbd: {  	s0 =	sor.u32 s3, s0;
	s1 =	sshll.u32 s1, $0x11  }
0xbe: {  	s0 =	sor.u32 s1, s0  }
0xbf: {  	s0 =	sadd.s32 $0x8F2B, s0  }
0xc0: {  	[sflag:s0] =	ssyncadd.remote.s32 $0x1  }
0xc1: {  	_ =	sfence.sel $0xFFFF  }
0xc2: {  	[dreg:$0x0] =	wrdreg $0xFFFFFFFF;
	(pc) =	sbr.abs _section_cstart, $3  }
0xc3: {  	[dreg:$0x1] =	wrdreg $0xFFFFFFFF  }
0xc4: {  	_ =	task.clear_ibuf [dreg:s9], $0x2FFFF;
	_ =	strace $0x9FFFFFFF  }
0xc5: {  	(tm) =	ssettm $0x7FFFFFFF  }
tec
execute0_lowered:
.L_overlay_start_1:
0x0: {  	(tag) =	ssettag $0x1  }
0x1: {  	s0 =	rddreg [dreg:$0x0]  }
0x2: {  	s1 =	rddreg [dreg:$0x1]  }
0x3: {  	s2 =	rddreg [dreg:$0x2];
	s4 =	simm.s32 $0x0;
	s3 =	srdreg.scid  }
0x4: {  	s5 =	stileid.u32;
	s28 =	simm.s32 $0x10000;
	s30 =	simm.s32 $0x1  }
0x5: {  	s31 =	simm.s32 $0x3;
	s29 =	simm.s32 $0x9;
	s3 =	sand.u32 $0x1, s3  }
0x6: {  	s5 =	sshll.u32 s5, $0xD;
	s16 =	ssub.s32 $0x2, s3;
	s3 =	sshll.u32 s3, $0xC  }
0x7: {  	[smem:$0x7FF] =	sst s4;
	s6 =	sshrl.u32 s16, $0x1;
	s3 =	sor.u32 s3, s5  }
0x8: {  	_ =	strace $0x80000047;
	s4 =	ssub.s32 s16, s6;
	s5 =	sadd.s32 s1, s3  }
0x9: {  	s17 =	sor.u32 $0x800, s3;
	s18 =	sadd.s32 s0, s3;
	s19 =	sor.u32 $0x200, s3  }
0xa: {  	s21 =	sor.u32 $0x400, s3;
	s7 =	sor.u32 $0x600, s3;
	s23 =	sadd.s32 s2, s3  }
0xb: {  	s25 =	sor.u32 $0xA00, s3;
	s26 =	sor.u32 $0xC00, s3;
	s3 =	sor.u32 $0xE00, s3  }
0xc: {  	s6 =	simm.s32 $0xB;
	[dreg:$0x4] =	wrdreg s5;
	s1 =	sadd.s32 s1, s17  }
0xd: {  	[dreg:$0x6] =	wrdreg s18;
	s20 =	sadd.s32 s0, s19;
	s8 =	sadd.s32 s0, s21  }
0xe: {  	s22 =	sadd.s32 s0, s7;
	[dreg:$0xa] =	wrdreg s23;
	s24 =	sadd.s32 s0, s17  }
0xf: {  	s12 =	sadd.s32 s0, s25;
	s13 =	sadd.s32 s2, s21;
	s14 =	sadd.s32 s0, s26  }
0x10: {  	s15 =	sadd.s32 s2, s7;
	s16 =	sadd.s32 s0, s3;
	s17 =	sadd.s32 s2, s17  }
0x11: {  	s18 =	sadd.s32 s2, s25;
	s21 =	smax.u32 s4, $0x1;
	[dreg:$0x5] =	wrdreg s1  }
0x12: {  	s23 =	simm.s32 $0x1000;
	s25 =	simm.s32 $0x8000;
	[dreg:$0x7] =	wrdreg s20  }
0x13: {  	s0 =	simm.s32 $0xA;
	s4 =	simm.s32 $0x7;
	[dreg:$0x8] =	wrdreg s8  }
0x14: {  	s5 =	simm.s32 $0x2;
	s7 =	simm.s32 $0xC;
	[dreg:$0x9] =	wrdreg s22  }
0x15: {  	[dreg:$0xb] =	wrdreg s24;
	s1 =	sadd.s32 s2, s19;
	s19 =	sadd.s32 s2, s26  }
0x16: {  	s20 =	sadd.s32 s2, s3;
	s24 =	simm.s32 $0x100000;
	s26 =	simm.s32 $0xC000  }
0x17: {  	s22 =	simm.s32 $0x8;
	s2 =	simm.s32 $0x5;
	s3 =	simm.s32 $0x6  }
0x18: {  	s8 =	simm.s32 $0x0;
	[dreg:$0xc] =	wrdreg s1;
	s1 =	simm.s32 $0x4  }
.LBB2_1:
0x19: {  	s9 =	simm.s32 $0x0;
	s10 =	rddreg [dreg:$0x4]  }
0x1a: {  	[tilespmem:s9], [sflag:$0x1] =	stream.linear.gather [hbm4b:s10+s9], $0x4000, $0x38;
	[tilespmem:$0x1C000] =	vst v63  }
0x1b: {  	s11 =	simm.s32 $0x4000;
	s10 =	rddreg [dreg:$0x5]  }
0x1c: {  	[tilespmem:s11], [sflag:$0x2] =	stream.linear.gather [hbm4b:s10+s9], $0x4000, $0x38;
	[tilespmem:$0x1C000] =	vst v63  }
0x1d: {  	s11 =	rddreg [dreg:$0x6]  }
0x1e: {  	[tilespmem:s25], [sflag:$0x3] =	stream.strided.gather [hbm4b:s11+s23], $0x4000, s24, s23, $0x38;
	[tilespmem:$0x1C000] =	vst v63  }
0x1f: {  	s10 =	rddreg [dreg:$0x7]  }
0x20: {  	[tilespmem:s26], [sflag:$0x4] =	stream.strided.gather [hbm4b:s10+s23], $0x4000, s24, s23, $0x38;
	[tilespmem:$0x1C000] =	vst v63  }
0x21: {  	s11 =	rddreg [dreg:$0x8]  }
0x22: {  	[tilespmem:s28], [sflag:$0x5] =	stream.strided.gather [hbm4b:s11+s23], $0x4000, s24, s23, $0x38;
	[tilespmem:$0x1C000] =	vst v63  }
0x23: {  	s10 =	rddreg [dreg:$0x9];
	s11 =	simm.s32 $0x14000  }
0x24: {  	[tilespmem:s11], [sflag:$0x6] =	stream.strided.gather [hbm4b:s10+s23], $0x4000, s24, s23, $0x38;
	[tilespmem:$0x1C000] =	vst v63  }
0x25: {  	_ =	swait.ge [sflag:s30], $0x4000  }
0x26: {  	[sflag:s30] =	ssyncset.done $0x0  }
0x27: {  	[sflag:s30] =	ssyncadd.s32 $0xFFFFC000  }
0x28: {  	_ =	swait.ge [sflag:s31], $0x4000  }
0x29: {  	[sflag:s31] =	ssyncset.done $0x0  }
0x2a: {  	s9 =	simm.s32 $0x0;
	[sflag:s31] =	ssyncadd.s32 $0xFFFFC000  }
0x2b: {  	v2 =	vld [tilespmem:s9+$0x0]  }
0x2c: {  	v3 =	vld [tilespmem:s9+$0x10]  }
0x2d: {  	v4 =	vld [tilespmem:s9+$0x20]  }
0x2e: {  	v5 =	vld [tilespmem:s9+$0x30]  }
0x2f: {  	v6 =	vld [tilespmem:s9+$0x40]  }
0x30: {  	v7 =	vld [tilespmem:s9+$0x50]  }
0x31: {  	v1 =	vld [tilespmem:s9+$0x60]  }
0x32: {  	v8 =	vld [tilespmem:s9+$0x8000]  }
0x33: {  	v9 =	vld [tilespmem:s9+$0x9000]  }
0x34: {  	v10 =	vld [tilespmem:s9+$0xA000]  }
0x35: {  	v11 =	vld [tilespmem:s9+$0xB000]  }
0x36: {  	v12 =	vld [tilespmem:s9+$0x8010]  }
0x37: {  	v13 =	vld [tilespmem:s9+$0x9010]  }
0x38: {  	v14 =	vld [tilespmem:s9+$0xA010];
	v8 =	vadd.f32 v8, v2  }
0x39: {  	v62 =	vld [tilespmem:s9+$0x8030];
	v9 =	vadd.f32 v9, v2  }
0x3a: {  	v10 =	vadd.f32 v10, v2;
	v2 =	vadd.f32 v11, v2;
	[tilespmem:s9+$0x8000] =	vst v8;
	v8 =	vld [tilespmem:s9+$0xB010]  }
0x3b: {  	[tilespmem:s9+$0x9000] =	vst v9;
	v9 =	vld [tilespmem:s9+$0x8020]  }
0x3c: {  	v11 =	vadd.f32 v12, v3;
	[tilespmem:s9+$0xB000] =	vst v2;
	v2 =	vld [tilespmem:s9+$0xA020]  }
0x3d: {  	v60 =	vadd.f32 v13, v3;
	[tilespmem:s9+$0xA000] =	vst v10;
	v10 =	vld [tilespmem:s9+$0x9020]  }
0x3e: {  	v61 =	vadd.f32 v14, v3;
	[tilespmem:s9+$0x8010] =	vst v11;
	v11 =	vld [tilespmem:s9+$0xB020]  }
0x3f: {  	v0 =	vld [tilespmem:s9+$0x70];
	[tilespmem:s9+$0x9010] =	vst v60;
	v3 =	vadd.f32 v8, v3  }
0x40: {  	[tilespmem:s9+$0xA010] =	vst v61;
	v8 =	vld [tilespmem:s9+$0x9030];
	v9 =	vadd.f32 v9, v4  }
0x41: {  	v2 =	vadd.f32 v2, v4;
	[tilespmem:s9+$0xB010] =	vst v3;
	v3 =	vld [tilespmem:s9+$0xA030]  }
0x42: {  	v10 =	vadd.f32 v10, v4;
	[tilespmem:s9+$0x8020] =	vst v9;
	v9 =	vld [tilespmem:s9+$0xB030]  }
0x43: {  	v4 =	vadd.f32 v11, v4;
	v11 =	vadd.f32 v62, v5;
	[tilespmem:s9+$0xA020] =	vst v2;
	v2 =	vld [tilespmem:s9+$0x9040]  }
0x44: {  	[tilespmem:s9+$0x9020] =	vst v10;
	v10 =	vld [tilespmem:s9+$0x8040]  }
0x45: {  	[tilespmem:s9+$0x8030] =	vst v11;
	v11 =	vld [tilespmem:s9+$0xB040];
	v8 =	vadd.f32 v8, v5  }
0x46: {  	[tilespmem:s9+$0xB020] =	vst v4;
	v4 =	vld [tilespmem:s9+$0xA040];
	v3 =	vadd.f32 v3, v5  }
0x47: {  	[tilespmem:s9+$0x9030] =	vst v8;
	v8 =	vld [tilespmem:s9+$0x8050];
	v5 =	vadd.f32 v9, v5  }
0x48: {  	v9 =	vld [tilespmem:s9+$0x9050];
	v2 =	vadd.f32 v2, v6;
	[tilespmem:s9+$0xA030] =	vst v3  }
0x49: {  	v3 =	vadd.f32 v10, v6;
	[tilespmem:s9+$0xB030] =	vst v5;
	v5 =	vld [tilespmem:s9+$0xA050]  }
0x4a: {  	v10 =	vld [tilespmem:s9+$0xB050];
	[tilespmem:s9+$0x9040] =	vst v2;
	v2 =	vadd.f32 v11, v6  }
0x4b: {  	v63 =	vld [tilespmem:s9+$0x8060];
	[tilespmem:s9+$0x8040] =	vst v3;
	v3 =	vadd.f32 v4, v6  }
0x4c: {  	v6 =	vld [tilespmem:s9+$0x9060];
	[tilespmem:s9+$0xB040] =	vst v2;
	v4 =	vadd.f32 v8, v7  }
0x4d: {  	v8 =	vadd.f32 v9, v7;
	[tilespmem:s9+$0xA040] =	vst v3;
	v3 =	vld [tilespmem:s9+$0xA060]  }
0x4e: {  	v2 =	vld [tilespmem:s9+$0xB060];
	[tilespmem:s9+$0x8050] =	vst v4;
	v5 =	vadd.f32 v5, v7  }
0x4f: {  	[tilespmem:s9+$0x9050] =	vst v8;
	v4 =	vld [tilespmem:s9+$0x8070];
	v7 =	vadd.f32 v10, v7  }
0x50: {  	v8 =	vadd.f32 v63, v1;
	[tilespmem:s9+$0xA050] =	vst v5;
	v5 =	vld [tilespmem:s9+$0x9070]  }
0x51: {  	s10 =	simm.s32 $0x200;
	[tilespmem:s9+$0xB050] =	vst v7;
	v7 =	vadd.f32 v6, v1;
	v6 =	vld [tilespmem:s9+$0xA070]  }
.LBB2_2:
0x52: {  	s11 =	sshra.s32 s10, $0x2;
	p0 =	sne.s32 s10, $0x3E00;
	[tilespmem:s9+$0x8060] =	vst v8;
	v3 =	vadd.f32 v3, v1;
	v8 =	vld [tilespmem:s9+$0xB070]  }
0x53: {  	v9 =	vld [tilespmem:s11+$0x0];
	[tilespmem:s9+$0x9060] =	vst v7;
	v1 =	vadd.f32 v2, v1  }
0x54: {  	v2 =	vld [tilespmem:s11+$0x10];
	[tilespmem:s9+$0xA060] =	vst v3;
	v3 =	vadd.f32 v4, v0  }
0x55: {  	v4 =	vld [tilespmem:s11+$0x20];
	[tilespmem:s9+$0xB060] =	vst v1;
	v1 =	vadd.f32 v5, v0  }
0x56: {  	v5 =	vld [tilespmem:s11+$0x30];
	[tilespmem:s9+$0x8070] =	vst v3;
	v3 =	vadd.f32 v6, v0  }
0x57: {  	v6 =	vld [tilespmem:s11+$0x40];
	[tilespmem:s9+$0x9070] =	vst v1;
	v0 =	vadd.f32 v8, v0  }
0x58: {  	v7 =	vld [tilespmem:s11+$0x50];
	[tilespmem:s9+$0xA070] =	vst v3  }
0x59: {  	v1 =	vld [tilespmem:s11+$0x60];
	[tilespmem:s9+$0xB070] =	vst v0;
	s9 =	smov.u32 s11  }
0x5a: {  	v0 =	vld [tilespmem:s9+$0x70]  }
0x5b: {  	v3 =	vld [tilespmem:s9+$0x8000]  }
0x5c: {  	v8 =	vld [tilespmem:s9+$0x9000]  }
0x5d: {  	v10 =	vld [tilespmem:s9+$0xA000]  }
0x5e: {  	v11 =	vld [tilespmem:s9+$0xB000]  }
0x5f: {  	v12 =	vld [tilespmem:s9+$0x8010]  }
0x60: {  	v3 =	vadd.f32 v3, v9;
	v13 =	vld [tilespmem:s9+$0x9010]  }
0x61: {  	v8 =	vadd.f32 v8, v9;
	v14 =	vld [tilespmem:s9+$0xA010]  }
0x62: {  	[tilespmem:s9+$0x8000] =	vst v3;
	v3 =	vadd.f32 v10, v9;
	v10 =	vld [tilespmem:s9+$0xB010]  }
0x63: {  	[tilespmem:s9+$0x9000] =	vst v8;
	v8 =	vadd.f32 v11, v9;
	v9 =	vld [tilespmem:s9+$0x8020]  }
0x64: {  	[tilespmem:s9+$0xA000] =	vst v3;
	v3 =	vadd.f32 v12, v2;
	v11 =	vld [tilespmem:s9+$0x9020]  }
0x65: {  	[tilespmem:s9+$0xB000] =	vst v8;
	v8 =	vadd.f32 v13, v2;
	v12 =	vld [tilespmem:s9+$0xA020]  }
0x66: {  	[tilespmem:s9+$0x8010] =	vst v3;
	v3 =	vadd.f32 v14, v2;
	v13 =	vld [tilespmem:s9+$0xB020]  }
0x67: {  	[tilespmem:s9+$0x9010] =	vst v8;
	v2 =	vadd.f32 v10, v2;
	v8 =	vld [tilespmem:s9+$0x8030]  }
0x68: {  	[tilespmem:s9+$0xA010] =	vst v3;
	v3 =	vadd.f32 v9, v4;
	v9 =	vld [tilespmem:s9+$0x9030]  }
0x69: {  	[tilespmem:s9+$0xB010] =	vst v2;
	v2 =	vadd.f32 v11, v4;
	v10 =	vld [tilespmem:s9+$0xA030]  }
0x6a: {  	[tilespmem:s9+$0x8020] =	vst v3;
	v3 =	vadd.f32 v12, v4;
	v11 =	vld [tilespmem:s9+$0xB030]  }
0x6b: {  	[tilespmem:s9+$0x9020] =	vst v2;
	v2 =	vadd.f32 v13, v4;
	v4 =	vld [tilespmem:s9+$0x8040]  }
0x6c: {  	[tilespmem:s9+$0xA020] =	vst v3;
	v3 =	vadd.f32 v8, v5;
	v8 =	vld [tilespmem:s9+$0x9040]  }
0x6d: {  	[tilespmem:s9+$0xB020] =	vst v2;
	v2 =	vadd.f32 v9, v5;
	v9 =	vld [tilespmem:s9+$0xA040]  }
0x6e: {  	[tilespmem:s9+$0x8030] =	vst v3;
	v3 =	vadd.f32 v10, v5;
	v10 =	vld [tilespmem:s9+$0xB040]  }
0x6f: {  	[tilespmem:s9+$0x9030] =	vst v2;
	v2 =	vadd.f32 v11, v5;
	v5 =	vld [tilespmem:s9+$0x8050]  }
0x70: {  	[tilespmem:s9+$0xA030] =	vst v3;
	v3 =	vadd.f32 v4, v6;
	v4 =	vld [tilespmem:s9+$0x9050]  }
0x71: {  	[tilespmem:s9+$0xB030] =	vst v2;
	v2 =	vadd.f32 v8, v6;
	v8 =	vld [tilespmem:s9+$0xA050]  }
0x72: {  	[tilespmem:s9+$0x8040] =	vst v3;
	v3 =	vadd.f32 v9, v6;
	v9 =	vld [tilespmem:s9+$0xB050]  }
0x73: {  	[tilespmem:s9+$0x9040] =	vst v2;
	v2 =	vadd.f32 v10, v6;
	v6 =	vld [tilespmem:s9+$0x8060]  }
0x74: {  	[tilespmem:s9+$0xA040] =	vst v3;
	v5 =	vadd.f32 v5, v7;
	v10 =	vld [tilespmem:s9+$0x9060]  }
.Ltmp0:
0x75: {  	[tilespmem:s9+$0xB040] =	vst v2;
	v4 =	vadd.f32 v4, v7;
	v3 =	vld [tilespmem:s9+$0xA060];
	(pc) =	sbr.rel @p0 .LBB2_2-.Ltmp0, $4  }
0x76: {  	[tilespmem:s9+$0x8050] =	vst v5;
	v5 =	vadd.f32 v8, v7;
	v2 =	vld [tilespmem:s9+$0xB060]  }
0x77: {  	[tilespmem:s9+$0x9050] =	vst v4;
	v7 =	vadd.f32 v9, v7;
	v4 =	vld [tilespmem:s9+$0x8070]  }
0x78: {  	[tilespmem:s9+$0xA050] =	vst v5;
	v8 =	vadd.f32 v6, v1;
	v5 =	vld [tilespmem:s9+$0x9070]  }
0x79: {  	s10 =	sadd.s32 $0x200, s10;
	[tilespmem:s9+$0xB050] =	vst v7;
	v7 =	vadd.f32 v10, v1;
	v6 =	vld [tilespmem:s9+$0xA070]  }
0x7a: {  	[tilespmem:s9+$0x8060] =	vst v8;
	v3 =	vadd.f32 v3, v1;
	v8 =	vld [tilespmem:s9+$0xB070]  }
0x7b: {  	[tilespmem:s9+$0x9060] =	vst v7;
	v1 =	vadd.f32 v2, v1  }
0x7c: {  	[tilespmem:s9+$0xA060] =	vst v3;
	v2 =	vadd.f32 v4, v0  }
0x7d: {  	[tilespmem:s9+$0xB060] =	vst v1;
	v1 =	vadd.f32 v5, v0  }
0x7e: {  	[tilespmem:s9+$0x8070] =	vst v2;
	v2 =	vadd.f32 v6, v0  }
0x7f: {  	[tilespmem:s9+$0x9070] =	vst v1;
	v0 =	vadd.f32 v8, v0  }
0x80: {  	[tilespmem:s9+$0xA070] =	vst v2  }
0x81: {  	s10 =	rddreg [dreg:$0xa];
	[tilespmem:s9+$0xB070] =	vst v0  }
0x82: {  	[hbm4b:s10+s23] =	stream.strided.scatter [tilespmem:s25], [sflag:$0x8], $0x4000, s24, s23, $0x38;
	[tilespmem:$0x1C000] =	vst v63  }
0x83: {  	s11 =	rddreg [dreg:$0xb];
	s10 =	simm.s32 $0x18000  }
0x84: {  	[tilespmem:s10], [sflag:$0x7] =	stream.strided.gather [hbm4b:s11+s23], $0x4000, s24, s23, $0x38;
	[tilespmem:$0x1C000] =	vst v63  }
0x85: {  	_ =	swait.ge [sflag:s1], $0x4000  }
0x86: {  	[sflag:s1] =	ssyncset.done $0x0  }
0x87: {  	s9 =	simm.s32 $0x0;
	[sflag:s1] =	ssyncadd.s32 $0xFFFFC000  }
0x88: {  	v2 =	vld [tilespmem:s9+$0x1000]  }
0x89: {  	v3 =	vld [tilespmem:s9+$0x1010]  }
0x8a: {  	v4 =	vld [tilespmem:s9+$0x1020]  }
0x8b: {  	v5 =	vld [tilespmem:s9+$0x1030]  }
0x8c: {  	v6 =	vld [tilespmem:s9+$0x1040]  }
0x8d: {  	v7 =	vld [tilespmem:s9+$0x1050]  }
0x8e: {  	v1 =	vld [tilespmem:s9+$0x1060]  }
0x8f: {  	v8 =	vld [tilespmem:s9+$0xC000]  }
0x90: {  	v9 =	vld [tilespmem:s9+$0xD000]  }
0x91: {  	v10 =	vld [tilespmem:s9+$0xE000]  }
0x92: {  	v11 =	vld [tilespmem:s9+$0xF000]  }
0x93: {  	v12 =	vld [tilespmem:s9+$0xC010]  }
0x94: {  	v13 =	vld [tilespmem:s9+$0xD010]  }
0x95: {  	v14 =	vld [tilespmem:s9+$0xE010];
	v8 =	vadd.f32 v8, v2  }
0x96: {  	v62 =	vld [tilespmem:s9+$0xC030];
	v9 =	vadd.f32 v9, v2  }
0x97: {  	v10 =	vadd.f32 v10, v2;
	v2 =	vadd.f32 v11, v2;
	[tilespmem:s9+$0xC000] =	vst v8;
	v8 =	vld [tilespmem:s9+$0xF010]  }
0x98: {  	[tilespmem:s9+$0xD000] =	vst v9;
	v9 =	vld [tilespmem:s9+$0xC020]  }
0x99: {  	v11 =	vadd.f32 v12, v3;
	[tilespmem:s9+$0xF000] =	vst v2;
	v2 =	vld [tilespmem:s9+$0xE020]  }
0x9a: {  	v60 =	vadd.f32 v13, v3;
	[tilespmem:s9+$0xE000] =	vst v10;
	v10 =	vld [tilespmem:s9+$0xD020]  }
0x9b: {  	v61 =	vadd.f32 v14, v3;
	[tilespmem:s9+$0xC010] =	vst v11;
	v11 =	vld [tilespmem:s9+$0xF020]  }
0x9c: {  	v0 =	vld [tilespmem:s9+$0x1070];
	[tilespmem:s9+$0xD010] =	vst v60;
	v3 =	vadd.f32 v8, v3  }
0x9d: {  	[tilespmem:s9+$0xE010] =	vst v61;
	v8 =	vld [tilespmem:s9+$0xD030];
	v9 =	vadd.f32 v9, v4  }
0x9e: {  	v2 =	vadd.f32 v2, v4;
	[tilespmem:s9+$0xF010] =	vst v3;
	v3 =	vld [tilespmem:s9+$0xE030]  }
0x9f: {  	v10 =	vadd.f32 v10, v4;
	[tilespmem:s9+$0xC020] =	vst v9;
	v9 =	vld [tilespmem:s9+$0xF030]  }
0xa0: {  	v4 =	vadd.f32 v11, v4;
	v11 =	vadd.f32 v62, v5;
	[tilespmem:s9+$0xE020] =	vst v2;
	v2 =	vld [tilespmem:s9+$0xD040]  }
0xa1: {  	[tilespmem:s9+$0xD020] =	vst v10;
	v10 =	vld [tilespmem:s9+$0xC040]  }
0xa2: {  	[tilespmem:s9+$0xC030] =	vst v11;
	v11 =	vld [tilespmem:s9+$0xF040];
	v8 =	vadd.f32 v8, v5  }
0xa3: {  	[tilespmem:s9+$0xF020] =	vst v4;
	v4 =	vld [tilespmem:s9+$0xE040];
	v3 =	vadd.f32 v3, v5  }
0xa4: {  	[tilespmem:s9+$0xD030] =	vst v8;
	v8 =	vld [tilespmem:s9+$0xC050];
	v5 =	vadd.f32 v9, v5  }
0xa5: {  	v9 =	vld [tilespmem:s9+$0xD050];
	v2 =	vadd.f32 v2, v6;
	[tilespmem:s9+$0xE030] =	vst v3  }
0xa6: {  	v3 =	vadd.f32 v10, v6;
	[tilespmem:s9+$0xF030] =	vst v5;
	v5 =	vld [tilespmem:s9+$0xE050]  }
0xa7: {  	v10 =	vld [tilespmem:s9+$0xF050];
	[tilespmem:s9+$0xD040] =	vst v2;
	v2 =	vadd.f32 v11, v6  }
0xa8: {  	v63 =	vld [tilespmem:s9+$0xC060];
	[tilespmem:s9+$0xC040] =	vst v3;
	v3 =	vadd.f32 v4, v6  }
0xa9: {  	v6 =	vld [tilespmem:s9+$0xD060];
	[tilespmem:s9+$0xF040] =	vst v2;
	v4 =	vadd.f32 v8, v7  }
0xaa: {  	v8 =	vadd.f32 v9, v7;
	[tilespmem:s9+$0xE040] =	vst v3;
	v3 =	vld [tilespmem:s9+$0xE060]  }
0xab: {  	v2 =	vld [tilespmem:s9+$0xF060];
	[tilespmem:s9+$0xC050] =	vst v4;
	v5 =	vadd.f32 v5, v7  }
0xac: {  	[tilespmem:s9+$0xD050] =	vst v8;
	v4 =	vld [tilespmem:s9+$0xC070];
	v7 =	vadd.f32 v10, v7  }
0xad: {  	v8 =	vadd.f32 v63, v1;
	[tilespmem:s9+$0xE050] =	vst v5;
	v5 =	vld [tilespmem:s9+$0xD070]  }
0xae: {  	s10 =	simm.s32 $0x200;
	[tilespmem:s9+$0xF050] =	vst v7;
	v7 =	vadd.f32 v6, v1;
	v6 =	vld [tilespmem:s9+$0xE070]  }
.LBB2_4:
0xaf: {  	s11 =	sshra.s32 s10, $0x2;
	p0 =	sne.s32 s10, $0x3E00;
	[tilespmem:s9+$0xC060] =	vst v8;
	v3 =	vadd.f32 v3, v1;
	v8 =	vld [tilespmem:s9+$0xF070]  }
0xb0: {  	v9 =	vld [tilespmem:s11+$0x1000];
	[tilespmem:s9+$0xD060] =	vst v7;
	v1 =	vadd.f32 v2, v1  }
0xb1: {  	v2 =	vld [tilespmem:s11+$0x1010];
	[tilespmem:s9+$0xE060] =	vst v3;
	v3 =	vadd.f32 v4, v0  }
0xb2: {  	v4 =	vld [tilespmem:s11+$0x1020];
	[tilespmem:s9+$0xF060] =	vst v1;
	v1 =	vadd.f32 v5, v0  }
0xb3: {  	v5 =	vld [tilespmem:s11+$0x1030];
	[tilespmem:s9+$0xC070] =	vst v3;
	v3 =	vadd.f32 v6, v0  }
0xb4: {  	v6 =	vld [tilespmem:s11+$0x1040];
	[tilespmem:s9+$0xD070] =	vst v1;
	v0 =	vadd.f32 v8, v0  }
0xb5: {  	v7 =	vld [tilespmem:s11+$0x1050];
	[tilespmem:s9+$0xE070] =	vst v3  }
0xb6: {  	v1 =	vld [tilespmem:s11+$0x1060];
	[tilespmem:s9+$0xF070] =	vst v0;
	s9 =	smov.u32 s11  }
0xb7: {  	v0 =	vld [tilespmem:s9+$0x1070]  }
0xb8: {  	v3 =	vld [tilespmem:s9+$0xC000]  }
0xb9: {  	v8 =	vld [tilespmem:s9+$0xD000]  }
0xba: {  	v10 =	vld [tilespmem:s9+$0xE000]  }
0xbb: {  	v11 =	vld [tilespmem:s9+$0xF000]  }
0xbc: {  	v12 =	vld [tilespmem:s9+$0xC010]  }
0xbd: {  	v3 =	vadd.f32 v3, v9;
	v13 =	vld [tilespmem:s9+$0xD010]  }
0xbe: {  	v8 =	vadd.f32 v8, v9;
	v14 =	vld [tilespmem:s9+$0xE010]  }
0xbf: {  	[tilespmem:s9+$0xC000] =	vst v3;
	v3 =	vadd.f32 v10, v9;
	v10 =	vld [tilespmem:s9+$0xF010]  }
0xc0: {  	[tilespmem:s9+$0xD000] =	vst v8;
	v8 =	vadd.f32 v11, v9;
	v9 =	vld [tilespmem:s9+$0xC020]  }
0xc1: {  	[tilespmem:s9+$0xE000] =	vst v3;
	v3 =	vadd.f32 v12, v2;
	v11 =	vld [tilespmem:s9+$0xD020]  }
0xc2: {  	[tilespmem:s9+$0xF000] =	vst v8;
	v8 =	vadd.f32 v13, v2;
	v12 =	vld [tilespmem:s9+$0xE020]  }
0xc3: {  	[tilespmem:s9+$0xC010] =	vst v3;
	v3 =	vadd.f32 v14, v2;
	v13 =	vld [tilespmem:s9+$0xF020]  }
0xc4: {  	[tilespmem:s9+$0xD010] =	vst v8;
	v2 =	vadd.f32 v10, v2;
	v8 =	vld [tilespmem:s9+$0xC030]  }
0xc5: {  	[tilespmem:s9+$0xE010] =	vst v3;
	v3 =	vadd.f32 v9, v4;
	v9 =	vld [tilespmem:s9+$0xD030]  }
0xc6: {  	[tilespmem:s9+$0xF010] =	vst v2;
	v2 =	vadd.f32 v11, v4;
	v10 =	vld [tilespmem:s9+$0xE030]  }
0xc7: {  	[tilespmem:s9+$0xC020] =	vst v3;
	v3 =	vadd.f32 v12, v4;
	v11 =	vld [tilespmem:s9+$0xF030]  }
0xc8: {  	[tilespmem:s9+$0xD020] =	vst v2;
	v2 =	vadd.f32 v13, v4;
	v4 =	vld [tilespmem:s9+$0xC040]  }
0xc9: {  	[tilespmem:s9+$0xE020] =	vst v3;
	v3 =	vadd.f32 v8, v5;
	v8 =	vld [tilespmem:s9+$0xD040]  }
0xca: {  	[tilespmem:s9+$0xF020] =	vst v2;
	v2 =	vadd.f32 v9, v5;
	v9 =	vld [tilespmem:s9+$0xE040]  }
0xcb: {  	[tilespmem:s9+$0xC030] =	vst v3;
	v3 =	vadd.f32 v10, v5;
	v10 =	vld [tilespmem:s9+$0xF040]  }
0xcc: {  	[tilespmem:s9+$0xD030] =	vst v2;
	v2 =	vadd.f32 v11, v5;
	v5 =	vld [tilespmem:s9+$0xC050]  }
0xcd: {  	[tilespmem:s9+$0xE030] =	vst v3;
	v3 =	vadd.f32 v4, v6;
	v4 =	vld [tilespmem:s9+$0xD050]  }
0xce: {  	[tilespmem:s9+$0xF030] =	vst v2;
	v2 =	vadd.f32 v8, v6;
	v8 =	vld [tilespmem:s9+$0xE050]  }
0xcf: {  	[tilespmem:s9+$0xC040] =	vst v3;
	v3 =	vadd.f32 v9, v6;
	v9 =	vld [tilespmem:s9+$0xF050]  }
0xd0: {  	[tilespmem:s9+$0xD040] =	vst v2;
	v2 =	vadd.f32 v10, v6;
	v6 =	vld [tilespmem:s9+$0xC060]  }
0xd1: {  	[tilespmem:s9+$0xE040] =	vst v3;
	v5 =	vadd.f32 v5, v7;
	v10 =	vld [tilespmem:s9+$0xD060]  }
.Ltmp1:
0xd2: {  	[tilespmem:s9+$0xF040] =	vst v2;
	v4 =	vadd.f32 v4, v7;
	v3 =	vld [tilespmem:s9+$0xE060];
	(pc) =	sbr.rel @p0 .LBB2_4-.Ltmp1, $4  }
0xd3: {  	[tilespmem:s9+$0xC050] =	vst v5;
	v5 =	vadd.f32 v8, v7;
	v2 =	vld [tilespmem:s9+$0xF060]  }
0xd4: {  	[tilespmem:s9+$0xD050] =	vst v4;
	v7 =	vadd.f32 v9, v7;
	v4 =	vld [tilespmem:s9+$0xC070]  }
0xd5: {  	[tilespmem:s9+$0xE050] =	vst v5;
	v8 =	vadd.f32 v6, v1;
	v5 =	vld [tilespmem:s9+$0xD070]  }
0xd6: {  	s10 =	sadd.s32 $0x200, s10;
	[tilespmem:s9+$0xF050] =	vst v7;
	v7 =	vadd.f32 v10, v1;
	v6 =	vld [tilespmem:s9+$0xE070]  }
0xd7: {  	[tilespmem:s9+$0xC060] =	vst v8;
	v3 =	vadd.f32 v3, v1;
	v8 =	vld [tilespmem:s9+$0xF070]  }
0xd8: {  	[tilespmem:s9+$0xD060] =	vst v7;
	v1 =	vadd.f32 v2, v1  }
0xd9: {  	[tilespmem:s9+$0xE060] =	vst v3;
	v2 =	vadd.f32 v4, v0  }
0xda: {  	[tilespmem:s9+$0xF060] =	vst v1;
	v1 =	vadd.f32 v5, v0  }
0xdb: {  	[tilespmem:s9+$0xC070] =	vst v2;
	v2 =	vadd.f32 v6, v0  }
0xdc: {  	[tilespmem:s9+$0xD070] =	vst v1;
	v0 =	vadd.f32 v8, v0  }
0xdd: {  	[tilespmem:s9+$0xE070] =	vst v2  }
0xde: {  	s11 =	rddreg [dreg:$0xc];
	[tilespmem:s9+$0xF070] =	vst v0  }
0xdf: {  	[hbm4b:s11+s23] =	stream.strided.scatter [tilespmem:s26], [sflag:$0x9], $0x4000, s24, s23, $0x38;
	[tilespmem:$0x1C000] =	vst v63  }
0xe0: {  	_ =	swait.ge [sflag:s22], $0x4000  }
0xe1: {  	[sflag:s22] =	ssyncset.done $0x0  }
0xe2: {  	[sflag:s22] =	ssyncadd.s32 $0xFFFFC000  }
0xe3: {  	[tilespmem:s25], [sflag:$0x3] =	stream.strided.gather [hbm4b:s12+s23], $0x4000, s24, s23, $0x38;
	[tilespmem:$0x1C000] =	vst v63  }
0xe4: {  	_ =	swait.ge [sflag:s2], $0x4000  }
0xe5: {  	[sflag:s2] =	ssyncset.done $0x0  }
0xe6: {  	s9 =	simm.s32 $0x0;
	[sflag:s2] =	ssyncadd.s32 $0xFFFFC000  }
0xe7: {  	v2 =	vld [tilespmem:s9+$0x2000]  }
0xe8: {  	v3 =	vld [tilespmem:s9+$0x2010]  }
0xe9: {  	v4 =	vld [tilespmem:s9+$0x2020]  }
0xea: {  	v5 =	vld [tilespmem:s9+$0x2030]  }
0xeb: {  	v6 =	vld [tilespmem:s9+$0x2040]  }
0xec: {  	v7 =	vld [tilespmem:s9+$0x2050]  }
0xed: {  	v1 =	vld [tilespmem:s9+$0x2060]  }
0xee: {  	v8 =	vld [tilespmem:s9+$0x10000]  }
0xef: {  	v9 =	vld [tilespmem:s9+$0x11000]  }
0xf0: {  	v10 =	vld [tilespmem:s9+$0x12000]  }
0xf1: {  	v11 =	vld [tilespmem:s9+$0x13000]  }
0xf2: {  	v12 =	vld [tilespmem:s9+$0x10010]  }
0xf3: {  	v13 =	vld [tilespmem:s9+$0x11010]  }
0xf4: {  	v14 =	vld [tilespmem:s9+$0x12010];
	v8 =	vadd.f32 v8, v2  }
0xf5: {  	v62 =	vld [tilespmem:s9+$0x10030];
	v9 =	vadd.f32 v9, v2  }
0xf6: {  	v10 =	vadd.f32 v10, v2;
	v2 =	vadd.f32 v11, v2;
	[tilespmem:s9+$0x10000] =	vst v8;
	v8 =	vld [tilespmem:s9+$0x13010]  }
0xf7: {  	[tilespmem:s9+$0x11000] =	vst v9;
	v9 =	vld [tilespmem:s9+$0x10020]  }
0xf8: {  	v11 =	vadd.f32 v12, v3;
	[tilespmem:s9+$0x13000] =	vst v2;
	v2 =	vld [tilespmem:s9+$0x12020]  }
0xf9: {  	v60 =	vadd.f32 v13, v3;
	[tilespmem:s9+$0x12000] =	vst v10;
	v10 =	vld [tilespmem:s9+$0x11020]  }
0xfa: {  	v61 =	vadd.f32 v14, v3;
	[tilespmem:s9+$0x10010] =	vst v11;
	v11 =	vld [tilespmem:s9+$0x13020]  }
0xfb: {  	v0 =	vld [tilespmem:s9+$0x2070];
	[tilespmem:s9+$0x11010] =	vst v60;
	v3 =	vadd.f32 v8, v3  }
0xfc: {  	[tilespmem:s9+$0x12010] =	vst v61;
	v8 =	vld [tilespmem:s9+$0x11030];
	v9 =	vadd.f32 v9, v4  }
0xfd: {  	v2 =	vadd.f32 v2, v4;
	[tilespmem:s9+$0x13010] =	vst v3;
	v3 =	vld [tilespmem:s9+$0x12030]  }
0xfe: {  	v10 =	vadd.f32 v10, v4;
	[tilespmem:s9+$0x10020] =	vst v9;
	v9 =	vld [tilespmem:s9+$0x13030]  }
0xff: {  	v4 =	vadd.f32 v11, v4;
	v11 =	vadd.f32 v62, v5;
	[tilespmem:s9+$0x12020] =	vst v2;
	v2 =	vld [tilespmem:s9+$0x11040]  }
0x100: {  	[tilespmem:s9+$0x11020] =	vst v10;
	v10 =	vld [tilespmem:s9+$0x10040]  }
0x101: {  	[tilespmem:s9+$0x10030] =	vst v11;
	v11 =	vld [tilespmem:s9+$0x13040];
	v8 =	vadd.f32 v8, v5  }
0x102: {  	[tilespmem:s9+$0x13020] =	vst v4;
	v4 =	vld [tilespmem:s9+$0x12040];
	v3 =	vadd.f32 v3, v5  }
0x103: {  	[tilespmem:s9+$0x11030] =	vst v8;
	v8 =	vld [tilespmem:s9+$0x10050];
	v5 =	vadd.f32 v9, v5  }
0x104: {  	v9 =	vld [tilespmem:s9+$0x11050];
	v2 =	vadd.f32 v2, v6;
	[tilespmem:s9+$0x12030] =	vst v3  }
0x105: {  	v3 =	vadd.f32 v10, v6;
	[tilespmem:s9+$0x13030] =	vst v5;
	v5 =	vld [tilespmem:s9+$0x12050]  }
0x106: {  	v10 =	vld [tilespmem:s9+$0x13050];
	[tilespmem:s9+$0x11040] =	vst v2;
	v2 =	vadd.f32 v11, v6  }
0x107: {  	v63 =	vld [tilespmem:s9+$0x10060];
	[tilespmem:s9+$0x10040] =	vst v3;
	v3 =	vadd.f32 v4, v6  }
0x108: {  	v6 =	vld [tilespmem:s9+$0x11060];
	[tilespmem:s9+$0x13040] =	vst v2;
	v4 =	vadd.f32 v8, v7  }
0x109: {  	v8 =	vadd.f32 v9, v7;
	[tilespmem:s9+$0x12040] =	vst v3;
	v3 =	vld [tilespmem:s9+$0x12060]  }
0x10a: {  	v2 =	vld [tilespmem:s9+$0x13060];
	[tilespmem:s9+$0x10050] =	vst v4;
	v5 =	vadd.f32 v5, v7  }
0x10b: {  	[tilespmem:s9+$0x11050] =	vst v8;
	v4 =	vld [tilespmem:s9+$0x10070];
	v7 =	vadd.f32 v10, v7  }
0x10c: {  	v8 =	vadd.f32 v63, v1;
	[tilespmem:s9+$0x12050] =	vst v5;
	v5 =	vld [tilespmem:s9+$0x11070]  }
0x10d: {  	s10 =	simm.s32 $0x200;
	[tilespmem:s9+$0x13050] =	vst v7;
	v7 =	vadd.f32 v6, v1;
	v6 =	vld [tilespmem:s9+$0x12070]  }
.LBB2_6:
0x10e: {  	s11 =	sshra.s32 s10, $0x2;
	p0 =	sne.s32 s10, $0x3E00;
	[tilespmem:s9+$0x10060] =	vst v8;
	v3 =	vadd.f32 v3, v1;
	v8 =	vld [tilespmem:s9+$0x13070]  }
0x10f: {  	v9 =	vld [tilespmem:s11+$0x2000];
	[tilespmem:s9+$0x11060] =	vst v7;
	v1 =	vadd.f32 v2, v1  }
0x110: {  	v2 =	vld [tilespmem:s11+$0x2010];
	[tilespmem:s9+$0x12060] =	vst v3;
	v3 =	vadd.f32 v4, v0  }
0x111: {  	v4 =	vld [tilespmem:s11+$0x2020];
	[tilespmem:s9+$0x13060] =	vst v1;
	v1 =	vadd.f32 v5, v0  }
0x112: {  	v5 =	vld [tilespmem:s11+$0x2030];
	[tilespmem:s9+$0x10070] =	vst v3;
	v3 =	vadd.f32 v6, v0  }
0x113: {  	v6 =	vld [tilespmem:s11+$0x2040];
	[tilespmem:s9+$0x11070] =	vst v1;
	v0 =	vadd.f32 v8, v0  }
0x114: {  	v7 =	vld [tilespmem:s11+$0x2050];
	[tilespmem:s9+$0x12070] =	vst v3  }
0x115: {  	v1 =	vld [tilespmem:s11+$0x2060];
	[tilespmem:s9+$0x13070] =	vst v0;
	s9 =	smov.u32 s11  }
0x116: {  	v0 =	vld [tilespmem:s9+$0x2070]  }
0x117: {  	v3 =	vld [tilespmem:s9+$0x10000]  }
0x118: {  	v8 =	vld [tilespmem:s9+$0x11000]  }
0x119: {  	v10 =	vld [tilespmem:s9+$0x12000]  }
0x11a: {  	v11 =	vld [tilespmem:s9+$0x13000]  }
0x11b: {  	v12 =	vld [tilespmem:s9+$0x10010]  }
0x11c: {  	v3 =	vadd.f32 v3, v9;
	v13 =	vld [tilespmem:s9+$0x11010]  }
0x11d: {  	v8 =	vadd.f32 v8, v9;
	v14 =	vld [tilespmem:s9+$0x12010]  }
0x11e: {  	[tilespmem:s9+$0x10000] =	vst v3;
	v3 =	vadd.f32 v10, v9;
	v10 =	vld [tilespmem:s9+$0x13010]  }
0x11f: {  	[tilespmem:s9+$0x11000] =	vst v8;
	v8 =	vadd.f32 v11, v9;
	v9 =	vld [tilespmem:s9+$0x10020]  }
0x120: {  	[tilespmem:s9+$0x12000] =	vst v3;
	v3 =	vadd.f32 v12, v2;
	v11 =	vld [tilespmem:s9+$0x11020]  }
0x121: {  	[tilespmem:s9+$0x13000] =	vst v8;
	v8 =	vadd.f32 v13, v2;
	v12 =	vld [tilespmem:s9+$0x12020]  }
0x122: {  	[tilespmem:s9+$0x10010] =	vst v3;
	v3 =	vadd.f32 v14, v2;
	v13 =	vld [tilespmem:s9+$0x13020]  }
0x123: {  	[tilespmem:s9+$0x11010] =	vst v8;
	v2 =	vadd.f32 v10, v2;
	v8 =	vld [tilespmem:s9+$0x10030]  }
0x124: {  	[tilespmem:s9+$0x12010] =	vst v3;
	v3 =	vadd.f32 v9, v4;
	v9 =	vld [tilespmem:s9+$0x11030]  }
0x125: {  	[tilespmem:s9+$0x13010] =	vst v2;
	v2 =	vadd.f32 v11, v4;
	v10 =	vld [tilespmem:s9+$0x12030]  }
0x126: {  	[tilespmem:s9+$0x10020] =	vst v3;
	v3 =	vadd.f32 v12, v4;
	v11 =	vld [tilespmem:s9+$0x13030]  }
0x127: {  	[tilespmem:s9+$0x11020] =	vst v2;
	v2 =	vadd.f32 v13, v4;
	v4 =	vld [tilespmem:s9+$0x10040]  }
0x128: {  	[tilespmem:s9+$0x12020] =	vst v3;
	v3 =	vadd.f32 v8, v5;
	v8 =	vld [tilespmem:s9+$0x11040]  }
0x129: {  	[tilespmem:s9+$0x13020] =	vst v2;
	v2 =	vadd.f32 v9, v5;
	v9 =	vld [tilespmem:s9+$0x12040]  }
0x12a: {  	[tilespmem:s9+$0x10030] =	vst v3;
	v3 =	vadd.f32 v10, v5;
	v10 =	vld [tilespmem:s9+$0x13040]  }
0x12b: {  	[tilespmem:s9+$0x11030] =	vst v2;
	v2 =	vadd.f32 v11, v5;
	v5 =	vld [tilespmem:s9+$0x10050]  }
0x12c: {  	[tilespmem:s9+$0x12030] =	vst v3;
	v3 =	vadd.f32 v4, v6;
	v4 =	vld [tilespmem:s9+$0x11050]  }
0x12d: {  	[tilespmem:s9+$0x13030] =	vst v2;
	v2 =	vadd.f32 v8, v6;
	v8 =	vld [tilespmem:s9+$0x12050]  }
0x12e: {  	[tilespmem:s9+$0x10040] =	vst v3;
	v3 =	vadd.f32 v9, v6;
	v9 =	vld [tilespmem:s9+$0x13050]  }
0x12f: {  	[tilespmem:s9+$0x11040] =	vst v2;
	v2 =	vadd.f32 v10, v6;
	v6 =	vld [tilespmem:s9+$0x10060]  }
0x130: {  	[tilespmem:s9+$0x12040] =	vst v3;
	v5 =	vadd.f32 v5, v7;
	v10 =	vld [tilespmem:s9+$0x11060]  }
.Ltmp2:
0x131: {  	[tilespmem:s9+$0x13040] =	vst v2;
	v4 =	vadd.f32 v4, v7;
	v3 =	vld [tilespmem:s9+$0x12060];
	(pc) =	sbr.rel @p0 .LBB2_6-.Ltmp2, $4  }
0x132: {  	[tilespmem:s9+$0x10050] =	vst v5;
	v5 =	vadd.f32 v8, v7;
	v2 =	vld [tilespmem:s9+$0x13060]  }
0x133: {  	[tilespmem:s9+$0x11050] =	vst v4;
	v7 =	vadd.f32 v9, v7;
	v4 =	vld [tilespmem:s9+$0x10070]  }
0x134: {  	[tilespmem:s9+$0x12050] =	vst v5;
	v8 =	vadd.f32 v6, v1;
	v5 =	vld [tilespmem:s9+$0x11070]  }
0x135: {  	s10 =	sadd.s32 $0x200, s10;
	[tilespmem:s9+$0x13050] =	vst v7;
	v7 =	vadd.f32 v10, v1;
	v6 =	vld [tilespmem:s9+$0x12070]  }
0x136: {  	[tilespmem:s9+$0x10060] =	vst v8;
	v3 =	vadd.f32 v3, v1;
	v8 =	vld [tilespmem:s9+$0x13070]  }
0x137: {  	[tilespmem:s9+$0x11060] =	vst v7;
	v1 =	vadd.f32 v2, v1  }
0x138: {  	[tilespmem:s9+$0x12060] =	vst v3;
	v2 =	vadd.f32 v4, v0  }
0x139: {  	[tilespmem:s9+$0x13060] =	vst v1;
	v1 =	vadd.f32 v5, v0  }
0x13a: {  	[tilespmem:s9+$0x10070] =	vst v2;
	v2 =	vadd.f32 v6, v0  }
0x13b: {  	[tilespmem:s9+$0x11070] =	vst v1;
	v0 =	vadd.f32 v8, v0  }
0x13c: {  	[tilespmem:s9+$0x12070] =	vst v2  }
0x13d: {  	[tilespmem:s9+$0x13070] =	vst v0  }
0x13e: {  	[hbm4b:s13+s23] =	stream.strided.scatter [tilespmem:s28], [sflag:$0xA], $0x4000, s24, s23, $0x38;
	[tilespmem:$0x1C000] =	vst v63  }
0x13f: {  	_ =	swait.ge [sflag:s29], $0x4000  }
0x140: {  	[sflag:s29] =	ssyncset.done $0x0  }
0x141: {  	[sflag:s29] =	ssyncadd.s32 $0xFFFFC000  }
0x142: {  	[tilespmem:s26], [sflag:$0x4] =	stream.strided.gather [hbm4b:s14+s23], $0x4000, s24, s23, $0x38;
	[tilespmem:$0x1C000] =	vst v63  }
0x143: {  	_ =	swait.ge [sflag:s3], $0x4000  }
0x144: {  	[sflag:s3] =	ssyncset.done $0x0  }
0x145: {  	s9 =	simm.s32 $0x0;
	[sflag:s3] =	ssyncadd.s32 $0xFFFFC000  }
0x146: {  	v2 =	vld [tilespmem:s9+$0x3000]  }
0x147: {  	v3 =	vld [tilespmem:s9+$0x3010]  }
0x148: {  	v4 =	vld [tilespmem:s9+$0x3020]  }
0x149: {  	v5 =	vld [tilespmem:s9+$0x3030]  }
0x14a: {  	v6 =	vld [tilespmem:s9+$0x3040]  }
0x14b: {  	v7 =	vld [tilespmem:s9+$0x3050]  }
0x14c: {  	v1 =	vld [tilespmem:s9+$0x3060]  }
0x14d: {  	v8 =	vld [tilespmem:s9+$0x14000]  }
0x14e: {  	v9 =	vld [tilespmem:s9+$0x15000]  }
0x14f: {  	v10 =	vld [tilespmem:s9+$0x16000]  }
0x150: {  	v11 =	vld [tilespmem:s9+$0x17000]  }
0x151: {  	v12 =	vld [tilespmem:s9+$0x14010]  }
0x152: {  	v13 =	vld [tilespmem:s9+$0x15010]  }
0x153: {  	v14 =	vld [tilespmem:s9+$0x16010];
	v8 =	vadd.f32 v8, v2  }
0x154: {  	v62 =	vld [tilespmem:s9+$0x14030];
	v9 =	vadd.f32 v9, v2  }
0x155: {  	v10 =	vadd.f32 v10, v2;
	v2 =	vadd.f32 v11, v2;
	[tilespmem:s9+$0x14000] =	vst v8;
	v8 =	vld [tilespmem:s9+$0x17010]  }
0x156: {  	[tilespmem:s9+$0x15000] =	vst v9;
	v9 =	vld [tilespmem:s9+$0x14020]  }
0x157: {  	v11 =	vadd.f32 v12, v3;
	[tilespmem:s9+$0x17000] =	vst v2;
	v2 =	vld [tilespmem:s9+$0x16020]  }
0x158: {  	v60 =	vadd.f32 v13, v3;
	[tilespmem:s9+$0x16000] =	vst v10;
	v10 =	vld [tilespmem:s9+$0x15020]  }
0x159: {  	v61 =	vadd.f32 v14, v3;
	[tilespmem:s9+$0x14010] =	vst v11;
	v11 =	vld [tilespmem:s9+$0x17020]  }
0x15a: {  	v0 =	vld [tilespmem:s9+$0x3070];
	[tilespmem:s9+$0x15010] =	vst v60;
	v3 =	vadd.f32 v8, v3  }
0x15b: {  	[tilespmem:s9+$0x16010] =	vst v61;
	v8 =	vld [tilespmem:s9+$0x15030];
	v9 =	vadd.f32 v9, v4  }
0x15c: {  	v2 =	vadd.f32 v2, v4;
	[tilespmem:s9+$0x17010] =	vst v3;
	v3 =	vld [tilespmem:s9+$0x16030]  }
0x15d: {  	v10 =	vadd.f32 v10, v4;
	[tilespmem:s9+$0x14020] =	vst v9;
	v9 =	vld [tilespmem:s9+$0x17030]  }
0x15e: {  	v4 =	vadd.f32 v11, v4;
	v11 =	vadd.f32 v62, v5;
	[tilespmem:s9+$0x16020] =	vst v2;
	v2 =	vld [tilespmem:s9+$0x15040]  }
0x15f: {  	[tilespmem:s9+$0x15020] =	vst v10;
	v10 =	vld [tilespmem:s9+$0x14040]  }
0x160: {  	[tilespmem:s9+$0x14030] =	vst v11;
	v11 =	vld [tilespmem:s9+$0x17040];
	v8 =	vadd.f32 v8, v5  }
0x161: {  	[tilespmem:s9+$0x17020] =	vst v4;
	v4 =	vld [tilespmem:s9+$0x16040];
	v3 =	vadd.f32 v3, v5  }
0x162: {  	[tilespmem:s9+$0x15030] =	vst v8;
	v8 =	vld [tilespmem:s9+$0x14050];
	v5 =	vadd.f32 v9, v5  }
0x163: {  	v9 =	vld [tilespmem:s9+$0x15050];
	v2 =	vadd.f32 v2, v6;
	[tilespmem:s9+$0x16030] =	vst v3  }
0x164: {  	v3 =	vadd.f32 v10, v6;
	[tilespmem:s9+$0x17030] =	vst v5;
	v5 =	vld [tilespmem:s9+$0x16050]  }
0x165: {  	v10 =	vld [tilespmem:s9+$0x17050];
	[tilespmem:s9+$0x15040] =	vst v2;
	v2 =	vadd.f32 v11, v6  }
0x166: {  	v63 =	vld [tilespmem:s9+$0x14060];
	[tilespmem:s9+$0x14040] =	vst v3;
	v3 =	vadd.f32 v4, v6  }
0x167: {  	v6 =	vld [tilespmem:s9+$0x15060];
	[tilespmem:s9+$0x17040] =	vst v2;
	v4 =	vadd.f32 v8, v7  }
0x168: {  	v8 =	vadd.f32 v9, v7;
	[tilespmem:s9+$0x16040] =	vst v3;
	v3 =	vld [tilespmem:s9+$0x16060]  }
0x169: {  	v2 =	vld [tilespmem:s9+$0x17060];
	[tilespmem:s9+$0x14050] =	vst v4;
	v5 =	vadd.f32 v5, v7  }
0x16a: {  	[tilespmem:s9+$0x15050] =	vst v8;
	v4 =	vld [tilespmem:s9+$0x14070];
	v7 =	vadd.f32 v10, v7  }
0x16b: {  	v8 =	vadd.f32 v63, v1;
	[tilespmem:s9+$0x16050] =	vst v5;
	v5 =	vld [tilespmem:s9+$0x15070]  }
0x16c: {  	s10 =	simm.s32 $0x200;
	[tilespmem:s9+$0x17050] =	vst v7;
	v7 =	vadd.f32 v6, v1;
	v6 =	vld [tilespmem:s9+$0x16070]  }
.LBB2_8:
0x16d: {  	s11 =	sshra.s32 s10, $0x2;
	p0 =	sne.s32 s10, $0x3E00;
	[tilespmem:s9+$0x14060] =	vst v8;
	v3 =	vadd.f32 v3, v1;
	v8 =	vld [tilespmem:s9+$0x17070]  }
0x16e: {  	v9 =	vld [tilespmem:s11+$0x3000];
	[tilespmem:s9+$0x15060] =	vst v7;
	v1 =	vadd.f32 v2, v1  }
0x16f: {  	v2 =	vld [tilespmem:s11+$0x3010];
	[tilespmem:s9+$0x16060] =	vst v3;
	v3 =	vadd.f32 v4, v0  }
0x170: {  	v4 =	vld [tilespmem:s11+$0x3020];
	[tilespmem:s9+$0x17060] =	vst v1;
	v1 =	vadd.f32 v5, v0  }
0x171: {  	v5 =	vld [tilespmem:s11+$0x3030];
	[tilespmem:s9+$0x14070] =	vst v3;
	v3 =	vadd.f32 v6, v0  }
0x172: {  	v6 =	vld [tilespmem:s11+$0x3040];
	[tilespmem:s9+$0x15070] =	vst v1;
	v0 =	vadd.f32 v8, v0  }
0x173: {  	v7 =	vld [tilespmem:s11+$0x3050];
	[tilespmem:s9+$0x16070] =	vst v3  }
0x174: {  	v1 =	vld [tilespmem:s11+$0x3060];
	[tilespmem:s9+$0x17070] =	vst v0;
	s9 =	smov.u32 s11  }
0x175: {  	v0 =	vld [tilespmem:s9+$0x3070]  }
0x176: {  	v3 =	vld [tilespmem:s9+$0x14000]  }
0x177: {  	v8 =	vld [tilespmem:s9+$0x15000]  }
0x178: {  	v10 =	vld [tilespmem:s9+$0x16000]  }
0x179: {  	v11 =	vld [tilespmem:s9+$0x17000]  }
0x17a: {  	v12 =	vld [tilespmem:s9+$0x14010]  }
0x17b: {  	v3 =	vadd.f32 v3, v9;
	v13 =	vld [tilespmem:s9+$0x15010]  }
0x17c: {  	v8 =	vadd.f32 v8, v9;
	v14 =	vld [tilespmem:s9+$0x16010]  }
0x17d: {  	[tilespmem:s9+$0x14000] =	vst v3;
	v3 =	vadd.f32 v10, v9;
	v10 =	vld [tilespmem:s9+$0x17010]  }
0x17e: {  	[tilespmem:s9+$0x15000] =	vst v8;
	v8 =	vadd.f32 v11, v9;
	v9 =	vld [tilespmem:s9+$0x14020]  }
0x17f: {  	[tilespmem:s9+$0x16000] =	vst v3;
	v3 =	vadd.f32 v12, v2;
	v11 =	vld [tilespmem:s9+$0x15020]  }
0x180: {  	[tilespmem:s9+$0x17000] =	vst v8;
	v8 =	vadd.f32 v13, v2;
	v12 =	vld [tilespmem:s9+$0x16020]  }
0x181: {  	[tilespmem:s9+$0x14010] =	vst v3;
	v3 =	vadd.f32 v14, v2;
	v13 =	vld [tilespmem:s9+$0x17020]  }
0x182: {  	[tilespmem:s9+$0x15010] =	vst v8;
	v2 =	vadd.f32 v10, v2;
	v8 =	vld [tilespmem:s9+$0x14030]  }
0x183: {  	[tilespmem:s9+$0x16010] =	vst v3;
	v3 =	vadd.f32 v9, v4;
	v9 =	vld [tilespmem:s9+$0x15030]  }
0x184: {  	[tilespmem:s9+$0x17010] =	vst v2;
	v2 =	vadd.f32 v11, v4;
	v10 =	vld [tilespmem:s9+$0x16030]  }
0x185: {  	[tilespmem:s9+$0x14020] =	vst v3;
	v3 =	vadd.f32 v12, v4;
	v11 =	vld [tilespmem:s9+$0x17030]  }
0x186: {  	[tilespmem:s9+$0x15020] =	vst v2;
	v2 =	vadd.f32 v13, v4;
	v4 =	vld [tilespmem:s9+$0x14040]  }
0x187: {  	[tilespmem:s9+$0x16020] =	vst v3;
	v3 =	vadd.f32 v8, v5;
	v8 =	vld [tilespmem:s9+$0x15040]  }
0x188: {  	[tilespmem:s9+$0x17020] =	vst v2;
	v2 =	vadd.f32 v9, v5;
	v9 =	vld [tilespmem:s9+$0x16040]  }
0x189: {  	[tilespmem:s9+$0x14030] =	vst v3;
	v3 =	vadd.f32 v10, v5;
	v10 =	vld [tilespmem:s9+$0x17040]  }
0x18a: {  	[tilespmem:s9+$0x15030] =	vst v2;
	v2 =	vadd.f32 v11, v5;
	v5 =	vld [tilespmem:s9+$0x14050]  }
0x18b: {  	[tilespmem:s9+$0x16030] =	vst v3;
	v3 =	vadd.f32 v4, v6;
	v4 =	vld [tilespmem:s9+$0x15050]  }
0x18c: {  	[tilespmem:s9+$0x17030] =	vst v2;
	v2 =	vadd.f32 v8, v6;
	v8 =	vld [tilespmem:s9+$0x16050]  }
0x18d: {  	[tilespmem:s9+$0x14040] =	vst v3;
	v3 =	vadd.f32 v9, v6;
	v9 =	vld [tilespmem:s9+$0x17050]  }
0x18e: {  	[tilespmem:s9+$0x15040] =	vst v2;
	v2 =	vadd.f32 v10, v6;
	v6 =	vld [tilespmem:s9+$0x14060]  }
0x18f: {  	[tilespmem:s9+$0x16040] =	vst v3;
	v5 =	vadd.f32 v5, v7;
	v10 =	vld [tilespmem:s9+$0x15060]  }
.Ltmp3:
0x190: {  	[tilespmem:s9+$0x17040] =	vst v2;
	v4 =	vadd.f32 v4, v7;
	v3 =	vld [tilespmem:s9+$0x16060];
	(pc) =	sbr.rel @p0 .LBB2_8-.Ltmp3, $4  }
0x191: {  	[tilespmem:s9+$0x14050] =	vst v5;
	v5 =	vadd.f32 v8, v7;
	v2 =	vld [tilespmem:s9+$0x17060]  }
0x192: {  	[tilespmem:s9+$0x15050] =	vst v4;
	v7 =	vadd.f32 v9, v7;
	v4 =	vld [tilespmem:s9+$0x14070]  }
0x193: {  	[tilespmem:s9+$0x16050] =	vst v5;
	v8 =	vadd.f32 v6, v1;
	v5 =	vld [tilespmem:s9+$0x15070]  }
0x194: {  	s10 =	sadd.s32 $0x200, s10;
	[tilespmem:s9+$0x17050] =	vst v7;
	v7 =	vadd.f32 v10, v1;
	v6 =	vld [tilespmem:s9+$0x16070]  }
0x195: {  	[tilespmem:s9+$0x14060] =	vst v8;
	v3 =	vadd.f32 v3, v1;
	v8 =	vld [tilespmem:s9+$0x17070]  }
0x196: {  	[tilespmem:s9+$0x15060] =	vst v7;
	v1 =	vadd.f32 v2, v1  }
0x197: {  	[tilespmem:s9+$0x16060] =	vst v3;
	v2 =	vadd.f32 v4, v0  }
0x198: {  	[tilespmem:s9+$0x17060] =	vst v1;
	v1 =	vadd.f32 v5, v0  }
0x199: {  	[tilespmem:s9+$0x14070] =	vst v2;
	v2 =	vadd.f32 v6, v0  }
0x19a: {  	[tilespmem:s9+$0x15070] =	vst v1;
	v0 =	vadd.f32 v8, v0  }
0x19b: {  	[tilespmem:s9+$0x16070] =	vst v2  }
0x19c: {  	s11 =	simm.s32 $0x14000;
	[tilespmem:s9+$0x17070] =	vst v0  }
0x19d: {  	[hbm4b:s15+s23] =	stream.strided.scatter [tilespmem:s11], [sflag:$0xB], $0x4000, s24, s23, $0x38;
	[tilespmem:$0x1C000] =	vst v63  }
0x19e: {  	_ =	swait.ge [sflag:s0], $0x4000  }
0x19f: {  	[sflag:s0] =	ssyncset.done $0x0  }
0x1a0: {  	[sflag:s0] =	ssyncadd.s32 $0xFFFFC000  }
0x1a1: {  	[tilespmem:s28], [sflag:$0x5] =	stream.strided.gather [hbm4b:s16+s23], $0x4000, s24, s23, $0x38;
	[tilespmem:$0x1C000] =	vst v63  }
0x1a2: {  	_ =	swait.ge [sflag:s4], $0x4000  }
0x1a3: {  	[sflag:s4] =	ssyncset.done $0x0  }
0x1a4: {  	[sflag:s4] =	ssyncadd.s32 $0xFFFFC000  }
0x1a5: {  	_ =	swait.ge [sflag:s5], $0x4000  }
0x1a6: {  	[sflag:s5] =	ssyncset.done $0x0  }
0x1a7: {  	s9 =	simm.s32 $0x0;
	[sflag:s5] =	ssyncadd.s32 $0xFFFFC000  }
0x1a8: {  	v2 =	vld [tilespmem:s9+$0x4000]  }
0x1a9: {  	v3 =	vld [tilespmem:s9+$0x4010]  }
0x1aa: {  	v4 =	vld [tilespmem:s9+$0x4020]  }
0x1ab: {  	v5 =	vld [tilespmem:s9+$0x4030]  }
0x1ac: {  	v6 =	vld [tilespmem:s9+$0x4040]  }
0x1ad: {  	v7 =	vld [tilespmem:s9+$0x4050]  }
0x1ae: {  	v1 =	vld [tilespmem:s9+$0x4060]  }
0x1af: {  	v8 =	vld [tilespmem:s9+$0x18000]  }
0x1b0: {  	v9 =	vld [tilespmem:s9+$0x19000]  }
0x1b1: {  	v10 =	vld [tilespmem:s9+$0x1A000]  }
0x1b2: {  	v11 =	vld [tilespmem:s9+$0x1B000]  }
0x1b3: {  	v12 =	vld [tilespmem:s9+$0x18010]  }
0x1b4: {  	v13 =	vld [tilespmem:s9+$0x19010]  }
0x1b5: {  	v14 =	vld [tilespmem:s9+$0x1A010];
	v8 =	vadd.f32 v8, v2  }
0x1b6: {  	v62 =	vld [tilespmem:s9+$0x18030];
	v9 =	vadd.f32 v9, v2  }
0x1b7: {  	v10 =	vadd.f32 v10, v2;
	v2 =	vadd.f32 v11, v2;
	[tilespmem:s9+$0x18000] =	vst v8;
	v8 =	vld [tilespmem:s9+$0x1B010]  }
0x1b8: {  	[tilespmem:s9+$0x19000] =	vst v9;
	v9 =	vld [tilespmem:s9+$0x18020]  }
0x1b9: {  	v11 =	vadd.f32 v12, v3;
	[tilespmem:s9+$0x1B000] =	vst v2;
	v2 =	vld [tilespmem:s9+$0x1A020]  }
0x1ba: {  	v60 =	vadd.f32 v13, v3;
	[tilespmem:s9+$0x1A000] =	vst v10;
	v10 =	vld [tilespmem:s9+$0x19020]  }
0x1bb: {  	v61 =	vadd.f32 v14, v3;
	[tilespmem:s9+$0x18010] =	vst v11;
	v11 =	vld [tilespmem:s9+$0x1B020]  }
0x1bc: {  	v0 =	vld [tilespmem:s9+$0x4070];
	[tilespmem:s9+$0x19010] =	vst v60;
	v3 =	vadd.f32 v8, v3  }
0x1bd: {  	[tilespmem:s9+$0x1A010] =	vst v61;
	v8 =	vld [tilespmem:s9+$0x19030];
	v9 =	vadd.f32 v9, v4  }
0x1be: {  	v2 =	vadd.f32 v2, v4;
	[tilespmem:s9+$0x1B010] =	vst v3;
	v3 =	vld [tilespmem:s9+$0x1A030]  }
0x1bf: {  	v10 =	vadd.f32 v10, v4;
	[tilespmem:s9+$0x18020] =	vst v9;
	v9 =	vld [tilespmem:s9+$0x1B030]  }
0x1c0: {  	v4 =	vadd.f32 v11, v4;
	v11 =	vadd.f32 v62, v5;
	[tilespmem:s9+$0x1A020] =	vst v2;
	v2 =	vld [tilespmem:s9+$0x19040]  }
0x1c1: {  	[tilespmem:s9+$0x19020] =	vst v10;
	v10 =	vld [tilespmem:s9+$0x18040]  }
0x1c2: {  	[tilespmem:s9+$0x18030] =	vst v11;
	v11 =	vld [tilespmem:s9+$0x1B040];
	v8 =	vadd.f32 v8, v5  }
0x1c3: {  	[tilespmem:s9+$0x1B020] =	vst v4;
	v4 =	vld [tilespmem:s9+$0x1A040];
	v3 =	vadd.f32 v3, v5  }
0x1c4: {  	[tilespmem:s9+$0x19030] =	vst v8;
	v8 =	vld [tilespmem:s9+$0x18050];
	v5 =	vadd.f32 v9, v5  }
0x1c5: {  	v9 =	vld [tilespmem:s9+$0x19050];
	v2 =	vadd.f32 v2, v6;
	[tilespmem:s9+$0x1A030] =	vst v3  }
0x1c6: {  	v3 =	vadd.f32 v10, v6;
	[tilespmem:s9+$0x1B030] =	vst v5;
	v5 =	vld [tilespmem:s9+$0x1A050]  }
0x1c7: {  	v10 =	vld [tilespmem:s9+$0x1B050];
	[tilespmem:s9+$0x19040] =	vst v2;
	v2 =	vadd.f32 v11, v6  }
0x1c8: {  	v63 =	vld [tilespmem:s9+$0x18060];
	[tilespmem:s9+$0x18040] =	vst v3;
	v3 =	vadd.f32 v4, v6  }
0x1c9: {  	v6 =	vld [tilespmem:s9+$0x19060];
	[tilespmem:s9+$0x1B040] =	vst v2;
	v4 =	vadd.f32 v8, v7  }
0x1ca: {  	v8 =	vadd.f32 v9, v7;
	[tilespmem:s9+$0x1A040] =	vst v3;
	v3 =	vld [tilespmem:s9+$0x1A060]  }
0x1cb: {  	v2 =	vld [tilespmem:s9+$0x1B060];
	[tilespmem:s9+$0x18050] =	vst v4;
	v5 =	vadd.f32 v5, v7  }
0x1cc: {  	[tilespmem:s9+$0x19050] =	vst v8;
	v4 =	vld [tilespmem:s9+$0x18070];
	v7 =	vadd.f32 v10, v7  }
0x1cd: {  	v8 =	vadd.f32 v63, v1;
	[tilespmem:s9+$0x1A050] =	vst v5;
	v5 =	vld [tilespmem:s9+$0x19070]  }
0x1ce: {  	s10 =	simm.s32 $0x200;
	[tilespmem:s9+$0x1B050] =	vst v7;
	v7 =	vadd.f32 v6, v1;
	v6 =	vld [tilespmem:s9+$0x1A070]  }
.LBB2_10:
0x1cf: {  	s11 =	sshra.s32 s10, $0x2;
	p0 =	sne.s32 s10, $0x3E00;
	[tilespmem:s9+$0x18060] =	vst v8;
	v3 =	vadd.f32 v3, v1;
	v8 =	vld [tilespmem:s9+$0x1B070]  }
0x1d0: {  	v9 =	vld [tilespmem:s11+$0x4000];
	[tilespmem:s9+$0x19060] =	vst v7;
	v1 =	vadd.f32 v2, v1  }
0x1d1: {  	v2 =	vld [tilespmem:s11+$0x4010];
	[tilespmem:s9+$0x1A060] =	vst v3;
	v3 =	vadd.f32 v4, v0  }
0x1d2: {  	v4 =	vld [tilespmem:s11+$0x4020];
	[tilespmem:s9+$0x1B060] =	vst v1;
	v1 =	vadd.f32 v5, v0  }
0x1d3: {  	v5 =	vld [tilespmem:s11+$0x4030];
	[tilespmem:s9+$0x18070] =	vst v3;
	v3 =	vadd.f32 v6, v0  }
0x1d4: {  	v6 =	vld [tilespmem:s11+$0x4040];
	[tilespmem:s9+$0x19070] =	vst v1;
	v0 =	vadd.f32 v8, v0  }
0x1d5: {  	v7 =	vld [tilespmem:s11+$0x4050];
	[tilespmem:s9+$0x1A070] =	vst v3  }
0x1d6: {  	v1 =	vld [tilespmem:s11+$0x4060];
	[tilespmem:s9+$0x1B070] =	vst v0;
	s9 =	smov.u32 s11  }
0x1d7: {  	v0 =	vld [tilespmem:s9+$0x4070]  }
0x1d8: {  	v3 =	vld [tilespmem:s9+$0x18000]  }
0x1d9: {  	v8 =	vld [tilespmem:s9+$0x19000]  }
0x1da: {  	v10 =	vld [tilespmem:s9+$0x1A000]  }
0x1db: {  	v11 =	vld [tilespmem:s9+$0x1B000]  }
0x1dc: {  	v12 =	vld [tilespmem:s9+$0x18010]  }
0x1dd: {  	v3 =	vadd.f32 v3, v9;
	v13 =	vld [tilespmem:s9+$0x19010]  }
0x1de: {  	v8 =	vadd.f32 v8, v9;
	v14 =	vld [tilespmem:s9+$0x1A010]  }
0x1df: {  	[tilespmem:s9+$0x18000] =	vst v3;
	v3 =	vadd.f32 v10, v9;
	v10 =	vld [tilespmem:s9+$0x1B010]  }
0x1e0: {  	[tilespmem:s9+$0x19000] =	vst v8;
	v8 =	vadd.f32 v11, v9;
	v9 =	vld [tilespmem:s9+$0x18020]  }
0x1e1: {  	[tilespmem:s9+$0x1A000] =	vst v3;
	v3 =	vadd.f32 v12, v2;
	v11 =	vld [tilespmem:s9+$0x19020]  }
0x1e2: {  	[tilespmem:s9+$0x1B000] =	vst v8;
	v8 =	vadd.f32 v13, v2;
	v12 =	vld [tilespmem:s9+$0x1A020]  }
0x1e3: {  	[tilespmem:s9+$0x18010] =	vst v3;
	v3 =	vadd.f32 v14, v2;
	v13 =	vld [tilespmem:s9+$0x1B020]  }
0x1e4: {  	[tilespmem:s9+$0x19010] =	vst v8;
	v2 =	vadd.f32 v10, v2;
	v8 =	vld [tilespmem:s9+$0x18030]  }
0x1e5: {  	[tilespmem:s9+$0x1A010] =	vst v3;
	v3 =	vadd.f32 v9, v4;
	v9 =	vld [tilespmem:s9+$0x19030]  }
0x1e6: {  	[tilespmem:s9+$0x1B010] =	vst v2;
	v2 =	vadd.f32 v11, v4;
	v10 =	vld [tilespmem:s9+$0x1A030]  }
0x1e7: {  	[tilespmem:s9+$0x18020] =	vst v3;
	v3 =	vadd.f32 v12, v4;
	v11 =	vld [tilespmem:s9+$0x1B030]  }
0x1e8: {  	[tilespmem:s9+$0x19020] =	vst v2;
	v2 =	vadd.f32 v13, v4;
	v4 =	vld [tilespmem:s9+$0x18040]  }
0x1e9: {  	[tilespmem:s9+$0x1A020] =	vst v3;
	v3 =	vadd.f32 v8, v5;
	v8 =	vld [tilespmem:s9+$0x19040]  }
0x1ea: {  	[tilespmem:s9+$0x1B020] =	vst v2;
	v2 =	vadd.f32 v9, v5;
	v9 =	vld [tilespmem:s9+$0x1A040]  }
0x1eb: {  	[tilespmem:s9+$0x18030] =	vst v3;
	v3 =	vadd.f32 v10, v5;
	v10 =	vld [tilespmem:s9+$0x1B040]  }
0x1ec: {  	[tilespmem:s9+$0x19030] =	vst v2;
	v2 =	vadd.f32 v11, v5;
	v5 =	vld [tilespmem:s9+$0x18050]  }
0x1ed: {  	[tilespmem:s9+$0x1A030] =	vst v3;
	v3 =	vadd.f32 v4, v6;
	v4 =	vld [tilespmem:s9+$0x19050]  }
0x1ee: {  	[tilespmem:s9+$0x1B030] =	vst v2;
	v2 =	vadd.f32 v8, v6;
	v8 =	vld [tilespmem:s9+$0x1A050]  }
0x1ef: {  	[tilespmem:s9+$0x18040] =	vst v3;
	v3 =	vadd.f32 v9, v6;
	v9 =	vld [tilespmem:s9+$0x1B050]  }
0x1f0: {  	[tilespmem:s9+$0x19040] =	vst v2;
	v2 =	vadd.f32 v10, v6;
	v6 =	vld [tilespmem:s9+$0x18060]  }
0x1f1: {  	[tilespmem:s9+$0x1A040] =	vst v3;
	v5 =	vadd.f32 v5, v7;
	v10 =	vld [tilespmem:s9+$0x19060]  }
.Ltmp4:
0x1f2: {  	[tilespmem:s9+$0x1B040] =	vst v2;
	v4 =	vadd.f32 v4, v7;
	v3 =	vld [tilespmem:s9+$0x1A060];
	(pc) =	sbr.rel @p0 .LBB2_10-.Ltmp4, $4  }
0x1f3: {  	[tilespmem:s9+$0x18050] =	vst v5;
	v5 =	vadd.f32 v8, v7;
	v2 =	vld [tilespmem:s9+$0x1B060]  }
0x1f4: {  	[tilespmem:s9+$0x19050] =	vst v4;
	v7 =	vadd.f32 v9, v7;
	v4 =	vld [tilespmem:s9+$0x18070]  }
0x1f5: {  	[tilespmem:s9+$0x1A050] =	vst v5;
	v8 =	vadd.f32 v6, v1;
	v5 =	vld [tilespmem:s9+$0x19070]  }
0x1f6: {  	s10 =	sadd.s32 $0x200, s10;
	[tilespmem:s9+$0x1B050] =	vst v7;
	v7 =	vadd.f32 v10, v1;
	v6 =	vld [tilespmem:s9+$0x1A070]  }
0x1f7: {  	[tilespmem:s9+$0x18060] =	vst v8;
	v3 =	vadd.f32 v3, v1;
	v8 =	vld [tilespmem:s9+$0x1B070]  }
0x1f8: {  	[tilespmem:s9+$0x19060] =	vst v7;
	v1 =	vadd.f32 v2, v1  }
0x1f9: {  	[tilespmem:s9+$0x1A060] =	vst v3;
	v2 =	vadd.f32 v4, v0  }
0x1fa: {  	[tilespmem:s9+$0x1B060] =	vst v1;
	v1 =	vadd.f32 v5, v0  }
0x1fb: {  	[tilespmem:s9+$0x18070] =	vst v2;
	v2 =	vadd.f32 v6, v0  }
0x1fc: {  	[tilespmem:s9+$0x19070] =	vst v1;
	v0 =	vadd.f32 v8, v0  }
0x1fd: {  	[tilespmem:s9+$0x1A070] =	vst v2  }
0x1fe: {  	s11 =	simm.s32 $0x18000;
	[tilespmem:s9+$0x1B070] =	vst v0  }
0x1ff: {  	[hbm4b:s17+s23] =	stream.strided.scatter [tilespmem:s11], [sflag:$0xC], $0x4000, s24, s23, $0x38;
	[tilespmem:$0x1C000] =	vst v63  }
0x200: {  	_ =	swait.ge [sflag:s31], $0x4000  }
0x201: {  	[sflag:s31] =	ssyncset.done $0x0  }
0x202: {  	s9 =	simm.s32 $0x0;
	[sflag:s31] =	ssyncadd.s32 $0xFFFFC000  }
0x203: {  	v2 =	vld [tilespmem:s9+$0x5000]  }
0x204: {  	v3 =	vld [tilespmem:s9+$0x5010]  }
0x205: {  	v4 =	vld [tilespmem:s9+$0x5020]  }
0x206: {  	v5 =	vld [tilespmem:s9+$0x5030]  }
0x207: {  	v6 =	vld [tilespmem:s9+$0x5040]  }
0x208: {  	v7 =	vld [tilespmem:s9+$0x5050]  }
0x209: {  	v1 =	vld [tilespmem:s9+$0x5060]  }
0x20a: {  	v8 =	vld [tilespmem:s9+$0x8000]  }
0x20b: {  	v9 =	vld [tilespmem:s9+$0x9000]  }
0x20c: {  	v10 =	vld [tilespmem:s9+$0xA000]  }
0x20d: {  	v11 =	vld [tilespmem:s9+$0xB000]  }
0x20e: {  	v12 =	vld [tilespmem:s9+$0x8010]  }
0x20f: {  	v13 =	vld [tilespmem:s9+$0x9010]  }
0x210: {  	v14 =	vld [tilespmem:s9+$0xA010];
	v8 =	vadd.f32 v8, v2  }
0x211: {  	v62 =	vld [tilespmem:s9+$0x8030];
	v9 =	vadd.f32 v9, v2  }
0x212: {  	v10 =	vadd.f32 v10, v2;
	v2 =	vadd.f32 v11, v2;
	[tilespmem:s9+$0x8000] =	vst v8;
	v8 =	vld [tilespmem:s9+$0xB010]  }
0x213: {  	[tilespmem:s9+$0x9000] =	vst v9;
	v9 =	vld [tilespmem:s9+$0x8020]  }
0x214: {  	v11 =	vadd.f32 v12, v3;
	[tilespmem:s9+$0xB000] =	vst v2;
	v2 =	vld [tilespmem:s9+$0xA020]  }
0x215: {  	v60 =	vadd.f32 v13, v3;
	[tilespmem:s9+$0xA000] =	vst v10;
	v10 =	vld [tilespmem:s9+$0x9020]  }
0x216: {  	v61 =	vadd.f32 v14, v3;
	[tilespmem:s9+$0x8010] =	vst v11;
	v11 =	vld [tilespmem:s9+$0xB020]  }
0x217: {  	v0 =	vld [tilespmem:s9+$0x5070];
	[tilespmem:s9+$0x9010] =	vst v60;
	v3 =	vadd.f32 v8, v3  }
0x218: {  	[tilespmem:s9+$0xA010] =	vst v61;
	v8 =	vld [tilespmem:s9+$0x9030];
	v9 =	vadd.f32 v9, v4  }
0x219: {  	v2 =	vadd.f32 v2, v4;
	[tilespmem:s9+$0xB010] =	vst v3;
	v3 =	vld [tilespmem:s9+$0xA030]  }
0x21a: {  	v10 =	vadd.f32 v10, v4;
	[tilespmem:s9+$0x8020] =	vst v9;
	v9 =	vld [tilespmem:s9+$0xB030]  }
0x21b: {  	v4 =	vadd.f32 v11, v4;
	v11 =	vadd.f32 v62, v5;
	[tilespmem:s9+$0xA020] =	vst v2;
	v2 =	vld [tilespmem:s9+$0x9040]  }
0x21c: {  	[tilespmem:s9+$0x9020] =	vst v10;
	v10 =	vld [tilespmem:s9+$0x8040]  }
0x21d: {  	[tilespmem:s9+$0x8030] =	vst v11;
	v11 =	vld [tilespmem:s9+$0xB040];
	v8 =	vadd.f32 v8, v5  }
0x21e: {  	[tilespmem:s9+$0xB020] =	vst v4;
	v4 =	vld [tilespmem:s9+$0xA040];
	v3 =	vadd.f32 v3, v5  }
0x21f: {  	[tilespmem:s9+$0x9030] =	vst v8;
	v8 =	vld [tilespmem:s9+$0x8050];
	v5 =	vadd.f32 v9, v5  }
0x220: {  	v9 =	vld [tilespmem:s9+$0x9050];
	v2 =	vadd.f32 v2, v6;
	[tilespmem:s9+$0xA030] =	vst v3  }
0x221: {  	v3 =	vadd.f32 v10, v6;
	[tilespmem:s9+$0xB030] =	vst v5;
	v5 =	vld [tilespmem:s9+$0xA050]  }
0x222: {  	v10 =	vld [tilespmem:s9+$0xB050];
	[tilespmem:s9+$0x9040] =	vst v2;
	v2 =	vadd.f32 v11, v6  }
0x223: {  	v63 =	vld [tilespmem:s9+$0x8060];
	[tilespmem:s9+$0x8040] =	vst v3;
	v3 =	vadd.f32 v4, v6  }
0x224: {  	v6 =	vld [tilespmem:s9+$0x9060];
	[tilespmem:s9+$0xB040] =	vst v2;
	v4 =	vadd.f32 v8, v7  }
0x225: {  	v8 =	vadd.f32 v9, v7;
	[tilespmem:s9+$0xA040] =	vst v3;
	v3 =	vld [tilespmem:s9+$0xA060]  }
0x226: {  	v2 =	vld [tilespmem:s9+$0xB060];
	[tilespmem:s9+$0x8050] =	vst v4;
	v5 =	vadd.f32 v5, v7  }
0x227: {  	[tilespmem:s9+$0x9050] =	vst v8;
	v4 =	vld [tilespmem:s9+$0x8070];
	v7 =	vadd.f32 v10, v7  }
0x228: {  	v8 =	vadd.f32 v63, v1;
	[tilespmem:s9+$0xA050] =	vst v5;
	v5 =	vld [tilespmem:s9+$0x9070]  }
0x229: {  	s10 =	simm.s32 $0x200;
	[tilespmem:s9+$0xB050] =	vst v7;
	v7 =	vadd.f32 v6, v1;
	v6 =	vld [tilespmem:s9+$0xA070]  }
.LBB2_12:
0x22a: {  	s11 =	sshra.s32 s10, $0x2;
	p0 =	sne.s32 s10, $0x3E00;
	[tilespmem:s9+$0x8060] =	vst v8;
	v3 =	vadd.f32 v3, v1;
	v8 =	vld [tilespmem:s9+$0xB070]  }
0x22b: {  	v9 =	vld [tilespmem:s11+$0x5000];
	[tilespmem:s9+$0x9060] =	vst v7;
	v1 =	vadd.f32 v2, v1  }
0x22c: {  	v2 =	vld [tilespmem:s11+$0x5010];
	[tilespmem:s9+$0xA060] =	vst v3;
	v3 =	vadd.f32 v4, v0  }
0x22d: {  	v4 =	vld [tilespmem:s11+$0x5020];
	[tilespmem:s9+$0xB060] =	vst v1;
	v1 =	vadd.f32 v5, v0  }
0x22e: {  	v5 =	vld [tilespmem:s11+$0x5030];
	[tilespmem:s9+$0x8070] =	vst v3;
	v3 =	vadd.f32 v6, v0  }
0x22f: {  	v6 =	vld [tilespmem:s11+$0x5040];
	[tilespmem:s9+$0x9070] =	vst v1;
	v0 =	vadd.f32 v8, v0  }
0x230: {  	v7 =	vld [tilespmem:s11+$0x5050];
	[tilespmem:s9+$0xA070] =	vst v3  }
0x231: {  	v1 =	vld [tilespmem:s11+$0x5060];
	[tilespmem:s9+$0xB070] =	vst v0;
	s9 =	smov.u32 s11  }
0x232: {  	v0 =	vld [tilespmem:s9+$0x5070]  }
0x233: {  	v3 =	vld [tilespmem:s9+$0x8000]  }
0x234: {  	v8 =	vld [tilespmem:s9+$0x9000]  }
0x235: {  	v10 =	vld [tilespmem:s9+$0xA000]  }
0x236: {  	v11 =	vld [tilespmem:s9+$0xB000]  }
0x237: {  	v12 =	vld [tilespmem:s9+$0x8010]  }
0x238: {  	v3 =	vadd.f32 v3, v9;
	v13 =	vld [tilespmem:s9+$0x9010]  }
0x239: {  	v8 =	vadd.f32 v8, v9;
	v14 =	vld [tilespmem:s9+$0xA010]  }
0x23a: {  	[tilespmem:s9+$0x8000] =	vst v3;
	v3 =	vadd.f32 v10, v9;
	v10 =	vld [tilespmem:s9+$0xB010]  }
0x23b: {  	[tilespmem:s9+$0x9000] =	vst v8;
	v8 =	vadd.f32 v11, v9;
	v9 =	vld [tilespmem:s9+$0x8020]  }
0x23c: {  	[tilespmem:s9+$0xA000] =	vst v3;
	v3 =	vadd.f32 v12, v2;
	v11 =	vld [tilespmem:s9+$0x9020]  }
0x23d: {  	[tilespmem:s9+$0xB000] =	vst v8;
	v8 =	vadd.f32 v13, v2;
	v12 =	vld [tilespmem:s9+$0xA020]  }
0x23e: {  	[tilespmem:s9+$0x8010] =	vst v3;
	v3 =	vadd.f32 v14, v2;
	v13 =	vld [tilespmem:s9+$0xB020]  }
0x23f: {  	[tilespmem:s9+$0x9010] =	vst v8;
	v2 =	vadd.f32 v10, v2;
	v8 =	vld [tilespmem:s9+$0x8030]  }
0x240: {  	[tilespmem:s9+$0xA010] =	vst v3;
	v3 =	vadd.f32 v9, v4;
	v9 =	vld [tilespmem:s9+$0x9030]  }
0x241: {  	[tilespmem:s9+$0xB010] =	vst v2;
	v2 =	vadd.f32 v11, v4;
	v10 =	vld [tilespmem:s9+$0xA030]  }
0x242: {  	[tilespmem:s9+$0x8020] =	vst v3;
	v3 =	vadd.f32 v12, v4;
	v11 =	vld [tilespmem:s9+$0xB030]  }
0x243: {  	[tilespmem:s9+$0x9020] =	vst v2;
	v2 =	vadd.f32 v13, v4;
	v4 =	vld [tilespmem:s9+$0x8040]  }
0x244: {  	[tilespmem:s9+$0xA020] =	vst v3;
	v3 =	vadd.f32 v8, v5;
	v8 =	vld [tilespmem:s9+$0x9040]  }
0x245: {  	[tilespmem:s9+$0xB020] =	vst v2;
	v2 =	vadd.f32 v9, v5;
	v9 =	vld [tilespmem:s9+$0xA040]  }
0x246: {  	[tilespmem:s9+$0x8030] =	vst v3;
	v3 =	vadd.f32 v10, v5;
	v10 =	vld [tilespmem:s9+$0xB040]  }
0x247: {  	[tilespmem:s9+$0x9030] =	vst v2;
	v2 =	vadd.f32 v11, v5;
	v5 =	vld [tilespmem:s9+$0x8050]  }
0x248: {  	[tilespmem:s9+$0xA030] =	vst v3;
	v3 =	vadd.f32 v4, v6;
	v4 =	vld [tilespmem:s9+$0x9050]  }
0x249: {  	[tilespmem:s9+$0xB030] =	vst v2;
	v2 =	vadd.f32 v8, v6;
	v8 =	vld [tilespmem:s9+$0xA050]  }
0x24a: {  	[tilespmem:s9+$0x8040] =	vst v3;
	v3 =	vadd.f32 v9, v6;
	v9 =	vld [tilespmem:s9+$0xB050]  }
0x24b: {  	[tilespmem:s9+$0x9040] =	vst v2;
	v2 =	vadd.f32 v10, v6;
	v6 =	vld [tilespmem:s9+$0x8060]  }
0x24c: {  	[tilespmem:s9+$0xA040] =	vst v3;
	v5 =	vadd.f32 v5, v7;
	v10 =	vld [tilespmem:s9+$0x9060]  }
.Ltmp5:
0x24d: {  	[tilespmem:s9+$0xB040] =	vst v2;
	v4 =	vadd.f32 v4, v7;
	v3 =	vld [tilespmem:s9+$0xA060];
	(pc) =	sbr.rel @p0 .LBB2_12-.Ltmp5, $4  }
0x24e: {  	[tilespmem:s9+$0x8050] =	vst v5;
	v5 =	vadd.f32 v8, v7;
	v2 =	vld [tilespmem:s9+$0xB060]  }
0x24f: {  	[tilespmem:s9+$0x9050] =	vst v4;
	v7 =	vadd.f32 v9, v7;
	v4 =	vld [tilespmem:s9+$0x8070]  }
0x250: {  	[tilespmem:s9+$0xA050] =	vst v5;
	v8 =	vadd.f32 v6, v1;
	v5 =	vld [tilespmem:s9+$0x9070]  }
0x251: {  	s10 =	sadd.s32 $0x200, s10;
	[tilespmem:s9+$0xB050] =	vst v7;
	v7 =	vadd.f32 v10, v1;
	v6 =	vld [tilespmem:s9+$0xA070]  }
0x252: {  	[tilespmem:s9+$0x8060] =	vst v8;
	v3 =	vadd.f32 v3, v1;
	v8 =	vld [tilespmem:s9+$0xB070]  }
0x253: {  	[tilespmem:s9+$0x9060] =	vst v7;
	v1 =	vadd.f32 v2, v1  }
0x254: {  	[tilespmem:s9+$0xA060] =	vst v3;
	v2 =	vadd.f32 v4, v0  }
0x255: {  	[tilespmem:s9+$0xB060] =	vst v1;
	v1 =	vadd.f32 v5, v0  }
0x256: {  	[tilespmem:s9+$0x8070] =	vst v2;
	v2 =	vadd.f32 v6, v0  }
0x257: {  	[tilespmem:s9+$0x9070] =	vst v1;
	v0 =	vadd.f32 v8, v0  }
0x258: {  	[tilespmem:s9+$0xA070] =	vst v2  }
0x259: {  	[tilespmem:s9+$0xB070] =	vst v0  }
0x25a: {  	[hbm4b:s18+s23] =	stream.strided.scatter [tilespmem:s25], [sflag:$0x8], $0x4000, s24, s23, $0x38;
	[tilespmem:$0x1C000] =	vst v63  }
0x25b: {  	_ =	swait.ge [sflag:s1], $0x4000  }
0x25c: {  	[sflag:s1] =	ssyncset.done $0x0  }
0x25d: {  	s9 =	simm.s32 $0x0;
	[sflag:s1] =	ssyncadd.s32 $0xFFFFC000  }
0x25e: {  	v2 =	vld [tilespmem:s9+$0x6000]  }
0x25f: {  	v3 =	vld [tilespmem:s9+$0x6010]  }
0x260: {  	v4 =	vld [tilespmem:s9+$0x6020]  }
0x261: {  	v5 =	vld [tilespmem:s9+$0x6030]  }
0x262: {  	v6 =	vld [tilespmem:s9+$0x6040]  }
0x263: {  	v7 =	vld [tilespmem:s9+$0x6050]  }
0x264: {  	v1 =	vld [tilespmem:s9+$0x6060]  }
0x265: {  	v8 =	vld [tilespmem:s9+$0xC000]  }
0x266: {  	v9 =	vld [tilespmem:s9+$0xD000]  }
0x267: {  	v10 =	vld [tilespmem:s9+$0xE000]  }
0x268: {  	v11 =	vld [tilespmem:s9+$0xF000]  }
0x269: {  	v12 =	vld [tilespmem:s9+$0xC010]  }
0x26a: {  	v13 =	vld [tilespmem:s9+$0xD010]  }
0x26b: {  	v14 =	vld [tilespmem:s9+$0xE010];
	v8 =	vadd.f32 v8, v2  }
0x26c: {  	v62 =	vld [tilespmem:s9+$0xC030];
	v9 =	vadd.f32 v9, v2  }
0x26d: {  	v10 =	vadd.f32 v10, v2;
	v2 =	vadd.f32 v11, v2;
	[tilespmem:s9+$0xC000] =	vst v8;
	v8 =	vld [tilespmem:s9+$0xF010]  }
0x26e: {  	[tilespmem:s9+$0xD000] =	vst v9;
	v9 =	vld [tilespmem:s9+$0xC020]  }
0x26f: {  	v11 =	vadd.f32 v12, v3;
	[tilespmem:s9+$0xF000] =	vst v2;
	v2 =	vld [tilespmem:s9+$0xE020]  }
0x270: {  	v60 =	vadd.f32 v13, v3;
	[tilespmem:s9+$0xE000] =	vst v10;
	v10 =	vld [tilespmem:s9+$0xD020]  }
0x271: {  	v61 =	vadd.f32 v14, v3;
	[tilespmem:s9+$0xC010] =	vst v11;
	v11 =	vld [tilespmem:s9+$0xF020]  }
0x272: {  	v0 =	vld [tilespmem:s9+$0x6070];
	[tilespmem:s9+$0xD010] =	vst v60;
	v3 =	vadd.f32 v8, v3  }
0x273: {  	[tilespmem:s9+$0xE010] =	vst v61;
	v8 =	vld [tilespmem:s9+$0xD030];
	v9 =	vadd.f32 v9, v4  }
0x274: {  	v2 =	vadd.f32 v2, v4;
	[tilespmem:s9+$0xF010] =	vst v3;
	v3 =	vld [tilespmem:s9+$0xE030]  }
0x275: {  	v10 =	vadd.f32 v10, v4;
	[tilespmem:s9+$0xC020] =	vst v9;
	v9 =	vld [tilespmem:s9+$0xF030]  }
0x276: {  	v4 =	vadd.f32 v11, v4;
	v11 =	vadd.f32 v62, v5;
	[tilespmem:s9+$0xE020] =	vst v2;
	v2 =	vld [tilespmem:s9+$0xD040]  }
0x277: {  	[tilespmem:s9+$0xD020] =	vst v10;
	v10 =	vld [tilespmem:s9+$0xC040]  }
0x278: {  	[tilespmem:s9+$0xC030] =	vst v11;
	v11 =	vld [tilespmem:s9+$0xF040];
	v8 =	vadd.f32 v8, v5  }
0x279: {  	[tilespmem:s9+$0xF020] =	vst v4;
	v4 =	vld [tilespmem:s9+$0xE040];
	v3 =	vadd.f32 v3, v5  }
0x27a: {  	[tilespmem:s9+$0xD030] =	vst v8;
	v8 =	vld [tilespmem:s9+$0xC050];
	v5 =	vadd.f32 v9, v5  }
0x27b: {  	v9 =	vld [tilespmem:s9+$0xD050];
	v2 =	vadd.f32 v2, v6;
	[tilespmem:s9+$0xE030] =	vst v3  }
0x27c: {  	v3 =	vadd.f32 v10, v6;
	[tilespmem:s9+$0xF030] =	vst v5;
	v5 =	vld [tilespmem:s9+$0xE050]  }
0x27d: {  	v10 =	vld [tilespmem:s9+$0xF050];
	[tilespmem:s9+$0xD040] =	vst v2;
	v2 =	vadd.f32 v11, v6  }
0x27e: {  	v63 =	vld [tilespmem:s9+$0xC060];
	[tilespmem:s9+$0xC040] =	vst v3;
	v3 =	vadd.f32 v4, v6  }
0x27f: {  	v6 =	vld [tilespmem:s9+$0xD060];
	[tilespmem:s9+$0xF040] =	vst v2;
	v4 =	vadd.f32 v8, v7  }
0x280: {  	v8 =	vadd.f32 v9, v7;
	[tilespmem:s9+$0xE040] =	vst v3;
	v3 =	vld [tilespmem:s9+$0xE060]  }
0x281: {  	v2 =	vld [tilespmem:s9+$0xF060];
	[tilespmem:s9+$0xC050] =	vst v4;
	v5 =	vadd.f32 v5, v7  }
0x282: {  	[tilespmem:s9+$0xD050] =	vst v8;
	v4 =	vld [tilespmem:s9+$0xC070];
	v7 =	vadd.f32 v10, v7  }
0x283: {  	v8 =	vadd.f32 v63, v1;
	[tilespmem:s9+$0xE050] =	vst v5;
	v5 =	vld [tilespmem:s9+$0xD070]  }
0x284: {  	s10 =	simm.s32 $0x200;
	[tilespmem:s9+$0xF050] =	vst v7;
	v7 =	vadd.f32 v6, v1;
	v6 =	vld [tilespmem:s9+$0xE070]  }
.LBB2_14:
0x285: {  	s11 =	sshra.s32 s10, $0x2;
	p0 =	sne.s32 s10, $0x3E00;
	[tilespmem:s9+$0xC060] =	vst v8;
	v3 =	vadd.f32 v3, v1;
	v8 =	vld [tilespmem:s9+$0xF070]  }
0x286: {  	v9 =	vld [tilespmem:s11+$0x6000];
	[tilespmem:s9+$0xD060] =	vst v7;
	v1 =	vadd.f32 v2, v1  }
0x287: {  	v2 =	vld [tilespmem:s11+$0x6010];
	[tilespmem:s9+$0xE060] =	vst v3;
	v3 =	vadd.f32 v4, v0  }
0x288: {  	v4 =	vld [tilespmem:s11+$0x6020];
	[tilespmem:s9+$0xF060] =	vst v1;
	v1 =	vadd.f32 v5, v0  }
0x289: {  	v5 =	vld [tilespmem:s11+$0x6030];
	[tilespmem:s9+$0xC070] =	vst v3;
	v3 =	vadd.f32 v6, v0  }
0x28a: {  	v6 =	vld [tilespmem:s11+$0x6040];
	[tilespmem:s9+$0xD070] =	vst v1;
	v0 =	vadd.f32 v8, v0  }
0x28b: {  	v7 =	vld [tilespmem:s11+$0x6050];
	[tilespmem:s9+$0xE070] =	vst v3  }
0x28c: {  	v1 =	vld [tilespmem:s11+$0x6060];
	[tilespmem:s9+$0xF070] =	vst v0;
	s9 =	smov.u32 s11  }
0x28d: {  	v0 =	vld [tilespmem:s9+$0x6070]  }
0x28e: {  	v3 =	vld [tilespmem:s9+$0xC000]  }
0x28f: {  	v8 =	vld [tilespmem:s9+$0xD000]  }
0x290: {  	v10 =	vld [tilespmem:s9+$0xE000]  }
0x291: {  	v11 =	vld [tilespmem:s9+$0xF000]  }
0x292: {  	v12 =	vld [tilespmem:s9+$0xC010]  }
0x293: {  	v3 =	vadd.f32 v3, v9;
	v13 =	vld [tilespmem:s9+$0xD010]  }
0x294: {  	v8 =	vadd.f32 v8, v9;
	v14 =	vld [tilespmem:s9+$0xE010]  }
0x295: {  	[tilespmem:s9+$0xC000] =	vst v3;
	v3 =	vadd.f32 v10, v9;
	v10 =	vld [tilespmem:s9+$0xF010]  }
0x296: {  	[tilespmem:s9+$0xD000] =	vst v8;
	v8 =	vadd.f32 v11, v9;
	v9 =	vld [tilespmem:s9+$0xC020]  }
0x297: {  	[tilespmem:s9+$0xE000] =	vst v3;
	v3 =	vadd.f32 v12, v2;
	v11 =	vld [tilespmem:s9+$0xD020]  }
0x298: {  	[tilespmem:s9+$0xF000] =	vst v8;
	v8 =	vadd.f32 v13, v2;
	v12 =	vld [tilespmem:s9+$0xE020]  }
0x299: {  	[tilespmem:s9+$0xC010] =	vst v3;
	v3 =	vadd.f32 v14, v2;
	v13 =	vld [tilespmem:s9+$0xF020]  }
0x29a: {  	[tilespmem:s9+$0xD010] =	vst v8;
	v2 =	vadd.f32 v10, v2;
	v8 =	vld [tilespmem:s9+$0xC030]  }
0x29b: {  	[tilespmem:s9+$0xE010] =	vst v3;
	v3 =	vadd.f32 v9, v4;
	v9 =	vld [tilespmem:s9+$0xD030]  }
0x29c: {  	[tilespmem:s9+$0xF010] =	vst v2;
	v2 =	vadd.f32 v11, v4;
	v10 =	vld [tilespmem:s9+$0xE030]  }
0x29d: {  	[tilespmem:s9+$0xC020] =	vst v3;
	v3 =	vadd.f32 v12, v4;
	v11 =	vld [tilespmem:s9+$0xF030]  }
0x29e: {  	[tilespmem:s9+$0xD020] =	vst v2;
	v2 =	vadd.f32 v13, v4;
	v4 =	vld [tilespmem:s9+$0xC040]  }
0x29f: {  	[tilespmem:s9+$0xE020] =	vst v3;
	v3 =	vadd.f32 v8, v5;
	v8 =	vld [tilespmem:s9+$0xD040]  }
0x2a0: {  	[tilespmem:s9+$0xF020] =	vst v2;
	v2 =	vadd.f32 v9, v5;
	v9 =	vld [tilespmem:s9+$0xE040]  }
0x2a1: {  	[tilespmem:s9+$0xC030] =	vst v3;
	v3 =	vadd.f32 v10, v5;
	v10 =	vld [tilespmem:s9+$0xF040]  }
0x2a2: {  	[tilespmem:s9+$0xD030] =	vst v2;
	v2 =	vadd.f32 v11, v5;
	v5 =	vld [tilespmem:s9+$0xC050]  }
0x2a3: {  	[tilespmem:s9+$0xE030] =	vst v3;
	v3 =	vadd.f32 v4, v6;
	v4 =	vld [tilespmem:s9+$0xD050]  }
0x2a4: {  	[tilespmem:s9+$0xF030] =	vst v2;
	v2 =	vadd.f32 v8, v6;
	v8 =	vld [tilespmem:s9+$0xE050]  }
0x2a5: {  	[tilespmem:s9+$0xC040] =	vst v3;
	v3 =	vadd.f32 v9, v6;
	v9 =	vld [tilespmem:s9+$0xF050]  }
0x2a6: {  	[tilespmem:s9+$0xD040] =	vst v2;
	v2 =	vadd.f32 v10, v6;
	v6 =	vld [tilespmem:s9+$0xC060]  }
0x2a7: {  	[tilespmem:s9+$0xE040] =	vst v3;
	v5 =	vadd.f32 v5, v7;
	v10 =	vld [tilespmem:s9+$0xD060]  }
.Ltmp6:
0x2a8: {  	[tilespmem:s9+$0xF040] =	vst v2;
	v4 =	vadd.f32 v4, v7;
	v3 =	vld [tilespmem:s9+$0xE060];
	(pc) =	sbr.rel @p0 .LBB2_14-.Ltmp6, $4  }
0x2a9: {  	[tilespmem:s9+$0xC050] =	vst v5;
	v5 =	vadd.f32 v8, v7;
	v2 =	vld [tilespmem:s9+$0xF060]  }
0x2aa: {  	[tilespmem:s9+$0xD050] =	vst v4;
	v7 =	vadd.f32 v9, v7;
	v4 =	vld [tilespmem:s9+$0xC070]  }
0x2ab: {  	[tilespmem:s9+$0xE050] =	vst v5;
	v8 =	vadd.f32 v6, v1;
	v5 =	vld [tilespmem:s9+$0xD070]  }
0x2ac: {  	s10 =	sadd.s32 $0x200, s10;
	[tilespmem:s9+$0xF050] =	vst v7;
	v7 =	vadd.f32 v10, v1;
	v6 =	vld [tilespmem:s9+$0xE070]  }
0x2ad: {  	[tilespmem:s9+$0xC060] =	vst v8;
	v3 =	vadd.f32 v3, v1;
	v8 =	vld [tilespmem:s9+$0xF070]  }
0x2ae: {  	[tilespmem:s9+$0xD060] =	vst v7;
	v1 =	vadd.f32 v2, v1  }
0x2af: {  	[tilespmem:s9+$0xE060] =	vst v3;
	v2 =	vadd.f32 v4, v0  }
0x2b0: {  	[tilespmem:s9+$0xF060] =	vst v1;
	v1 =	vadd.f32 v5, v0  }
0x2b1: {  	[tilespmem:s9+$0xC070] =	vst v2;
	v2 =	vadd.f32 v6, v0  }
0x2b2: {  	[tilespmem:s9+$0xD070] =	vst v1;
	v0 =	vadd.f32 v8, v0  }
0x2b3: {  	[tilespmem:s9+$0xE070] =	vst v2  }
0x2b4: {  	[tilespmem:s9+$0xF070] =	vst v0  }
0x2b5: {  	[hbm4b:s19+s23] =	stream.strided.scatter [tilespmem:s26], [sflag:$0x9], $0x4000, s24, s23, $0x38;
	[tilespmem:$0x1C000] =	vst v63  }
0x2b6: {  	_ =	swait.ge [sflag:s2], $0x4000  }
0x2b7: {  	[sflag:s2] =	ssyncset.done $0x0  }
0x2b8: {  	s9 =	simm.s32 $0x0;
	[sflag:s2] =	ssyncadd.s32 $0xFFFFC000  }
0x2b9: {  	v2 =	vld [tilespmem:s9+$0x7000]  }
0x2ba: {  	v3 =	vld [tilespmem:s9+$0x7010]  }
0x2bb: {  	v4 =	vld [tilespmem:s9+$0x7020]  }
0x2bc: {  	v5 =	vld [tilespmem:s9+$0x7030]  }
0x2bd: {  	v6 =	vld [tilespmem:s9+$0x7040]  }
0x2be: {  	v7 =	vld [tilespmem:s9+$0x7050]  }
0x2bf: {  	v1 =	vld [tilespmem:s9+$0x7060]  }
0x2c0: {  	v8 =	vld [tilespmem:s9+$0x10000]  }
0x2c1: {  	v9 =	vld [tilespmem:s9+$0x11000]  }
0x2c2: {  	v10 =	vld [tilespmem:s9+$0x12000]  }
0x2c3: {  	v11 =	vld [tilespmem:s9+$0x13000]  }
0x2c4: {  	v12 =	vld [tilespmem:s9+$0x10010]  }
0x2c5: {  	v13 =	vld [tilespmem:s9+$0x11010]  }
0x2c6: {  	v14 =	vld [tilespmem:s9+$0x12010];
	v8 =	vadd.f32 v8, v2  }
0x2c7: {  	v62 =	vld [tilespmem:s9+$0x10030];
	v9 =	vadd.f32 v9, v2  }
0x2c8: {  	v10 =	vadd.f32 v10, v2;
	v2 =	vadd.f32 v11, v2;
	[tilespmem:s9+$0x10000] =	vst v8;
	v8 =	vld [tilespmem:s9+$0x13010]  }
0x2c9: {  	[tilespmem:s9+$0x11000] =	vst v9;
	v9 =	vld [tilespmem:s9+$0x10020]  }
0x2ca: {  	v11 =	vadd.f32 v12, v3;
	[tilespmem:s9+$0x13000] =	vst v2;
	v2 =	vld [tilespmem:s9+$0x12020]  }
0x2cb: {  	v60 =	vadd.f32 v13, v3;
	[tilespmem:s9+$0x12000] =	vst v10;
	v10 =	vld [tilespmem:s9+$0x11020]  }
0x2cc: {  	v61 =	vadd.f32 v14, v3;
	[tilespmem:s9+$0x10010] =	vst v11;
	v11 =	vld [tilespmem:s9+$0x13020]  }
0x2cd: {  	v0 =	vld [tilespmem:s9+$0x7070];
	[tilespmem:s9+$0x11010] =	vst v60;
	v3 =	vadd.f32 v8, v3  }
0x2ce: {  	[tilespmem:s9+$0x12010] =	vst v61;
	v8 =	vld [tilespmem:s9+$0x11030];
	v9 =	vadd.f32 v9, v4  }
0x2cf: {  	v2 =	vadd.f32 v2, v4;
	[tilespmem:s9+$0x13010] =	vst v3;
	v3 =	vld [tilespmem:s9+$0x12030]  }
0x2d0: {  	v10 =	vadd.f32 v10, v4;
	[tilespmem:s9+$0x10020] =	vst v9;
	v9 =	vld [tilespmem:s9+$0x13030]  }
0x2d1: {  	v4 =	vadd.f32 v11, v4;
	v11 =	vadd.f32 v62, v5;
	[tilespmem:s9+$0x12020] =	vst v2;
	v2 =	vld [tilespmem:s9+$0x11040]  }
0x2d2: {  	[tilespmem:s9+$0x11020] =	vst v10;
	v10 =	vld [tilespmem:s9+$0x10040]  }
0x2d3: {  	[tilespmem:s9+$0x10030] =	vst v11;
	v11 =	vld [tilespmem:s9+$0x13040];
	v8 =	vadd.f32 v8, v5  }
0x2d4: {  	[tilespmem:s9+$0x13020] =	vst v4;
	v4 =	vld [tilespmem:s9+$0x12040];
	v3 =	vadd.f32 v3, v5  }
0x2d5: {  	[tilespmem:s9+$0x11030] =	vst v8;
	v8 =	vld [tilespmem:s9+$0x10050];
	v5 =	vadd.f32 v9, v5  }
0x2d6: {  	v9 =	vld [tilespmem:s9+$0x11050];
	v2 =	vadd.f32 v2, v6;
	[tilespmem:s9+$0x12030] =	vst v3  }
0x2d7: {  	v3 =	vadd.f32 v10, v6;
	[tilespmem:s9+$0x13030] =	vst v5;
	v5 =	vld [tilespmem:s9+$0x12050]  }
0x2d8: {  	v10 =	vld [tilespmem:s9+$0x13050];
	[tilespmem:s9+$0x11040] =	vst v2;
	v2 =	vadd.f32 v11, v6  }
0x2d9: {  	v63 =	vld [tilespmem:s9+$0x10060];
	[tilespmem:s9+$0x10040] =	vst v3;
	v3 =	vadd.f32 v4, v6  }
0x2da: {  	v6 =	vld [tilespmem:s9+$0x11060];
	[tilespmem:s9+$0x13040] =	vst v2;
	v4 =	vadd.f32 v8, v7  }
0x2db: {  	v8 =	vadd.f32 v9, v7;
	[tilespmem:s9+$0x12040] =	vst v3;
	v3 =	vld [tilespmem:s9+$0x12060]  }
0x2dc: {  	v2 =	vld [tilespmem:s9+$0x13060];
	[tilespmem:s9+$0x10050] =	vst v4;
	v5 =	vadd.f32 v5, v7  }
0x2dd: {  	[tilespmem:s9+$0x11050] =	vst v8;
	v4 =	vld [tilespmem:s9+$0x10070];
	v7 =	vadd.f32 v10, v7  }
0x2de: {  	v8 =	vadd.f32 v63, v1;
	[tilespmem:s9+$0x12050] =	vst v5;
	v5 =	vld [tilespmem:s9+$0x11070]  }
0x2df: {  	s10 =	simm.s32 $0x200;
	[tilespmem:s9+$0x13050] =	vst v7;
	v7 =	vadd.f32 v6, v1;
	v6 =	vld [tilespmem:s9+$0x12070]  }
.LBB2_16:
0x2e0: {  	s11 =	sshra.s32 s10, $0x2;
	p0 =	sne.s32 s10, $0x3E00;
	[tilespmem:s9+$0x10060] =	vst v8;
	v3 =	vadd.f32 v3, v1;
	v8 =	vld [tilespmem:s9+$0x13070]  }
0x2e1: {  	v9 =	vld [tilespmem:s11+$0x7000];
	[tilespmem:s9+$0x11060] =	vst v7;
	v1 =	vadd.f32 v2, v1  }
0x2e2: {  	v2 =	vld [tilespmem:s11+$0x7010];
	[tilespmem:s9+$0x12060] =	vst v3;
	v3 =	vadd.f32 v4, v0  }
0x2e3: {  	v4 =	vld [tilespmem:s11+$0x7020];
	[tilespmem:s9+$0x13060] =	vst v1;
	v1 =	vadd.f32 v5, v0  }
0x2e4: {  	v5 =	vld [tilespmem:s11+$0x7030];
	[tilespmem:s9+$0x10070] =	vst v3;
	v3 =	vadd.f32 v6, v0  }
0x2e5: {  	v6 =	vld [tilespmem:s11+$0x7040];
	[tilespmem:s9+$0x11070] =	vst v1;
	v0 =	vadd.f32 v8, v0  }
0x2e6: {  	v7 =	vld [tilespmem:s11+$0x7050];
	[tilespmem:s9+$0x12070] =	vst v3  }
0x2e7: {  	v1 =	vld [tilespmem:s11+$0x7060];
	[tilespmem:s9+$0x13070] =	vst v0;
	s9 =	smov.u32 s11  }
0x2e8: {  	v0 =	vld [tilespmem:s9+$0x7070]  }
0x2e9: {  	v3 =	vld [tilespmem:s9+$0x10000]  }
0x2ea: {  	v8 =	vld [tilespmem:s9+$0x11000]  }
0x2eb: {  	v10 =	vld [tilespmem:s9+$0x12000]  }
0x2ec: {  	v11 =	vld [tilespmem:s9+$0x13000]  }
0x2ed: {  	v12 =	vld [tilespmem:s9+$0x10010]  }
0x2ee: {  	v3 =	vadd.f32 v3, v9;
	v13 =	vld [tilespmem:s9+$0x11010]  }
0x2ef: {  	v8 =	vadd.f32 v8, v9;
	v14 =	vld [tilespmem:s9+$0x12010]  }
0x2f0: {  	[tilespmem:s9+$0x10000] =	vst v3;
	v3 =	vadd.f32 v10, v9;
	v10 =	vld [tilespmem:s9+$0x13010]  }
0x2f1: {  	[tilespmem:s9+$0x11000] =	vst v8;
	v8 =	vadd.f32 v11, v9;
	v9 =	vld [tilespmem:s9+$0x10020]  }
0x2f2: {  	[tilespmem:s9+$0x12000] =	vst v3;
	v3 =	vadd.f32 v12, v2;
	v11 =	vld [tilespmem:s9+$0x11020]  }
0x2f3: {  	[tilespmem:s9+$0x13000] =	vst v8;
	v8 =	vadd.f32 v13, v2;
	v12 =	vld [tilespmem:s9+$0x12020]  }
0x2f4: {  	[tilespmem:s9+$0x10010] =	vst v3;
	v3 =	vadd.f32 v14, v2;
	v13 =	vld [tilespmem:s9+$0x13020]  }
0x2f5: {  	[tilespmem:s9+$0x11010] =	vst v8;
	v2 =	vadd.f32 v10, v2;
	v8 =	vld [tilespmem:s9+$0x10030]  }
0x2f6: {  	[tilespmem:s9+$0x12010] =	vst v3;
	v3 =	vadd.f32 v9, v4;
	v9 =	vld [tilespmem:s9+$0x11030]  }
0x2f7: {  	[tilespmem:s9+$0x13010] =	vst v2;
	v2 =	vadd.f32 v11, v4;
	v10 =	vld [tilespmem:s9+$0x12030]  }
0x2f8: {  	[tilespmem:s9+$0x10020] =	vst v3;
	v3 =	vadd.f32 v12, v4;
	v11 =	vld [tilespmem:s9+$0x13030]  }
0x2f9: {  	[tilespmem:s9+$0x11020] =	vst v2;
	v2 =	vadd.f32 v13, v4;
	v4 =	vld [tilespmem:s9+$0x10040]  }
0x2fa: {  	[tilespmem:s9+$0x12020] =	vst v3;
	v3 =	vadd.f32 v8, v5;
	v8 =	vld [tilespmem:s9+$0x11040]  }
0x2fb: {  	[tilespmem:s9+$0x13020] =	vst v2;
	v2 =	vadd.f32 v9, v5;
	v9 =	vld [tilespmem:s9+$0x12040]  }
0x2fc: {  	[tilespmem:s9+$0x10030] =	vst v3;
	v3 =	vadd.f32 v10, v5;
	v10 =	vld [tilespmem:s9+$0x13040]  }
0x2fd: {  	[tilespmem:s9+$0x11030] =	vst v2;
	v2 =	vadd.f32 v11, v5;
	v5 =	vld [tilespmem:s9+$0x10050]  }
0x2fe: {  	[tilespmem:s9+$0x12030] =	vst v3;
	v3 =	vadd.f32 v4, v6;
	v4 =	vld [tilespmem:s9+$0x11050]  }
0x2ff: {  	[tilespmem:s9+$0x13030] =	vst v2;
	v2 =	vadd.f32 v8, v6;
	v8 =	vld [tilespmem:s9+$0x12050]  }
0x300: {  	[tilespmem:s9+$0x10040] =	vst v3;
	v3 =	vadd.f32 v9, v6;
	v9 =	vld [tilespmem:s9+$0x13050]  }
0x301: {  	[tilespmem:s9+$0x11040] =	vst v2;
	v2 =	vadd.f32 v10, v6;
	v6 =	vld [tilespmem:s9+$0x10060]  }
0x302: {  	[tilespmem:s9+$0x12040] =	vst v3;
	v5 =	vadd.f32 v5, v7;
	v10 =	vld [tilespmem:s9+$0x11060]  }
.Ltmp7:
0x303: {  	[tilespmem:s9+$0x13040] =	vst v2;
	v4 =	vadd.f32 v4, v7;
	v3 =	vld [tilespmem:s9+$0x12060];
	(pc) =	sbr.rel @p0 .LBB2_16-.Ltmp7, $4  }
0x304: {  	[tilespmem:s9+$0x10050] =	vst v5;
	v5 =	vadd.f32 v8, v7;
	v2 =	vld [tilespmem:s9+$0x13060]  }
0x305: {  	[tilespmem:s9+$0x11050] =	vst v4;
	v7 =	vadd.f32 v9, v7;
	v4 =	vld [tilespmem:s9+$0x10070]  }
0x306: {  	[tilespmem:s9+$0x12050] =	vst v5;
	v8 =	vadd.f32 v6, v1;
	v5 =	vld [tilespmem:s9+$0x11070]  }
0x307: {  	s10 =	sadd.s32 $0x200, s10;
	[tilespmem:s9+$0x13050] =	vst v7;
	v7 =	vadd.f32 v10, v1;
	v6 =	vld [tilespmem:s9+$0x12070]  }
0x308: {  	[tilespmem:s9+$0x10060] =	vst v8;
	v3 =	vadd.f32 v3, v1;
	v58 =	vld [tilespmem:s9+$0x13070]  }
0x309: {  	[tilespmem:s9+$0x11060] =	vst v7;
	v59 =	vadd.f32 v2, v1  }
0x30a: {  	[tilespmem:s9+$0x12060] =	vst v3;
	v60 =	vadd.f32 v4, v0  }
0x30b: {  	[tilespmem:s9+$0x13060] =	vst v59;
	v61 =	vadd.f32 v5, v0  }
0x30c: {  	[tilespmem:s9+$0x10070] =	vst v60;
	v62 =	vadd.f32 v6, v0  }
0x30d: {  	[tilespmem:s9+$0x11070] =	vst v61;
	v63 =	vadd.f32 v58, v0  }
0x30e: {  	[tilespmem:s9+$0x12070] =	vst v62  }
0x30f: {  	[tilespmem:s9+$0x13070] =	vst v63  }
0x310: {  	[hbm4b:s20+s23] =	stream.strided.scatter [tilespmem:s28], [sflag:$0xA], $0x4000, s24, s23, $0x38;
	[tilespmem:$0x1C000] =	vst v63  }
0x311: {  	_ =	swait.ge [sflag:s6], $0x4000  }
0x312: {  	[sflag:s6] =	ssyncset.done $0x0  }
0x313: {  	[sflag:s6] =	ssyncadd.s32 $0xFFFFC000  }
0x314: {  	_ =	swait.ge [sflag:s7], $0x4000  }
0x315: {  	[sflag:s7] =	ssyncset.done $0x0  }
0x316: {  	[sflag:s7] =	ssyncadd.s32 $0xFFFFC000  }
0x317: {  	_ =	swait.ge [sflag:s22], $0x4000  }
0x318: {  	[sflag:s22] =	ssyncset.done $0x0  }
0x319: {  	s8 =	sadd.s32 $0x1, s8;
	[sflag:s22] =	ssyncadd.s32 $0xFFFFC000  }
0x31a: {  	p0 =	sne.s32 s8, s21;
	_ =	swait.ge [sflag:s29], $0x4000  }
.Ltmp8:
0x31b: {  	[sflag:s29] =	ssyncset.done $0x0;
	(pc) =	sbr.rel @p0 .LBB2_1-.Ltmp8, $4  }
0x31c: {  	[sflag:s29] =	ssyncadd.s32 $0xFFFFC000  }
0x31d: {  	_ =	swait.ge [sflag:s0], $0x4000  }
0x31e: {  	[sflag:s0] =	ssyncset.done $0x0  }
0x31f: {  	[sflag:s0] =	ssyncadd.s32 $0xFFFFC000  }
0x320: {  	_ =	sfence.sel $0x180000  }
0x321: {  	[bflag:$0x0] =	sbarrier.arrive $0xFFFF  }
0x322: {  	_ =	strace $0x90000047  }
0x323: {  	s0 =	stileid.u32;
	[bflag:$0x2] =	sbarrier.arrive $0xFFFF  }
0x324: {  	p0 =	sne.s32 s0, $0x0;
	s0 =	rddreg [dreg:$0x3]  }
0x325: {  	s0 =	sadd.s32 @!p0 $0x100000, s0  }
0x326: {  	[sflag:s0] =	ssyncadd.tile.s32 @!p0 $0x1;
	_ =	shalt  }
.Lfunc_end2:
_tile_overlayer_lowered:
.L_overlay_start_2:
0x327: {  	(tag) =	ssettag $0x2  }
0x328: {  	s0 =	rddreg [dreg:$0x0];
	s2 =	stileid.u32  }
0x329: {  	s1 =	rddreg [dreg:$0x1];
	p0 =	sne.s32 s2, $0x0  }
0x32a: {  	s3 =	rddreg [dreg:$0x2];
	[bflag:$0x3] =	sbarrier.arrive $0xFFFF;
	s2 =	simm.s32 @!p0 $0x1C0D  }
0x32b: {  	[timem:s3], [sflag:s2] =	dma.local @!p0 [hbm:s0], s1  }
0x32c: {  	s0 =	simm.s32 @!p0 $0xD  }
0x32d: {  	_ =	swait.ge @!p0 [sflag:s0], s1  }
0x32e: {  	s1 =	ssub.s32 @!p0 $0x0, s1;
	[sflag:s0] =	ssyncset.done @!p0 $0x0  }
0x32f: {  	[sflag:s0] =	ssyncadd.s32 @!p0 s1  }
0x330: {  	[bflag:$0x3] =	sbarrier.arrive $0xFFFF  }
0x331: {  	_ =	shalt  }

</sc_bundles>
